<compile_context>
chip_gen: v7x
topology: tpu7x:2x2x1
jax: 0.10.2.dev20260603
libtpu: 0.0.44.dev20260713+nightly
codegen_flags: <defaults>
</compile_context>

<pallas_src>
import jax
import jax.numpy as jnp
from jax import lax
from jax.experimental import pallas as pl
from jax.experimental.pallas import tpu as pltpu
from jax.experimental.pallas import tpu_sc as plsc

A = 2048
D = 768
E = 8
F = 1024
B = 256
NBP = A // B + (E - 1)
NPAD = NBP * B
NBV = -(-NBP // 16)
NC, NS = 2, 16
NT = NC * NS
TPT = A // NT
NVR = TPT // 16
CPR = D // 16

_SC_MESH = dict(core_axis_name="c", subcore_axis_name="s",
                num_cores=NC, num_subcores=NS)


def _router_body(x_ref, r_ref, eid_ref, hist_ref, xg_ref):
    xb = x_ref[...]
    scores = jnp.dot(xb, r_ref[...], preferred_element_type=jnp.float32)
    eid = jnp.argmax(scores, axis=1).astype(jnp.int32)
    gate = jax.nn.sigmoid(jnp.max(scores, axis=1))
    eid_ref[...] = eid.reshape(1, A)
    sub = eid.reshape(NT, TPT, 1)
    oh = (sub == lax.broadcasted_iota(jnp.int32, (1, 1, 16), 2))
    hist_ref[...] = jnp.sum(oh.astype(jnp.int32), axis=1)
    xg_ref[...] = xb * gate[:, None]


def _router(x, router_DE):
    return pl.pallas_call(
        _router_body,
        out_specs=[
            pl.BlockSpec((1, A), lambda: (0, 0)),
            pl.BlockSpec((NT, 16), lambda: (0, 0)),
            pl.BlockSpec((A, D), lambda: (0, 0)),
        ],
        out_shape=[
            jax.ShapeDtypeStruct((1, A), jnp.int32),
            jax.ShapeDtypeStruct((NT, 16), jnp.int32),
            jax.ShapeDtypeStruct((A, D), jnp.float32),
        ],
    )(x, router_DE)


def _shared_body(x_ref, sw1_ref, sw3_ref, sw2_ref, so_ref):
    xb16 = x_ref[...].astype(jnp.bfloat16)
    h1 = jnp.dot(xb16, sw1_ref[...].astype(jnp.bfloat16),
                 preferred_element_type=jnp.float32)
    h3 = jnp.dot(xb16, sw3_ref[...].astype(jnp.bfloat16),
                 preferred_element_type=jnp.float32)
    mid = (h1 * jax.nn.sigmoid(h1) * h3).astype(jnp.bfloat16)
    so_ref[...] = jnp.dot(mid, sw2_ref[...].astype(jnp.bfloat16),
                          preferred_element_type=jnp.float32)


def _shared(x, sw1, sw3, sw2):
    nb = A // B
    return pl.pallas_call(
        _shared_body,
        grid=(nb,),
        in_specs=[
            pl.BlockSpec((B, D), lambda i: (i, 0)),
            pl.BlockSpec((D, F), lambda i: (0, 0)),
            pl.BlockSpec((D, F), lambda i: (0, 0)),
            pl.BlockSpec((F, D), lambda i: (0, 0)),
        ],
        out_specs=pl.BlockSpec((B, D), lambda i: (i, 0)),
        out_shape=jax.ShapeDtypeStruct((A, D), jnp.float32),
    )(x, sw1, sw3, sw2)


def _sort_scatter_body(eid_hbm, xg_hbm, hist_hbm, xs_hbm, pos_hbm, beid_hbm,
                       fo_hbm, slot_hbm,
                       eid_v, rows_v, pos_v, allhist_v, beid_v, fo_v, slot_v,
                       sem):
    wid = lax.axis_index("s") * NC + lax.axis_index("c")
    base = wid * TPT
    pltpu.sync_copy(eid_hbm.at[0, pl.ds(base, TPT)], eid_v)
    pltpu.sync_copy(hist_hbm, allhist_v)
    lane = lax.iota(jnp.int32, 16)
    tot = jnp.zeros((16,), jnp.int32)
    pre = jnp.zeros((16,), jnp.int32)
    for t in range(NT):
        row = allhist_v[t, :]
        tot = tot + row
        pre = pre + jnp.where(jnp.int32(t) < wid, row, jnp.int32(0))
    padded = ((tot + (B - 1)) // B) * B
    cum = plsc.cumsum(padded)
    off = cum - padded
    start = off + pre
    cums = [jnp.sum(jnp.where(lane == e, cum, jnp.int32(0))) for e in range(E)]
    for v in range(NBV):
        bstart = (lane + 16 * v) * B
        beid = jnp.zeros((16,), jnp.int32)
        for e in range(E):
            beid = beid + jnp.where(bstart >= cums[e], 1, 0).astype(jnp.int32)
        beid_v[pl.ds(16 * v, 16)] = jnp.minimum(beid, E - 1)

    present = tot > 0
    rank = plsc.cumsum(jnp.where(present, 1, 0).astype(jnp.int32)) - 1
    fo_v[...] = jnp.where(present, off // B, -1)
    slot_v[...] = jnp.where(present, rank % 3, 0)

    @pl.when(wid == 0)
    def _():
        pltpu.sync_copy(beid_v, beid_hbm)
        pltpu.sync_copy(fo_v, fo_hbm)
        pltpu.sync_copy(slot_v, slot_hbm)

    starts = [jnp.sum(jnp.where(lane == e, start, jnp.int32(0)))
              for e in range(E)]
    for k in range(NVR):
        ev = eid_v[pl.ds(k * 16, 16)]
        posk = jnp.zeros((16,), jnp.int32)
        for e in range(E):
            m = ev == e
            mi = jnp.where(m, 1, 0).astype(jnp.int32)
            c = plsc.cumsum(mi)
            posk = jnp.where(m, starts[e] + c - 1, posk)
            starts[e] = starts[e] + jnp.sum(mi)
        pos_v[pl.ds(k * 16, 16)] = posk
    pltpu.sync_copy(pos_v, pos_hbm.at[pl.ds(base, TPT)])
    pltpu.sync_copy(xg_hbm.at[pl.ds(base, TPT)], rows_v)
    pltpu.async_copy(rows_v, xs_hbm.at[pos_v], sem).wait()


def _sort_scatter(eid, xg, hist):
    return pl.kernel(
        _sort_scatter_body,
        out_type=(
            jax.ShapeDtypeStruct((NPAD, D), jnp.float32),
            jax.ShapeDtypeStruct((A,), jnp.int32),
            jax.ShapeDtypeStruct((NBV * 16,), jnp.int32),
            jax.ShapeDtypeStruct((16,), jnp.int32),
            jax.ShapeDtypeStruct((16,), jnp.int32),
        ),
        mesh=plsc.VectorSubcoreMesh(**_SC_MESH),
        compiler_params=pltpu.CompilerParams(needs_layout_passes=False),
        scratch_types=[
            pltpu.VMEM((TPT,), jnp.int32),
            pltpu.VMEM((TPT, D), jnp.float32),
            pltpu.VMEM((TPT,), jnp.int32),
            pltpu.VMEM((NT, 16), jnp.int32),
            pltpu.VMEM((NBV * 16,), jnp.int32),
            pltpu.VMEM((16,), jnp.int32),
            pltpu.VMEM((16,), jnp.int32),
            pltpu.SemaphoreType.DMA,
        ],
    )(eid, xg, hist)


_LA = 2
_NBUF = 3


def _grouped_body(beid_ref, fo_ref, slot_ref, xs_ref, w1_hbm, w3_hbm, w2_hbm,
                  ys_ref, w1b, w3b, w2b, sems):
    i = pl.program_id(0)

    def w_copies(e_idx, s_idx):
        return (
            pltpu.make_async_copy(w1_hbm.at[e_idx], w1b.at[s_idx],
                                  sems.at[s_idx, 0]),
            pltpu.make_async_copy(w3_hbm.at[e_idx], w3b.at[s_idx],
                                  sems.at[s_idx, 1]),
            pltpu.make_async_copy(w2_hbm.at[e_idx], w2b.at[s_idx],
                                  sems.at[s_idx, 2]),
        )

    for ee in range(E):
        fo_e = fo_ref[ee]
        sl_e = slot_ref[ee]

        @pl.when((fo_e >= 0) & (i == jnp.maximum(fo_e - _LA, 0)))
        def _():
            for c in w_copies(ee, sl_e):
                c.start()

        @pl.when(fo_e == i)
        def _():
            for c in w_copies(ee, sl_e):
                c.wait()

    e = beid_ref[i]
    sl = slot_ref[e]
    xb = xs_ref[...].astype(jnp.bfloat16)
    w1c = w1b[pl.ds(sl, 1)][0].astype(jnp.bfloat16)
    w3c = w3b[pl.ds(sl, 1)][0].astype(jnp.bfloat16)
    w2c = w2b[pl.ds(sl, 1)][0].astype(jnp.bfloat16)
    h1 = jnp.dot(xb, w1c, preferred_element_type=jnp.float32)
    h3 = jnp.dot(xb, w3c, preferred_element_type=jnp.float32)
    mid = (h1 * jax.nn.sigmoid(h1) * h3).astype(jnp.bfloat16)
    ys_ref[...] = jnp.dot(mid, w2c, preferred_element_type=jnp.float32)


def _grouped(beid, fo, slot, xs, w1, w3, w2):
    grid_spec = pltpu.PrefetchScalarGridSpec(
        num_scalar_prefetch=3,
        grid=(NBP,),
        in_specs=[
            pl.BlockSpec((B, D), lambda i, be, fo_, sl: (i, 0)),
            pl.BlockSpec(memory_space=pltpu.MemorySpace.HBM),
            pl.BlockSpec(memory_space=pltpu.MemorySpace.HBM),
            pl.BlockSpec(memory_space=pltpu.MemorySpace.HBM),
        ],
        out_specs=pl.BlockSpec((B, D), lambda i, be, fo_, sl: (i, 0)),
        scratch_shapes=[
            pltpu.VMEM((_NBUF, D, F), jnp.float32),
            pltpu.VMEM((_NBUF, D, F), jnp.float32),
            pltpu.VMEM((_NBUF, F, D), jnp.float32),
            pltpu.SemaphoreType.DMA((_NBUF, 3)),
        ],
    )
    return pl.pallas_call(
        _grouped_body,
        grid_spec=grid_spec,
        out_shape=jax.ShapeDtypeStruct((NPAD, D), jnp.float32),
    )(beid, fo, slot, xs, w1, w3, w2)


def _merge_body(pos_hbm, shared_hbm, ys_hbm, out_hbm, pos_v, rows_v, sh_v, sem):
    wid = lax.axis_index("s") * NC + lax.axis_index("c")
    base = wid * TPT
    pltpu.sync_copy(pos_hbm.at[pl.ds(base, TPT)], pos_v)
    pltpu.async_copy(ys_hbm.at[pos_v], rows_v, sem).wait()
    pltpu.sync_copy(shared_hbm.at[pl.ds(base, TPT)], sh_v)

    def _add_row(r, carry):
        for c in range(CPR):
            rows_v[r, pl.ds(c * 16, 16)] = (rows_v[r, pl.ds(c * 16, 16)]
                                            + sh_v[r, pl.ds(c * 16, 16)])
        return carry

    lax.fori_loop(0, TPT, _add_row, 0)
    pltpu.sync_copy(rows_v, out_hbm.at[pl.ds(base, TPT)])


def _merge(pos, shared, ys):
    return pl.kernel(
        _merge_body,
        out_type=jax.ShapeDtypeStruct((A, D), jnp.float32),
        mesh=plsc.VectorSubcoreMesh(**_SC_MESH),
        compiler_params=pltpu.CompilerParams(needs_layout_passes=False),
        scratch_types=[
            pltpu.VMEM((TPT,), jnp.int32),
            pltpu.VMEM((TPT, D), jnp.float32),
            pltpu.VMEM((TPT, D), jnp.float32),
            pltpu.SemaphoreType.DMA,
        ],
    )(pos, shared, ys)


def kernel(x_bsD, router_DE, w1, w3, w2, sw1, sw3, sw2):
    b, s, d = x_bsD.shape
    x = x_bsD.reshape(-1, d)
    eid2, hist, xg = _router(x, router_DE)
    xs, pos, beid, fo, slot = _sort_scatter(eid2, xg, hist)
    shared = _shared(x, sw1, sw3, sw2)
    ys = _grouped(beid, fo, slot, xs, w1, w3, w2)
    out = _merge(pos, shared, ys)
    return out.reshape(b, s, d)

# --- scband reference (transcript-rebuilt; emitter-appended) ---
"""Pipeline reference for scband-mo-e-56427280335535 (READ-ONLY COPY).

The authoritative reference and input builder live on the scoring server;
editing this copy changes nothing except your own understanding.
"""

import jax, jax.numpy as jnp
import numpy as np

DIM = 768
E = 8
TOP_K = 1
F = 1024  # int(2*3072/3)=2048, *1.0, auto_scale /(1.0+1)=1024, multiple_of 256 -> 1024


def setup_inputs(seed: int = 0) -> dict:
    key = jax.random.key(seed)
    ks = jax.random.split(key, 8)
    x_bsD = jax.random.normal(ks[0], (1, 2048, DIM), dtype=jnp.float32)
    router_DE = jax.random.normal(ks[1], (DIM, E), dtype=jnp.float32) * 0.02
    w1 = jax.random.normal(ks[2], (E, DIM, F), dtype=jnp.float32) * 0.02
    w3 = jax.random.normal(ks[3], (E, DIM, F), dtype=jnp.float32) * 0.02
    w2 = jax.random.normal(ks[4], (E, F, DIM), dtype=jnp.float32) * 0.02
    sw1 = jax.random.normal(ks[5], (DIM, F), dtype=jnp.float32) * 0.02
    sw3 = jax.random.normal(ks[6], (DIM, F), dtype=jnp.float32) * 0.02
    sw2 = jax.random.normal(ks[7], (F, DIM), dtype=jnp.float32) * 0.02
    return {"x_bsD": x_bsD, "router_DE": router_DE, "w1": w1, "w3": w3, "w2": w2,
            "sw1": sw1, "sw3": sw3, "sw2": sw2}


def reference(x_bsD, router_DE, w1, w3, w2, sw1, sw3, sw2):
    b, s, D = x_bsD.shape
    x_aD = x_bsD.reshape(-1, D)
    a = x_aD.shape[0]
    # router: [a, E] scores, keep top-k per token, mask rest to -inf, sigmoid gating
    scores_aE = jnp.matmul(x_aD, router_DE)
    vals_aK, idx_aK = jax.lax.top_k(scores_aE, TOP_K)
    masked_aE = jnp.full_like(scores_aE, -jnp.inf).at[jnp.arange(a)[:, None], idx_aK].set(vals_aK)
    router_scores_Ea = jax.nn.sigmoid(masked_aE.T)  # [E, a]; sigmoid(-inf)=0
    # router_indices = arange(a) broadcast to [E, a]: every expert gathers all tokens
    flat_idx = jnp.tile(jnp.arange(a), E)  # [E*a]
    routed_in_EG_D = jnp.take(x_aD, flat_idx, axis=0) * router_scores_Ea.reshape(-1, 1)
    # experts(routed_in.detach()): batched swiglu over [E, a, D]
    x_egD = jax.lax.stop_gradient(routed_in_EG_D).reshape(E, -1, D)
    middle_egF = jax.nn.silu(jnp.einsum('egd,edf->egf', x_egD, w1)) * jnp.einsum('egd,edf->egf', x_egD, w3)
    routed_out = jnp.einsum('egf,efd->egd', middle_egF, w2).reshape(-1, D)
    # shared expert (swiglu FFN, no reduce)
    out_aD = jnp.matmul(jax.nn.silu(jnp.matmul(x_aD, sw1)) * jnp.matmul(x_aD, sw3), sw2)
    # scatter_add routed outputs back onto token rows (sums over experts)
    out_aD = out_aD.at[flat_idx].add(routed_out)
    return out_aD.reshape(-1, s, D)

if __name__ == "__main__":
    import jax
    _d = setup_inputs()
    print(jax.jit(kernel)(*tuple(_d.values())))

</pallas_src>

<mosaic_0001>
#map = affine_map<(d0, d1) -> (0)>
#map1 = affine_map<(d0, d1) -> (0, 0)>
module attributes {stable_mosaic.version = 14 : i64} {
  func.func @_merge_body(%arg0: i32, %arg1: i32, %arg2: memref<2048xi32, #tpu.memory_space<hbm>>, %arg3: memref<2048x768xf32, #tpu.memory_space<hbm>>, %arg4: memref<3840x768xf32, #tpu.memory_space<hbm>>, %arg5: memref<2048x768xf32, #tpu.memory_space<hbm>>, %arg6: memref<64xi32, #tpu.memory_space<vmem>>, %arg7: memref<64x768xf32, #tpu.memory_space<vmem>>, %arg8: memref<64x768xf32, #tpu.memory_space<vmem>>, %arg9: memref<!tpu.dma_semaphore, #tpu.memory_space<semaphore_mem>>) attributes {dimension_semantics = [#tpu.dimension_semantics<core_parallel>, #tpu.dimension_semantics<subcore_parallel>], iteration_bounds = array<i64: 2, 16>, scalar_prefetch = 0 : i64, scratch_operands = 4 : i64, tpu.core_type = #tpu.core_type<sc_vector_subcore>, window_params = [{transform_indices = #map}, {transform_indices = #map1}, {transform_indices = #map1}, {transform_indices = #map1}]} {
    %mul3A = arith.constant 2 : i32
    %mul3A_0 = arith.muli %arg1, %mul3A : i32
    %add3A = arith.addi %mul3A_0, %arg0 : i32
    %mul3A_1 = arith.constant 64 : i32
    %mul3A_2 = arith.muli %add3A, %mul3A_1 : i32
    "tpu.region"() ({
      %run_scoped3A = tpu.sem_alloc : memref<!tpu.dma_semaphore, #tpu.memory_space<semaphore_mem>>
      %dma_start3A_12 = tpu.memref_slice %arg2[%mul3A_2] : memref<2048xi32, #tpu.memory_space<hbm>> -> memref<64xi32, #tpu.memory_space<hbm>>
      %dma_start3A_13 = tpu.memref_slice %arg2[%mul3A_2] : memref<2048xi32, #tpu.memory_space<hbm>> -> memref<64xi32, #tpu.memory_space<hbm>>
      tpu.enqueue_dma source(%dma_start3A_13 : memref<64xi32, #tpu.memory_space<hbm>>) target(%arg6 : memref<64xi32, #tpu.memory_space<vmem>>) target_semaphore(%run_scoped3A : memref<!tpu.dma_semaphore, #tpu.memory_space<semaphore_mem>>)
      %dma_wait3A_14 = tpu.memref_slice %arg2[%mul3A_2] : memref<2048xi32, #tpu.memory_space<hbm>> -> memref<64xi32, #tpu.memory_space<hbm>>
      %dma_wait3A_15 = tpu.memref_slice %arg2[%mul3A_2] : memref<2048xi32, #tpu.memory_space<hbm>> -> memref<64xi32, #tpu.memory_space<hbm>>
      tpu.wait_dma2 semaphore(%run_scoped3A : memref<!tpu.dma_semaphore, #tpu.memory_space<semaphore_mem>>) src(%dma_wait3A_15 : memref<64xi32, #tpu.memory_space<hbm>>) dst(%arg6 : memref<64xi32, #tpu.memory_space<vmem>>)
      tpu.yield
    }) : () -> ()
    %dma_start3A = arith.constant 0 : i32
    %dma_start3A_3 = arith.constant 0 : i32
    %dma_start3A_4 = tpu.memref_slice %arg4[%dma_start3A, %dma_start3A_3] : memref<3840x768xf32, #tpu.memory_space<hbm>> -> memref<3840x768xf32, #tpu.memory_space<hbm>>
    tpu.enqueue_indirect_dma source(%dma_start3A_4 : memref<3840x768xf32, #tpu.memory_space<hbm>>) target(%arg7 : memref<64x768xf32, #tpu.memory_space<vmem>>) offsets(%arg6 : memref<64xi32, #tpu.memory_space<vmem>>) semaphore(%arg9 : memref<!tpu.dma_semaphore, #tpu.memory_space<semaphore_mem>>)
    %dma_wait3A = arith.constant 0 : i32
    %dma_wait3A_5 = arith.constant 0 : i32
    %dma_wait3A_6 = tpu.memref_slice %arg4[%dma_wait3A, %dma_wait3A_5] : memref<3840x768xf32, #tpu.memory_space<hbm>> -> memref<3840x768xf32, #tpu.memory_space<hbm>>
    tpu.wait_indirect_dma semaphore(%arg9 : memref<!tpu.dma_semaphore, #tpu.memory_space<semaphore_mem>>) src(%dma_wait3A_6 : memref<3840x768xf32, #tpu.memory_space<hbm>>) dst(%arg7 : memref<64x768xf32, #tpu.memory_space<vmem>>)
    "tpu.region"() ({
      %run_scoped3A = tpu.sem_alloc : memref<!tpu.dma_semaphore, #tpu.memory_space<semaphore_mem>>
      %dma_start3A_12 = arith.constant 0 : i32
      %dma_start3A_13 = tpu.memref_slice %arg3[%mul3A_2, %dma_start3A_12] : memref<2048x768xf32, #tpu.memory_space<hbm>> -> memref<64x768xf32, #tpu.memory_space<hbm>>
      %dma_start3A_14 = arith.constant 0 : i32
      %dma_start3A_15 = tpu.memref_slice %arg3[%mul3A_2, %dma_start3A_14] : memref<2048x768xf32, #tpu.memory_space<hbm>> -> memref<64x768xf32, #tpu.memory_space<hbm>>
      tpu.enqueue_dma source(%dma_start3A_15 : memref<64x768xf32, #tpu.memory_space<hbm>>) target(%arg8 : memref<64x768xf32, #tpu.memory_space<vmem>>) target_semaphore(%run_scoped3A : memref<!tpu.dma_semaphore, #tpu.memory_space<semaphore_mem>>)
      %dma_wait3A_16 = arith.constant 0 : i32
      %dma_wait3A_17 = tpu.memref_slice %arg3[%mul3A_2, %dma_wait3A_16] : memref<2048x768xf32, #tpu.memory_space<hbm>> -> memref<64x768xf32, #tpu.memory_space<hbm>>
      %dma_wait3A_18 = arith.constant 0 : i32
      %dma_wait3A_19 = tpu.memref_slice %arg3[%mul3A_2, %dma_wait3A_18] : memref<2048x768xf32, #tpu.memory_space<hbm>> -> memref<64x768xf32, #tpu.memory_space<hbm>>
      tpu.wait_dma2 semaphore(%run_scoped3A : memref<!tpu.dma_semaphore, #tpu.memory_space<semaphore_mem>>) src(%dma_wait3A_19 : memref<64x768xf32, #tpu.memory_space<hbm>>) dst(%arg8 : memref<64x768xf32, #tpu.memory_space<vmem>>)
      tpu.yield
    }) : () -> ()
    %scan3A = arith.constant 0 : i32
    %scan3A_7 = arith.constant 0 : i32
    %scan3A_8 = arith.constant 64 : i32
    %scan3A_9 = arith.addi %scan3A_7, %scan3A_8 : i32
    %scan3A_10 = arith.constant 1 : i32
    scf.for %scan3A_12 = %scan3A_7 to %scan3A_9 step %scan3A_10  : i32 {
      %get3A = arith.index_cast %scan3A_12 : i32 to index
      %get3A_13 = arith.constant 0 : index
      %get3A_14 = tpu.vector_load %arg7[%get3A, %get3A_13] {strides = array<i32>} : memref<64x768xf32, #tpu.memory_space<vmem>>, vector<16xf32>,
      %get3A_15 = arith.index_cast %scan3A_12 : i32 to index
      %get3A_16 = arith.constant 0 : index
      %get3A_17 = tpu.vector_load %arg8[%get3A_15, %get3A_16] {strides = array<i32>} : memref<64x768xf32, #tpu.memory_space<vmem>>, vector<16xf32>,
      %add3A_18 = arith.addf %get3A_14, %get3A_17 : vector<16xf32>
      %swap3A = arith.index_cast %scan3A_12 : i32 to index
      %swap3A_19 = arith.constant 0 : index
      %swap3A_20 = tpu.vector_load %arg7[%swap3A, %swap3A_19] {strides = array<i32>} : memref<64x768xf32, #tpu.memory_space<vmem>>, vector<16xf32>,
      tpu.vector_store %arg7[%swap3A, %swap3A_19], %add3A_18 {strides = array<i32>} : memref<64x768xf32, #tpu.memory_space<vmem>>, vector<16xf32>,
      %get3A_21 = arith.index_cast %scan3A_12 : i32 to index
      %get3A_22 = arith.constant 16 : index
      %get3A_23 = tpu.vector_load %arg7[%get3A_21, %get3A_22] {strides = array<i32>} : memref<64x768xf32, #tpu.memory_space<vmem>>, vector<16xf32>,
      %get3A_24 = arith.index_cast %scan3A_12 : i32 to index
      %get3A_25 = arith.constant 16 : index
      %get3A_26 = tpu.vector_load %arg8[%get3A_24, %get3A_25] {strides = array<i32>} : memref<64x768xf32, #tpu.memory_space<vmem>>, vector<16xf32>,
      %add3A_27 = arith.addf %get3A_23, %get3A_26 : vector<16xf32>
      %swap3A_28 = arith.index_cast %scan3A_12 : i32 to index
      %swap3A_29 = arith.constant 16 : index
      %swap3A_30 = tpu.vector_load %arg7[%swap3A_28, %swap3A_29] {strides = array<i32>} : memref<64x768xf32, #tpu.memory_space<vmem>>, vector<16xf32>,
      tpu.vector_store %arg7[%swap3A_28, %swap3A_29], %add3A_27 {strides = array<i32>} : memref<64x768xf32, #tpu.memory_space<vmem>>, vector<16xf32>,
      %get3A_31 = arith.index_cast %scan3A_12 : i32 to index
      %get3A_32 = arith.constant 32 : index
      %get3A_33 = tpu.vector_load %arg7[%get3A_31, %get3A_32] {strides = array<i32>} : memref<64x768xf32, #tpu.memory_space<vmem>>, vector<16xf32>,
      %get3A_34 = arith.index_cast %scan3A_12 : i32 to index
      %get3A_35 = arith.constant 32 : index
      %get3A_36 = tpu.vector_load %arg8[%get3A_34, %get3A_35] {strides = array<i32>} : memref<64x768xf32, #tpu.memory_space<vmem>>, vector<16xf32>,
      %add3A_37 = arith.addf %get3A_33, %get3A_36 : vector<16xf32>
      %swap3A_38 = arith.index_cast %scan3A_12 : i32 to index
      %swap3A_39 = arith.constant 32 : index
      %swap3A_40 = tpu.vector_load %arg7[%swap3A_38, %swap3A_39] {strides = array<i32>} : memref<64x768xf32, #tpu.memory_space<vmem>>, vector<16xf32>,
      tpu.vector_store %arg7[%swap3A_38, %swap3A_39], %add3A_37 {strides = array<i32>} : memref<64x768xf32, #tpu.memory_space<vmem>>, vector<16xf32>,
      %get3A_41 = arith.index_cast %scan3A_12 : i32 to index
      %get3A_42 = arith.constant 48 : index
      %get3A_43 = tpu.vector_load %arg7[%get3A_41, %get3A_42] {strides = array<i32>} : memref<64x768xf32, #tpu.memory_space<vmem>>, vector<16xf32>,
      %get3A_44 = arith.index_cast %scan3A_12 : i32 to index
      %get3A_45 = arith.constant 48 : index
      %get3A_46 = tpu.vector_load %arg8[%get3A_44, %get3A_45] {strides = array<i32>} : memref<64x768xf32, #tpu.memory_space<vmem>>, vector<16xf32>,
      %add3A_47 = arith.addf %get3A_43, %get3A_46 : vector<16xf32>
      %swap3A_48 = arith.index_cast %scan3A_12 : i32 to index
      %swap3A_49 = arith.constant 48 : index
      %swap3A_50 = tpu.vector_load %arg7[%swap3A_48, %swap3A_49] {strides = array<i32>} : memref<64x768xf32, #tpu.memory_space<vmem>>, vector<16xf32>,
      tpu.vector_store %arg7[%swap3A_48, %swap3A_49], %add3A_47 {strides = array<i32>} : memref<64x768xf32, #tpu.memory_space<vmem>>, vector<16xf32>,
      %get3A_51 = arith.index_cast %scan3A_12 : i32 to index
      %get3A_52 = arith.constant 64 : index
      %get3A_53 = tpu.vector_load %arg7[%get3A_51, %get3A_52] {strides = array<i32>} : memref<64x768xf32, #tpu.memory_space<vmem>>, vector<16xf32>,
      %get3A_54 = arith.index_cast %scan3A_12 : i32 to index
      %get3A_55 = arith.constant 64 : index
      %get3A_56 = tpu.vector_load %arg8[%get3A_54, %get3A_55] {strides = array<i32>} : memref<64x768xf32, #tpu.memory_space<vmem>>, vector<16xf32>,
      %add3A_57 = arith.addf %get3A_53, %get3A_56 : vector<16xf32>
      %swap3A_58 = arith.index_cast %scan3A_12 : i32 to index
      %swap3A_59 = arith.constant 64 : index
      %swap3A_60 = tpu.vector_load %arg7[%swap3A_58, %swap3A_59] {strides = array<i32>} : memref<64x768xf32, #tpu.memory_space<vmem>>, vector<16xf32>,
      tpu.vector_store %arg7[%swap3A_58, %swap3A_59], %add3A_57 {strides = array<i32>} : memref<64x768xf32, #tpu.memory_space<vmem>>, vector<16xf32>,
      %get3A_61 = arith.index_cast %scan3A_12 : i32 to index
      %get3A_62 = arith.constant 80 : index
      %get3A_63 = tpu.vector_load %arg7[%get3A_61, %get3A_62] {strides = array<i32>} : memref<64x768xf32, #tpu.memory_space<vmem>>, vector<16xf32>,
      %get3A_64 = arith.index_cast %scan3A_12 : i32 to index
      %get3A_65 = arith.constant 80 : index
      %get3A_66 = tpu.vector_load %arg8[%get3A_64, %get3A_65] {strides = array<i32>} : memref<64x768xf32, #tpu.memory_space<vmem>>, vector<16xf32>,
      %add3A_67 = arith.addf %get3A_63, %get3A_66 : vector<16xf32>
      %swap3A_68 = arith.index_cast %scan3A_12 : i32 to index
      %swap3A_69 = arith.constant 80 : index
      %swap3A_70 = tpu.vector_load %arg7[%swap3A_68, %swap3A_69] {strides = array<i32>} : memref<64x768xf32, #tpu.memory_space<vmem>>, vector<16xf32>,
      tpu.vector_store %arg7[%swap3A_68, %swap3A_69], %add3A_67 {strides = array<i32>} : memref<64x768xf32, #tpu.memory_space<vmem>>, vector<16xf32>,
      %get3A_71 = arith.index_cast %scan3A_12 : i32 to index
      %get3A_72 = arith.constant 96 : index
      %get3A_73 = tpu.vector_load %arg7[%get3A_71, %get3A_72] {strides = array<i32>} : memref<64x768xf32, #tpu.memory_space<vmem>>, vector<16xf32>,
      %get3A_74 = arith.index_cast %scan3A_12 : i32 to index
      %get3A_75 = arith.constant 96 : index
      %get3A_76 = tpu.vector_load %arg8[%get3A_74, %get3A_75] {strides = array<i32>} : memref<64x768xf32, #tpu.memory_space<vmem>>, vector<16xf32>,
      %add3A_77 = arith.addf %get3A_73, %get3A_76 : vector<16xf32>
      %swap3A_78 = arith.index_cast %scan3A_12 : i32 to index
      %swap3A_79 = arith.constant 96 : index
      %swap3A_80 = tpu.vector_load %arg7[%swap3A_78, %swap3A_79] {strides = array<i32>} : memref<64x768xf32, #tpu.memory_space<vmem>>, vector<16xf32>,
      tpu.vector_store %arg7[%swap3A_78, %swap3A_79], %add3A_77 {strides = array<i32>} : memref<64x768xf32, #tpu.memory_space<vmem>>, vector<16xf32>,
      %get3A_81 = arith.index_cast %scan3A_12 : i32 to index
      %get3A_82 = arith.constant 112 : index
      %get3A_83 = tpu.vector_load %arg7[%get3A_81, %get3A_82] {strides = array<i32>} : memref<64x768xf32, #tpu.memory_space<vmem>>, vector<16xf32>,
      %get3A_84 = arith.index_cast %scan3A_12 : i32 to index
      %get3A_85 = arith.constant 112 : index
      %get3A_86 = tpu.vector_load %arg8[%get3A_84, %get3A_85] {strides = array<i32>} : memref<64x768xf32, #tpu.memory_space<vmem>>, vector<16xf32>,
      %add3A_87 = arith.addf %get3A_83, %get3A_86 : vector<16xf32>
      %swap3A_88 = arith.index_cast %scan3A_12 : i32 to index
      %swap3A_89 = arith.constant 112 : index
      %swap3A_90 = tpu.vector_load %arg7[%swap3A_88, %swap3A_89] {strides = array<i32>} : memref<64x768xf32, #tpu.memory_space<vmem>>, vector<16xf32>,
      tpu.vector_store %arg7[%swap3A_88, %swap3A_89], %add3A_87 {strides = array<i32>} : memref<64x768xf32, #tpu.memory_space<vmem>>, vector<16xf32>,
      %get3A_91 = arith.index_cast %scan3A_12 : i32 to index
      %get3A_92 = arith.constant 128 : index
      %get3A_93 = tpu.vector_load %arg7[%get3A_91, %get3A_92] {strides = array<i32>} : memref<64x768xf32, #tpu.memory_space<vmem>>, vector<16xf32>,
      %get3A_94 = arith.index_cast %scan3A_12 : i32 to index
      %get3A_95 = arith.constant 128 : index
      %get3A_96 = tpu.vector_load %arg8[%get3A_94, %get3A_95] {strides = array<i32>} : memref<64x768xf32, #tpu.memory_space<vmem>>, vector<16xf32>,
      %add3A_97 = arith.addf %get3A_93, %get3A_96 : vector<16xf32>
      %swap3A_98 = arith.index_cast %scan3A_12 : i32 to index
      %swap3A_99 = arith.constant 128 : index
      %swap3A_100 = tpu.vector_load %arg7[%swap3A_98, %swap3A_99] {strides = array<i32>} : memref<64x768xf32, #tpu.memory_space<vmem>>, vector<16xf32>,
      tpu.vector_store %arg7[%swap3A_98, %swap3A_99], %add3A_97 {strides = array<i32>} : memref<64x768xf32, #tpu.memory_space<vmem>>, vector<16xf32>,
      %get3A_101 = arith.index_cast %scan3A_12 : i32 to index
      %get3A_102 = arith.constant 144 : index
      %get3A_103 = tpu.vector_load %arg7[%get3A_101, %get3A_102] {strides = array<i32>} : memref<64x768xf32, #tpu.memory_space<vmem>>, vector<16xf32>,
      %get3A_104 = arith.index_cast %scan3A_12 : i32 to index
      %get3A_105 = arith.constant 144 : index
      %get3A_106 = tpu.vector_load %arg8[%get3A_104, %get3A_105] {strides = array<i32>} : memref<64x768xf32, #tpu.memory_space<vmem>>, vector<16xf32>,
      %add3A_107 = arith.addf %get3A_103, %get3A_106 : vector<16xf32>
      %swap3A_108 = arith.index_cast %scan3A_12 : i32 to index
      %swap3A_109 = arith.constant 144 : index
      %swap3A_110 = tpu.vector_load %arg7[%swap3A_108, %swap3A_109] {strides = array<i32>} : memref<64x768xf32, #tpu.memory_space<vmem>>, vector<16xf32>,
      tpu.vector_store %arg7[%swap3A_108, %swap3A_109], %add3A_107 {strides = array<i32>} : memref<64x768xf32, #tpu.memory_space<vmem>>, vector<16xf32>,
      %get3A_111 = arith.index_cast %scan3A_12 : i32 to index
      %get3A_112 = arith.constant 160 : index
      %get3A_113 = tpu.vector_load %arg7[%get3A_111, %get3A_112] {strides = array<i32>} : memref<64x768xf32, #tpu.memory_space<vmem>>, vector<16xf32>,
      %get3A_114 = arith.index_cast %scan3A_12 : i32 to index
      %get3A_115 = arith.constant 160 : index
      %get3A_116 = tpu.vector_load %arg8[%get3A_114, %get3A_115] {strides = array<i32>} : memref<64x768xf32, #tpu.memory_space<vmem>>, vector<16xf32>,
      %add3A_117 = arith.addf %get3A_113, %get3A_116 : vector<16xf32>
      %swap3A_118 = arith.index_cast %scan3A_12 : i32 to index
      %swap3A_119 = arith.constant 160 : index
      %swap3A_120 = tpu.vector_load %arg7[%swap3A_118, %swap3A_119] {strides = array<i32>} : memref<64x768xf32, #tpu.memory_space<vmem>>, vector<16xf32>,
      tpu.vector_store %arg7[%swap3A_118, %swap3A_119], %add3A_117 {strides = array<i32>} : memref<64x768xf32, #tpu.memory_space<vmem>>, vector<16xf32>,
      %get3A_121 = arith.index_cast %scan3A_12 : i32 to index
      %get3A_122 = arith.constant 176 : index
      %get3A_123 = tpu.vector_load %arg7[%get3A_121, %get3A_122] {strides = array<i32>} : memref<64x768xf32, #tpu.memory_space<vmem>>, vector<16xf32>,
      %get3A_124 = arith.index_cast %scan3A_12 : i32 to index
      %get3A_125 = arith.constant 176 : index
      %get3A_126 = tpu.vector_load %arg8[%get3A_124, %get3A_125] {strides = array<i32>} : memref<64x768xf32, #tpu.memory_space<vmem>>, vector<16xf32>,
      %add3A_127 = arith.addf %get3A_123, %get3A_126 : vector<16xf32>
      %swap3A_128 = arith.index_cast %scan3A_12 : i32 to index
      %swap3A_129 = arith.constant 176 : index
      %swap3A_130 = tpu.vector_load %arg7[%swap3A_128, %swap3A_129] {strides = array<i32>} : memref<64x768xf32, #tpu.memory_space<vmem>>, vector<16xf32>,
      tpu.vector_store %arg7[%swap3A_128, %swap3A_129], %add3A_127 {strides = array<i32>} : memref<64x768xf32, #tpu.memory_space<vmem>>, vector<16xf32>,
      %get3A_131 = arith.index_cast %scan3A_12 : i32 to index
      %get3A_132 = arith.constant 192 : index
      %get3A_133 = tpu.vector_load %arg7[%get3A_131, %get3A_132] {strides = array<i32>} : memref<64x768xf32, #tpu.memory_space<vmem>>, vector<16xf32>,
      %get3A_134 = arith.index_cast %scan3A_12 : i32 to index
      %get3A_135 = arith.constant 192 : index
      %get3A_136 = tpu.vector_load %arg8[%get3A_134, %get3A_135] {strides = array<i32>} : memref<64x768xf32, #tpu.memory_space<vmem>>, vector<16xf32>,
      %add3A_137 = arith.addf %get3A_133, %get3A_136 : vector<16xf32>
      %swap3A_138 = arith.index_cast %scan3A_12 : i32 to index
      %swap3A_139 = arith.constant 192 : index
      %swap3A_140 = tpu.vector_load %arg7[%swap3A_138, %swap3A_139] {strides = array<i32>} : memref<64x768xf32, #tpu.memory_space<vmem>>, vector<16xf32>,
      tpu.vector_store %arg7[%swap3A_138, %swap3A_139], %add3A_137 {strides = array<i32>} : memref<64x768xf32, #tpu.memory_space<vmem>>, vector<16xf32>,
      %get3A_141 = arith.index_cast %scan3A_12 : i32 to index
      %get3A_142 = arith.constant 208 : index
      %get3A_143 = tpu.vector_load %arg7[%get3A_141, %get3A_142] {strides = array<i32>} : memref<64x768xf32, #tpu.memory_space<vmem>>, vector<16xf32>,
      %get3A_144 = arith.index_cast %scan3A_12 : i32 to index
      %get3A_145 = arith.constant 208 : index
      %get3A_146 = tpu.vector_load %arg8[%get3A_144, %get3A_145] {strides = array<i32>} : memref<64x768xf32, #tpu.memory_space<vmem>>, vector<16xf32>,
      %add3A_147 = arith.addf %get3A_143, %get3A_146 : vector<16xf32>
      %swap3A_148 = arith.index_cast %scan3A_12 : i32 to index
      %swap3A_149 = arith.constant 208 : index
      %swap3A_150 = tpu.vector_load %arg7[%swap3A_148, %swap3A_149] {strides = array<i32>} : memref<64x768xf32, #tpu.memory_space<vmem>>, vector<16xf32>,
      tpu.vector_store %arg7[%swap3A_148, %swap3A_149], %add3A_147 {strides = array<i32>} : memref<64x768xf32, #tpu.memory_space<vmem>>, vector<16xf32>,
      %get3A_151 = arith.index_cast %scan3A_12 : i32 to index
      %get3A_152 = arith.constant 224 : index
      %get3A_153 = tpu.vector_load %arg7[%get3A_151, %get3A_152] {strides = array<i32>} : memref<64x768xf32, #tpu.memory_space<vmem>>, vector<16xf32>,
      %get3A_154 = arith.index_cast %scan3A_12 : i32 to index
      %get3A_155 = arith.constant 224 : index
      %get3A_156 = tpu.vector_load %arg8[%get3A_154, %get3A_155] {strides = array<i32>} : memref<64x768xf32, #tpu.memory_space<vmem>>, vector<16xf32>,
      %add3A_157 = arith.addf %get3A_153, %get3A_156 : vector<16xf32>
      %swap3A_158 = arith.index_cast %scan3A_12 : i32 to index
      %swap3A_159 = arith.constant 224 : index
      %swap3A_160 = tpu.vector_load %arg7[%swap3A_158, %swap3A_159] {strides = array<i32>} : memref<64x768xf32, #tpu.memory_space<vmem>>, vector<16xf32>,
      tpu.vector_store %arg7[%swap3A_158, %swap3A_159], %add3A_157 {strides = array<i32>} : memref<64x768xf32, #tpu.memory_space<vmem>>, vector<16xf32>,
      %get3A_161 = arith.index_cast %scan3A_12 : i32 to index
      %get3A_162 = arith.constant 240 : index
      %get3A_163 = tpu.vector_load %arg7[%get3A_161, %get3A_162] {strides = array<i32>} : memref<64x768xf32, #tpu.memory_space<vmem>>, vector<16xf32>,
      %get3A_164 = arith.index_cast %scan3A_12 : i32 to index
      %get3A_165 = arith.constant 240 : index
      %get3A_166 = tpu.vector_load %arg8[%get3A_164, %get3A_165] {strides = array<i32>} : memref<64x768xf32, #tpu.memory_space<vmem>>, vector<16xf32>,
      %add3A_167 = arith.addf %get3A_163, %get3A_166 : vector<16xf32>
      %swap3A_168 = arith.index_cast %scan3A_12 : i32 to index
      %swap3A_169 = arith.constant 240 : index
      %swap3A_170 = tpu.vector_load %arg7[%swap3A_168, %swap3A_169] {strides = array<i32>} : memref<64x768xf32, #tpu.memory_space<vmem>>, vector<16xf32>,
      tpu.vector_store %arg7[%swap3A_168, %swap3A_169], %add3A_167 {strides = array<i32>} : memref<64x768xf32, #tpu.memory_space<vmem>>, vector<16xf32>,
      %get3A_171 = arith.index_cast %scan3A_12 : i32 to index
      %get3A_172 = arith.constant 256 : index
      %get3A_173 = tpu.vector_load %arg7[%get3A_171, %get3A_172] {strides = array<i32>} : memref<64x768xf32, #tpu.memory_space<vmem>>, vector<16xf32>,
      %get3A_174 = arith.index_cast %scan3A_12 : i32 to index
      %get3A_175 = arith.constant 256 : index
      %get3A_176 = tpu.vector_load %arg8[%get3A_174, %get3A_175] {strides = array<i32>} : memref<64x768xf32, #tpu.memory_space<vmem>>, vector<16xf32>,
      %add3A_177 = arith.addf %get3A_173, %get3A_176 : vector<16xf32>
      %swap3A_178 = arith.index_cast %scan3A_12 : i32 to index
      %swap3A_179 = arith.constant 256 : index
      %swap3A_180 = tpu.vector_load %arg7[%swap3A_178, %swap3A_179] {strides = array<i32>} : memref<64x768xf32, #tpu.memory_space<vmem>>, vector<16xf32>,
      tpu.vector_store %arg7[%swap3A_178, %swap3A_179], %add3A_177 {strides = array<i32>} : memref<64x768xf32, #tpu.memory_space<vmem>>, vector<16xf32>,
      %get3A_181 = arith.index_cast %scan3A_12 : i32 to index
      %get3A_182 = arith.constant 272 : index
      %get3A_183 = tpu.vector_load %arg7[%get3A_181, %get3A_182] {strides = array<i32>} : memref<64x768xf32, #tpu.memory_space<vmem>>, vector<16xf32>,
      %get3A_184 = arith.index_cast %scan3A_12 : i32 to index
      %get3A_185 = arith.constant 272 : index
      %get3A_186 = tpu.vector_load %arg8[%get3A_184, %get3A_185] {strides = array<i32>} : memref<64x768xf32, #tpu.memory_space<vmem>>, vector<16xf32>,
      %add3A_187 = arith.addf %get3A_183, %get3A_186 : vector<16xf32>
      %swap3A_188 = arith.index_cast %scan3A_12 : i32 to index
      %swap3A_189 = arith.constant 272 : index
      %swap3A_190 = tpu.vector_load %arg7[%swap3A_188, %swap3A_189] {strides = array<i32>} : memref<64x768xf32, #tpu.memory_space<vmem>>, vector<16xf32>,
      tpu.vector_store %arg7[%swap3A_188, %swap3A_189], %add3A_187 {strides = array<i32>} : memref<64x768xf32, #tpu.memory_space<vmem>>, vector<16xf32>,
      %get3A_191 = arith.index_cast %scan3A_12 : i32 to index
      %get3A_192 = arith.constant 288 : index
      %get3A_193 = tpu.vector_load %arg7[%get3A_191, %get3A_192] {strides = array<i32>} : memref<64x768xf32, #tpu.memory_space<vmem>>, vector<16xf32>,
      %get3A_194 = arith.index_cast %scan3A_12 : i32 to index
      %get3A_195 = arith.constant 288 : index
      %get3A_196 = tpu.vector_load %arg8[%get3A_194, %get3A_195] {strides = array<i32>} : memref<64x768xf32, #tpu.memory_space<vmem>>, vector<16xf32>,
      %add3A_197 = arith.addf %get3A_193, %get3A_196 : vector<16xf32>
      %swap3A_198 = arith.index_cast %scan3A_12 : i32 to index
      %swap3A_199 = arith.constant 288 : index
      %swap3A_200 = tpu.vector_load %arg7[%swap3A_198, %swap3A_199] {strides = array<i32>} : memref<64x768xf32, #tpu.memory_space<vmem>>, vector<16xf32>,
      tpu.vector_store %arg7[%swap3A_198, %swap3A_199], %add3A_197 {strides = array<i32>} : memref<64x768xf32, #tpu.memory_space<vmem>>, vector<16xf32>,
      %get3A_201 = arith.index_cast %scan3A_12 : i32 to index
      %get3A_202 = arith.constant 304 : index
      %get3A_203 = tpu.vector_load %arg7[%get3A_201, %get3A_202] {strides = array<i32>} : memref<64x768xf32, #tpu.memory_space<vmem>>, vector<16xf32>,
      %get3A_204 = arith.index_cast %scan3A_12 : i32 to index
      %get3A_205 = arith.constant 304 : index
      %get3A_206 = tpu.vector_load %arg8[%get3A_204, %get3A_205] {strides = array<i32>} : memref<64x768xf32, #tpu.memory_space<vmem>>, vector<16xf32>,
      %add3A_207 = arith.addf %get3A_203, %get3A_206 : vector<16xf32>
      %swap3A_208 = arith.index_cast %scan3A_12 : i32 to index
      %swap3A_209 = arith.constant 304 : index
      %swap3A_210 = tpu.vector_load %arg7[%swap3A_208, %swap3A_209] {strides = array<i32>} : memref<64x768xf32, #tpu.memory_space<vmem>>, vector<16xf32>,
      tpu.vector_store %arg7[%swap3A_208, %swap3A_209], %add3A_207 {strides = array<i32>} : memref<64x768xf32, #tpu.memory_space<vmem>>, vector<16xf32>,
      %get3A_211 = arith.index_cast %scan3A_12 : i32 to index
      %get3A_212 = arith.constant 320 : index
      %get3A_213 = tpu.vector_load %arg7[%get3A_211, %get3A_212] {strides = array<i32>} : memref<64x768xf32, #tpu.memory_space<vmem>>, vector<16xf32>,
      %get3A_214 = arith.index_cast %scan3A_12 : i32 to index
      %get3A_215 = arith.constant 320 : index
      %get3A_216 = tpu.vector_load %arg8[%get3A_214, %get3A_215] {strides = array<i32>} : memref<64x768xf32, #tpu.memory_space<vmem>>, vector<16xf32>,
      %add3A_217 = arith.addf %get3A_213, %get3A_216 : vector<16xf32>
      %swap3A_218 = arith.index_cast %scan3A_12 : i32 to index
      %swap3A_219 = arith.constant 320 : index
      %swap3A_220 = tpu.vector_load %arg7[%swap3A_218, %swap3A_219] {strides = array<i32>} : memref<64x768xf32, #tpu.memory_space<vmem>>, vector<16xf32>,
      tpu.vector_store %arg7[%swap3A_218, %swap3A_219], %add3A_217 {strides = array<i32>} : memref<64x768xf32, #tpu.memory_space<vmem>>, vector<16xf32>,
      %get3A_221 = arith.index_cast %scan3A_12 : i32 to index
      %get3A_222 = arith.constant 336 : index
      %get3A_223 = tpu.vector_load %arg7[%get3A_221, %get3A_222] {strides = array<i32>} : memref<64x768xf32, #tpu.memory_space<vmem>>, vector<16xf32>,
      %get3A_224 = arith.index_cast %scan3A_12 : i32 to index
      %get3A_225 = arith.constant 336 : index
      %get3A_226 = tpu.vector_load %arg8[%get3A_224, %get3A_225] {strides = array<i32>} : memref<64x768xf32, #tpu.memory_space<vmem>>, vector<16xf32>,
      %add3A_227 = arith.addf %get3A_223, %get3A_226 : vector<16xf32>
      %swap3A_228 = arith.index_cast %scan3A_12 : i32 to index
      %swap3A_229 = arith.constant 336 : index
      %swap3A_230 = tpu.vector_load %arg7[%swap3A_228, %swap3A_229] {strides = array<i32>} : memref<64x768xf32, #tpu.memory_space<vmem>>, vector<16xf32>,
      tpu.vector_store %arg7[%swap3A_228, %swap3A_229], %add3A_227 {strides = array<i32>} : memref<64x768xf32, #tpu.memory_space<vmem>>, vector<16xf32>,
      %get3A_231 = arith.index_cast %scan3A_12 : i32 to index
      %get3A_232 = arith.constant 352 : index
      %get3A_233 = tpu.vector_load %arg7[%get3A_231, %get3A_232] {strides = array<i32>} : memref<64x768xf32, #tpu.memory_space<vmem>>, vector<16xf32>,
      %get3A_234 = arith.index_cast %scan3A_12 : i32 to index
      %get3A_235 = arith.constant 352 : index
      %get3A_236 = tpu.vector_load %arg8[%get3A_234, %get3A_235] {strides = array<i32>} : memref<64x768xf32, #tpu.memory_space<vmem>>, vector<16xf32>,
      %add3A_237 = arith.addf %get3A_233, %get3A_236 : vector<16xf32>
      %swap3A_238 = arith.index_cast %scan3A_12 : i32 to index
      %swap3A_239 = arith.constant 352 : index
      %swap3A_240 = tpu.vector_load %arg7[%swap3A_238, %swap3A_239] {strides = array<i32>} : memref<64x768xf32, #tpu.memory_space<vmem>>, vector<16xf32>,
      tpu.vector_store %arg7[%swap3A_238, %swap3A_239], %add3A_237 {strides = array<i32>} : memref<64x768xf32, #tpu.memory_space<vmem>>, vector<16xf32>,
      %get3A_241 = arith.index_cast %scan3A_12 : i32 to index
      %get3A_242 = arith.constant 368 : index
      %get3A_243 = tpu.vector_load %arg7[%get3A_241, %get3A_242] {strides = array<i32>} : memref<64x768xf32, #tpu.memory_space<vmem>>, vector<16xf32>,
      %get3A_244 = arith.index_cast %scan3A_12 : i32 to index
      %get3A_245 = arith.constant 368 : index
      %get3A_246 = tpu.vector_load %arg8[%get3A_244, %get3A_245] {strides = array<i32>} : memref<64x768xf32, #tpu.memory_space<vmem>>, vector<16xf32>,
      %add3A_247 = arith.addf %get3A_243, %get3A_246 : vector<16xf32>
      %swap3A_248 = arith.index_cast %scan3A_12 : i32 to index
      %swap3A_249 = arith.constant 368 : index
      %swap3A_250 = tpu.vector_load %arg7[%swap3A_248, %swap3A_249] {strides = array<i32>} : memref<64x768xf32, #tpu.memory_space<vmem>>, vector<16xf32>,
      tpu.vector_store %arg7[%swap3A_248, %swap3A_249], %add3A_247 {strides = array<i32>} : memref<64x768xf32, #tpu.memory_space<vmem>>, vector<16xf32>,
      %get3A_251 = arith.index_cast %scan3A_12 : i32 to index
      %get3A_252 = arith.constant 384 : index
      %get3A_253 = tpu.vector_load %arg7[%get3A_251, %get3A_252] {strides = array<i32>} : memref<64x768xf32, #tpu.memory_space<vmem>>, vector<16xf32>,
      %get3A_254 = arith.index_cast %scan3A_12 : i32 to index
      %get3A_255 = arith.constant 384 : index
      %get3A_256 = tpu.vector_load %arg8[%get3A_254, %get3A_255] {strides = array<i32>} : memref<64x768xf32, #tpu.memory_space<vmem>>, vector<16xf32>,
      %add3A_257 = arith.addf %get3A_253, %get3A_256 : vector<16xf32>
      %swap3A_258 = arith.index_cast %scan3A_12 : i32 to index
      %swap3A_259 = arith.constant 384 : index
      %swap3A_260 = tpu.vector_load %arg7[%swap3A_258, %swap3A_259] {strides = array<i32>} : memref<64x768xf32, #tpu.memory_space<vmem>>, vector<16xf32>,
      tpu.vector_store %arg7[%swap3A_258, %swap3A_259], %add3A_257 {strides = array<i32>} : memref<64x768xf32, #tpu.memory_space<vmem>>, vector<16xf32>,
      %get3A_261 = arith.index_cast %scan3A_12 : i32 to index
      %get3A_262 = arith.constant 400 : index
      %get3A_263 = tpu.vector_load %arg7[%get3A_261, %get3A_262] {strides = array<i32>} : memref<64x768xf32, #tpu.memory_space<vmem>>, vector<16xf32>,
      %get3A_264 = arith.index_cast %scan3A_12 : i32 to index
      %get3A_265 = arith.constant 400 : index
      %get3A_266 = tpu.vector_load %arg8[%get3A_264, %get3A_265] {strides = array<i32>} : memref<64x768xf32, #tpu.memory_space<vmem>>, vector<16xf32>,
      %add3A_267 = arith.addf %get3A_263, %get3A_266 : vector<16xf32>
      %swap3A_268 = arith.index_cast %scan3A_12 : i32 to index
      %swap3A_269 = arith.constant 400 : index
      %swap3A_270 = tpu.vector_load %arg7[%swap3A_268, %swap3A_269] {strides = array<i32>} : memref<64x768xf32, #tpu.memory_space<vmem>>, vector<16xf32>,
      tpu.vector_store %arg7[%swap3A_268, %swap3A_269], %add3A_267 {strides = array<i32>} : memref<64x768xf32, #tpu.memory_space<vmem>>, vector<16xf32>,
      %get3A_271 = arith.index_cast %scan3A_12 : i32 to index
      %get3A_272 = arith.constant 416 : index
      %get3A_273 = tpu.vector_load %arg7[%get3A_271, %get3A_272] {strides = array<i32>} : memref<64x768xf32, #tpu.memory_space<vmem>>, vector<16xf32>,
      %get3A_274 = arith.index_cast %scan3A_12 : i32 to index
      %get3A_275 = arith.constant 416 : index
      %get3A_276 = tpu.vector_load %arg8[%get3A_274, %get3A_275] {strides = array<i32>} : memref<64x768xf32, #tpu.memory_space<vmem>>, vector<16xf32>,
      %add3A_277 = arith.addf %get3A_273, %get3A_276 : vector<16xf32>
      %swap3A_278 = arith.index_cast %scan3A_12 : i32 to index
      %swap3A_279 = arith.constant 416 : index
      %swap3A_280 = tpu.vector_load %arg7[%swap3A_278, %swap3A_279] {strides = array<i32>} : memref<64x768xf32, #tpu.memory_space<vmem>>, vector<16xf32>,
      tpu.vector_store %arg7[%swap3A_278, %swap3A_279], %add3A_277 {strides = array<i32>} : memref<64x768xf32, #tpu.memory_space<vmem>>, vector<16xf32>,
      %get3A_281 = arith.index_cast %scan3A_12 : i32 to index
      %get3A_282 = arith.constant 432 : index
      %get3A_283 = tpu.vector_load %arg7[%get3A_281, %get3A_282] {strides = array<i32>} : memref<64x768xf32, #tpu.memory_space<vmem>>, vector<16xf32>,
      %get3A_284 = arith.index_cast %scan3A_12 : i32 to index
      %get3A_285 = arith.constant 432 : index
      %get3A_286 = tpu.vector_load %arg8[%get3A_284, %get3A_285] {strides = array<i32>} : memref<64x768xf32, #tpu.memory_space<vmem>>, vector<16xf32>,
      %add3A_287 = arith.addf %get3A_283, %get3A_286 : vector<16xf32>
      %swap3A_288 = arith.index_cast %scan3A_12 : i32 to index
      %swap3A_289 = arith.constant 432 : index
      %swap3A_290 = tpu.vector_load %arg7[%swap3A_288, %swap3A_289] {strides = array<i32>} : memref<64x768xf32, #tpu.memory_space<vmem>>, vector<16xf32>,
      tpu.vector_store %arg7[%swap3A_288, %swap3A_289], %add3A_287 {strides = array<i32>} : memref<64x768xf32, #tpu.memory_space<vmem>>, vector<16xf32>,
      %get3A_291 = arith.index_cast %scan3A_12 : i32 to index
      %get3A_292 = arith.constant 448 : index
      %get3A_293 = tpu.vector_load %arg7[%get3A_291, %get3A_292] {strides = array<i32>} : memref<64x768xf32, #tpu.memory_space<vmem>>, vector<16xf32>,
      %get3A_294 = arith.index_cast %scan3A_12 : i32 to index
      %get3A_295 = arith.constant 448 : index
      %get3A_296 = tpu.vector_load %arg8[%get3A_294, %get3A_295] {strides = array<i32>} : memref<64x768xf32, #tpu.memory_space<vmem>>, vector<16xf32>,
      %add3A_297 = arith.addf %get3A_293, %get3A_296 : vector<16xf32>
      %swap3A_298 = arith.index_cast %scan3A_12 : i32 to index
      %swap3A_299 = arith.constant 448 : index
      %swap3A_300 = tpu.vector_load %arg7[%swap3A_298, %swap3A_299] {strides = array<i32>} : memref<64x768xf32, #tpu.memory_space<vmem>>, vector<16xf32>,
      tpu.vector_store %arg7[%swap3A_298, %swap3A_299], %add3A_297 {strides = array<i32>} : memref<64x768xf32, #tpu.memory_space<vmem>>, vector<16xf32>,
      %get3A_301 = arith.index_cast %scan3A_12 : i32 to index
      %get3A_302 = arith.constant 464 : index
      %get3A_303 = tpu.vector_load %arg7[%get3A_301, %get3A_302] {strides = array<i32>} : memref<64x768xf32, #tpu.memory_space<vmem>>, vector<16xf32>,
      %get3A_304 = arith.index_cast %scan3A_12 : i32 to index
      %get3A_305 = arith.constant 464 : index
      %get3A_306 = tpu.vector_load %arg8[%get3A_304, %get3A_305] {strides = array<i32>} : memref<64x768xf32, #tpu.memory_space<vmem>>, vector<16xf32>,
      %add3A_307 = arith.addf %get3A_303, %get3A_306 : vector<16xf32>
      %swap3A_308 = arith.index_cast %scan3A_12 : i32 to index
      %swap3A_309 = arith.constant 464 : index
      %swap3A_310 = tpu.vector_load %arg7[%swap3A_308, %swap3A_309] {strides = array<i32>} : memref<64x768xf32, #tpu.memory_space<vmem>>, vector<16xf32>,
      tpu.vector_store %arg7[%swap3A_308, %swap3A_309], %add3A_307 {strides = array<i32>} : memref<64x768xf32, #tpu.memory_space<vmem>>, vector<16xf32>,
      %get3A_311 = arith.index_cast %scan3A_12 : i32 to index
      %get3A_312 = arith.constant 480 : index
      %get3A_313 = tpu.vector_load %arg7[%get3A_311, %get3A_312] {strides = array<i32>} : memref<64x768xf32, #tpu.memory_space<vmem>>, vector<16xf32>,
      %get3A_314 = arith.index_cast %scan3A_12 : i32 to index
      %get3A_315 = arith.constant 480 : index
      %get3A_316 = tpu.vector_load %arg8[%get3A_314, %get3A_315] {strides = array<i32>} : memref<64x768xf32, #tpu.memory_space<vmem>>, vector<16xf32>,
      %add3A_317 = arith.addf %get3A_313, %get3A_316 : vector<16xf32>
      %swap3A_318 = arith.index_cast %scan3A_12 : i32 to index
      %swap3A_319 = arith.constant 480 : index
      %swap3A_320 = tpu.vector_load %arg7[%swap3A_318, %swap3A_319] {strides = array<i32>} : memref<64x768xf32, #tpu.memory_space<vmem>>, vector<16xf32>,
      tpu.vector_store %arg7[%swap3A_318, %swap3A_319], %add3A_317 {strides = array<i32>} : memref<64x768xf32, #tpu.memory_space<vmem>>, vector<16xf32>,
      %get3A_321 = arith.index_cast %scan3A_12 : i32 to index
      %get3A_322 = arith.constant 496 : index
      %get3A_323 = tpu.vector_load %arg7[%get3A_321, %get3A_322] {strides = array<i32>} : memref<64x768xf32, #tpu.memory_space<vmem>>, vector<16xf32>,
      %get3A_324 = arith.index_cast %scan3A_12 : i32 to index
      %get3A_325 = arith.constant 496 : index
      %get3A_326 = tpu.vector_load %arg8[%get3A_324, %get3A_325] {strides = array<i32>} : memref<64x768xf32, #tpu.memory_space<vmem>>, vector<16xf32>,
      %add3A_327 = arith.addf %get3A_323, %get3A_326 : vector<16xf32>
      %swap3A_328 = arith.index_cast %scan3A_12 : i32 to index
      %swap3A_329 = arith.constant 496 : index
      %swap3A_330 = tpu.vector_load %arg7[%swap3A_328, %swap3A_329] {strides = array<i32>} : memref<64x768xf32, #tpu.memory_space<vmem>>, vector<16xf32>,
      tpu.vector_store %arg7[%swap3A_328, %swap3A_329], %add3A_327 {strides = array<i32>} : memref<64x768xf32, #tpu.memory_space<vmem>>, vector<16xf32>,
      %get3A_331 = arith.index_cast %scan3A_12 : i32 to index
      %get3A_332 = arith.constant 512 : index
      %get3A_333 = tpu.vector_load %arg7[%get3A_331, %get3A_332] {strides = array<i32>} : memref<64x768xf32, #tpu.memory_space<vmem>>, vector<16xf32>,
      %get3A_334 = arith.index_cast %scan3A_12 : i32 to index
      %get3A_335 = arith.constant 512 : index
      %get3A_336 = tpu.vector_load %arg8[%get3A_334, %get3A_335] {strides = array<i32>} : memref<64x768xf32, #tpu.memory_space<vmem>>, vector<16xf32>,
      %add3A_337 = arith.addf %get3A_333, %get3A_336 : vector<16xf32>
      %swap3A_338 = arith.index_cast %scan3A_12 : i32 to index
      %swap3A_339 = arith.constant 512 : index
      %swap3A_340 = tpu.vector_load %arg7[%swap3A_338, %swap3A_339] {strides = array<i32>} : memref<64x768xf32, #tpu.memory_space<vmem>>, vector<16xf32>,
      tpu.vector_store %arg7[%swap3A_338, %swap3A_339], %add3A_337 {strides = array<i32>} : memref<64x768xf32, #tpu.memory_space<vmem>>, vector<16xf32>,
      %get3A_341 = arith.index_cast %scan3A_12 : i32 to index
      %get3A_342 = arith.constant 528 : index
      %get3A_343 = tpu.vector_load %arg7[%get3A_341, %get3A_342] {strides = array<i32>} : memref<64x768xf32, #tpu.memory_space<vmem>>, vector<16xf32>,
      %get3A_344 = arith.index_cast %scan3A_12 : i32 to index
      %get3A_345 = arith.constant 528 : index
      %get3A_346 = tpu.vector_load %arg8[%get3A_344, %get3A_345] {strides = array<i32>} : memref<64x768xf32, #tpu.memory_space<vmem>>, vector<16xf32>,
      %add3A_347 = arith.addf %get3A_343, %get3A_346 : vector<16xf32>
      %swap3A_348 = arith.index_cast %scan3A_12 : i32 to index
      %swap3A_349 = arith.constant 528 : index
      %swap3A_350 = tpu.vector_load %arg7[%swap3A_348, %swap3A_349] {strides = array<i32>} : memref<64x768xf32, #tpu.memory_space<vmem>>, vector<16xf32>,
      tpu.vector_store %arg7[%swap3A_348, %swap3A_349], %add3A_347 {strides = array<i32>} : memref<64x768xf32, #tpu.memory_space<vmem>>, vector<16xf32>,
      %get3A_351 = arith.index_cast %scan3A_12 : i32 to index
      %get3A_352 = arith.constant 544 : index
      %get3A_353 = tpu.vector_load %arg7[%get3A_351, %get3A_352] {strides = array<i32>} : memref<64x768xf32, #tpu.memory_space<vmem>>, vector<16xf32>,
      %get3A_354 = arith.index_cast %scan3A_12 : i32 to index
      %get3A_355 = arith.constant 544 : index
      %get3A_356 = tpu.vector_load %arg8[%get3A_354, %get3A_355] {strides = array<i32>} : memref<64x768xf32, #tpu.memory_space<vmem>>, vector<16xf32>,
      %add3A_357 = arith.addf %get3A_353, %get3A_356 : vector<16xf32>
      %swap3A_358 = arith.index_cast %scan3A_12 : i32 to index
      %swap3A_359 = arith.constant 544 : index
      %swap3A_360 = tpu.vector_load %arg7[%swap3A_358, %swap3A_359] {strides = array<i32>} : memref<64x768xf32, #tpu.memory_space<vmem>>, vector<16xf32>,
      tpu.vector_store %arg7[%swap3A_358, %swap3A_359], %add3A_357 {strides = array<i32>} : memref<64x768xf32, #tpu.memory_space<vmem>>, vector<16xf32>,
      %get3A_361 = arith.index_cast %scan3A_12 : i32 to index
      %get3A_362 = arith.constant 560 : index
      %get3A_363 = tpu.vector_load %arg7[%get3A_361, %get3A_362] {strides = array<i32>} : memref<64x768xf32, #tpu.memory_space<vmem>>, vector<16xf32>,
      %get3A_364 = arith.index_cast %scan3A_12 : i32 to index
      %get3A_365 = arith.constant 560 : index
      %get3A_366 = tpu.vector_load %arg8[%get3A_364, %get3A_365] {strides = array<i32>} : memref<64x768xf32, #tpu.memory_space<vmem>>, vector<16xf32>,
      %add3A_367 = arith.addf %get3A_363, %get3A_366 : vector<16xf32>
      %swap3A_368 = arith.index_cast %scan3A_12 : i32 to index
      %swap3A_369 = arith.constant 560 : index
      %swap3A_370 = tpu.vector_load %arg7[%swap3A_368, %swap3A_369] {strides = array<i32>} : memref<64x768xf32, #tpu.memory_space<vmem>>, vector<16xf32>,
      tpu.vector_store %arg7[%swap3A_368, %swap3A_369], %add3A_367 {strides = array<i32>} : memref<64x768xf32, #tpu.memory_space<vmem>>, vector<16xf32>,
      %get3A_371 = arith.index_cast %scan3A_12 : i32 to index
      %get3A_372 = arith.constant 576 : index
      %get3A_373 = tpu.vector_load %arg7[%get3A_371, %get3A_372] {strides = array<i32>} : memref<64x768xf32, #tpu.memory_space<vmem>>, vector<16xf32>,
      %get3A_374 = arith.index_cast %scan3A_12 : i32 to index
      %get3A_375 = arith.constant 576 : index
      %get3A_376 = tpu.vector_load %arg8[%get3A_374, %get3A_375] {strides = array<i32>} : memref<64x768xf32, #tpu.memory_space<vmem>>, vector<16xf32>,
      %add3A_377 = arith.addf %get3A_373, %get3A_376 : vector<16xf32>
      %swap3A_378 = arith.index_cast %scan3A_12 : i32 to index
      %swap3A_379 = arith.constant 576 : index
      %swap3A_380 = tpu.vector_load %arg7[%swap3A_378, %swap3A_379] {strides = array<i32>} : memref<64x768xf32, #tpu.memory_space<vmem>>, vector<16xf32>,
      tpu.vector_store %arg7[%swap3A_378, %swap3A_379], %add3A_377 {strides = array<i32>} : memref<64x768xf32, #tpu.memory_space<vmem>>, vector<16xf32>,
      %get3A_381 = arith.index_cast %scan3A_12 : i32 to index
      %get3A_382 = arith.constant 592 : index
      %get3A_383 = tpu.vector_load %arg7[%get3A_381, %get3A_382] {strides = array<i32>} : memref<64x768xf32, #tpu.memory_space<vmem>>, vector<16xf32>,
      %get3A_384 = arith.index_cast %scan3A_12 : i32 to index
      %get3A_385 = arith.constant 592 : index
      %get3A_386 = tpu.vector_load %arg8[%get3A_384, %get3A_385] {strides = array<i32>} : memref<64x768xf32, #tpu.memory_space<vmem>>, vector<16xf32>,
      %add3A_387 = arith.addf %get3A_383, %get3A_386 : vector<16xf32>
      %swap3A_388 = arith.index_cast %scan3A_12 : i32 to index
      %swap3A_389 = arith.constant 592 : index
      %swap3A_390 = tpu.vector_load %arg7[%swap3A_388, %swap3A_389] {strides = array<i32>} : memref<64x768xf32, #tpu.memory_space<vmem>>, vector<16xf32>,
      tpu.vector_store %arg7[%swap3A_388, %swap3A_389], %add3A_387 {strides = array<i32>} : memref<64x768xf32, #tpu.memory_space<vmem>>, vector<16xf32>,
      %get3A_391 = arith.index_cast %scan3A_12 : i32 to index
      %get3A_392 = arith.constant 608 : index
      %get3A_393 = tpu.vector_load %arg7[%get3A_391, %get3A_392] {strides = array<i32>} : memref<64x768xf32, #tpu.memory_space<vmem>>, vector<16xf32>,
      %get3A_394 = arith.index_cast %scan3A_12 : i32 to index
      %get3A_395 = arith.constant 608 : index
      %get3A_396 = tpu.vector_load %arg8[%get3A_394, %get3A_395] {strides = array<i32>} : memref<64x768xf32, #tpu.memory_space<vmem>>, vector<16xf32>,
      %add3A_397 = arith.addf %get3A_393, %get3A_396 : vector<16xf32>
      %swap3A_398 = arith.index_cast %scan3A_12 : i32 to index
      %swap3A_399 = arith.constant 608 : index
      %swap3A_400 = tpu.vector_load %arg7[%swap3A_398, %swap3A_399] {strides = array<i32>} : memref<64x768xf32, #tpu.memory_space<vmem>>, vector<16xf32>,
      tpu.vector_store %arg7[%swap3A_398, %swap3A_399], %add3A_397 {strides = array<i32>} : memref<64x768xf32, #tpu.memory_space<vmem>>, vector<16xf32>,
      %get3A_401 = arith.index_cast %scan3A_12 : i32 to index
      %get3A_402 = arith.constant 624 : index
      %get3A_403 = tpu.vector_load %arg7[%get3A_401, %get3A_402] {strides = array<i32>} : memref<64x768xf32, #tpu.memory_space<vmem>>, vector<16xf32>,
      %get3A_404 = arith.index_cast %scan3A_12 : i32 to index
      %get3A_405 = arith.constant 624 : index
      %get3A_406 = tpu.vector_load %arg8[%get3A_404, %get3A_405] {strides = array<i32>} : memref<64x768xf32, #tpu.memory_space<vmem>>, vector<16xf32>,
      %add3A_407 = arith.addf %get3A_403, %get3A_406 : vector<16xf32>
      %swap3A_408 = arith.index_cast %scan3A_12 : i32 to index
      %swap3A_409 = arith.constant 624 : index
      %swap3A_410 = tpu.vector_load %arg7[%swap3A_408, %swap3A_409] {strides = array<i32>} : memref<64x768xf32, #tpu.memory_space<vmem>>, vector<16xf32>,
      tpu.vector_store %arg7[%swap3A_408, %swap3A_409], %add3A_407 {strides = array<i32>} : memref<64x768xf32, #tpu.memory_space<vmem>>, vector<16xf32>,
      %get3A_411 = arith.index_cast %scan3A_12 : i32 to index
      %get3A_412 = arith.constant 640 : index
      %get3A_413 = tpu.vector_load %arg7[%get3A_411, %get3A_412] {strides = array<i32>} : memref<64x768xf32, #tpu.memory_space<vmem>>, vector<16xf32>,
      %get3A_414 = arith.index_cast %scan3A_12 : i32 to index
      %get3A_415 = arith.constant 640 : index
      %get3A_416 = tpu.vector_load %arg8[%get3A_414, %get3A_415] {strides = array<i32>} : memref<64x768xf32, #tpu.memory_space<vmem>>, vector<16xf32>,
      %add3A_417 = arith.addf %get3A_413, %get3A_416 : vector<16xf32>
      %swap3A_418 = arith.index_cast %scan3A_12 : i32 to index
      %swap3A_419 = arith.constant 640 : index
      %swap3A_420 = tpu.vector_load %arg7[%swap3A_418, %swap3A_419] {strides = array<i32>} : memref<64x768xf32, #tpu.memory_space<vmem>>, vector<16xf32>,
      tpu.vector_store %arg7[%swap3A_418, %swap3A_419], %add3A_417 {strides = array<i32>} : memref<64x768xf32, #tpu.memory_space<vmem>>, vector<16xf32>,
      %get3A_421 = arith.index_cast %scan3A_12 : i32 to index
      %get3A_422 = arith.constant 656 : index
      %get3A_423 = tpu.vector_load %arg7[%get3A_421, %get3A_422] {strides = array<i32>} : memref<64x768xf32, #tpu.memory_space<vmem>>, vector<16xf32>,
      %get3A_424 = arith.index_cast %scan3A_12 : i32 to index
      %get3A_425 = arith.constant 656 : index
      %get3A_426 = tpu.vector_load %arg8[%get3A_424, %get3A_425] {strides = array<i32>} : memref<64x768xf32, #tpu.memory_space<vmem>>, vector<16xf32>,
      %add3A_427 = arith.addf %get3A_423, %get3A_426 : vector<16xf32>
      %swap3A_428 = arith.index_cast %scan3A_12 : i32 to index
      %swap3A_429 = arith.constant 656 : index
      %swap3A_430 = tpu.vector_load %arg7[%swap3A_428, %swap3A_429] {strides = array<i32>} : memref<64x768xf32, #tpu.memory_space<vmem>>, vector<16xf32>,
      tpu.vector_store %arg7[%swap3A_428, %swap3A_429], %add3A_427 {strides = array<i32>} : memref<64x768xf32, #tpu.memory_space<vmem>>, vector<16xf32>,
      %get3A_431 = arith.index_cast %scan3A_12 : i32 to index
      %get3A_432 = arith.constant 672 : index
      %get3A_433 = tpu.vector_load %arg7[%get3A_431, %get3A_432] {strides = array<i32>} : memref<64x768xf32, #tpu.memory_space<vmem>>, vector<16xf32>,
      %get3A_434 = arith.index_cast %scan3A_12 : i32 to index
      %get3A_435 = arith.constant 672 : index
      %get3A_436 = tpu.vector_load %arg8[%get3A_434, %get3A_435] {strides = array<i32>} : memref<64x768xf32, #tpu.memory_space<vmem>>, vector<16xf32>,
      %add3A_437 = arith.addf %get3A_433, %get3A_436 : vector<16xf32>
      %swap3A_438 = arith.index_cast %scan3A_12 : i32 to index
      %swap3A_439 = arith.constant 672 : index
      %swap3A_440 = tpu.vector_load %arg7[%swap3A_438, %swap3A_439] {strides = array<i32>} : memref<64x768xf32, #tpu.memory_space<vmem>>, vector<16xf32>,
      tpu.vector_store %arg7[%swap3A_438, %swap3A_439], %add3A_437 {strides = array<i32>} : memref<64x768xf32, #tpu.memory_space<vmem>>, vector<16xf32>,
      %get3A_441 = arith.index_cast %scan3A_12 : i32 to index
      %get3A_442 = arith.constant 688 : index
      %get3A_443 = tpu.vector_load %arg7[%get3A_441, %get3A_442] {strides = array<i32>} : memref<64x768xf32, #tpu.memory_space<vmem>>, vector<16xf32>,
      %get3A_444 = arith.index_cast %scan3A_12 : i32 to index
      %get3A_445 = arith.constant 688 : index
      %get3A_446 = tpu.vector_load %arg8[%get3A_444, %get3A_445] {strides = array<i32>} : memref<64x768xf32, #tpu.memory_space<vmem>>, vector<16xf32>,
      %add3A_447 = arith.addf %get3A_443, %get3A_446 : vector<16xf32>
      %swap3A_448 = arith.index_cast %scan3A_12 : i32 to index
      %swap3A_449 = arith.constant 688 : index
      %swap3A_450 = tpu.vector_load %arg7[%swap3A_448, %swap3A_449] {strides = array<i32>} : memref<64x768xf32, #tpu.memory_space<vmem>>, vector<16xf32>,
      tpu.vector_store %arg7[%swap3A_448, %swap3A_449], %add3A_447 {strides = array<i32>} : memref<64x768xf32, #tpu.memory_space<vmem>>, vector<16xf32>,
      %get3A_451 = arith.index_cast %scan3A_12 : i32 to index
      %get3A_452 = arith.constant 704 : index
      %get3A_453 = tpu.vector_load %arg7[%get3A_451, %get3A_452] {strides = array<i32>} : memref<64x768xf32, #tpu.memory_space<vmem>>, vector<16xf32>,
      %get3A_454 = arith.index_cast %scan3A_12 : i32 to index
      %get3A_455 = arith.constant 704 : index
      %get3A_456 = tpu.vector_load %arg8[%get3A_454, %get3A_455] {strides = array<i32>} : memref<64x768xf32, #tpu.memory_space<vmem>>, vector<16xf32>,
      %add3A_457 = arith.addf %get3A_453, %get3A_456 : vector<16xf32>
      %swap3A_458 = arith.index_cast %scan3A_12 : i32 to index
      %swap3A_459 = arith.constant 704 : index
      %swap3A_460 = tpu.vector_load %arg7[%swap3A_458, %swap3A_459] {strides = array<i32>} : memref<64x768xf32, #tpu.memory_space<vmem>>, vector<16xf32>,
      tpu.vector_store %arg7[%swap3A_458, %swap3A_459], %add3A_457 {strides = array<i32>} : memref<64x768xf32, #tpu.memory_space<vmem>>, vector<16xf32>,
      %get3A_461 = arith.index_cast %scan3A_12 : i32 to index
      %get3A_462 = arith.constant 720 : index
      %get3A_463 = tpu.vector_load %arg7[%get3A_461, %get3A_462] {strides = array<i32>} : memref<64x768xf32, #tpu.memory_space<vmem>>, vector<16xf32>,
      %get3A_464 = arith.index_cast %scan3A_12 : i32 to index
      %get3A_465 = arith.constant 720 : index
      %get3A_466 = tpu.vector_load %arg8[%get3A_464, %get3A_465] {strides = array<i32>} : memref<64x768xf32, #tpu.memory_space<vmem>>, vector<16xf32>,
      %add3A_467 = arith.addf %get3A_463, %get3A_466 : vector<16xf32>
      %swap3A_468 = arith.index_cast %scan3A_12 : i32 to index
      %swap3A_469 = arith.constant 720 : index
      %swap3A_470 = tpu.vector_load %arg7[%swap3A_468, %swap3A_469] {strides = array<i32>} : memref<64x768xf32, #tpu.memory_space<vmem>>, vector<16xf32>,
      tpu.vector_store %arg7[%swap3A_468, %swap3A_469], %add3A_467 {strides = array<i32>} : memref<64x768xf32, #tpu.memory_space<vmem>>, vector<16xf32>,
      %get3A_471 = arith.index_cast %scan3A_12 : i32 to index
      %get3A_472 = arith.constant 736 : index
      %get3A_473 = tpu.vector_load %arg7[%get3A_471, %get3A_472] {strides = array<i32>} : memref<64x768xf32, #tpu.memory_space<vmem>>, vector<16xf32>,
      %get3A_474 = arith.index_cast %scan3A_12 : i32 to index
      %get3A_475 = arith.constant 736 : index
      %get3A_476 = tpu.vector_load %arg8[%get3A_474, %get3A_475] {strides = array<i32>} : memref<64x768xf32, #tpu.memory_space<vmem>>, vector<16xf32>,
      %add3A_477 = arith.addf %get3A_473, %get3A_476 : vector<16xf32>
      %swap3A_478 = arith.index_cast %scan3A_12 : i32 to index
      %swap3A_479 = arith.constant 736 : index
      %swap3A_480 = tpu.vector_load %arg7[%swap3A_478, %swap3A_479] {strides = array<i32>} : memref<64x768xf32, #tpu.memory_space<vmem>>, vector<16xf32>,
      tpu.vector_store %arg7[%swap3A_478, %swap3A_479], %add3A_477 {strides = array<i32>} : memref<64x768xf32, #tpu.memory_space<vmem>>, vector<16xf32>,
      %get3A_481 = arith.index_cast %scan3A_12 : i32 to index
      %get3A_482 = arith.constant 752 : index
      %get3A_483 = tpu.vector_load %arg7[%get3A_481, %get3A_482] {strides = array<i32>} : memref<64x768xf32, #tpu.memory_space<vmem>>, vector<16xf32>,
      %get3A_484 = arith.index_cast %scan3A_12 : i32 to index
      %get3A_485 = arith.constant 752 : index
      %get3A_486 = tpu.vector_load %arg8[%get3A_484, %get3A_485] {strides = array<i32>} : memref<64x768xf32, #tpu.memory_space<vmem>>, vector<16xf32>,
      %add3A_487 = arith.addf %get3A_483, %get3A_486 : vector<16xf32>
      %swap3A_488 = arith.index_cast %scan3A_12 : i32 to index
      %swap3A_489 = arith.constant 752 : index
      %swap3A_490 = tpu.vector_load %arg7[%swap3A_488, %swap3A_489] {strides = array<i32>} : memref<64x768xf32, #tpu.memory_space<vmem>>, vector<16xf32>,
      tpu.vector_store %arg7[%swap3A_488, %swap3A_489], %add3A_487 {strides = array<i32>} : memref<64x768xf32, #tpu.memory_space<vmem>>, vector<16xf32>,
    }
    %scan3A_11 = arith.constant 64 : i32
    "tpu.region"() ({
      %run_scoped3A = tpu.sem_alloc : memref<!tpu.dma_semaphore, #tpu.memory_space<semaphore_mem>>
      %dma_start3A_12 = arith.constant 0 : i32
      %dma_start3A_13 = tpu.memref_slice %arg5[%mul3A_2, %dma_start3A_12] : memref<2048x768xf32, #tpu.memory_space<hbm>> -> memref<64x768xf32, #tpu.memory_space<hbm>>
      %dma_start3A_14 = arith.constant 0 : i32
      %dma_start3A_15 = tpu.memref_slice %arg5[%mul3A_2, %dma_start3A_14] : memref<2048x768xf32, #tpu.memory_space<hbm>> -> memref<64x768xf32, #tpu.memory_space<hbm>>
      tpu.enqueue_dma source(%arg7 : memref<64x768xf32, #tpu.memory_space<vmem>>) target(%dma_start3A_15 : memref<64x768xf32, #tpu.memory_space<hbm>>) target_semaphore(%run_scoped3A : memref<!tpu.dma_semaphore, #tpu.memory_space<semaphore_mem>>)
      %dma_wait3A_16 = arith.constant 0 : i32
      %dma_wait3A_17 = tpu.memref_slice %arg5[%mul3A_2, %dma_wait3A_16] : memref<2048x768xf32, #tpu.memory_space<hbm>> -> memref<64x768xf32, #tpu.memory_space<hbm>>
      %dma_wait3A_18 = arith.constant 0 : i32
      %dma_wait3A_19 = tpu.memref_slice %arg5[%mul3A_2, %dma_wait3A_18] : memref<2048x768xf32, #tpu.memory_space<hbm>> -> memref<64x768xf32, #tpu.memory_space<hbm>>
      tpu.wait_dma2 semaphore(%run_scoped3A : memref<!tpu.dma_semaphore, #tpu.memory_space<semaphore_mem>>) src(%arg7 : memref<64x768xf32, #tpu.memory_space<vmem>>) dst(%dma_wait3A_19 : memref<64x768xf32, #tpu.memory_space<hbm>>)
      tpu.yield
    }) : () -> ()
    return
  }
}

#map = affine_map<(d0, d1) -> (0, 0)>
#map1 = affine_map<(d0, d1) -> (0)>
module attributes {stable_mosaic.version = 14 : i64} {
  func.func @_sort_scatter_body(%arg0: i32, %arg1: i32, %arg2: memref<1x2048xi32, #tpu.memory_space<hbm>>, %arg3: memref<2048x768xf32, #tpu.memory_space<hbm>>, %arg4: memref<32x16xi32, #tpu.memory_space<hbm>>, %arg5: memref<3840x768xf32, #tpu.memory_space<hbm>>, %arg6: memref<2048xi32, #tpu.memory_space<hbm>>, %arg7: memref<16xi32, #tpu.memory_space<hbm>>, %arg8: memref<16xi32, #tpu.memory_space<hbm>>, %arg9: memref<16xi32, #tpu.memory_space<hbm>>, %arg10: memref<64xi32, #tpu.memory_space<vmem>>, %arg11: memref<64x768xf32, #tpu.memory_space<vmem>>, %arg12: memref<64xi32, #tpu.memory_space<vmem>>, %arg13: memref<32x16xi32, #tpu.memory_space<vmem>>, %arg14: memref<16xi32, #tpu.memory_space<vmem>>, %arg15: memref<16xi32, #tpu.memory_space<vmem>>, %arg16: memref<16xi32, #tpu.memory_space<vmem>>, %arg17: memref<!tpu.dma_semaphore, #tpu.memory_space<semaphore_mem>>) attributes {dimension_semantics = [#tpu.dimension_semantics<core_parallel>, #tpu.dimension_semantics<subcore_parallel>], iteration_bounds = array<i64: 2, 16>, scalar_prefetch = 0 : i64, scratch_operands = 8 : i64, tpu.core_type = #tpu.core_type<sc_vector_subcore>, window_params = [{transform_indices = #map}, {transform_indices = #map}, {transform_indices = #map}, {transform_indices = #map}, {transform_indices = #map1}, {transform_indices = #map1}, {transform_indices = #map1}, {transform_indices = #map1}]} {
    %mul3A = arith.constant 2 : i32
    %mul3A_0 = arith.muli %arg1, %mul3A : i32
    %add3A = arith.addi %mul3A_0, %arg0 : i32
    %mul3A_1 = arith.constant 64 : i32
    %mul3A_2 = arith.muli %add3A, %mul3A_1 : i32
    %run_scoped3A = arith.constant 0 : i32
    "tpu.region"() ({
      %run_scoped3A_1432 = tpu.sem_alloc : memref<!tpu.dma_semaphore, #tpu.memory_space<semaphore_mem>>
      %dma_start3A_1433 = tpu.memref_slice %arg2[%run_scoped3A, %mul3A_2] : memref<1x2048xi32, #tpu.memory_space<hbm>> -> memref<1x64xi32, #tpu.memory_space<hbm>>
      %dma_start3A_1434 = tpu.memref_squeeze %dma_start3A_1433 : memref<1x64xi32, #tpu.memory_space<hbm>> -> memref<64xi32, #tpu.memory_space<hbm>>
      %dma_start3A_1435 = tpu.memref_slice %arg2[%run_scoped3A, %mul3A_2] : memref<1x2048xi32, #tpu.memory_space<hbm>> -> memref<1x64xi32, #tpu.memory_space<hbm>>
      %dma_start3A_1436 = tpu.memref_squeeze %dma_start3A_1435 : memref<1x64xi32, #tpu.memory_space<hbm>> -> memref<64xi32, #tpu.memory_space<hbm>>
      tpu.enqueue_dma source(%dma_start3A_1436 : memref<64xi32, #tpu.memory_space<hbm>>) target(%arg10 : memref<64xi32, #tpu.memory_space<vmem>>) target_semaphore(%run_scoped3A_1432 : memref<!tpu.dma_semaphore, #tpu.memory_space<semaphore_mem>>)
      %dma_wait3A_1437 = tpu.memref_slice %arg2[%run_scoped3A, %mul3A_2] : memref<1x2048xi32, #tpu.memory_space<hbm>> -> memref<1x64xi32, #tpu.memory_space<hbm>>
      %dma_wait3A_1438 = tpu.memref_squeeze %dma_wait3A_1437 : memref<1x64xi32, #tpu.memory_space<hbm>> -> memref<64xi32, #tpu.memory_space<hbm>>
      %dma_wait3A_1439 = tpu.memref_slice %arg2[%run_scoped3A, %mul3A_2] : memref<1x2048xi32, #tpu.memory_space<hbm>> -> memref<1x64xi32, #tpu.memory_space<hbm>>
      %dma_wait3A_1440 = tpu.memref_squeeze %dma_wait3A_1439 : memref<1x64xi32, #tpu.memory_space<hbm>> -> memref<64xi32, #tpu.memory_space<hbm>>
      tpu.wait_dma2 semaphore(%run_scoped3A_1432 : memref<!tpu.dma_semaphore, #tpu.memory_space<semaphore_mem>>) src(%dma_wait3A_1440 : memref<64xi32, #tpu.memory_space<hbm>>) dst(%arg10 : memref<64xi32, #tpu.memory_space<vmem>>)
      tpu.yield
    }) : () -> ()
    "tpu.region"() ({
      %run_scoped3A_1432 = tpu.sem_alloc : memref<!tpu.dma_semaphore, #tpu.memory_space<semaphore_mem>>
      tpu.enqueue_dma source(%arg4 : memref<32x16xi32, #tpu.memory_space<hbm>>) target(%arg13 : memref<32x16xi32, #tpu.memory_space<vmem>>) target_semaphore(%run_scoped3A_1432 : memref<!tpu.dma_semaphore, #tpu.memory_space<semaphore_mem>>)
      tpu.wait_dma2 semaphore(%run_scoped3A_1432 : memref<!tpu.dma_semaphore, #tpu.memory_space<semaphore_mem>>) src(%arg4 : memref<32x16xi32, #tpu.memory_space<hbm>>) dst(%arg13 : memref<32x16xi32, #tpu.memory_space<vmem>>)
      tpu.yield
    }) : () -> ()
    %iota3A = tpu.iota {dimensions = array<i32: 0>} : vector<16xi32>
    %broadcast_in_dim3A = arith.constant 0 : i32
    %broadcast_in_dim3A_3 = vector.broadcast %broadcast_in_dim3A : i32 to vector<16xi32>
    %broadcast_in_dim3A_4 = arith.constant 0 : i32
    %broadcast_in_dim3A_5 = vector.broadcast %broadcast_in_dim3A_4 : i32 to vector<16xi32>
    %get3A = arith.constant 0 : i32
    %get3A_6 = arith.index_cast %get3A : i32 to index
    %get3A_7 = arith.constant 0 : index
    %get3A_8 = tpu.vector_load %arg13[%get3A_6, %get3A_7] {strides = array<i32>} : memref<32x16xi32, #tpu.memory_space<vmem>>, vector<16xi32>,
    %add3A_9 = arith.addi %broadcast_in_dim3A_3, %get3A_8 : vector<16xi32>
    %lt3A = arith.constant 0 : i32
    %lt3A_10 = arith.cmpi slt, %lt3A, %add3A : i32
    %jit3A = arith.constant 0 : i32
    %broadcast_in_dim3A_11 = vector.broadcast %jit3A : i32 to vector<16xi32>
    %select_n3A = arith.select %lt3A_10, %get3A_8, %broadcast_in_dim3A_11 : vector<16xi32>
    %add3A_12 = arith.addi %broadcast_in_dim3A_5, %select_n3A : vector<16xi32>
    %get3A_13 = arith.constant 1 : i32
    %get3A_14 = arith.index_cast %get3A_13 : i32 to index
    %get3A_15 = arith.constant 0 : index
    %get3A_16 = tpu.vector_load %arg13[%get3A_14, %get3A_15] {strides = array<i32>} : memref<32x16xi32, #tpu.memory_space<vmem>>, vector<16xi32>,
    %add3A_17 = arith.addi %add3A_9, %get3A_16 : vector<16xi32>
    %lt3A_18 = arith.constant 1 : i32
    %lt3A_19 = arith.cmpi slt, %lt3A_18, %add3A : i32
    %jit3A_20 = arith.constant 0 : i32
    %broadcast_in_dim3A_21 = vector.broadcast %jit3A_20 : i32 to vector<16xi32>
    %select_n3A_22 = arith.select %lt3A_19, %get3A_16, %broadcast_in_dim3A_21 : vector<16xi32>
    %add3A_23 = arith.addi %add3A_12, %select_n3A_22 : vector<16xi32>
    %get3A_24 = arith.constant 2 : i32
    %get3A_25 = arith.index_cast %get3A_24 : i32 to index
    %get3A_26 = arith.constant 0 : index
    %get3A_27 = tpu.vector_load %arg13[%get3A_25, %get3A_26] {strides = array<i32>} : memref<32x16xi32, #tpu.memory_space<vmem>>, vector<16xi32>,
    %add3A_28 = arith.addi %add3A_17, %get3A_27 : vector<16xi32>
    %lt3A_29 = arith.constant 2 : i32
    %lt3A_30 = arith.cmpi slt, %lt3A_29, %add3A : i32
    %jit3A_31 = arith.constant 0 : i32
    %broadcast_in_dim3A_32 = vector.broadcast %jit3A_31 : i32 to vector<16xi32>
    %select_n3A_33 = arith.select %lt3A_30, %get3A_27, %broadcast_in_dim3A_32 : vector<16xi32>
    %add3A_34 = arith.addi %add3A_23, %select_n3A_33 : vector<16xi32>
    %get3A_35 = arith.constant 3 : i32
    %get3A_36 = arith.index_cast %get3A_35 : i32 to index
    %get3A_37 = arith.constant 0 : index
    %get3A_38 = tpu.vector_load %arg13[%get3A_36, %get3A_37] {strides = array<i32>} : memref<32x16xi32, #tpu.memory_space<vmem>>, vector<16xi32>,
    %add3A_39 = arith.addi %add3A_28, %get3A_38 : vector<16xi32>
    %lt3A_40 = arith.constant 3 : i32
    %lt3A_41 = arith.cmpi slt, %lt3A_40, %add3A : i32
    %jit3A_42 = arith.constant 0 : i32
    %broadcast_in_dim3A_43 = vector.broadcast %jit3A_42 : i32 to vector<16xi32>
    %select_n3A_44 = arith.select %lt3A_41, %get3A_38, %broadcast_in_dim3A_43 : vector<16xi32>
    %add3A_45 = arith.addi %add3A_34, %select_n3A_44 : vector<16xi32>
    %get3A_46 = arith.constant 4 : i32
    %get3A_47 = arith.index_cast %get3A_46 : i32 to index
    %get3A_48 = arith.constant 0 : index
    %get3A_49 = tpu.vector_load %arg13[%get3A_47, %get3A_48] {strides = array<i32>} : memref<32x16xi32, #tpu.memory_space<vmem>>, vector<16xi32>,
    %add3A_50 = arith.addi %add3A_39, %get3A_49 : vector<16xi32>
    %lt3A_51 = arith.constant 4 : i32
    %lt3A_52 = arith.cmpi slt, %lt3A_51, %add3A : i32
    %jit3A_53 = arith.constant 0 : i32
    %broadcast_in_dim3A_54 = vector.broadcast %jit3A_53 : i32 to vector<16xi32>
    %select_n3A_55 = arith.select %lt3A_52, %get3A_49, %broadcast_in_dim3A_54 : vector<16xi32>
    %add3A_56 = arith.addi %add3A_45, %select_n3A_55 : vector<16xi32>
    %get3A_57 = arith.constant 5 : i32
    %get3A_58 = arith.index_cast %get3A_57 : i32 to index
    %get3A_59 = arith.constant 0 : index
    %get3A_60 = tpu.vector_load %arg13[%get3A_58, %get3A_59] {strides = array<i32>} : memref<32x16xi32, #tpu.memory_space<vmem>>, vector<16xi32>,
    %add3A_61 = arith.addi %add3A_50, %get3A_60 : vector<16xi32>
    %lt3A_62 = arith.constant 5 : i32
    %lt3A_63 = arith.cmpi slt, %lt3A_62, %add3A : i32
    %jit3A_64 = arith.constant 0 : i32
    %broadcast_in_dim3A_65 = vector.broadcast %jit3A_64 : i32 to vector<16xi32>
    %select_n3A_66 = arith.select %lt3A_63, %get3A_60, %broadcast_in_dim3A_65 : vector<16xi32>
    %add3A_67 = arith.addi %add3A_56, %select_n3A_66 : vector<16xi32>
    %get3A_68 = arith.constant 6 : i32
    %get3A_69 = arith.index_cast %get3A_68 : i32 to index
    %get3A_70 = arith.constant 0 : index
    %get3A_71 = tpu.vector_load %arg13[%get3A_69, %get3A_70] {strides = array<i32>} : memref<32x16xi32, #tpu.memory_space<vmem>>, vector<16xi32>,
    %add3A_72 = arith.addi %add3A_61, %get3A_71 : vector<16xi32>
    %lt3A_73 = arith.constant 6 : i32
    %lt3A_74 = arith.cmpi slt, %lt3A_73, %add3A : i32
    %jit3A_75 = arith.constant 0 : i32
    %broadcast_in_dim3A_76 = vector.broadcast %jit3A_75 : i32 to vector<16xi32>
    %select_n3A_77 = arith.select %lt3A_74, %get3A_71, %broadcast_in_dim3A_76 : vector<16xi32>
    %add3A_78 = arith.addi %add3A_67, %select_n3A_77 : vector<16xi32>
    %get3A_79 = arith.constant 7 : i32
    %get3A_80 = arith.index_cast %get3A_79 : i32 to index
    %get3A_81 = arith.constant 0 : index
    %get3A_82 = tpu.vector_load %arg13[%get3A_80, %get3A_81] {strides = array<i32>} : memref<32x16xi32, #tpu.memory_space<vmem>>, vector<16xi32>,
    %add3A_83 = arith.addi %add3A_72, %get3A_82 : vector<16xi32>
    %lt3A_84 = arith.constant 7 : i32
    %lt3A_85 = arith.cmpi slt, %lt3A_84, %add3A : i32
    %jit3A_86 = arith.constant 0 : i32
    %broadcast_in_dim3A_87 = vector.broadcast %jit3A_86 : i32 to vector<16xi32>
    %select_n3A_88 = arith.select %lt3A_85, %get3A_82, %broadcast_in_dim3A_87 : vector<16xi32>
    %add3A_89 = arith.addi %add3A_78, %select_n3A_88 : vector<16xi32>
    %get3A_90 = arith.constant 8 : i32
    %get3A_91 = arith.index_cast %get3A_90 : i32 to index
    %get3A_92 = arith.constant 0 : index
    %get3A_93 = tpu.vector_load %arg13[%get3A_91, %get3A_92] {strides = array<i32>} : memref<32x16xi32, #tpu.memory_space<vmem>>, vector<16xi32>,
    %add3A_94 = arith.addi %add3A_83, %get3A_93 : vector<16xi32>
    %lt3A_95 = arith.constant 8 : i32
    %lt3A_96 = arith.cmpi slt, %lt3A_95, %add3A : i32
    %jit3A_97 = arith.constant 0 : i32
    %broadcast_in_dim3A_98 = vector.broadcast %jit3A_97 : i32 to vector<16xi32>
    %select_n3A_99 = arith.select %lt3A_96, %get3A_93, %broadcast_in_dim3A_98 : vector<16xi32>
    %add3A_100 = arith.addi %add3A_89, %select_n3A_99 : vector<16xi32>
    %get3A_101 = arith.constant 9 : i32
    %get3A_102 = arith.index_cast %get3A_101 : i32 to index
    %get3A_103 = arith.constant 0 : index
    %get3A_104 = tpu.vector_load %arg13[%get3A_102, %get3A_103] {strides = array<i32>} : memref<32x16xi32, #tpu.memory_space<vmem>>, vector<16xi32>,
    %add3A_105 = arith.addi %add3A_94, %get3A_104 : vector<16xi32>
    %lt3A_106 = arith.constant 9 : i32
    %lt3A_107 = arith.cmpi slt, %lt3A_106, %add3A : i32
    %jit3A_108 = arith.constant 0 : i32
    %broadcast_in_dim3A_109 = vector.broadcast %jit3A_108 : i32 to vector<16xi32>
    %select_n3A_110 = arith.select %lt3A_107, %get3A_104, %broadcast_in_dim3A_109 : vector<16xi32>
    %add3A_111 = arith.addi %add3A_100, %select_n3A_110 : vector<16xi32>
    %get3A_112 = arith.constant 10 : i32
    %get3A_113 = arith.index_cast %get3A_112 : i32 to index
    %get3A_114 = arith.constant 0 : index
    %get3A_115 = tpu.vector_load %arg13[%get3A_113, %get3A_114] {strides = array<i32>} : memref<32x16xi32, #tpu.memory_space<vmem>>, vector<16xi32>,
    %add3A_116 = arith.addi %add3A_105, %get3A_115 : vector<16xi32>
    %lt3A_117 = arith.constant 10 : i32
    %lt3A_118 = arith.cmpi slt, %lt3A_117, %add3A : i32
    %jit3A_119 = arith.constant 0 : i32
    %broadcast_in_dim3A_120 = vector.broadcast %jit3A_119 : i32 to vector<16xi32>
    %select_n3A_121 = arith.select %lt3A_118, %get3A_115, %broadcast_in_dim3A_120 : vector<16xi32>
    %add3A_122 = arith.addi %add3A_111, %select_n3A_121 : vector<16xi32>
    %get3A_123 = arith.constant 11 : i32
    %get3A_124 = arith.index_cast %get3A_123 : i32 to index
    %get3A_125 = arith.constant 0 : index
    %get3A_126 = tpu.vector_load %arg13[%get3A_124, %get3A_125] {strides = array<i32>} : memref<32x16xi32, #tpu.memory_space<vmem>>, vector<16xi32>,
    %add3A_127 = arith.addi %add3A_116, %get3A_126 : vector<16xi32>
    %lt3A_128 = arith.constant 11 : i32
    %lt3A_129 = arith.cmpi slt, %lt3A_128, %add3A : i32
    %jit3A_130 = arith.constant 0 : i32
    %broadcast_in_dim3A_131 = vector.broadcast %jit3A_130 : i32 to vector<16xi32>
    %select_n3A_132 = arith.select %lt3A_129, %get3A_126, %broadcast_in_dim3A_131 : vector<16xi32>
    %add3A_133 = arith.addi %add3A_122, %select_n3A_132 : vector<16xi32>
    %get3A_134 = arith.constant 12 : i32
    %get3A_135 = arith.index_cast %get3A_134 : i32 to index
    %get3A_136 = arith.constant 0 : index
    %get3A_137 = tpu.vector_load %arg13[%get3A_135, %get3A_136] {strides = array<i32>} : memref<32x16xi32, #tpu.memory_space<vmem>>, vector<16xi32>,
    %add3A_138 = arith.addi %add3A_127, %get3A_137 : vector<16xi32>
    %lt3A_139 = arith.constant 12 : i32
    %lt3A_140 = arith.cmpi slt, %lt3A_139, %add3A : i32
    %jit3A_141 = arith.constant 0 : i32
    %broadcast_in_dim3A_142 = vector.broadcast %jit3A_141 : i32 to vector<16xi32>
    %select_n3A_143 = arith.select %lt3A_140, %get3A_137, %broadcast_in_dim3A_142 : vector<16xi32>
    %add3A_144 = arith.addi %add3A_133, %select_n3A_143 : vector<16xi32>
    %get3A_145 = arith.constant 13 : i32
    %get3A_146 = arith.index_cast %get3A_145 : i32 to index
    %get3A_147 = arith.constant 0 : index
    %get3A_148 = tpu.vector_load %arg13[%get3A_146, %get3A_147] {strides = array<i32>} : memref<32x16xi32, #tpu.memory_space<vmem>>, vector<16xi32>,
    %add3A_149 = arith.addi %add3A_138, %get3A_148 : vector<16xi32>
    %lt3A_150 = arith.constant 13 : i32
    %lt3A_151 = arith.cmpi slt, %lt3A_150, %add3A : i32
    %jit3A_152 = arith.constant 0 : i32
    %broadcast_in_dim3A_153 = vector.broadcast %jit3A_152 : i32 to vector<16xi32>
    %select_n3A_154 = arith.select %lt3A_151, %get3A_148, %broadcast_in_dim3A_153 : vector<16xi32>
    %add3A_155 = arith.addi %add3A_144, %select_n3A_154 : vector<16xi32>
    %get3A_156 = arith.constant 14 : i32
    %get3A_157 = arith.index_cast %get3A_156 : i32 to index
    %get3A_158 = arith.constant 0 : index
    %get3A_159 = tpu.vector_load %arg13[%get3A_157, %get3A_158] {strides = array<i32>} : memref<32x16xi32, #tpu.memory_space<vmem>>, vector<16xi32>,
    %add3A_160 = arith.addi %add3A_149, %get3A_159 : vector<16xi32>
    %lt3A_161 = arith.constant 14 : i32
    %lt3A_162 = arith.cmpi slt, %lt3A_161, %add3A : i32
    %jit3A_163 = arith.constant 0 : i32
    %broadcast_in_dim3A_164 = vector.broadcast %jit3A_163 : i32 to vector<16xi32>
    %select_n3A_165 = arith.select %lt3A_162, %get3A_159, %broadcast_in_dim3A_164 : vector<16xi32>
    %add3A_166 = arith.addi %add3A_155, %select_n3A_165 : vector<16xi32>
    %get3A_167 = arith.constant 15 : i32
    %get3A_168 = arith.index_cast %get3A_167 : i32 to index
    %get3A_169 = arith.constant 0 : index
    %get3A_170 = tpu.vector_load %arg13[%get3A_168, %get3A_169] {strides = array<i32>} : memref<32x16xi32, #tpu.memory_space<vmem>>, vector<16xi32>,
    %add3A_171 = arith.addi %add3A_160, %get3A_170 : vector<16xi32>
    %lt3A_172 = arith.constant 15 : i32
    %lt3A_173 = arith.cmpi slt, %lt3A_172, %add3A : i32
    %jit3A_174 = arith.constant 0 : i32
    %broadcast_in_dim3A_175 = vector.broadcast %jit3A_174 : i32 to vector<16xi32>
    %select_n3A_176 = arith.select %lt3A_173, %get3A_170, %broadcast_in_dim3A_175 : vector<16xi32>
    %add3A_177 = arith.addi %add3A_166, %select_n3A_176 : vector<16xi32>
    %get3A_178 = arith.constant 16 : i32
    %get3A_179 = arith.index_cast %get3A_178 : i32 to index
    %get3A_180 = arith.constant 0 : index
    %get3A_181 = tpu.vector_load %arg13[%get3A_179, %get3A_180] {strides = array<i32>} : memref<32x16xi32, #tpu.memory_space<vmem>>, vector<16xi32>,
    %add3A_182 = arith.addi %add3A_171, %get3A_181 : vector<16xi32>
    %lt3A_183 = arith.constant 16 : i32
    %lt3A_184 = arith.cmpi slt, %lt3A_183, %add3A : i32
    %jit3A_185 = arith.constant 0 : i32
    %broadcast_in_dim3A_186 = vector.broadcast %jit3A_185 : i32 to vector<16xi32>
    %select_n3A_187 = arith.select %lt3A_184, %get3A_181, %broadcast_in_dim3A_186 : vector<16xi32>
    %add3A_188 = arith.addi %add3A_177, %select_n3A_187 : vector<16xi32>
    %get3A_189 = arith.constant 17 : i32
    %get3A_190 = arith.index_cast %get3A_189 : i32 to index
    %get3A_191 = arith.constant 0 : index
    %get3A_192 = tpu.vector_load %arg13[%get3A_190, %get3A_191] {strides = array<i32>} : memref<32x16xi32, #tpu.memory_space<vmem>>, vector<16xi32>,
    %add3A_193 = arith.addi %add3A_182, %get3A_192 : vector<16xi32>
    %lt3A_194 = arith.constant 17 : i32
    %lt3A_195 = arith.cmpi slt, %lt3A_194, %add3A : i32
    %jit3A_196 = arith.constant 0 : i32
    %broadcast_in_dim3A_197 = vector.broadcast %jit3A_196 : i32 to vector<16xi32>
    %select_n3A_198 = arith.select %lt3A_195, %get3A_192, %broadcast_in_dim3A_197 : vector<16xi32>
    %add3A_199 = arith.addi %add3A_188, %select_n3A_198 : vector<16xi32>
    %get3A_200 = arith.constant 18 : i32
    %get3A_201 = arith.index_cast %get3A_200 : i32 to index
    %get3A_202 = arith.constant 0 : index
    %get3A_203 = tpu.vector_load %arg13[%get3A_201, %get3A_202] {strides = array<i32>} : memref<32x16xi32, #tpu.memory_space<vmem>>, vector<16xi32>,
    %add3A_204 = arith.addi %add3A_193, %get3A_203 : vector<16xi32>
    %lt3A_205 = arith.constant 18 : i32
    %lt3A_206 = arith.cmpi slt, %lt3A_205, %add3A : i32
    %jit3A_207 = arith.constant 0 : i32
    %broadcast_in_dim3A_208 = vector.broadcast %jit3A_207 : i32 to vector<16xi32>
    %select_n3A_209 = arith.select %lt3A_206, %get3A_203, %broadcast_in_dim3A_208 : vector<16xi32>
    %add3A_210 = arith.addi %add3A_199, %select_n3A_209 : vector<16xi32>
    %get3A_211 = arith.constant 19 : i32
    %get3A_212 = arith.index_cast %get3A_211 : i32 to index
    %get3A_213 = arith.constant 0 : index
    %get3A_214 = tpu.vector_load %arg13[%get3A_212, %get3A_213] {strides = array<i32>} : memref<32x16xi32, #tpu.memory_space<vmem>>, vector<16xi32>,
    %add3A_215 = arith.addi %add3A_204, %get3A_214 : vector<16xi32>
    %lt3A_216 = arith.constant 19 : i32
    %lt3A_217 = arith.cmpi slt, %lt3A_216, %add3A : i32
    %jit3A_218 = arith.constant 0 : i32
    %broadcast_in_dim3A_219 = vector.broadcast %jit3A_218 : i32 to vector<16xi32>
    %select_n3A_220 = arith.select %lt3A_217, %get3A_214, %broadcast_in_dim3A_219 : vector<16xi32>
    %add3A_221 = arith.addi %add3A_210, %select_n3A_220 : vector<16xi32>
    %get3A_222 = arith.constant 20 : i32
    %get3A_223 = arith.index_cast %get3A_222 : i32 to index
    %get3A_224 = arith.constant 0 : index
    %get3A_225 = tpu.vector_load %arg13[%get3A_223, %get3A_224] {strides = array<i32>} : memref<32x16xi32, #tpu.memory_space<vmem>>, vector<16xi32>,
    %add3A_226 = arith.addi %add3A_215, %get3A_225 : vector<16xi32>
    %lt3A_227 = arith.constant 20 : i32
    %lt3A_228 = arith.cmpi slt, %lt3A_227, %add3A : i32
    %jit3A_229 = arith.constant 0 : i32
    %broadcast_in_dim3A_230 = vector.broadcast %jit3A_229 : i32 to vector<16xi32>
    %select_n3A_231 = arith.select %lt3A_228, %get3A_225, %broadcast_in_dim3A_230 : vector<16xi32>
    %add3A_232 = arith.addi %add3A_221, %select_n3A_231 : vector<16xi32>
    %get3A_233 = arith.constant 21 : i32
    %get3A_234 = arith.index_cast %get3A_233 : i32 to index
    %get3A_235 = arith.constant 0 : index
    %get3A_236 = tpu.vector_load %arg13[%get3A_234, %get3A_235] {strides = array<i32>} : memref<32x16xi32, #tpu.memory_space<vmem>>, vector<16xi32>,
    %add3A_237 = arith.addi %add3A_226, %get3A_236 : vector<16xi32>
    %lt3A_238 = arith.constant 21 : i32
    %lt3A_239 = arith.cmpi slt, %lt3A_238, %add3A : i32
    %jit3A_240 = arith.constant 0 : i32
    %broadcast_in_dim3A_241 = vector.broadcast %jit3A_240 : i32 to vector<16xi32>
    %select_n3A_242 = arith.select %lt3A_239, %get3A_236, %broadcast_in_dim3A_241 : vector<16xi32>
    %add3A_243 = arith.addi %add3A_232, %select_n3A_242 : vector<16xi32>
    %get3A_244 = arith.constant 22 : i32
    %get3A_245 = arith.index_cast %get3A_244 : i32 to index
    %get3A_246 = arith.constant 0 : index
    %get3A_247 = tpu.vector_load %arg13[%get3A_245, %get3A_246] {strides = array<i32>} : memref<32x16xi32, #tpu.memory_space<vmem>>, vector<16xi32>,
    %add3A_248 = arith.addi %add3A_237, %get3A_247 : vector<16xi32>
    %lt3A_249 = arith.constant 22 : i32
    %lt3A_250 = arith.cmpi slt, %lt3A_249, %add3A : i32
    %jit3A_251 = arith.constant 0 : i32
    %broadcast_in_dim3A_252 = vector.broadcast %jit3A_251 : i32 to vector<16xi32>
    %select_n3A_253 = arith.select %lt3A_250, %get3A_247, %broadcast_in_dim3A_252 : vector<16xi32>
    %add3A_254 = arith.addi %add3A_243, %select_n3A_253 : vector<16xi32>
    %get3A_255 = arith.constant 23 : i32
    %get3A_256 = arith.index_cast %get3A_255 : i32 to index
    %get3A_257 = arith.constant 0 : index
    %get3A_258 = tpu.vector_load %arg13[%get3A_256, %get3A_257] {strides = array<i32>} : memref<32x16xi32, #tpu.memory_space<vmem>>, vector<16xi32>,
    %add3A_259 = arith.addi %add3A_248, %get3A_258 : vector<16xi32>
    %lt3A_260 = arith.constant 23 : i32
    %lt3A_261 = arith.cmpi slt, %lt3A_260, %add3A : i32
    %jit3A_262 = arith.constant 0 : i32
    %broadcast_in_dim3A_263 = vector.broadcast %jit3A_262 : i32 to vector<16xi32>
    %select_n3A_264 = arith.select %lt3A_261, %get3A_258, %broadcast_in_dim3A_263 : vector<16xi32>
    %add3A_265 = arith.addi %add3A_254, %select_n3A_264 : vector<16xi32>
    %get3A_266 = arith.constant 24 : i32
    %get3A_267 = arith.index_cast %get3A_266 : i32 to index
    %get3A_268 = arith.constant 0 : index
    %get3A_269 = tpu.vector_load %arg13[%get3A_267, %get3A_268] {strides = array<i32>} : memref<32x16xi32, #tpu.memory_space<vmem>>, vector<16xi32>,
    %add3A_270 = arith.addi %add3A_259, %get3A_269 : vector<16xi32>
    %lt3A_271 = arith.constant 24 : i32
    %lt3A_272 = arith.cmpi slt, %lt3A_271, %add3A : i32
    %jit3A_273 = arith.constant 0 : i32
    %broadcast_in_dim3A_274 = vector.broadcast %jit3A_273 : i32 to vector<16xi32>
    %select_n3A_275 = arith.select %lt3A_272, %get3A_269, %broadcast_in_dim3A_274 : vector<16xi32>
    %add3A_276 = arith.addi %add3A_265, %select_n3A_275 : vector<16xi32>
    %get3A_277 = arith.constant 25 : i32
    %get3A_278 = arith.index_cast %get3A_277 : i32 to index
    %get3A_279 = arith.constant 0 : index
    %get3A_280 = tpu.vector_load %arg13[%get3A_278, %get3A_279] {strides = array<i32>} : memref<32x16xi32, #tpu.memory_space<vmem>>, vector<16xi32>,
    %add3A_281 = arith.addi %add3A_270, %get3A_280 : vector<16xi32>
    %lt3A_282 = arith.constant 25 : i32
    %lt3A_283 = arith.cmpi slt, %lt3A_282, %add3A : i32
    %jit3A_284 = arith.constant 0 : i32
    %broadcast_in_dim3A_285 = vector.broadcast %jit3A_284 : i32 to vector<16xi32>
    %select_n3A_286 = arith.select %lt3A_283, %get3A_280, %broadcast_in_dim3A_285 : vector<16xi32>
    %add3A_287 = arith.addi %add3A_276, %select_n3A_286 : vector<16xi32>
    %get3A_288 = arith.constant 26 : i32
    %get3A_289 = arith.index_cast %get3A_288 : i32 to index
    %get3A_290 = arith.constant 0 : index
    %get3A_291 = tpu.vector_load %arg13[%get3A_289, %get3A_290] {strides = array<i32>} : memref<32x16xi32, #tpu.memory_space<vmem>>, vector<16xi32>,
    %add3A_292 = arith.addi %add3A_281, %get3A_291 : vector<16xi32>
    %lt3A_293 = arith.constant 26 : i32
    %lt3A_294 = arith.cmpi slt, %lt3A_293, %add3A : i32
    %jit3A_295 = arith.constant 0 : i32
    %broadcast_in_dim3A_296 = vector.broadcast %jit3A_295 : i32 to vector<16xi32>
    %select_n3A_297 = arith.select %lt3A_294, %get3A_291, %broadcast_in_dim3A_296 : vector<16xi32>
    %add3A_298 = arith.addi %add3A_287, %select_n3A_297 : vector<16xi32>
    %get3A_299 = arith.constant 27 : i32
    %get3A_300 = arith.index_cast %get3A_299 : i32 to index
    %get3A_301 = arith.constant 0 : index
    %get3A_302 = tpu.vector_load %arg13[%get3A_300, %get3A_301] {strides = array<i32>} : memref<32x16xi32, #tpu.memory_space<vmem>>, vector<16xi32>,
    %add3A_303 = arith.addi %add3A_292, %get3A_302 : vector<16xi32>
    %lt3A_304 = arith.constant 27 : i32
    %lt3A_305 = arith.cmpi slt, %lt3A_304, %add3A : i32
    %jit3A_306 = arith.constant 0 : i32
    %broadcast_in_dim3A_307 = vector.broadcast %jit3A_306 : i32 to vector<16xi32>
    %select_n3A_308 = arith.select %lt3A_305, %get3A_302, %broadcast_in_dim3A_307 : vector<16xi32>
    %add3A_309 = arith.addi %add3A_298, %select_n3A_308 : vector<16xi32>
    %get3A_310 = arith.constant 28 : i32
    %get3A_311 = arith.index_cast %get3A_310 : i32 to index
    %get3A_312 = arith.constant 0 : index
    %get3A_313 = tpu.vector_load %arg13[%get3A_311, %get3A_312] {strides = array<i32>} : memref<32x16xi32, #tpu.memory_space<vmem>>, vector<16xi32>,
    %add3A_314 = arith.addi %add3A_303, %get3A_313 : vector<16xi32>
    %lt3A_315 = arith.constant 28 : i32
    %lt3A_316 = arith.cmpi slt, %lt3A_315, %add3A : i32
    %jit3A_317 = arith.constant 0 : i32
    %broadcast_in_dim3A_318 = vector.broadcast %jit3A_317 : i32 to vector<16xi32>
    %select_n3A_319 = arith.select %lt3A_316, %get3A_313, %broadcast_in_dim3A_318 : vector<16xi32>
    %add3A_320 = arith.addi %add3A_309, %select_n3A_319 : vector<16xi32>
    %get3A_321 = arith.constant 29 : i32
    %get3A_322 = arith.index_cast %get3A_321 : i32 to index
    %get3A_323 = arith.constant 0 : index
    %get3A_324 = tpu.vector_load %arg13[%get3A_322, %get3A_323] {strides = array<i32>} : memref<32x16xi32, #tpu.memory_space<vmem>>, vector<16xi32>,
    %add3A_325 = arith.addi %add3A_314, %get3A_324 : vector<16xi32>
    %lt3A_326 = arith.constant 29 : i32
    %lt3A_327 = arith.cmpi slt, %lt3A_326, %add3A : i32
    %jit3A_328 = arith.constant 0 : i32
    %broadcast_in_dim3A_329 = vector.broadcast %jit3A_328 : i32 to vector<16xi32>
    %select_n3A_330 = arith.select %lt3A_327, %get3A_324, %broadcast_in_dim3A_329 : vector<16xi32>
    %add3A_331 = arith.addi %add3A_320, %select_n3A_330 : vector<16xi32>
    %get3A_332 = arith.constant 30 : i32
    %get3A_333 = arith.index_cast %get3A_332 : i32 to index
    %get3A_334 = arith.constant 0 : index
    %get3A_335 = tpu.vector_load %arg13[%get3A_333, %get3A_334] {strides = array<i32>} : memref<32x16xi32, #tpu.memory_space<vmem>>, vector<16xi32>,
    %add3A_336 = arith.addi %add3A_325, %get3A_335 : vector<16xi32>
    %lt3A_337 = arith.constant 30 : i32
    %lt3A_338 = arith.cmpi slt, %lt3A_337, %add3A : i32
    %jit3A_339 = arith.constant 0 : i32
    %broadcast_in_dim3A_340 = vector.broadcast %jit3A_339 : i32 to vector<16xi32>
    %select_n3A_341 = arith.select %lt3A_338, %get3A_335, %broadcast_in_dim3A_340 : vector<16xi32>
    %add3A_342 = arith.addi %add3A_331, %select_n3A_341 : vector<16xi32>
    %get3A_343 = arith.constant 31 : i32
    %get3A_344 = arith.index_cast %get3A_343 : i32 to index
    %get3A_345 = arith.constant 0 : index
    %get3A_346 = tpu.vector_load %arg13[%get3A_344, %get3A_345] {strides = array<i32>} : memref<32x16xi32, #tpu.memory_space<vmem>>, vector<16xi32>,
    %add3A_347 = arith.addi %add3A_336, %get3A_346 : vector<16xi32>
    %lt3A_348 = arith.constant 31 : i32
    %lt3A_349 = arith.cmpi slt, %lt3A_348, %add3A : i32
    %jit3A_350 = arith.constant 0 : i32
    %broadcast_in_dim3A_351 = vector.broadcast %jit3A_350 : i32 to vector<16xi32>
    %select_n3A_352 = arith.select %lt3A_349, %get3A_346, %broadcast_in_dim3A_351 : vector<16xi32>
    %add3A_353 = arith.addi %add3A_342, %select_n3A_352 : vector<16xi32>
    %add3A_354 = arith.constant 255 : i32
    %add3A_355 = vector.broadcast %add3A_354 : i32 to vector<16xi32>
    %add3A_356 = arith.addi %add3A_347, %add3A_355 : vector<16xi32>
    %jit3A_357 = arith.constant 256 : i32
    %div3A = vector.broadcast %jit3A_357 : i32 to vector<16xi32>
    %div3A_358 = arith.divsi %add3A_356, %div3A : vector<16xi32>
    %sign3A = arith.constant 0 : i32
    %sign3A_359 = vector.broadcast %sign3A : i32 to vector<16xi32>
    %sign3A_360 = arith.cmpi sgt, %add3A_356, %sign3A_359 : vector<16xi32>
    %sign3A_361 = arith.extui %sign3A_360 : vector<16xi1> to vector<16xi32>
    %sign3A_362 = arith.constant 0 : i32
    %sign3A_363 = vector.broadcast %sign3A_362 : i32 to vector<16xi32>
    %sign3A_364 = arith.cmpi slt, %add3A_356, %sign3A_363 : vector<16xi32>
    %sign3A_365 = arith.extui %sign3A_364 : vector<16xi1> to vector<16xi32>
    %sign3A_366 = arith.subi %sign3A_361, %sign3A_365 : vector<16xi32>
    %sign3A_367 = arith.constant 0 : i32
    %sign3A_368 = arith.cmpi sgt, %jit3A_357, %sign3A_367 : i32
    %sign3A_369 = arith.extui %sign3A_368 : i1 to i32
    %sign3A_370 = arith.constant 0 : i32
    %sign3A_371 = arith.cmpi slt, %jit3A_357, %sign3A_370 : i32
    %sign3A_372 = arith.extui %sign3A_371 : i1 to i32
    %sign3A_373 = arith.subi %sign3A_369, %sign3A_372 : i32
    %ne3A = vector.broadcast %sign3A_373 : i32 to vector<16xi32>
    %ne3A_374 = arith.cmpi ne, %sign3A_366, %ne3A : vector<16xi32>
    %rem3A = vector.broadcast %jit3A_357 : i32 to vector<16xi32>
    %rem3A_375 = arith.remsi %add3A_356, %rem3A : vector<16xi32>
    %ne3A_376 = arith.constant 0 : i32
    %ne3A_377 = vector.broadcast %ne3A_376 : i32 to vector<16xi32>
    %ne3A_378 = arith.cmpi ne, %rem3A_375, %ne3A_377 : vector<16xi32>
    %and3A = arith.andi %ne3A_374, %ne3A_378 : vector<16xi1>
    %sub3A = arith.constant 1 : i32
    %sub3A_379 = vector.broadcast %sub3A : i32 to vector<16xi32>
    %sub3A_380 = arith.subi %div3A_358, %sub3A_379 : vector<16xi32>
    %select_n3A_381 = arith.select %and3A, %sub3A_380, %div3A_358 : vector<16xi1>, vector<16xi32>
    %mul3A_382 = arith.constant 256 : i32
    %mul3A_383 = vector.broadcast %mul3A_382 : i32 to vector<16xi32>
    %mul3A_384 = arith.muli %select_n3A_381, %mul3A_383 : vector<16xi32>
    %broadcast_in_dim3A_385 = arith.constant true
    %broadcast_in_dim3A_386 = vector.broadcast %broadcast_in_dim3A_385 : i1 to vector<16xi1>
    %masked_cumsum3A = tpu.scan <sum>, %mul3A_384 masked %broadcast_in_dim3A_386 : vector<16xi32>, vector<16xi1> -> vector<16xi32>
    %sub3A_387 = arith.subi %masked_cumsum3A, %mul3A_384 : vector<16xi32>
    %add3A_388 = arith.addi %sub3A_387, %add3A_353 : vector<16xi32>
    %eq3A = arith.constant 0 : i32
    %eq3A_389 = vector.broadcast %eq3A : i32 to vector<16xi32>
    %eq3A_390 = arith.cmpi eq, %iota3A, %eq3A_389 : vector<16xi32>
    %jit3A_391 = arith.constant 0 : i32
    %broadcast_in_dim3A_392 = vector.broadcast %jit3A_391 : i32 to vector<16xi32>
    %select_n3A_393 = arith.select %eq3A_390, %masked_cumsum3A, %broadcast_in_dim3A_392 : vector<16xi1>, vector<16xi32>
    %reduce_sum3A = arith.constant true
    %reduce_sum3A_394 = vector.broadcast %reduce_sum3A : i1 to vector<16xi1>
    %reduce_sum3A_395 = tpu.scan <sum>, %select_n3A_393 masked %reduce_sum3A_394 : vector<16xi32>, vector<16xi1> -> vector<16xi32>
    %reduce_sum3A_396 = vector.extract %reduce_sum3A_395[15] : i32 from vector<16xi32>
    %eq3A_397 = arith.constant 1 : i32
    %eq3A_398 = vector.broadcast %eq3A_397 : i32 to vector<16xi32>
    %eq3A_399 = arith.cmpi eq, %iota3A, %eq3A_398 : vector<16xi32>
    %jit3A_400 = arith.constant 0 : i32
    %broadcast_in_dim3A_401 = vector.broadcast %jit3A_400 : i32 to vector<16xi32>
    %select_n3A_402 = arith.select %eq3A_399, %masked_cumsum3A, %broadcast_in_dim3A_401 : vector<16xi1>, vector<16xi32>
    %reduce_sum3A_403 = arith.constant true
    %reduce_sum3A_404 = vector.broadcast %reduce_sum3A_403 : i1 to vector<16xi1>
    %reduce_sum3A_405 = tpu.scan <sum>, %select_n3A_402 masked %reduce_sum3A_404 : vector<16xi32>, vector<16xi1> -> vector<16xi32>
    %reduce_sum3A_406 = vector.extract %reduce_sum3A_405[15] : i32 from vector<16xi32>
    %eq3A_407 = arith.constant 2 : i32
    %eq3A_408 = vector.broadcast %eq3A_407 : i32 to vector<16xi32>
    %eq3A_409 = arith.cmpi eq, %iota3A, %eq3A_408 : vector<16xi32>
    %jit3A_410 = arith.constant 0 : i32
    %broadcast_in_dim3A_411 = vector.broadcast %jit3A_410 : i32 to vector<16xi32>
    %select_n3A_412 = arith.select %eq3A_409, %masked_cumsum3A, %broadcast_in_dim3A_411 : vector<16xi1>, vector<16xi32>
    %reduce_sum3A_413 = arith.constant true
    %reduce_sum3A_414 = vector.broadcast %reduce_sum3A_413 : i1 to vector<16xi1>
    %reduce_sum3A_415 = tpu.scan <sum>, %select_n3A_412 masked %reduce_sum3A_414 : vector<16xi32>, vector<16xi1> -> vector<16xi32>
    %reduce_sum3A_416 = vector.extract %reduce_sum3A_415[15] : i32 from vector<16xi32>
    %eq3A_417 = arith.constant 3 : i32
    %eq3A_418 = vector.broadcast %eq3A_417 : i32 to vector<16xi32>
    %eq3A_419 = arith.cmpi eq, %iota3A, %eq3A_418 : vector<16xi32>
    %jit3A_420 = arith.constant 0 : i32
    %broadcast_in_dim3A_421 = vector.broadcast %jit3A_420 : i32 to vector<16xi32>
    %select_n3A_422 = arith.select %eq3A_419, %masked_cumsum3A, %broadcast_in_dim3A_421 : vector<16xi1>, vector<16xi32>
    %reduce_sum3A_423 = arith.constant true
    %reduce_sum3A_424 = vector.broadcast %reduce_sum3A_423 : i1 to vector<16xi1>
    %reduce_sum3A_425 = tpu.scan <sum>, %select_n3A_422 masked %reduce_sum3A_424 : vector<16xi32>, vector<16xi1> -> vector<16xi32>
    %reduce_sum3A_426 = vector.extract %reduce_sum3A_425[15] : i32 from vector<16xi32>
    %eq3A_427 = arith.constant 4 : i32
    %eq3A_428 = vector.broadcast %eq3A_427 : i32 to vector<16xi32>
    %eq3A_429 = arith.cmpi eq, %iota3A, %eq3A_428 : vector<16xi32>
    %jit3A_430 = arith.constant 0 : i32
    %broadcast_in_dim3A_431 = vector.broadcast %jit3A_430 : i32 to vector<16xi32>
    %select_n3A_432 = arith.select %eq3A_429, %masked_cumsum3A, %broadcast_in_dim3A_431 : vector<16xi1>, vector<16xi32>
    %reduce_sum3A_433 = arith.constant true
    %reduce_sum3A_434 = vector.broadcast %reduce_sum3A_433 : i1 to vector<16xi1>
    %reduce_sum3A_435 = tpu.scan <sum>, %select_n3A_432 masked %reduce_sum3A_434 : vector<16xi32>, vector<16xi1> -> vector<16xi32>
    %reduce_sum3A_436 = vector.extract %reduce_sum3A_435[15] : i32 from vector<16xi32>
    %eq3A_437 = arith.constant 5 : i32
    %eq3A_438 = vector.broadcast %eq3A_437 : i32 to vector<16xi32>
    %eq3A_439 = arith.cmpi eq, %iota3A, %eq3A_438 : vector<16xi32>
    %jit3A_440 = arith.constant 0 : i32
    %broadcast_in_dim3A_441 = vector.broadcast %jit3A_440 : i32 to vector<16xi32>
    %select_n3A_442 = arith.select %eq3A_439, %masked_cumsum3A, %broadcast_in_dim3A_441 : vector<16xi1>, vector<16xi32>
    %reduce_sum3A_443 = arith.constant true
    %reduce_sum3A_444 = vector.broadcast %reduce_sum3A_443 : i1 to vector<16xi1>
    %reduce_sum3A_445 = tpu.scan <sum>, %select_n3A_442 masked %reduce_sum3A_444 : vector<16xi32>, vector<16xi1> -> vector<16xi32>
    %reduce_sum3A_446 = vector.extract %reduce_sum3A_445[15] : i32 from vector<16xi32>
    %eq3A_447 = arith.constant 6 : i32
    %eq3A_448 = vector.broadcast %eq3A_447 : i32 to vector<16xi32>
    %eq3A_449 = arith.cmpi eq, %iota3A, %eq3A_448 : vector<16xi32>
    %jit3A_450 = arith.constant 0 : i32
    %broadcast_in_dim3A_451 = vector.broadcast %jit3A_450 : i32 to vector<16xi32>
    %select_n3A_452 = arith.select %eq3A_449, %masked_cumsum3A, %broadcast_in_dim3A_451 : vector<16xi1>, vector<16xi32>
    %reduce_sum3A_453 = arith.constant true
    %reduce_sum3A_454 = vector.broadcast %reduce_sum3A_453 : i1 to vector<16xi1>
    %reduce_sum3A_455 = tpu.scan <sum>, %select_n3A_452 masked %reduce_sum3A_454 : vector<16xi32>, vector<16xi1> -> vector<16xi32>
    %reduce_sum3A_456 = vector.extract %reduce_sum3A_455[15] : i32 from vector<16xi32>
    %eq3A_457 = arith.constant 7 : i32
    %eq3A_458 = vector.broadcast %eq3A_457 : i32 to vector<16xi32>
    %eq3A_459 = arith.cmpi eq, %iota3A, %eq3A_458 : vector<16xi32>
    %jit3A_460 = arith.constant 0 : i32
    %broadcast_in_dim3A_461 = vector.broadcast %jit3A_460 : i32 to vector<16xi32>
    %select_n3A_462 = arith.select %eq3A_459, %masked_cumsum3A, %broadcast_in_dim3A_461 : vector<16xi1>, vector<16xi32>
    %reduce_sum3A_463 = arith.constant true
    %reduce_sum3A_464 = vector.broadcast %reduce_sum3A_463 : i1 to vector<16xi1>
    %reduce_sum3A_465 = tpu.scan <sum>, %select_n3A_462 masked %reduce_sum3A_464 : vector<16xi32>, vector<16xi1> -> vector<16xi32>
    %reduce_sum3A_466 = vector.extract %reduce_sum3A_465[15] : i32 from vector<16xi32>
    %add3A_467 = arith.constant 0 : i32
    %add3A_468 = vector.broadcast %add3A_467 : i32 to vector<16xi32>
    %add3A_469 = arith.addi %iota3A, %add3A_468 : vector<16xi32>
    %mul3A_470 = arith.constant 256 : i32
    %mul3A_471 = vector.broadcast %mul3A_470 : i32 to vector<16xi32>
    %mul3A_472 = arith.muli %add3A_469, %mul3A_471 : vector<16xi32>
    %broadcast_in_dim3A_473 = arith.constant 0 : i32
    %broadcast_in_dim3A_474 = vector.broadcast %broadcast_in_dim3A_473 : i32 to vector<16xi32>
    %ge3A = vector.broadcast %reduce_sum3A_396 : i32 to vector<16xi32>
    %ge3A_475 = arith.cmpi sge, %mul3A_472, %ge3A : vector<16xi32>
    %jit3A_476 = arith.constant 1 : i32
    %jit3A_477 = arith.constant 0 : i32
    %broadcast_in_dim3A_478 = vector.broadcast %jit3A_476 : i32 to vector<16xi32>
    %broadcast_in_dim3A_479 = vector.broadcast %jit3A_477 : i32 to vector<16xi32>
    %select_n3A_480 = arith.select %ge3A_475, %broadcast_in_dim3A_478, %broadcast_in_dim3A_479 : vector<16xi1>, vector<16xi32>
    %add3A_481 = arith.addi %broadcast_in_dim3A_474, %select_n3A_480 : vector<16xi32>
    %ge3A_482 = vector.broadcast %reduce_sum3A_406 : i32 to vector<16xi32>
    %ge3A_483 = arith.cmpi sge, %mul3A_472, %ge3A_482 : vector<16xi32>
    %jit3A_484 = arith.constant 1 : i32
    %jit3A_485 = arith.constant 0 : i32
    %broadcast_in_dim3A_486 = vector.broadcast %jit3A_484 : i32 to vector<16xi32>
    %broadcast_in_dim3A_487 = vector.broadcast %jit3A_485 : i32 to vector<16xi32>
    %select_n3A_488 = arith.select %ge3A_483, %broadcast_in_dim3A_486, %broadcast_in_dim3A_487 : vector<16xi1>, vector<16xi32>
    %add3A_489 = arith.addi %add3A_481, %select_n3A_488 : vector<16xi32>
    %ge3A_490 = vector.broadcast %reduce_sum3A_416 : i32 to vector<16xi32>
    %ge3A_491 = arith.cmpi sge, %mul3A_472, %ge3A_490 : vector<16xi32>
    %jit3A_492 = arith.constant 1 : i32
    %jit3A_493 = arith.constant 0 : i32
    %broadcast_in_dim3A_494 = vector.broadcast %jit3A_492 : i32 to vector<16xi32>
    %broadcast_in_dim3A_495 = vector.broadcast %jit3A_493 : i32 to vector<16xi32>
    %select_n3A_496 = arith.select %ge3A_491, %broadcast_in_dim3A_494, %broadcast_in_dim3A_495 : vector<16xi1>, vector<16xi32>
    %add3A_497 = arith.addi %add3A_489, %select_n3A_496 : vector<16xi32>
    %ge3A_498 = vector.broadcast %reduce_sum3A_426 : i32 to vector<16xi32>
    %ge3A_499 = arith.cmpi sge, %mul3A_472, %ge3A_498 : vector<16xi32>
    %jit3A_500 = arith.constant 1 : i32
    %jit3A_501 = arith.constant 0 : i32
    %broadcast_in_dim3A_502 = vector.broadcast %jit3A_500 : i32 to vector<16xi32>
    %broadcast_in_dim3A_503 = vector.broadcast %jit3A_501 : i32 to vector<16xi32>
    %select_n3A_504 = arith.select %ge3A_499, %broadcast_in_dim3A_502, %broadcast_in_dim3A_503 : vector<16xi1>, vector<16xi32>
    %add3A_505 = arith.addi %add3A_497, %select_n3A_504 : vector<16xi32>
    %ge3A_506 = vector.broadcast %reduce_sum3A_436 : i32 to vector<16xi32>
    %ge3A_507 = arith.cmpi sge, %mul3A_472, %ge3A_506 : vector<16xi32>
    %jit3A_508 = arith.constant 1 : i32
    %jit3A_509 = arith.constant 0 : i32
    %broadcast_in_dim3A_510 = vector.broadcast %jit3A_508 : i32 to vector<16xi32>
    %broadcast_in_dim3A_511 = vector.broadcast %jit3A_509 : i32 to vector<16xi32>
    %select_n3A_512 = arith.select %ge3A_507, %broadcast_in_dim3A_510, %broadcast_in_dim3A_511 : vector<16xi1>, vector<16xi32>
    %add3A_513 = arith.addi %add3A_505, %select_n3A_512 : vector<16xi32>
    %ge3A_514 = vector.broadcast %reduce_sum3A_446 : i32 to vector<16xi32>
    %ge3A_515 = arith.cmpi sge, %mul3A_472, %ge3A_514 : vector<16xi32>
    %jit3A_516 = arith.constant 1 : i32
    %jit3A_517 = arith.constant 0 : i32
    %broadcast_in_dim3A_518 = vector.broadcast %jit3A_516 : i32 to vector<16xi32>
    %broadcast_in_dim3A_519 = vector.broadcast %jit3A_517 : i32 to vector<16xi32>
    %select_n3A_520 = arith.select %ge3A_515, %broadcast_in_dim3A_518, %broadcast_in_dim3A_519 : vector<16xi1>, vector<16xi32>
    %add3A_521 = arith.addi %add3A_513, %select_n3A_520 : vector<16xi32>
    %ge3A_522 = vector.broadcast %reduce_sum3A_456 : i32 to vector<16xi32>
    %ge3A_523 = arith.cmpi sge, %mul3A_472, %ge3A_522 : vector<16xi32>
    %jit3A_524 = arith.constant 1 : i32
    %jit3A_525 = arith.constant 0 : i32
    %broadcast_in_dim3A_526 = vector.broadcast %jit3A_524 : i32 to vector<16xi32>
    %broadcast_in_dim3A_527 = vector.broadcast %jit3A_525 : i32 to vector<16xi32>
    %select_n3A_528 = arith.select %ge3A_523, %broadcast_in_dim3A_526, %broadcast_in_dim3A_527 : vector<16xi1>, vector<16xi32>
    %add3A_529 = arith.addi %add3A_521, %select_n3A_528 : vector<16xi32>
    %ge3A_530 = vector.broadcast %reduce_sum3A_466 : i32 to vector<16xi32>
    %ge3A_531 = arith.cmpi sge, %mul3A_472, %ge3A_530 : vector<16xi32>
    %jit3A_532 = arith.constant 1 : i32
    %jit3A_533 = arith.constant 0 : i32
    %broadcast_in_dim3A_534 = vector.broadcast %jit3A_532 : i32 to vector<16xi32>
    %broadcast_in_dim3A_535 = vector.broadcast %jit3A_533 : i32 to vector<16xi32>
    %select_n3A_536 = arith.select %ge3A_531, %broadcast_in_dim3A_534, %broadcast_in_dim3A_535 : vector<16xi1>, vector<16xi32>
    %add3A_537 = arith.addi %add3A_529, %select_n3A_536 : vector<16xi32>
    %min3A = arith.constant 7 : i32
    %min3A_538 = vector.broadcast %min3A : i32 to vector<16xi32>
    %min3A_539 = arith.minsi %add3A_537, %min3A_538 : vector<16xi32>
    %swap3A = arith.constant 0 : index
    %swap3A_540 = tpu.vector_load %arg14[%swap3A] {strides = array<i32>} : memref<16xi32, #tpu.memory_space<vmem>>, vector<16xi32>,
    tpu.vector_store %arg14[%swap3A], %min3A_539 {strides = array<i32>} : memref<16xi32, #tpu.memory_space<vmem>>, vector<16xi32>,
    %gt3A = arith.constant 0 : i32
    %gt3A_541 = vector.broadcast %gt3A : i32 to vector<16xi32>
    %gt3A_542 = arith.cmpi sgt, %add3A_347, %gt3A_541 : vector<16xi32>
    %jit3A_543 = arith.constant 1 : i32
    %jit3A_544 = arith.constant 0 : i32
    %broadcast_in_dim3A_545 = vector.broadcast %jit3A_543 : i32 to vector<16xi32>
    %broadcast_in_dim3A_546 = vector.broadcast %jit3A_544 : i32 to vector<16xi32>
    %select_n3A_547 = arith.select %gt3A_542, %broadcast_in_dim3A_545, %broadcast_in_dim3A_546 : vector<16xi1>, vector<16xi32>
    %broadcast_in_dim3A_548 = arith.constant true
    %broadcast_in_dim3A_549 = vector.broadcast %broadcast_in_dim3A_548 : i1 to vector<16xi1>
    %masked_cumsum3A_550 = tpu.scan <sum>, %select_n3A_547 masked %broadcast_in_dim3A_549 : vector<16xi32>, vector<16xi1> -> vector<16xi32>
    %sub3A_551 = arith.constant 1 : i32
    %sub3A_552 = vector.broadcast %sub3A_551 : i32 to vector<16xi32>
    %sub3A_553 = arith.subi %masked_cumsum3A_550, %sub3A_552 : vector<16xi32>
    %jit3A_554 = arith.constant 256 : i32
    %div3A_555 = vector.broadcast %jit3A_554 : i32 to vector<16xi32>
    %div3A_556 = arith.divsi %sub3A_387, %div3A_555 : vector<16xi32>
    %sign3A_557 = arith.constant 0 : i32
    %sign3A_558 = vector.broadcast %sign3A_557 : i32 to vector<16xi32>
    %sign3A_559 = arith.cmpi sgt, %sub3A_387, %sign3A_558 : vector<16xi32>
    %sign3A_560 = arith.extui %sign3A_559 : vector<16xi1> to vector<16xi32>
    %sign3A_561 = arith.constant 0 : i32
    %sign3A_562 = vector.broadcast %sign3A_561 : i32 to vector<16xi32>
    %sign3A_563 = arith.cmpi slt, %sub3A_387, %sign3A_562 : vector<16xi32>
    %sign3A_564 = arith.extui %sign3A_563 : vector<16xi1> to vector<16xi32>
    %sign3A_565 = arith.subi %sign3A_560, %sign3A_564 : vector<16xi32>
    %sign3A_566 = arith.constant 0 : i32
    %sign3A_567 = arith.cmpi sgt, %jit3A_554, %sign3A_566 : i32
    %sign3A_568 = arith.extui %sign3A_567 : i1 to i32
    %sign3A_569 = arith.constant 0 : i32
    %sign3A_570 = arith.cmpi slt, %jit3A_554, %sign3A_569 : i32
    %sign3A_571 = arith.extui %sign3A_570 : i1 to i32
    %sign3A_572 = arith.subi %sign3A_568, %sign3A_571 : i32
    %ne3A_573 = vector.broadcast %sign3A_572 : i32 to vector<16xi32>
    %ne3A_574 = arith.cmpi ne, %sign3A_565, %ne3A_573 : vector<16xi32>
    %rem3A_575 = vector.broadcast %jit3A_554 : i32 to vector<16xi32>
    %rem3A_576 = arith.remsi %sub3A_387, %rem3A_575 : vector<16xi32>
    %ne3A_577 = arith.constant 0 : i32
    %ne3A_578 = vector.broadcast %ne3A_577 : i32 to vector<16xi32>
    %ne3A_579 = arith.cmpi ne, %rem3A_576, %ne3A_578 : vector<16xi32>
    %and3A_580 = arith.andi %ne3A_574, %ne3A_579 : vector<16xi1>
    %sub3A_581 = arith.constant 1 : i32
    %sub3A_582 = vector.broadcast %sub3A_581 : i32 to vector<16xi32>
    %sub3A_583 = arith.subi %div3A_556, %sub3A_582 : vector<16xi32>
    %select_n3A_584 = arith.select %and3A_580, %sub3A_583, %div3A_556 : vector<16xi1>, vector<16xi32>
    %jit3A_585 = arith.constant -1 : i32
    %broadcast_in_dim3A_586 = vector.broadcast %jit3A_585 : i32 to vector<16xi32>
    %select_n3A_587 = arith.select %gt3A_542, %select_n3A_584, %broadcast_in_dim3A_586 : vector<16xi1>, vector<16xi32>
    %swap3A_588 = arith.constant 0 : index
    %swap3A_589 = tpu.vector_load %arg15[%swap3A_588] {strides = array<i32>} : memref<16xi32, #tpu.memory_space<vmem>>, vector<16xi32>,
    tpu.vector_store %arg15[%swap3A_588], %select_n3A_587 {strides = array<i32>} : memref<16xi32, #tpu.memory_space<vmem>>, vector<16xi32>,
    %jit3A_590 = arith.constant 3 : i32
    %eq3A_591 = arith.constant 0 : i32
    %eq3A_592 = arith.cmpi eq, %jit3A_590, %eq3A_591 : i32
    %jit3A_593 = arith.constant 1 : i32
    %select_n3A_594 = arith.select %eq3A_592, %jit3A_593, %jit3A_590 : i32
    %rem3A_595 = vector.broadcast %select_n3A_594 : i32 to vector<16xi32>
    %rem3A_596 = arith.remsi %sub3A_553, %rem3A_595 : vector<16xi32>
    %ne3A_597 = arith.constant 0 : i32
    %ne3A_598 = vector.broadcast %ne3A_597 : i32 to vector<16xi32>
    %ne3A_599 = arith.cmpi ne, %rem3A_596, %ne3A_598 : vector<16xi32>
    %lt3A_600 = arith.constant 0 : i32
    %lt3A_601 = vector.broadcast %lt3A_600 : i32 to vector<16xi32>
    %lt3A_602 = arith.cmpi slt, %rem3A_596, %lt3A_601 : vector<16xi32>
    %lt3A_603 = arith.constant 0 : i32
    %lt3A_604 = arith.cmpi slt, %select_n3A_594, %lt3A_603 : i32
    %ne3A_605 = vector.broadcast %lt3A_604 : i1 to vector<16xi1>
    %ne3A_606 = vector.broadcast %ne3A_605 : vector<16xi1> to vector<16xi1>
    %ne3A_607 = arith.xori %lt3A_602, %ne3A_606 : vector<16xi1>
    %and3A_608 = arith.andi %ne3A_607, %ne3A_599 : vector<16xi1>
    %add3A_609 = vector.broadcast %select_n3A_594 : i32 to vector<16xi32>
    %add3A_610 = arith.addi %rem3A_596, %add3A_609 : vector<16xi32>
    %select_n3A_611 = arith.select %and3A_608, %add3A_610, %rem3A_596 : vector<16xi1>, vector<16xi32>
    %jit3A_612 = arith.constant 0 : i32
    %broadcast_in_dim3A_613 = vector.broadcast %jit3A_612 : i32 to vector<16xi32>
    %select_n3A_614 = arith.select %gt3A_542, %select_n3A_611, %broadcast_in_dim3A_613 : vector<16xi1>, vector<16xi32>
    %swap3A_615 = arith.constant 0 : index
    %swap3A_616 = tpu.vector_load %arg16[%swap3A_615] {strides = array<i32>} : memref<16xi32, #tpu.memory_space<vmem>>, vector<16xi32>,
    tpu.vector_store %arg16[%swap3A_615], %select_n3A_614 {strides = array<i32>} : memref<16xi32, #tpu.memory_space<vmem>>, vector<16xi32>,
    %eq3A_617 = arith.constant 0 : i32
    %eq3A_618 = arith.cmpi eq, %add3A, %eq3A_617 : i32
    %convert_element_type3A = arith.extui %eq3A_618 : i1 to i32
    %cond3A = arith.constant 0 : i32
    %cond3A_619 = arith.cmpi ne, %convert_element_type3A, %cond3A : i32
    scf.if %cond3A_619 {
      "tpu.region"() ({
        %run_scoped3A_1432 = tpu.sem_alloc : memref<!tpu.dma_semaphore, #tpu.memory_space<semaphore_mem>>
        tpu.enqueue_dma source(%arg14 : memref<16xi32, #tpu.memory_space<vmem>>) target(%arg7 : memref<16xi32, #tpu.memory_space<hbm>>) target_semaphore(%run_scoped3A_1432 : memref<!tpu.dma_semaphore, #tpu.memory_space<semaphore_mem>>)
        tpu.wait_dma2 semaphore(%run_scoped3A_1432 : memref<!tpu.dma_semaphore, #tpu.memory_space<semaphore_mem>>) src(%arg14 : memref<16xi32, #tpu.memory_space<vmem>>) dst(%arg7 : memref<16xi32, #tpu.memory_space<hbm>>)
        tpu.yield
      }) : () -> ()
      "tpu.region"() ({
        %run_scoped3A_1432 = tpu.sem_alloc : memref<!tpu.dma_semaphore, #tpu.memory_space<semaphore_mem>>
        tpu.enqueue_dma source(%arg15 : memref<16xi32, #tpu.memory_space<vmem>>) target(%arg8 : memref<16xi32, #tpu.memory_space<hbm>>) target_semaphore(%run_scoped3A_1432 : memref<!tpu.dma_semaphore, #tpu.memory_space<semaphore_mem>>)
        tpu.wait_dma2 semaphore(%run_scoped3A_1432 : memref<!tpu.dma_semaphore, #tpu.memory_space<semaphore_mem>>) src(%arg15 : memref<16xi32, #tpu.memory_space<vmem>>) dst(%arg8 : memref<16xi32, #tpu.memory_space<hbm>>)
        tpu.yield
      }) : () -> ()
      "tpu.region"() ({
        %run_scoped3A_1432 = tpu.sem_alloc : memref<!tpu.dma_semaphore, #tpu.memory_space<semaphore_mem>>
        tpu.enqueue_dma source(%arg16 : memref<16xi32, #tpu.memory_space<vmem>>) target(%arg9 : memref<16xi32, #tpu.memory_space<hbm>>) target_semaphore(%run_scoped3A_1432 : memref<!tpu.dma_semaphore, #tpu.memory_space<semaphore_mem>>)
        tpu.wait_dma2 semaphore(%run_scoped3A_1432 : memref<!tpu.dma_semaphore, #tpu.memory_space<semaphore_mem>>) src(%arg16 : memref<16xi32, #tpu.memory_space<vmem>>) dst(%arg9 : memref<16xi32, #tpu.memory_space<hbm>>)
        tpu.yield
      }) : () -> ()
    } else {
    }
    %eq3A_620 = arith.constant 0 : i32
    %eq3A_621 = vector.broadcast %eq3A_620 : i32 to vector<16xi32>
    %eq3A_622 = arith.cmpi eq, %iota3A, %eq3A_621 : vector<16xi32>
    %jit3A_623 = arith.constant 0 : i32
    %broadcast_in_dim3A_624 = vector.broadcast %jit3A_623 : i32 to vector<16xi32>
    %select_n3A_625 = arith.select %eq3A_622, %add3A_388, %broadcast_in_dim3A_624 : vector<16xi1>, vector<16xi32>
    %reduce_sum3A_626 = arith.constant true
    %reduce_sum3A_627 = vector.broadcast %reduce_sum3A_626 : i1 to vector<16xi1>
    %reduce_sum3A_628 = tpu.scan <sum>, %select_n3A_625 masked %reduce_sum3A_627 : vector<16xi32>, vector<16xi1> -> vector<16xi32>
    %reduce_sum3A_629 = vector.extract %reduce_sum3A_628[15] : i32 from vector<16xi32>
    %eq3A_630 = arith.constant 1 : i32
    %eq3A_631 = vector.broadcast %eq3A_630 : i32 to vector<16xi32>
    %eq3A_632 = arith.cmpi eq, %iota3A, %eq3A_631 : vector<16xi32>
    %jit3A_633 = arith.constant 0 : i32
    %broadcast_in_dim3A_634 = vector.broadcast %jit3A_633 : i32 to vector<16xi32>
    %select_n3A_635 = arith.select %eq3A_632, %add3A_388, %broadcast_in_dim3A_634 : vector<16xi1>, vector<16xi32>
    %reduce_sum3A_636 = arith.constant true
    %reduce_sum3A_637 = vector.broadcast %reduce_sum3A_636 : i1 to vector<16xi1>
    %reduce_sum3A_638 = tpu.scan <sum>, %select_n3A_635 masked %reduce_sum3A_637 : vector<16xi32>, vector<16xi1> -> vector<16xi32>
    %reduce_sum3A_639 = vector.extract %reduce_sum3A_638[15] : i32 from vector<16xi32>
    %eq3A_640 = arith.constant 2 : i32
    %eq3A_641 = vector.broadcast %eq3A_640 : i32 to vector<16xi32>
    %eq3A_642 = arith.cmpi eq, %iota3A, %eq3A_641 : vector<16xi32>
    %jit3A_643 = arith.constant 0 : i32
    %broadcast_in_dim3A_644 = vector.broadcast %jit3A_643 : i32 to vector<16xi32>
    %select_n3A_645 = arith.select %eq3A_642, %add3A_388, %broadcast_in_dim3A_644 : vector<16xi1>, vector<16xi32>
    %reduce_sum3A_646 = arith.constant true
    %reduce_sum3A_647 = vector.broadcast %reduce_sum3A_646 : i1 to vector<16xi1>
    %reduce_sum3A_648 = tpu.scan <sum>, %select_n3A_645 masked %reduce_sum3A_647 : vector<16xi32>, vector<16xi1> -> vector<16xi32>
    %reduce_sum3A_649 = vector.extract %reduce_sum3A_648[15] : i32 from vector<16xi32>
    %eq3A_650 = arith.constant 3 : i32
    %eq3A_651 = vector.broadcast %eq3A_650 : i32 to vector<16xi32>
    %eq3A_652 = arith.cmpi eq, %iota3A, %eq3A_651 : vector<16xi32>
    %jit3A_653 = arith.constant 0 : i32
    %broadcast_in_dim3A_654 = vector.broadcast %jit3A_653 : i32 to vector<16xi32>
    %select_n3A_655 = arith.select %eq3A_652, %add3A_388, %broadcast_in_dim3A_654 : vector<16xi1>, vector<16xi32>
    %reduce_sum3A_656 = arith.constant true
    %reduce_sum3A_657 = vector.broadcast %reduce_sum3A_656 : i1 to vector<16xi1>
    %reduce_sum3A_658 = tpu.scan <sum>, %select_n3A_655 masked %reduce_sum3A_657 : vector<16xi32>, vector<16xi1> -> vector<16xi32>
    %reduce_sum3A_659 = vector.extract %reduce_sum3A_658[15] : i32 from vector<16xi32>
    %eq3A_660 = arith.constant 4 : i32
    %eq3A_661 = vector.broadcast %eq3A_660 : i32 to vector<16xi32>
    %eq3A_662 = arith.cmpi eq, %iota3A, %eq3A_661 : vector<16xi32>
    %jit3A_663 = arith.constant 0 : i32
    %broadcast_in_dim3A_664 = vector.broadcast %jit3A_663 : i32 to vector<16xi32>
    %select_n3A_665 = arith.select %eq3A_662, %add3A_388, %broadcast_in_dim3A_664 : vector<16xi1>, vector<16xi32>
    %reduce_sum3A_666 = arith.constant true
    %reduce_sum3A_667 = vector.broadcast %reduce_sum3A_666 : i1 to vector<16xi1>
    %reduce_sum3A_668 = tpu.scan <sum>, %select_n3A_665 masked %reduce_sum3A_667 : vector<16xi32>, vector<16xi1> -> vector<16xi32>
    %reduce_sum3A_669 = vector.extract %reduce_sum3A_668[15] : i32 from vector<16xi32>
    %eq3A_670 = arith.constant 5 : i32
    %eq3A_671 = vector.broadcast %eq3A_670 : i32 to vector<16xi32>
    %eq3A_672 = arith.cmpi eq, %iota3A, %eq3A_671 : vector<16xi32>
    %jit3A_673 = arith.constant 0 : i32
    %broadcast_in_dim3A_674 = vector.broadcast %jit3A_673 : i32 to vector<16xi32>
    %select_n3A_675 = arith.select %eq3A_672, %add3A_388, %broadcast_in_dim3A_674 : vector<16xi1>, vector<16xi32>
    %reduce_sum3A_676 = arith.constant true
    %reduce_sum3A_677 = vector.broadcast %reduce_sum3A_676 : i1 to vector<16xi1>
    %reduce_sum3A_678 = tpu.scan <sum>, %select_n3A_675 masked %reduce_sum3A_677 : vector<16xi32>, vector<16xi1> -> vector<16xi32>
    %reduce_sum3A_679 = vector.extract %reduce_sum3A_678[15] : i32 from vector<16xi32>
    %eq3A_680 = arith.constant 6 : i32
    %eq3A_681 = vector.broadcast %eq3A_680 : i32 to vector<16xi32>
    %eq3A_682 = arith.cmpi eq, %iota3A, %eq3A_681 : vector<16xi32>
    %jit3A_683 = arith.constant 0 : i32
    %broadcast_in_dim3A_684 = vector.broadcast %jit3A_683 : i32 to vector<16xi32>
    %select_n3A_685 = arith.select %eq3A_682, %add3A_388, %broadcast_in_dim3A_684 : vector<16xi1>, vector<16xi32>
    %reduce_sum3A_686 = arith.constant true
    %reduce_sum3A_687 = vector.broadcast %reduce_sum3A_686 : i1 to vector<16xi1>
    %reduce_sum3A_688 = tpu.scan <sum>, %select_n3A_685 masked %reduce_sum3A_687 : vector<16xi32>, vector<16xi1> -> vector<16xi32>
    %reduce_sum3A_689 = vector.extract %reduce_sum3A_688[15] : i32 from vector<16xi32>
    %eq3A_690 = arith.constant 7 : i32
    %eq3A_691 = vector.broadcast %eq3A_690 : i32 to vector<16xi32>
    %eq3A_692 = arith.cmpi eq, %iota3A, %eq3A_691 : vector<16xi32>
    %jit3A_693 = arith.constant 0 : i32
    %broadcast_in_dim3A_694 = vector.broadcast %jit3A_693 : i32 to vector<16xi32>
    %select_n3A_695 = arith.select %eq3A_692, %add3A_388, %broadcast_in_dim3A_694 : vector<16xi1>, vector<16xi32>
    %reduce_sum3A_696 = arith.constant true
    %reduce_sum3A_697 = vector.broadcast %reduce_sum3A_696 : i1 to vector<16xi1>
    %reduce_sum3A_698 = tpu.scan <sum>, %select_n3A_695 masked %reduce_sum3A_697 : vector<16xi32>, vector<16xi1> -> vector<16xi32>
    %reduce_sum3A_699 = vector.extract %reduce_sum3A_698[15] : i32 from vector<16xi32>
    %get3A_700 = arith.constant 0 : index
    %get3A_701 = tpu.vector_load %arg10[%get3A_700] {strides = array<i32>} : memref<64xi32, #tpu.memory_space<vmem>>, vector<16xi32>,
    %broadcast_in_dim3A_702 = arith.constant 0 : i32
    %broadcast_in_dim3A_703 = vector.broadcast %broadcast_in_dim3A_702 : i32 to vector<16xi32>
    %eq3A_704 = arith.constant 0 : i32
    %eq3A_705 = vector.broadcast %eq3A_704 : i32 to vector<16xi32>
    %eq3A_706 = arith.cmpi eq, %get3A_701, %eq3A_705 : vector<16xi32>
    %jit3A_707 = arith.constant 1 : i32
    %jit3A_708 = arith.constant 0 : i32
    %broadcast_in_dim3A_709 = vector.broadcast %jit3A_707 : i32 to vector<16xi32>
    %broadcast_in_dim3A_710 = vector.broadcast %jit3A_708 : i32 to vector<16xi32>
    %select_n3A_711 = arith.select %eq3A_706, %broadcast_in_dim3A_709, %broadcast_in_dim3A_710 : vector<16xi1>, vector<16xi32>
    %broadcast_in_dim3A_712 = arith.constant true
    %broadcast_in_dim3A_713 = vector.broadcast %broadcast_in_dim3A_712 : i1 to vector<16xi1>
    %masked_cumsum3A_714 = tpu.scan <sum>, %select_n3A_711 masked %broadcast_in_dim3A_713 : vector<16xi32>, vector<16xi1> -> vector<16xi32>
    %add3A_715 = vector.broadcast %reduce_sum3A_629 : i32 to vector<16xi32>
    %add3A_716 = arith.addi %add3A_715, %masked_cumsum3A_714 : vector<16xi32>
    %sub3A_717 = arith.constant 1 : i32
    %sub3A_718 = vector.broadcast %sub3A_717 : i32 to vector<16xi32>
    %sub3A_719 = arith.subi %add3A_716, %sub3A_718 : vector<16xi32>
    %select_n3A_720 = arith.select %eq3A_706, %sub3A_719, %broadcast_in_dim3A_703 : vector<16xi1>, vector<16xi32>
    %reduce_sum3A_721 = arith.constant true
    %reduce_sum3A_722 = vector.broadcast %reduce_sum3A_721 : i1 to vector<16xi1>
    %reduce_sum3A_723 = tpu.scan <sum>, %select_n3A_711 masked %reduce_sum3A_722 : vector<16xi32>, vector<16xi1> -> vector<16xi32>
    %reduce_sum3A_724 = vector.extract %reduce_sum3A_723[15] : i32 from vector<16xi32>
    %add3A_725 = arith.addi %reduce_sum3A_629, %reduce_sum3A_724 : i32
    %eq3A_726 = arith.constant 1 : i32
    %eq3A_727 = vector.broadcast %eq3A_726 : i32 to vector<16xi32>
    %eq3A_728 = arith.cmpi eq, %get3A_701, %eq3A_727 : vector<16xi32>
    %jit3A_729 = arith.constant 1 : i32
    %jit3A_730 = arith.constant 0 : i32
    %broadcast_in_dim3A_731 = vector.broadcast %jit3A_729 : i32 to vector<16xi32>
    %broadcast_in_dim3A_732 = vector.broadcast %jit3A_730 : i32 to vector<16xi32>
    %select_n3A_733 = arith.select %eq3A_728, %broadcast_in_dim3A_731, %broadcast_in_dim3A_732 : vector<16xi1>, vector<16xi32>
    %broadcast_in_dim3A_734 = arith.constant true
    %broadcast_in_dim3A_735 = vector.broadcast %broadcast_in_dim3A_734 : i1 to vector<16xi1>
    %masked_cumsum3A_736 = tpu.scan <sum>, %select_n3A_733 masked %broadcast_in_dim3A_735 : vector<16xi32>, vector<16xi1> -> vector<16xi32>
    %add3A_737 = vector.broadcast %reduce_sum3A_639 : i32 to vector<16xi32>
    %add3A_738 = arith.addi %add3A_737, %masked_cumsum3A_736 : vector<16xi32>
    %sub3A_739 = arith.constant 1 : i32
    %sub3A_740 = vector.broadcast %sub3A_739 : i32 to vector<16xi32>
    %sub3A_741 = arith.subi %add3A_738, %sub3A_740 : vector<16xi32>
    %select_n3A_742 = arith.select %eq3A_728, %sub3A_741, %select_n3A_720 : vector<16xi1>, vector<16xi32>
    %reduce_sum3A_743 = arith.constant true
    %reduce_sum3A_744 = vector.broadcast %reduce_sum3A_743 : i1 to vector<16xi1>
    %reduce_sum3A_745 = tpu.scan <sum>, %select_n3A_733 masked %reduce_sum3A_744 : vector<16xi32>, vector<16xi1> -> vector<16xi32>
    %reduce_sum3A_746 = vector.extract %reduce_sum3A_745[15] : i32 from vector<16xi32>
    %add3A_747 = arith.addi %reduce_sum3A_639, %reduce_sum3A_746 : i32
    %eq3A_748 = arith.constant 2 : i32
    %eq3A_749 = vector.broadcast %eq3A_748 : i32 to vector<16xi32>
    %eq3A_750 = arith.cmpi eq, %get3A_701, %eq3A_749 : vector<16xi32>
    %jit3A_751 = arith.constant 1 : i32
    %jit3A_752 = arith.constant 0 : i32
    %broadcast_in_dim3A_753 = vector.broadcast %jit3A_751 : i32 to vector<16xi32>
    %broadcast_in_dim3A_754 = vector.broadcast %jit3A_752 : i32 to vector<16xi32>
    %select_n3A_755 = arith.select %eq3A_750, %broadcast_in_dim3A_753, %broadcast_in_dim3A_754 : vector<16xi1>, vector<16xi32>
    %broadcast_in_dim3A_756 = arith.constant true
    %broadcast_in_dim3A_757 = vector.broadcast %broadcast_in_dim3A_756 : i1 to vector<16xi1>
    %masked_cumsum3A_758 = tpu.scan <sum>, %select_n3A_755 masked %broadcast_in_dim3A_757 : vector<16xi32>, vector<16xi1> -> vector<16xi32>
    %add3A_759 = vector.broadcast %reduce_sum3A_649 : i32 to vector<16xi32>
    %add3A_760 = arith.addi %add3A_759, %masked_cumsum3A_758 : vector<16xi32>
    %sub3A_761 = arith.constant 1 : i32
    %sub3A_762 = vector.broadcast %sub3A_761 : i32 to vector<16xi32>
    %sub3A_763 = arith.subi %add3A_760, %sub3A_762 : vector<16xi32>
    %select_n3A_764 = arith.select %eq3A_750, %sub3A_763, %select_n3A_742 : vector<16xi1>, vector<16xi32>
    %reduce_sum3A_765 = arith.constant true
    %reduce_sum3A_766 = vector.broadcast %reduce_sum3A_765 : i1 to vector<16xi1>
    %reduce_sum3A_767 = tpu.scan <sum>, %select_n3A_755 masked %reduce_sum3A_766 : vector<16xi32>, vector<16xi1> -> vector<16xi32>
    %reduce_sum3A_768 = vector.extract %reduce_sum3A_767[15] : i32 from vector<16xi32>
    %add3A_769 = arith.addi %reduce_sum3A_649, %reduce_sum3A_768 : i32
    %eq3A_770 = arith.constant 3 : i32
    %eq3A_771 = vector.broadcast %eq3A_770 : i32 to vector<16xi32>
    %eq3A_772 = arith.cmpi eq, %get3A_701, %eq3A_771 : vector<16xi32>
    %jit3A_773 = arith.constant 1 : i32
    %jit3A_774 = arith.constant 0 : i32
    %broadcast_in_dim3A_775 = vector.broadcast %jit3A_773 : i32 to vector<16xi32>
    %broadcast_in_dim3A_776 = vector.broadcast %jit3A_774 : i32 to vector<16xi32>
    %select_n3A_777 = arith.select %eq3A_772, %broadcast_in_dim3A_775, %broadcast_in_dim3A_776 : vector<16xi1>, vector<16xi32>
    %broadcast_in_dim3A_778 = arith.constant true
    %broadcast_in_dim3A_779 = vector.broadcast %broadcast_in_dim3A_778 : i1 to vector<16xi1>
    %masked_cumsum3A_780 = tpu.scan <sum>, %select_n3A_777 masked %broadcast_in_dim3A_779 : vector<16xi32>, vector<16xi1> -> vector<16xi32>
    %add3A_781 = vector.broadcast %reduce_sum3A_659 : i32 to vector<16xi32>
    %add3A_782 = arith.addi %add3A_781, %masked_cumsum3A_780 : vector<16xi32>
    %sub3A_783 = arith.constant 1 : i32
    %sub3A_784 = vector.broadcast %sub3A_783 : i32 to vector<16xi32>
    %sub3A_785 = arith.subi %add3A_782, %sub3A_784 : vector<16xi32>
    %select_n3A_786 = arith.select %eq3A_772, %sub3A_785, %select_n3A_764 : vector<16xi1>, vector<16xi32>
    %reduce_sum3A_787 = arith.constant true
    %reduce_sum3A_788 = vector.broadcast %reduce_sum3A_787 : i1 to vector<16xi1>
    %reduce_sum3A_789 = tpu.scan <sum>, %select_n3A_777 masked %reduce_sum3A_788 : vector<16xi32>, vector<16xi1> -> vector<16xi32>
    %reduce_sum3A_790 = vector.extract %reduce_sum3A_789[15] : i32 from vector<16xi32>
    %add3A_791 = arith.addi %reduce_sum3A_659, %reduce_sum3A_790 : i32
    %eq3A_792 = arith.constant 4 : i32
    %eq3A_793 = vector.broadcast %eq3A_792 : i32 to vector<16xi32>
    %eq3A_794 = arith.cmpi eq, %get3A_701, %eq3A_793 : vector<16xi32>
    %jit3A_795 = arith.constant 1 : i32
    %jit3A_796 = arith.constant 0 : i32
    %broadcast_in_dim3A_797 = vector.broadcast %jit3A_795 : i32 to vector<16xi32>
    %broadcast_in_dim3A_798 = vector.broadcast %jit3A_796 : i32 to vector<16xi32>
    %select_n3A_799 = arith.select %eq3A_794, %broadcast_in_dim3A_797, %broadcast_in_dim3A_798 : vector<16xi1>, vector<16xi32>
    %broadcast_in_dim3A_800 = arith.constant true
    %broadcast_in_dim3A_801 = vector.broadcast %broadcast_in_dim3A_800 : i1 to vector<16xi1>
    %masked_cumsum3A_802 = tpu.scan <sum>, %select_n3A_799 masked %broadcast_in_dim3A_801 : vector<16xi32>, vector<16xi1> -> vector<16xi32>
    %add3A_803 = vector.broadcast %reduce_sum3A_669 : i32 to vector<16xi32>
    %add3A_804 = arith.addi %add3A_803, %masked_cumsum3A_802 : vector<16xi32>
    %sub3A_805 = arith.constant 1 : i32
    %sub3A_806 = vector.broadcast %sub3A_805 : i32 to vector<16xi32>
    %sub3A_807 = arith.subi %add3A_804, %sub3A_806 : vector<16xi32>
    %select_n3A_808 = arith.select %eq3A_794, %sub3A_807, %select_n3A_786 : vector<16xi1>, vector<16xi32>
    %reduce_sum3A_809 = arith.constant true
    %reduce_sum3A_810 = vector.broadcast %reduce_sum3A_809 : i1 to vector<16xi1>
    %reduce_sum3A_811 = tpu.scan <sum>, %select_n3A_799 masked %reduce_sum3A_810 : vector<16xi32>, vector<16xi1> -> vector<16xi32>
    %reduce_sum3A_812 = vector.extract %reduce_sum3A_811[15] : i32 from vector<16xi32>
    %add3A_813 = arith.addi %reduce_sum3A_669, %reduce_sum3A_812 : i32
    %eq3A_814 = arith.constant 5 : i32
    %eq3A_815 = vector.broadcast %eq3A_814 : i32 to vector<16xi32>
    %eq3A_816 = arith.cmpi eq, %get3A_701, %eq3A_815 : vector<16xi32>
    %jit3A_817 = arith.constant 1 : i32
    %jit3A_818 = arith.constant 0 : i32
    %broadcast_in_dim3A_819 = vector.broadcast %jit3A_817 : i32 to vector<16xi32>
    %broadcast_in_dim3A_820 = vector.broadcast %jit3A_818 : i32 to vector<16xi32>
    %select_n3A_821 = arith.select %eq3A_816, %broadcast_in_dim3A_819, %broadcast_in_dim3A_820 : vector<16xi1>, vector<16xi32>
    %broadcast_in_dim3A_822 = arith.constant true
    %broadcast_in_dim3A_823 = vector.broadcast %broadcast_in_dim3A_822 : i1 to vector<16xi1>
    %masked_cumsum3A_824 = tpu.scan <sum>, %select_n3A_821 masked %broadcast_in_dim3A_823 : vector<16xi32>, vector<16xi1> -> vector<16xi32>
    %add3A_825 = vector.broadcast %reduce_sum3A_679 : i32 to vector<16xi32>
    %add3A_826 = arith.addi %add3A_825, %masked_cumsum3A_824 : vector<16xi32>
    %sub3A_827 = arith.constant 1 : i32
    %sub3A_828 = vector.broadcast %sub3A_827 : i32 to vector<16xi32>
    %sub3A_829 = arith.subi %add3A_826, %sub3A_828 : vector<16xi32>
    %select_n3A_830 = arith.select %eq3A_816, %sub3A_829, %select_n3A_808 : vector<16xi1>, vector<16xi32>
    %reduce_sum3A_831 = arith.constant true
    %reduce_sum3A_832 = vector.broadcast %reduce_sum3A_831 : i1 to vector<16xi1>
    %reduce_sum3A_833 = tpu.scan <sum>, %select_n3A_821 masked %reduce_sum3A_832 : vector<16xi32>, vector<16xi1> -> vector<16xi32>
    %reduce_sum3A_834 = vector.extract %reduce_sum3A_833[15] : i32 from vector<16xi32>
    %add3A_835 = arith.addi %reduce_sum3A_679, %reduce_sum3A_834 : i32
    %eq3A_836 = arith.constant 6 : i32
    %eq3A_837 = vector.broadcast %eq3A_836 : i32 to vector<16xi32>
    %eq3A_838 = arith.cmpi eq, %get3A_701, %eq3A_837 : vector<16xi32>
    %jit3A_839 = arith.constant 1 : i32
    %jit3A_840 = arith.constant 0 : i32
    %broadcast_in_dim3A_841 = vector.broadcast %jit3A_839 : i32 to vector<16xi32>
    %broadcast_in_dim3A_842 = vector.broadcast %jit3A_840 : i32 to vector<16xi32>
    %select_n3A_843 = arith.select %eq3A_838, %broadcast_in_dim3A_841, %broadcast_in_dim3A_842 : vector<16xi1>, vector<16xi32>
    %broadcast_in_dim3A_844 = arith.constant true
    %broadcast_in_dim3A_845 = vector.broadcast %broadcast_in_dim3A_844 : i1 to vector<16xi1>
    %masked_cumsum3A_846 = tpu.scan <sum>, %select_n3A_843 masked %broadcast_in_dim3A_845 : vector<16xi32>, vector<16xi1> -> vector<16xi32>
    %add3A_847 = vector.broadcast %reduce_sum3A_689 : i32 to vector<16xi32>
    %add3A_848 = arith.addi %add3A_847, %masked_cumsum3A_846 : vector<16xi32>
    %sub3A_849 = arith.constant 1 : i32
    %sub3A_850 = vector.broadcast %sub3A_849 : i32 to vector<16xi32>
    %sub3A_851 = arith.subi %add3A_848, %sub3A_850 : vector<16xi32>
    %select_n3A_852 = arith.select %eq3A_838, %sub3A_851, %select_n3A_830 : vector<16xi1>, vector<16xi32>
    %reduce_sum3A_853 = arith.constant true
    %reduce_sum3A_854 = vector.broadcast %reduce_sum3A_853 : i1 to vector<16xi1>
    %reduce_sum3A_855 = tpu.scan <sum>, %select_n3A_843 masked %reduce_sum3A_854 : vector<16xi32>, vector<16xi1> -> vector<16xi32>
    %reduce_sum3A_856 = vector.extract %reduce_sum3A_855[15] : i32 from vector<16xi32>
    %add3A_857 = arith.addi %reduce_sum3A_689, %reduce_sum3A_856 : i32
    %eq3A_858 = arith.constant 7 : i32
    %eq3A_859 = vector.broadcast %eq3A_858 : i32 to vector<16xi32>
    %eq3A_860 = arith.cmpi eq, %get3A_701, %eq3A_859 : vector<16xi32>
    %jit3A_861 = arith.constant 1 : i32
    %jit3A_862 = arith.constant 0 : i32
    %broadcast_in_dim3A_863 = vector.broadcast %jit3A_861 : i32 to vector<16xi32>
    %broadcast_in_dim3A_864 = vector.broadcast %jit3A_862 : i32 to vector<16xi32>
    %select_n3A_865 = arith.select %eq3A_860, %broadcast_in_dim3A_863, %broadcast_in_dim3A_864 : vector<16xi1>, vector<16xi32>
    %broadcast_in_dim3A_866 = arith.constant true
    %broadcast_in_dim3A_867 = vector.broadcast %broadcast_in_dim3A_866 : i1 to vector<16xi1>
    %masked_cumsum3A_868 = tpu.scan <sum>, %select_n3A_865 masked %broadcast_in_dim3A_867 : vector<16xi32>, vector<16xi1> -> vector<16xi32>
    %add3A_869 = vector.broadcast %reduce_sum3A_699 : i32 to vector<16xi32>
    %add3A_870 = arith.addi %add3A_869, %masked_cumsum3A_868 : vector<16xi32>
    %sub3A_871 = arith.constant 1 : i32
    %sub3A_872 = vector.broadcast %sub3A_871 : i32 to vector<16xi32>
    %sub3A_873 = arith.subi %add3A_870, %sub3A_872 : vector<16xi32>
    %select_n3A_874 = arith.select %eq3A_860, %sub3A_873, %select_n3A_852 : vector<16xi1>, vector<16xi32>
    %reduce_sum3A_875 = arith.constant true
    %reduce_sum3A_876 = vector.broadcast %reduce_sum3A_875 : i1 to vector<16xi1>
    %reduce_sum3A_877 = tpu.scan <sum>, %select_n3A_865 masked %reduce_sum3A_876 : vector<16xi32>, vector<16xi1> -> vector<16xi32>
    %reduce_sum3A_878 = vector.extract %reduce_sum3A_877[15] : i32 from vector<16xi32>
    %add3A_879 = arith.addi %reduce_sum3A_699, %reduce_sum3A_878 : i32
    %swap3A_880 = arith.constant 0 : index
    %swap3A_881 = tpu.vector_load %arg12[%swap3A_880] {strides = array<i32>} : memref<64xi32, #tpu.memory_space<vmem>>, vector<16xi32>,
    tpu.vector_store %arg12[%swap3A_880], %select_n3A_874 {strides = array<i32>} : memref<64xi32, #tpu.memory_space<vmem>>, vector<16xi32>,
    %get3A_882 = arith.constant 16 : index
    %get3A_883 = tpu.vector_load %arg10[%get3A_882] {strides = array<i32>} : memref<64xi32, #tpu.memory_space<vmem>>, vector<16xi32>,
    %broadcast_in_dim3A_884 = arith.constant 0 : i32
    %broadcast_in_dim3A_885 = vector.broadcast %broadcast_in_dim3A_884 : i32 to vector<16xi32>
    %eq3A_886 = arith.constant 0 : i32
    %eq3A_887 = vector.broadcast %eq3A_886 : i32 to vector<16xi32>
    %eq3A_888 = arith.cmpi eq, %get3A_883, %eq3A_887 : vector<16xi32>
    %jit3A_889 = arith.constant 1 : i32
    %jit3A_890 = arith.constant 0 : i32
    %broadcast_in_dim3A_891 = vector.broadcast %jit3A_889 : i32 to vector<16xi32>
    %broadcast_in_dim3A_892 = vector.broadcast %jit3A_890 : i32 to vector<16xi32>
    %select_n3A_893 = arith.select %eq3A_888, %broadcast_in_dim3A_891, %broadcast_in_dim3A_892 : vector<16xi1>, vector<16xi32>
    %broadcast_in_dim3A_894 = arith.constant true
    %broadcast_in_dim3A_895 = vector.broadcast %broadcast_in_dim3A_894 : i1 to vector<16xi1>
    %masked_cumsum3A_896 = tpu.scan <sum>, %select_n3A_893 masked %broadcast_in_dim3A_895 : vector<16xi32>, vector<16xi1> -> vector<16xi32>
    %add3A_897 = vector.broadcast %add3A_725 : i32 to vector<16xi32>
    %add3A_898 = arith.addi %add3A_897, %masked_cumsum3A_896 : vector<16xi32>
    %sub3A_899 = arith.constant 1 : i32
    %sub3A_900 = vector.broadcast %sub3A_899 : i32 to vector<16xi32>
    %sub3A_901 = arith.subi %add3A_898, %sub3A_900 : vector<16xi32>
    %select_n3A_902 = arith.select %eq3A_888, %sub3A_901, %broadcast_in_dim3A_885 : vector<16xi1>, vector<16xi32>
    %reduce_sum3A_903 = arith.constant true
    %reduce_sum3A_904 = vector.broadcast %reduce_sum3A_903 : i1 to vector<16xi1>
    %reduce_sum3A_905 = tpu.scan <sum>, %select_n3A_893 masked %reduce_sum3A_904 : vector<16xi32>, vector<16xi1> -> vector<16xi32>
    %reduce_sum3A_906 = vector.extract %reduce_sum3A_905[15] : i32 from vector<16xi32>
    %add3A_907 = arith.addi %add3A_725, %reduce_sum3A_906 : i32
    %eq3A_908 = arith.constant 1 : i32
    %eq3A_909 = vector.broadcast %eq3A_908 : i32 to vector<16xi32>
    %eq3A_910 = arith.cmpi eq, %get3A_883, %eq3A_909 : vector<16xi32>
    %jit3A_911 = arith.constant 1 : i32
    %jit3A_912 = arith.constant 0 : i32
    %broadcast_in_dim3A_913 = vector.broadcast %jit3A_911 : i32 to vector<16xi32>
    %broadcast_in_dim3A_914 = vector.broadcast %jit3A_912 : i32 to vector<16xi32>
    %select_n3A_915 = arith.select %eq3A_910, %broadcast_in_dim3A_913, %broadcast_in_dim3A_914 : vector<16xi1>, vector<16xi32>
    %broadcast_in_dim3A_916 = arith.constant true
    %broadcast_in_dim3A_917 = vector.broadcast %broadcast_in_dim3A_916 : i1 to vector<16xi1>
    %masked_cumsum3A_918 = tpu.scan <sum>, %select_n3A_915 masked %broadcast_in_dim3A_917 : vector<16xi32>, vector<16xi1> -> vector<16xi32>
    %add3A_919 = vector.broadcast %add3A_747 : i32 to vector<16xi32>
    %add3A_920 = arith.addi %add3A_919, %masked_cumsum3A_918 : vector<16xi32>
    %sub3A_921 = arith.constant 1 : i32
    %sub3A_922 = vector.broadcast %sub3A_921 : i32 to vector<16xi32>
    %sub3A_923 = arith.subi %add3A_920, %sub3A_922 : vector<16xi32>
    %select_n3A_924 = arith.select %eq3A_910, %sub3A_923, %select_n3A_902 : vector<16xi1>, vector<16xi32>
    %reduce_sum3A_925 = arith.constant true
    %reduce_sum3A_926 = vector.broadcast %reduce_sum3A_925 : i1 to vector<16xi1>
    %reduce_sum3A_927 = tpu.scan <sum>, %select_n3A_915 masked %reduce_sum3A_926 : vector<16xi32>, vector<16xi1> -> vector<16xi32>
    %reduce_sum3A_928 = vector.extract %reduce_sum3A_927[15] : i32 from vector<16xi32>
    %add3A_929 = arith.addi %add3A_747, %reduce_sum3A_928 : i32
    %eq3A_930 = arith.constant 2 : i32
    %eq3A_931 = vector.broadcast %eq3A_930 : i32 to vector<16xi32>
    %eq3A_932 = arith.cmpi eq, %get3A_883, %eq3A_931 : vector<16xi32>
    %jit3A_933 = arith.constant 1 : i32
    %jit3A_934 = arith.constant 0 : i32
    %broadcast_in_dim3A_935 = vector.broadcast %jit3A_933 : i32 to vector<16xi32>
    %broadcast_in_dim3A_936 = vector.broadcast %jit3A_934 : i32 to vector<16xi32>
    %select_n3A_937 = arith.select %eq3A_932, %broadcast_in_dim3A_935, %broadcast_in_dim3A_936 : vector<16xi1>, vector<16xi32>
    %broadcast_in_dim3A_938 = arith.constant true
    %broadcast_in_dim3A_939 = vector.broadcast %broadcast_in_dim3A_938 : i1 to vector<16xi1>
    %masked_cumsum3A_940 = tpu.scan <sum>, %select_n3A_937 masked %broadcast_in_dim3A_939 : vector<16xi32>, vector<16xi1> -> vector<16xi32>
    %add3A_941 = vector.broadcast %add3A_769 : i32 to vector<16xi32>
    %add3A_942 = arith.addi %add3A_941, %masked_cumsum3A_940 : vector<16xi32>
    %sub3A_943 = arith.constant 1 : i32
    %sub3A_944 = vector.broadcast %sub3A_943 : i32 to vector<16xi32>
    %sub3A_945 = arith.subi %add3A_942, %sub3A_944 : vector<16xi32>
    %select_n3A_946 = arith.select %eq3A_932, %sub3A_945, %select_n3A_924 : vector<16xi1>, vector<16xi32>
    %reduce_sum3A_947 = arith.constant true
    %reduce_sum3A_948 = vector.broadcast %reduce_sum3A_947 : i1 to vector<16xi1>
    %reduce_sum3A_949 = tpu.scan <sum>, %select_n3A_937 masked %reduce_sum3A_948 : vector<16xi32>, vector<16xi1> -> vector<16xi32>
    %reduce_sum3A_950 = vector.extract %reduce_sum3A_949[15] : i32 from vector<16xi32>
    %add3A_951 = arith.addi %add3A_769, %reduce_sum3A_950 : i32
    %eq3A_952 = arith.constant 3 : i32
    %eq3A_953 = vector.broadcast %eq3A_952 : i32 to vector<16xi32>
    %eq3A_954 = arith.cmpi eq, %get3A_883, %eq3A_953 : vector<16xi32>
    %jit3A_955 = arith.constant 1 : i32
    %jit3A_956 = arith.constant 0 : i32
    %broadcast_in_dim3A_957 = vector.broadcast %jit3A_955 : i32 to vector<16xi32>
    %broadcast_in_dim3A_958 = vector.broadcast %jit3A_956 : i32 to vector<16xi32>
    %select_n3A_959 = arith.select %eq3A_954, %broadcast_in_dim3A_957, %broadcast_in_dim3A_958 : vector<16xi1>, vector<16xi32>
    %broadcast_in_dim3A_960 = arith.constant true
    %broadcast_in_dim3A_961 = vector.broadcast %broadcast_in_dim3A_960 : i1 to vector<16xi1>
    %masked_cumsum3A_962 = tpu.scan <sum>, %select_n3A_959 masked %broadcast_in_dim3A_961 : vector<16xi32>, vector<16xi1> -> vector<16xi32>
    %add3A_963 = vector.broadcast %add3A_791 : i32 to vector<16xi32>
    %add3A_964 = arith.addi %add3A_963, %masked_cumsum3A_962 : vector<16xi32>
    %sub3A_965 = arith.constant 1 : i32
    %sub3A_966 = vector.broadcast %sub3A_965 : i32 to vector<16xi32>
    %sub3A_967 = arith.subi %add3A_964, %sub3A_966 : vector<16xi32>
    %select_n3A_968 = arith.select %eq3A_954, %sub3A_967, %select_n3A_946 : vector<16xi1>, vector<16xi32>
    %reduce_sum3A_969 = arith.constant true
    %reduce_sum3A_970 = vector.broadcast %reduce_sum3A_969 : i1 to vector<16xi1>
    %reduce_sum3A_971 = tpu.scan <sum>, %select_n3A_959 masked %reduce_sum3A_970 : vector<16xi32>, vector<16xi1> -> vector<16xi32>
    %reduce_sum3A_972 = vector.extract %reduce_sum3A_971[15] : i32 from vector<16xi32>
    %add3A_973 = arith.addi %add3A_791, %reduce_sum3A_972 : i32
    %eq3A_974 = arith.constant 4 : i32
    %eq3A_975 = vector.broadcast %eq3A_974 : i32 to vector<16xi32>
    %eq3A_976 = arith.cmpi eq, %get3A_883, %eq3A_975 : vector<16xi32>
    %jit3A_977 = arith.constant 1 : i32
    %jit3A_978 = arith.constant 0 : i32
    %broadcast_in_dim3A_979 = vector.broadcast %jit3A_977 : i32 to vector<16xi32>
    %broadcast_in_dim3A_980 = vector.broadcast %jit3A_978 : i32 to vector<16xi32>
    %select_n3A_981 = arith.select %eq3A_976, %broadcast_in_dim3A_979, %broadcast_in_dim3A_980 : vector<16xi1>, vector<16xi32>
    %broadcast_in_dim3A_982 = arith.constant true
    %broadcast_in_dim3A_983 = vector.broadcast %broadcast_in_dim3A_982 : i1 to vector<16xi1>
    %masked_cumsum3A_984 = tpu.scan <sum>, %select_n3A_981 masked %broadcast_in_dim3A_983 : vector<16xi32>, vector<16xi1> -> vector<16xi32>
    %add3A_985 = vector.broadcast %add3A_813 : i32 to vector<16xi32>
    %add3A_986 = arith.addi %add3A_985, %masked_cumsum3A_984 : vector<16xi32>
    %sub3A_987 = arith.constant 1 : i32
    %sub3A_988 = vector.broadcast %sub3A_987 : i32 to vector<16xi32>
    %sub3A_989 = arith.subi %add3A_986, %sub3A_988 : vector<16xi32>
    %select_n3A_990 = arith.select %eq3A_976, %sub3A_989, %select_n3A_968 : vector<16xi1>, vector<16xi32>
    %reduce_sum3A_991 = arith.constant true
    %reduce_sum3A_992 = vector.broadcast %reduce_sum3A_991 : i1 to vector<16xi1>
    %reduce_sum3A_993 = tpu.scan <sum>, %select_n3A_981 masked %reduce_sum3A_992 : vector<16xi32>, vector<16xi1> -> vector<16xi32>
    %reduce_sum3A_994 = vector.extract %reduce_sum3A_993[15] : i32 from vector<16xi32>
    %add3A_995 = arith.addi %add3A_813, %reduce_sum3A_994 : i32
    %eq3A_996 = arith.constant 5 : i32
    %eq3A_997 = vector.broadcast %eq3A_996 : i32 to vector<16xi32>
    %eq3A_998 = arith.cmpi eq, %get3A_883, %eq3A_997 : vector<16xi32>
    %jit3A_999 = arith.constant 1 : i32
    %jit3A_1000 = arith.constant 0 : i32
    %broadcast_in_dim3A_1001 = vector.broadcast %jit3A_999 : i32 to vector<16xi32>
    %broadcast_in_dim3A_1002 = vector.broadcast %jit3A_1000 : i32 to vector<16xi32>
    %select_n3A_1003 = arith.select %eq3A_998, %broadcast_in_dim3A_1001, %broadcast_in_dim3A_1002 : vector<16xi1>, vector<16xi32>
    %broadcast_in_dim3A_1004 = arith.constant true
    %broadcast_in_dim3A_1005 = vector.broadcast %broadcast_in_dim3A_1004 : i1 to vector<16xi1>
    %masked_cumsum3A_1006 = tpu.scan <sum>, %select_n3A_1003 masked %broadcast_in_dim3A_1005 : vector<16xi32>, vector<16xi1> -> vector<16xi32>
    %add3A_1007 = vector.broadcast %add3A_835 : i32 to vector<16xi32>
    %add3A_1008 = arith.addi %add3A_1007, %masked_cumsum3A_1006 : vector<16xi32>
    %sub3A_1009 = arith.constant 1 : i32
    %sub3A_1010 = vector.broadcast %sub3A_1009 : i32 to vector<16xi32>
    %sub3A_1011 = arith.subi %add3A_1008, %sub3A_1010 : vector<16xi32>
    %select_n3A_1012 = arith.select %eq3A_998, %sub3A_1011, %select_n3A_990 : vector<16xi1>, vector<16xi32>
    %reduce_sum3A_1013 = arith.constant true
    %reduce_sum3A_1014 = vector.broadcast %reduce_sum3A_1013 : i1 to vector<16xi1>
    %reduce_sum3A_1015 = tpu.scan <sum>, %select_n3A_1003 masked %reduce_sum3A_1014 : vector<16xi32>, vector<16xi1> -> vector<16xi32>
    %reduce_sum3A_1016 = vector.extract %reduce_sum3A_1015[15] : i32 from vector<16xi32>
    %add3A_1017 = arith.addi %add3A_835, %reduce_sum3A_1016 : i32
    %eq3A_1018 = arith.constant 6 : i32
    %eq3A_1019 = vector.broadcast %eq3A_1018 : i32 to vector<16xi32>
    %eq3A_1020 = arith.cmpi eq, %get3A_883, %eq3A_1019 : vector<16xi32>
    %jit3A_1021 = arith.constant 1 : i32
    %jit3A_1022 = arith.constant 0 : i32
    %broadcast_in_dim3A_1023 = vector.broadcast %jit3A_1021 : i32 to vector<16xi32>
    %broadcast_in_dim3A_1024 = vector.broadcast %jit3A_1022 : i32 to vector<16xi32>
    %select_n3A_1025 = arith.select %eq3A_1020, %broadcast_in_dim3A_1023, %broadcast_in_dim3A_1024 : vector<16xi1>, vector<16xi32>
    %broadcast_in_dim3A_1026 = arith.constant true
    %broadcast_in_dim3A_1027 = vector.broadcast %broadcast_in_dim3A_1026 : i1 to vector<16xi1>
    %masked_cumsum3A_1028 = tpu.scan <sum>, %select_n3A_1025 masked %broadcast_in_dim3A_1027 : vector<16xi32>, vector<16xi1> -> vector<16xi32>
    %add3A_1029 = vector.broadcast %add3A_857 : i32 to vector<16xi32>
    %add3A_1030 = arith.addi %add3A_1029, %masked_cumsum3A_1028 : vector<16xi32>
    %sub3A_1031 = arith.constant 1 : i32
    %sub3A_1032 = vector.broadcast %sub3A_1031 : i32 to vector<16xi32>
    %sub3A_1033 = arith.subi %add3A_1030, %sub3A_1032 : vector<16xi32>
    %select_n3A_1034 = arith.select %eq3A_1020, %sub3A_1033, %select_n3A_1012 : vector<16xi1>, vector<16xi32>
    %reduce_sum3A_1035 = arith.constant true
    %reduce_sum3A_1036 = vector.broadcast %reduce_sum3A_1035 : i1 to vector<16xi1>
    %reduce_sum3A_1037 = tpu.scan <sum>, %select_n3A_1025 masked %reduce_sum3A_1036 : vector<16xi32>, vector<16xi1> -> vector<16xi32>
    %reduce_sum3A_1038 = vector.extract %reduce_sum3A_1037[15] : i32 from vector<16xi32>
    %add3A_1039 = arith.addi %add3A_857, %reduce_sum3A_1038 : i32
    %eq3A_1040 = arith.constant 7 : i32
    %eq3A_1041 = vector.broadcast %eq3A_1040 : i32 to vector<16xi32>
    %eq3A_1042 = arith.cmpi eq, %get3A_883, %eq3A_1041 : vector<16xi32>
    %jit3A_1043 = arith.constant 1 : i32
    %jit3A_1044 = arith.constant 0 : i32
    %broadcast_in_dim3A_1045 = vector.broadcast %jit3A_1043 : i32 to vector<16xi32>
    %broadcast_in_dim3A_1046 = vector.broadcast %jit3A_1044 : i32 to vector<16xi32>
    %select_n3A_1047 = arith.select %eq3A_1042, %broadcast_in_dim3A_1045, %broadcast_in_dim3A_1046 : vector<16xi1>, vector<16xi32>
    %broadcast_in_dim3A_1048 = arith.constant true
    %broadcast_in_dim3A_1049 = vector.broadcast %broadcast_in_dim3A_1048 : i1 to vector<16xi1>
    %masked_cumsum3A_1050 = tpu.scan <sum>, %select_n3A_1047 masked %broadcast_in_dim3A_1049 : vector<16xi32>, vector<16xi1> -> vector<16xi32>
    %add3A_1051 = vector.broadcast %add3A_879 : i32 to vector<16xi32>
    %add3A_1052 = arith.addi %add3A_1051, %masked_cumsum3A_1050 : vector<16xi32>
    %sub3A_1053 = arith.constant 1 : i32
    %sub3A_1054 = vector.broadcast %sub3A_1053 : i32 to vector<16xi32>
    %sub3A_1055 = arith.subi %add3A_1052, %sub3A_1054 : vector<16xi32>
    %select_n3A_1056 = arith.select %eq3A_1042, %sub3A_1055, %select_n3A_1034 : vector<16xi1>, vector<16xi32>
    %reduce_sum3A_1057 = arith.constant true
    %reduce_sum3A_1058 = vector.broadcast %reduce_sum3A_1057 : i1 to vector<16xi1>
    %reduce_sum3A_1059 = tpu.scan <sum>, %select_n3A_1047 masked %reduce_sum3A_1058 : vector<16xi32>, vector<16xi1> -> vector<16xi32>
    %reduce_sum3A_1060 = vector.extract %reduce_sum3A_1059[15] : i32 from vector<16xi32>
    %add3A_1061 = arith.addi %add3A_879, %reduce_sum3A_1060 : i32
    %swap3A_1062 = arith.constant 16 : index
    %swap3A_1063 = tpu.vector_load %arg12[%swap3A_1062] {strides = array<i32>} : memref<64xi32, #tpu.memory_space<vmem>>, vector<16xi32>,
    tpu.vector_store %arg12[%swap3A_1062], %select_n3A_1056 {strides = array<i32>} : memref<64xi32, #tpu.memory_space<vmem>>, vector<16xi32>,
    %get3A_1064 = arith.constant 32 : index
    %get3A_1065 = tpu.vector_load %arg10[%get3A_1064] {strides = array<i32>} : memref<64xi32, #tpu.memory_space<vmem>>, vector<16xi32>,
    %broadcast_in_dim3A_1066 = arith.constant 0 : i32
    %broadcast_in_dim3A_1067 = vector.broadcast %broadcast_in_dim3A_1066 : i32 to vector<16xi32>
    %eq3A_1068 = arith.constant 0 : i32
    %eq3A_1069 = vector.broadcast %eq3A_1068 : i32 to vector<16xi32>
    %eq3A_1070 = arith.cmpi eq, %get3A_1065, %eq3A_1069 : vector<16xi32>
    %jit3A_1071 = arith.constant 1 : i32
    %jit3A_1072 = arith.constant 0 : i32
    %broadcast_in_dim3A_1073 = vector.broadcast %jit3A_1071 : i32 to vector<16xi32>
    %broadcast_in_dim3A_1074 = vector.broadcast %jit3A_1072 : i32 to vector<16xi32>
    %select_n3A_1075 = arith.select %eq3A_1070, %broadcast_in_dim3A_1073, %broadcast_in_dim3A_1074 : vector<16xi1>, vector<16xi32>
    %broadcast_in_dim3A_1076 = arith.constant true
    %broadcast_in_dim3A_1077 = vector.broadcast %broadcast_in_dim3A_1076 : i1 to vector<16xi1>
    %masked_cumsum3A_1078 = tpu.scan <sum>, %select_n3A_1075 masked %broadcast_in_dim3A_1077 : vector<16xi32>, vector<16xi1> -> vector<16xi32>
    %add3A_1079 = vector.broadcast %add3A_907 : i32 to vector<16xi32>
    %add3A_1080 = arith.addi %add3A_1079, %masked_cumsum3A_1078 : vector<16xi32>
    %sub3A_1081 = arith.constant 1 : i32
    %sub3A_1082 = vector.broadcast %sub3A_1081 : i32 to vector<16xi32>
    %sub3A_1083 = arith.subi %add3A_1080, %sub3A_1082 : vector<16xi32>
    %select_n3A_1084 = arith.select %eq3A_1070, %sub3A_1083, %broadcast_in_dim3A_1067 : vector<16xi1>, vector<16xi32>
    %reduce_sum3A_1085 = arith.constant true
    %reduce_sum3A_1086 = vector.broadcast %reduce_sum3A_1085 : i1 to vector<16xi1>
    %reduce_sum3A_1087 = tpu.scan <sum>, %select_n3A_1075 masked %reduce_sum3A_1086 : vector<16xi32>, vector<16xi1> -> vector<16xi32>
    %reduce_sum3A_1088 = vector.extract %reduce_sum3A_1087[15] : i32 from vector<16xi32>
    %add3A_1089 = arith.addi %add3A_907, %reduce_sum3A_1088 : i32
    %eq3A_1090 = arith.constant 1 : i32
    %eq3A_1091 = vector.broadcast %eq3A_1090 : i32 to vector<16xi32>
    %eq3A_1092 = arith.cmpi eq, %get3A_1065, %eq3A_1091 : vector<16xi32>
    %jit3A_1093 = arith.constant 1 : i32
    %jit3A_1094 = arith.constant 0 : i32
    %broadcast_in_dim3A_1095 = vector.broadcast %jit3A_1093 : i32 to vector<16xi32>
    %broadcast_in_dim3A_1096 = vector.broadcast %jit3A_1094 : i32 to vector<16xi32>
    %select_n3A_1097 = arith.select %eq3A_1092, %broadcast_in_dim3A_1095, %broadcast_in_dim3A_1096 : vector<16xi1>, vector<16xi32>
    %broadcast_in_dim3A_1098 = arith.constant true
    %broadcast_in_dim3A_1099 = vector.broadcast %broadcast_in_dim3A_1098 : i1 to vector<16xi1>
    %masked_cumsum3A_1100 = tpu.scan <sum>, %select_n3A_1097 masked %broadcast_in_dim3A_1099 : vector<16xi32>, vector<16xi1> -> vector<16xi32>
    %add3A_1101 = vector.broadcast %add3A_929 : i32 to vector<16xi32>
    %add3A_1102 = arith.addi %add3A_1101, %masked_cumsum3A_1100 : vector<16xi32>
    %sub3A_1103 = arith.constant 1 : i32
    %sub3A_1104 = vector.broadcast %sub3A_1103 : i32 to vector<16xi32>
    %sub3A_1105 = arith.subi %add3A_1102, %sub3A_1104 : vector<16xi32>
    %select_n3A_1106 = arith.select %eq3A_1092, %sub3A_1105, %select_n3A_1084 : vector<16xi1>, vector<16xi32>
    %reduce_sum3A_1107 = arith.constant true
    %reduce_sum3A_1108 = vector.broadcast %reduce_sum3A_1107 : i1 to vector<16xi1>
    %reduce_sum3A_1109 = tpu.scan <sum>, %select_n3A_1097 masked %reduce_sum3A_1108 : vector<16xi32>, vector<16xi1> -> vector<16xi32>
    %reduce_sum3A_1110 = vector.extract %reduce_sum3A_1109[15] : i32 from vector<16xi32>
    %add3A_1111 = arith.addi %add3A_929, %reduce_sum3A_1110 : i32
    %eq3A_1112 = arith.constant 2 : i32
    %eq3A_1113 = vector.broadcast %eq3A_1112 : i32 to vector<16xi32>
    %eq3A_1114 = arith.cmpi eq, %get3A_1065, %eq3A_1113 : vector<16xi32>
    %jit3A_1115 = arith.constant 1 : i32
    %jit3A_1116 = arith.constant 0 : i32
    %broadcast_in_dim3A_1117 = vector.broadcast %jit3A_1115 : i32 to vector<16xi32>
    %broadcast_in_dim3A_1118 = vector.broadcast %jit3A_1116 : i32 to vector<16xi32>
    %select_n3A_1119 = arith.select %eq3A_1114, %broadcast_in_dim3A_1117, %broadcast_in_dim3A_1118 : vector<16xi1>, vector<16xi32>
    %broadcast_in_dim3A_1120 = arith.constant true
    %broadcast_in_dim3A_1121 = vector.broadcast %broadcast_in_dim3A_1120 : i1 to vector<16xi1>
    %masked_cumsum3A_1122 = tpu.scan <sum>, %select_n3A_1119 masked %broadcast_in_dim3A_1121 : vector<16xi32>, vector<16xi1> -> vector<16xi32>
    %add3A_1123 = vector.broadcast %add3A_951 : i32 to vector<16xi32>
    %add3A_1124 = arith.addi %add3A_1123, %masked_cumsum3A_1122 : vector<16xi32>
    %sub3A_1125 = arith.constant 1 : i32
    %sub3A_1126 = vector.broadcast %sub3A_1125 : i32 to vector<16xi32>
    %sub3A_1127 = arith.subi %add3A_1124, %sub3A_1126 : vector<16xi32>
    %select_n3A_1128 = arith.select %eq3A_1114, %sub3A_1127, %select_n3A_1106 : vector<16xi1>, vector<16xi32>
    %reduce_sum3A_1129 = arith.constant true
    %reduce_sum3A_1130 = vector.broadcast %reduce_sum3A_1129 : i1 to vector<16xi1>
    %reduce_sum3A_1131 = tpu.scan <sum>, %select_n3A_1119 masked %reduce_sum3A_1130 : vector<16xi32>, vector<16xi1> -> vector<16xi32>
    %reduce_sum3A_1132 = vector.extract %reduce_sum3A_1131[15] : i32 from vector<16xi32>
    %add3A_1133 = arith.addi %add3A_951, %reduce_sum3A_1132 : i32
    %eq3A_1134 = arith.constant 3 : i32
    %eq3A_1135 = vector.broadcast %eq3A_1134 : i32 to vector<16xi32>
    %eq3A_1136 = arith.cmpi eq, %get3A_1065, %eq3A_1135 : vector<16xi32>
    %jit3A_1137 = arith.constant 1 : i32
    %jit3A_1138 = arith.constant 0 : i32
    %broadcast_in_dim3A_1139 = vector.broadcast %jit3A_1137 : i32 to vector<16xi32>
    %broadcast_in_dim3A_1140 = vector.broadcast %jit3A_1138 : i32 to vector<16xi32>
    %select_n3A_1141 = arith.select %eq3A_1136, %broadcast_in_dim3A_1139, %broadcast_in_dim3A_1140 : vector<16xi1>, vector<16xi32>
    %broadcast_in_dim3A_1142 = arith.constant true
    %broadcast_in_dim3A_1143 = vector.broadcast %broadcast_in_dim3A_1142 : i1 to vector<16xi1>
    %masked_cumsum3A_1144 = tpu.scan <sum>, %select_n3A_1141 masked %broadcast_in_dim3A_1143 : vector<16xi32>, vector<16xi1> -> vector<16xi32>
    %add3A_1145 = vector.broadcast %add3A_973 : i32 to vector<16xi32>
    %add3A_1146 = arith.addi %add3A_1145, %masked_cumsum3A_1144 : vector<16xi32>
    %sub3A_1147 = arith.constant 1 : i32
    %sub3A_1148 = vector.broadcast %sub3A_1147 : i32 to vector<16xi32>
    %sub3A_1149 = arith.subi %add3A_1146, %sub3A_1148 : vector<16xi32>
    %select_n3A_1150 = arith.select %eq3A_1136, %sub3A_1149, %select_n3A_1128 : vector<16xi1>, vector<16xi32>
    %reduce_sum3A_1151 = arith.constant true
    %reduce_sum3A_1152 = vector.broadcast %reduce_sum3A_1151 : i1 to vector<16xi1>
    %reduce_sum3A_1153 = tpu.scan <sum>, %select_n3A_1141 masked %reduce_sum3A_1152 : vector<16xi32>, vector<16xi1> -> vector<16xi32>
    %reduce_sum3A_1154 = vector.extract %reduce_sum3A_1153[15] : i32 from vector<16xi32>
    %add3A_1155 = arith.addi %add3A_973, %reduce_sum3A_1154 : i32
    %eq3A_1156 = arith.constant 4 : i32
    %eq3A_1157 = vector.broadcast %eq3A_1156 : i32 to vector<16xi32>
    %eq3A_1158 = arith.cmpi eq, %get3A_1065, %eq3A_1157 : vector<16xi32>
    %jit3A_1159 = arith.constant 1 : i32
    %jit3A_1160 = arith.constant 0 : i32
    %broadcast_in_dim3A_1161 = vector.broadcast %jit3A_1159 : i32 to vector<16xi32>
    %broadcast_in_dim3A_1162 = vector.broadcast %jit3A_1160 : i32 to vector<16xi32>
    %select_n3A_1163 = arith.select %eq3A_1158, %broadcast_in_dim3A_1161, %broadcast_in_dim3A_1162 : vector<16xi1>, vector<16xi32>
    %broadcast_in_dim3A_1164 = arith.constant true
    %broadcast_in_dim3A_1165 = vector.broadcast %broadcast_in_dim3A_1164 : i1 to vector<16xi1>
    %masked_cumsum3A_1166 = tpu.scan <sum>, %select_n3A_1163 masked %broadcast_in_dim3A_1165 : vector<16xi32>, vector<16xi1> -> vector<16xi32>
    %add3A_1167 = vector.broadcast %add3A_995 : i32 to vector<16xi32>
    %add3A_1168 = arith.addi %add3A_1167, %masked_cumsum3A_1166 : vector<16xi32>
    %sub3A_1169 = arith.constant 1 : i32
    %sub3A_1170 = vector.broadcast %sub3A_1169 : i32 to vector<16xi32>
    %sub3A_1171 = arith.subi %add3A_1168, %sub3A_1170 : vector<16xi32>
    %select_n3A_1172 = arith.select %eq3A_1158, %sub3A_1171, %select_n3A_1150 : vector<16xi1>, vector<16xi32>
    %reduce_sum3A_1173 = arith.constant true
    %reduce_sum3A_1174 = vector.broadcast %reduce_sum3A_1173 : i1 to vector<16xi1>
    %reduce_sum3A_1175 = tpu.scan <sum>, %select_n3A_1163 masked %reduce_sum3A_1174 : vector<16xi32>, vector<16xi1> -> vector<16xi32>
    %reduce_sum3A_1176 = vector.extract %reduce_sum3A_1175[15] : i32 from vector<16xi32>
    %add3A_1177 = arith.addi %add3A_995, %reduce_sum3A_1176 : i32
    %eq3A_1178 = arith.constant 5 : i32
    %eq3A_1179 = vector.broadcast %eq3A_1178 : i32 to vector<16xi32>
    %eq3A_1180 = arith.cmpi eq, %get3A_1065, %eq3A_1179 : vector<16xi32>
    %jit3A_1181 = arith.constant 1 : i32
    %jit3A_1182 = arith.constant 0 : i32
    %broadcast_in_dim3A_1183 = vector.broadcast %jit3A_1181 : i32 to vector<16xi32>
    %broadcast_in_dim3A_1184 = vector.broadcast %jit3A_1182 : i32 to vector<16xi32>
    %select_n3A_1185 = arith.select %eq3A_1180, %broadcast_in_dim3A_1183, %broadcast_in_dim3A_1184 : vector<16xi1>, vector<16xi32>
    %broadcast_in_dim3A_1186 = arith.constant true
    %broadcast_in_dim3A_1187 = vector.broadcast %broadcast_in_dim3A_1186 : i1 to vector<16xi1>
    %masked_cumsum3A_1188 = tpu.scan <sum>, %select_n3A_1185 masked %broadcast_in_dim3A_1187 : vector<16xi32>, vector<16xi1> -> vector<16xi32>
    %add3A_1189 = vector.broadcast %add3A_1017 : i32 to vector<16xi32>
    %add3A_1190 = arith.addi %add3A_1189, %masked_cumsum3A_1188 : vector<16xi32>
    %sub3A_1191 = arith.constant 1 : i32
    %sub3A_1192 = vector.broadcast %sub3A_1191 : i32 to vector<16xi32>
    %sub3A_1193 = arith.subi %add3A_1190, %sub3A_1192 : vector<16xi32>
    %select_n3A_1194 = arith.select %eq3A_1180, %sub3A_1193, %select_n3A_1172 : vector<16xi1>, vector<16xi32>
    %reduce_sum3A_1195 = arith.constant true
    %reduce_sum3A_1196 = vector.broadcast %reduce_sum3A_1195 : i1 to vector<16xi1>
    %reduce_sum3A_1197 = tpu.scan <sum>, %select_n3A_1185 masked %reduce_sum3A_1196 : vector<16xi32>, vector<16xi1> -> vector<16xi32>
    %reduce_sum3A_1198 = vector.extract %reduce_sum3A_1197[15] : i32 from vector<16xi32>
    %add3A_1199 = arith.addi %add3A_1017, %reduce_sum3A_1198 : i32
    %eq3A_1200 = arith.constant 6 : i32
    %eq3A_1201 = vector.broadcast %eq3A_1200 : i32 to vector<16xi32>
    %eq3A_1202 = arith.cmpi eq, %get3A_1065, %eq3A_1201 : vector<16xi32>
    %jit3A_1203 = arith.constant 1 : i32
    %jit3A_1204 = arith.constant 0 : i32
    %broadcast_in_dim3A_1205 = vector.broadcast %jit3A_1203 : i32 to vector<16xi32>
    %broadcast_in_dim3A_1206 = vector.broadcast %jit3A_1204 : i32 to vector<16xi32>
    %select_n3A_1207 = arith.select %eq3A_1202, %broadcast_in_dim3A_1205, %broadcast_in_dim3A_1206 : vector<16xi1>, vector<16xi32>
    %broadcast_in_dim3A_1208 = arith.constant true
    %broadcast_in_dim3A_1209 = vector.broadcast %broadcast_in_dim3A_1208 : i1 to vector<16xi1>
    %masked_cumsum3A_1210 = tpu.scan <sum>, %select_n3A_1207 masked %broadcast_in_dim3A_1209 : vector<16xi32>, vector<16xi1> -> vector<16xi32>
    %add3A_1211 = vector.broadcast %add3A_1039 : i32 to vector<16xi32>
    %add3A_1212 = arith.addi %add3A_1211, %masked_cumsum3A_1210 : vector<16xi32>
    %sub3A_1213 = arith.constant 1 : i32
    %sub3A_1214 = vector.broadcast %sub3A_1213 : i32 to vector<16xi32>
    %sub3A_1215 = arith.subi %add3A_1212, %sub3A_1214 : vector<16xi32>
    %select_n3A_1216 = arith.select %eq3A_1202, %sub3A_1215, %select_n3A_1194 : vector<16xi1>, vector<16xi32>
    %reduce_sum3A_1217 = arith.constant true
    %reduce_sum3A_1218 = vector.broadcast %reduce_sum3A_1217 : i1 to vector<16xi1>
    %reduce_sum3A_1219 = tpu.scan <sum>, %select_n3A_1207 masked %reduce_sum3A_1218 : vector<16xi32>, vector<16xi1> -> vector<16xi32>
    %reduce_sum3A_1220 = vector.extract %reduce_sum3A_1219[15] : i32 from vector<16xi32>
    %add3A_1221 = arith.addi %add3A_1039, %reduce_sum3A_1220 : i32
    %eq3A_1222 = arith.constant 7 : i32
    %eq3A_1223 = vector.broadcast %eq3A_1222 : i32 to vector<16xi32>
    %eq3A_1224 = arith.cmpi eq, %get3A_1065, %eq3A_1223 : vector<16xi32>
    %jit3A_1225 = arith.constant 1 : i32
    %jit3A_1226 = arith.constant 0 : i32
    %broadcast_in_dim3A_1227 = vector.broadcast %jit3A_1225 : i32 to vector<16xi32>
    %broadcast_in_dim3A_1228 = vector.broadcast %jit3A_1226 : i32 to vector<16xi32>
    %select_n3A_1229 = arith.select %eq3A_1224, %broadcast_in_dim3A_1227, %broadcast_in_dim3A_1228 : vector<16xi1>, vector<16xi32>
    %broadcast_in_dim3A_1230 = arith.constant true
    %broadcast_in_dim3A_1231 = vector.broadcast %broadcast_in_dim3A_1230 : i1 to vector<16xi1>
    %masked_cumsum3A_1232 = tpu.scan <sum>, %select_n3A_1229 masked %broadcast_in_dim3A_1231 : vector<16xi32>, vector<16xi1> -> vector<16xi32>
    %add3A_1233 = vector.broadcast %add3A_1061 : i32 to vector<16xi32>
    %add3A_1234 = arith.addi %add3A_1233, %masked_cumsum3A_1232 : vector<16xi32>
    %sub3A_1235 = arith.constant 1 : i32
    %sub3A_1236 = vector.broadcast %sub3A_1235 : i32 to vector<16xi32>
    %sub3A_1237 = arith.subi %add3A_1234, %sub3A_1236 : vector<16xi32>
    %select_n3A_1238 = arith.select %eq3A_1224, %sub3A_1237, %select_n3A_1216 : vector<16xi1>, vector<16xi32>
    %reduce_sum3A_1239 = arith.constant true
    %reduce_sum3A_1240 = vector.broadcast %reduce_sum3A_1239 : i1 to vector<16xi1>
    %reduce_sum3A_1241 = tpu.scan <sum>, %select_n3A_1229 masked %reduce_sum3A_1240 : vector<16xi32>, vector<16xi1> -> vector<16xi32>
    %reduce_sum3A_1242 = vector.extract %reduce_sum3A_1241[15] : i32 from vector<16xi32>
    %add3A_1243 = arith.addi %add3A_1061, %reduce_sum3A_1242 : i32
    %swap3A_1244 = arith.constant 32 : index
    %swap3A_1245 = tpu.vector_load %arg12[%swap3A_1244] {strides = array<i32>} : memref<64xi32, #tpu.memory_space<vmem>>, vector<16xi32>,
    tpu.vector_store %arg12[%swap3A_1244], %select_n3A_1238 {strides = array<i32>} : memref<64xi32, #tpu.memory_space<vmem>>, vector<16xi32>,
    %get3A_1246 = arith.constant 48 : index
    %get3A_1247 = tpu.vector_load %arg10[%get3A_1246] {strides = array<i32>} : memref<64xi32, #tpu.memory_space<vmem>>, vector<16xi32>,
    %broadcast_in_dim3A_1248 = arith.constant 0 : i32
    %broadcast_in_dim3A_1249 = vector.broadcast %broadcast_in_dim3A_1248 : i32 to vector<16xi32>
    %eq3A_1250 = arith.constant 0 : i32
    %eq3A_1251 = vector.broadcast %eq3A_1250 : i32 to vector<16xi32>
    %eq3A_1252 = arith.cmpi eq, %get3A_1247, %eq3A_1251 : vector<16xi32>
    %jit3A_1253 = arith.constant 1 : i32
    %jit3A_1254 = arith.constant 0 : i32
    %broadcast_in_dim3A_1255 = vector.broadcast %jit3A_1253 : i32 to vector<16xi32>
    %broadcast_in_dim3A_1256 = vector.broadcast %jit3A_1254 : i32 to vector<16xi32>
    %select_n3A_1257 = arith.select %eq3A_1252, %broadcast_in_dim3A_1255, %broadcast_in_dim3A_1256 : vector<16xi1>, vector<16xi32>
    %broadcast_in_dim3A_1258 = arith.constant true
    %broadcast_in_dim3A_1259 = vector.broadcast %broadcast_in_dim3A_1258 : i1 to vector<16xi1>
    %masked_cumsum3A_1260 = tpu.scan <sum>, %select_n3A_1257 masked %broadcast_in_dim3A_1259 : vector<16xi32>, vector<16xi1> -> vector<16xi32>
    %add3A_1261 = vector.broadcast %add3A_1089 : i32 to vector<16xi32>
    %add3A_1262 = arith.addi %add3A_1261, %masked_cumsum3A_1260 : vector<16xi32>
    %sub3A_1263 = arith.constant 1 : i32
    %sub3A_1264 = vector.broadcast %sub3A_1263 : i32 to vector<16xi32>
    %sub3A_1265 = arith.subi %add3A_1262, %sub3A_1264 : vector<16xi32>
    %select_n3A_1266 = arith.select %eq3A_1252, %sub3A_1265, %broadcast_in_dim3A_1249 : vector<16xi1>, vector<16xi32>
    %reduce_sum3A_1267 = arith.constant true
    %reduce_sum3A_1268 = vector.broadcast %reduce_sum3A_1267 : i1 to vector<16xi1>
    %reduce_sum3A_1269 = tpu.scan <sum>, %select_n3A_1257 masked %reduce_sum3A_1268 : vector<16xi32>, vector<16xi1> -> vector<16xi32>
    %reduce_sum3A_1270 = vector.extract %reduce_sum3A_1269[15] : i32 from vector<16xi32>
    %add3A_1271 = arith.addi %add3A_1089, %reduce_sum3A_1270 : i32
    %eq3A_1272 = arith.constant 1 : i32
    %eq3A_1273 = vector.broadcast %eq3A_1272 : i32 to vector<16xi32>
    %eq3A_1274 = arith.cmpi eq, %get3A_1247, %eq3A_1273 : vector<16xi32>
    %jit3A_1275 = arith.constant 1 : i32
    %jit3A_1276 = arith.constant 0 : i32
    %broadcast_in_dim3A_1277 = vector.broadcast %jit3A_1275 : i32 to vector<16xi32>
    %broadcast_in_dim3A_1278 = vector.broadcast %jit3A_1276 : i32 to vector<16xi32>
    %select_n3A_1279 = arith.select %eq3A_1274, %broadcast_in_dim3A_1277, %broadcast_in_dim3A_1278 : vector<16xi1>, vector<16xi32>
    %broadcast_in_dim3A_1280 = arith.constant true
    %broadcast_in_dim3A_1281 = vector.broadcast %broadcast_in_dim3A_1280 : i1 to vector<16xi1>
    %masked_cumsum3A_1282 = tpu.scan <sum>, %select_n3A_1279 masked %broadcast_in_dim3A_1281 : vector<16xi32>, vector<16xi1> -> vector<16xi32>
    %add3A_1283 = vector.broadcast %add3A_1111 : i32 to vector<16xi32>
    %add3A_1284 = arith.addi %add3A_1283, %masked_cumsum3A_1282 : vector<16xi32>
    %sub3A_1285 = arith.constant 1 : i32
    %sub3A_1286 = vector.broadcast %sub3A_1285 : i32 to vector<16xi32>
    %sub3A_1287 = arith.subi %add3A_1284, %sub3A_1286 : vector<16xi32>
    %select_n3A_1288 = arith.select %eq3A_1274, %sub3A_1287, %select_n3A_1266 : vector<16xi1>, vector<16xi32>
    %reduce_sum3A_1289 = arith.constant true
    %reduce_sum3A_1290 = vector.broadcast %reduce_sum3A_1289 : i1 to vector<16xi1>
    %reduce_sum3A_1291 = tpu.scan <sum>, %select_n3A_1279 masked %reduce_sum3A_1290 : vector<16xi32>, vector<16xi1> -> vector<16xi32>
    %reduce_sum3A_1292 = vector.extract %reduce_sum3A_1291[15] : i32 from vector<16xi32>
    %add3A_1293 = arith.addi %add3A_1111, %reduce_sum3A_1292 : i32
    %eq3A_1294 = arith.constant 2 : i32
    %eq3A_1295 = vector.broadcast %eq3A_1294 : i32 to vector<16xi32>
    %eq3A_1296 = arith.cmpi eq, %get3A_1247, %eq3A_1295 : vector<16xi32>
    %jit3A_1297 = arith.constant 1 : i32
    %jit3A_1298 = arith.constant 0 : i32
    %broadcast_in_dim3A_1299 = vector.broadcast %jit3A_1297 : i32 to vector<16xi32>
    %broadcast_in_dim3A_1300 = vector.broadcast %jit3A_1298 : i32 to vector<16xi32>
    %select_n3A_1301 = arith.select %eq3A_1296, %broadcast_in_dim3A_1299, %broadcast_in_dim3A_1300 : vector<16xi1>, vector<16xi32>
    %broadcast_in_dim3A_1302 = arith.constant true
    %broadcast_in_dim3A_1303 = vector.broadcast %broadcast_in_dim3A_1302 : i1 to vector<16xi1>
    %masked_cumsum3A_1304 = tpu.scan <sum>, %select_n3A_1301 masked %broadcast_in_dim3A_1303 : vector<16xi32>, vector<16xi1> -> vector<16xi32>
    %add3A_1305 = vector.broadcast %add3A_1133 : i32 to vector<16xi32>
    %add3A_1306 = arith.addi %add3A_1305, %masked_cumsum3A_1304 : vector<16xi32>
    %sub3A_1307 = arith.constant 1 : i32
    %sub3A_1308 = vector.broadcast %sub3A_1307 : i32 to vector<16xi32>
    %sub3A_1309 = arith.subi %add3A_1306, %sub3A_1308 : vector<16xi32>
    %select_n3A_1310 = arith.select %eq3A_1296, %sub3A_1309, %select_n3A_1288 : vector<16xi1>, vector<16xi32>
    %reduce_sum3A_1311 = arith.constant true
    %reduce_sum3A_1312 = vector.broadcast %reduce_sum3A_1311 : i1 to vector<16xi1>
    %reduce_sum3A_1313 = tpu.scan <sum>, %select_n3A_1301 masked %reduce_sum3A_1312 : vector<16xi32>, vector<16xi1> -> vector<16xi32>
    %reduce_sum3A_1314 = vector.extract %reduce_sum3A_1313[15] : i32 from vector<16xi32>
    %add3A_1315 = arith.addi %add3A_1133, %reduce_sum3A_1314 : i32
    %eq3A_1316 = arith.constant 3 : i32
    %eq3A_1317 = vector.broadcast %eq3A_1316 : i32 to vector<16xi32>
    %eq3A_1318 = arith.cmpi eq, %get3A_1247, %eq3A_1317 : vector<16xi32>
    %jit3A_1319 = arith.constant 1 : i32
    %jit3A_1320 = arith.constant 0 : i32
    %broadcast_in_dim3A_1321 = vector.broadcast %jit3A_1319 : i32 to vector<16xi32>
    %broadcast_in_dim3A_1322 = vector.broadcast %jit3A_1320 : i32 to vector<16xi32>
    %select_n3A_1323 = arith.select %eq3A_1318, %broadcast_in_dim3A_1321, %broadcast_in_dim3A_1322 : vector<16xi1>, vector<16xi32>
    %broadcast_in_dim3A_1324 = arith.constant true
    %broadcast_in_dim3A_1325 = vector.broadcast %broadcast_in_dim3A_1324 : i1 to vector<16xi1>
    %masked_cumsum3A_1326 = tpu.scan <sum>, %select_n3A_1323 masked %broadcast_in_dim3A_1325 : vector<16xi32>, vector<16xi1> -> vector<16xi32>
    %add3A_1327 = vector.broadcast %add3A_1155 : i32 to vector<16xi32>
    %add3A_1328 = arith.addi %add3A_1327, %masked_cumsum3A_1326 : vector<16xi32>
    %sub3A_1329 = arith.constant 1 : i32
    %sub3A_1330 = vector.broadcast %sub3A_1329 : i32 to vector<16xi32>
    %sub3A_1331 = arith.subi %add3A_1328, %sub3A_1330 : vector<16xi32>
    %select_n3A_1332 = arith.select %eq3A_1318, %sub3A_1331, %select_n3A_1310 : vector<16xi1>, vector<16xi32>
    %reduce_sum3A_1333 = arith.constant true
    %reduce_sum3A_1334 = vector.broadcast %reduce_sum3A_1333 : i1 to vector<16xi1>
    %reduce_sum3A_1335 = tpu.scan <sum>, %select_n3A_1323 masked %reduce_sum3A_1334 : vector<16xi32>, vector<16xi1> -> vector<16xi32>
    %reduce_sum3A_1336 = vector.extract %reduce_sum3A_1335[15] : i32 from vector<16xi32>
    %add3A_1337 = arith.addi %add3A_1155, %reduce_sum3A_1336 : i32
    %eq3A_1338 = arith.constant 4 : i32
    %eq3A_1339 = vector.broadcast %eq3A_1338 : i32 to vector<16xi32>
    %eq3A_1340 = arith.cmpi eq, %get3A_1247, %eq3A_1339 : vector<16xi32>
    %jit3A_1341 = arith.constant 1 : i32
    %jit3A_1342 = arith.constant 0 : i32
    %broadcast_in_dim3A_1343 = vector.broadcast %jit3A_1341 : i32 to vector<16xi32>
    %broadcast_in_dim3A_1344 = vector.broadcast %jit3A_1342 : i32 to vector<16xi32>
    %select_n3A_1345 = arith.select %eq3A_1340, %broadcast_in_dim3A_1343, %broadcast_in_dim3A_1344 : vector<16xi1>, vector<16xi32>
    %broadcast_in_dim3A_1346 = arith.constant true
    %broadcast_in_dim3A_1347 = vector.broadcast %broadcast_in_dim3A_1346 : i1 to vector<16xi1>
    %masked_cumsum3A_1348 = tpu.scan <sum>, %select_n3A_1345 masked %broadcast_in_dim3A_1347 : vector<16xi32>, vector<16xi1> -> vector<16xi32>
    %add3A_1349 = vector.broadcast %add3A_1177 : i32 to vector<16xi32>
    %add3A_1350 = arith.addi %add3A_1349, %masked_cumsum3A_1348 : vector<16xi32>
    %sub3A_1351 = arith.constant 1 : i32
    %sub3A_1352 = vector.broadcast %sub3A_1351 : i32 to vector<16xi32>
    %sub3A_1353 = arith.subi %add3A_1350, %sub3A_1352 : vector<16xi32>
    %select_n3A_1354 = arith.select %eq3A_1340, %sub3A_1353, %select_n3A_1332 : vector<16xi1>, vector<16xi32>
    %reduce_sum3A_1355 = arith.constant true
    %reduce_sum3A_1356 = vector.broadcast %reduce_sum3A_1355 : i1 to vector<16xi1>
    %reduce_sum3A_1357 = tpu.scan <sum>, %select_n3A_1345 masked %reduce_sum3A_1356 : vector<16xi32>, vector<16xi1> -> vector<16xi32>
    %reduce_sum3A_1358 = vector.extract %reduce_sum3A_1357[15] : i32 from vector<16xi32>
    %add3A_1359 = arith.addi %add3A_1177, %reduce_sum3A_1358 : i32
    %eq3A_1360 = arith.constant 5 : i32
    %eq3A_1361 = vector.broadcast %eq3A_1360 : i32 to vector<16xi32>
    %eq3A_1362 = arith.cmpi eq, %get3A_1247, %eq3A_1361 : vector<16xi32>
    %jit3A_1363 = arith.constant 1 : i32
    %jit3A_1364 = arith.constant 0 : i32
    %broadcast_in_dim3A_1365 = vector.broadcast %jit3A_1363 : i32 to vector<16xi32>
    %broadcast_in_dim3A_1366 = vector.broadcast %jit3A_1364 : i32 to vector<16xi32>
    %select_n3A_1367 = arith.select %eq3A_1362, %broadcast_in_dim3A_1365, %broadcast_in_dim3A_1366 : vector<16xi1>, vector<16xi32>
    %broadcast_in_dim3A_1368 = arith.constant true
    %broadcast_in_dim3A_1369 = vector.broadcast %broadcast_in_dim3A_1368 : i1 to vector<16xi1>
    %masked_cumsum3A_1370 = tpu.scan <sum>, %select_n3A_1367 masked %broadcast_in_dim3A_1369 : vector<16xi32>, vector<16xi1> -> vector<16xi32>
    %add3A_1371 = vector.broadcast %add3A_1199 : i32 to vector<16xi32>
    %add3A_1372 = arith.addi %add3A_1371, %masked_cumsum3A_1370 : vector<16xi32>
    %sub3A_1373 = arith.constant 1 : i32
    %sub3A_1374 = vector.broadcast %sub3A_1373 : i32 to vector<16xi32>
    %sub3A_1375 = arith.subi %add3A_1372, %sub3A_1374 : vector<16xi32>
    %select_n3A_1376 = arith.select %eq3A_1362, %sub3A_1375, %select_n3A_1354 : vector<16xi1>, vector<16xi32>
    %reduce_sum3A_1377 = arith.constant true
    %reduce_sum3A_1378 = vector.broadcast %reduce_sum3A_1377 : i1 to vector<16xi1>
    %reduce_sum3A_1379 = tpu.scan <sum>, %select_n3A_1367 masked %reduce_sum3A_1378 : vector<16xi32>, vector<16xi1> -> vector<16xi32>
    %reduce_sum3A_1380 = vector.extract %reduce_sum3A_1379[15] : i32 from vector<16xi32>
    %add3A_1381 = arith.addi %add3A_1199, %reduce_sum3A_1380 : i32
    %eq3A_1382 = arith.constant 6 : i32
    %eq3A_1383 = vector.broadcast %eq3A_1382 : i32 to vector<16xi32>
    %eq3A_1384 = arith.cmpi eq, %get3A_1247, %eq3A_1383 : vector<16xi32>
    %jit3A_1385 = arith.constant 1 : i32
    %jit3A_1386 = arith.constant 0 : i32
    %broadcast_in_dim3A_1387 = vector.broadcast %jit3A_1385 : i32 to vector<16xi32>
    %broadcast_in_dim3A_1388 = vector.broadcast %jit3A_1386 : i32 to vector<16xi32>
    %select_n3A_1389 = arith.select %eq3A_1384, %broadcast_in_dim3A_1387, %broadcast_in_dim3A_1388 : vector<16xi1>, vector<16xi32>
    %broadcast_in_dim3A_1390 = arith.constant true
    %broadcast_in_dim3A_1391 = vector.broadcast %broadcast_in_dim3A_1390 : i1 to vector<16xi1>
    %masked_cumsum3A_1392 = tpu.scan <sum>, %select_n3A_1389 masked %broadcast_in_dim3A_1391 : vector<16xi32>, vector<16xi1> -> vector<16xi32>
    %add3A_1393 = vector.broadcast %add3A_1221 : i32 to vector<16xi32>
    %add3A_1394 = arith.addi %add3A_1393, %masked_cumsum3A_1392 : vector<16xi32>
    %sub3A_1395 = arith.constant 1 : i32
    %sub3A_1396 = vector.broadcast %sub3A_1395 : i32 to vector<16xi32>
    %sub3A_1397 = arith.subi %add3A_1394, %sub3A_1396 : vector<16xi32>
    %select_n3A_1398 = arith.select %eq3A_1384, %sub3A_1397, %select_n3A_1376 : vector<16xi1>, vector<16xi32>
    %reduce_sum3A_1399 = arith.constant true
    %reduce_sum3A_1400 = vector.broadcast %reduce_sum3A_1399 : i1 to vector<16xi1>
    %reduce_sum3A_1401 = tpu.scan <sum>, %select_n3A_1389 masked %reduce_sum3A_1400 : vector<16xi32>, vector<16xi1> -> vector<16xi32>
    %reduce_sum3A_1402 = vector.extract %reduce_sum3A_1401[15] : i32 from vector<16xi32>
    %add3A_1403 = arith.addi %add3A_1221, %reduce_sum3A_1402 : i32
    %eq3A_1404 = arith.constant 7 : i32
    %eq3A_1405 = vector.broadcast %eq3A_1404 : i32 to vector<16xi32>
    %eq3A_1406 = arith.cmpi eq, %get3A_1247, %eq3A_1405 : vector<16xi32>
    %jit3A_1407 = arith.constant 1 : i32
    %jit3A_1408 = arith.constant 0 : i32
    %broadcast_in_dim3A_1409 = vector.broadcast %jit3A_1407 : i32 to vector<16xi32>
    %broadcast_in_dim3A_1410 = vector.broadcast %jit3A_1408 : i32 to vector<16xi32>
    %select_n3A_1411 = arith.select %eq3A_1406, %broadcast_in_dim3A_1409, %broadcast_in_dim3A_1410 : vector<16xi1>, vector<16xi32>
    %broadcast_in_dim3A_1412 = arith.constant true
    %broadcast_in_dim3A_1413 = vector.broadcast %broadcast_in_dim3A_1412 : i1 to vector<16xi1>
    %masked_cumsum3A_1414 = tpu.scan <sum>, %select_n3A_1411 masked %broadcast_in_dim3A_1413 : vector<16xi32>, vector<16xi1> -> vector<16xi32>
    %add3A_1415 = vector.broadcast %add3A_1243 : i32 to vector<16xi32>
    %add3A_1416 = arith.addi %add3A_1415, %masked_cumsum3A_1414 : vector<16xi32>
    %sub3A_1417 = arith.constant 1 : i32
    %sub3A_1418 = vector.broadcast %sub3A_1417 : i32 to vector<16xi32>
    %sub3A_1419 = arith.subi %add3A_1416, %sub3A_1418 : vector<16xi32>
    %select_n3A_1420 = arith.select %eq3A_1406, %sub3A_1419, %select_n3A_1398 : vector<16xi1>, vector<16xi32>
    %reduce_sum3A_1421 = arith.constant true
    %reduce_sum3A_1422 = vector.broadcast %reduce_sum3A_1421 : i1 to vector<16xi1>
    %reduce_sum3A_1423 = tpu.scan <sum>, %select_n3A_1411 masked %reduce_sum3A_1422 : vector<16xi32>, vector<16xi1> -> vector<16xi32>
    %reduce_sum3A_1424 = vector.extract %reduce_sum3A_1423[15] : i32 from vector<16xi32>
    %add3A_1425 = arith.addi %add3A_1243, %reduce_sum3A_1424 : i32
    %swap3A_1426 = arith.constant 48 : index
    %swap3A_1427 = tpu.vector_load %arg12[%swap3A_1426] {strides = array<i32>} : memref<64xi32, #tpu.memory_space<vmem>>, vector<16xi32>,
    tpu.vector_store %arg12[%swap3A_1426], %select_n3A_1420 {strides = array<i32>} : memref<64xi32, #tpu.memory_space<vmem>>, vector<16xi32>,
    "tpu.region"() ({
      %run_scoped3A_1432 = tpu.sem_alloc : memref<!tpu.dma_semaphore, #tpu.memory_space<semaphore_mem>>
      %dma_start3A_1433 = tpu.memref_slice %arg6[%mul3A_2] : memref<2048xi32, #tpu.memory_space<hbm>> -> memref<64xi32, #tpu.memory_space<hbm>>
      %dma_start3A_1434 = tpu.memref_slice %arg6[%mul3A_2] : memref<2048xi32, #tpu.memory_space<hbm>> -> memref<64xi32, #tpu.memory_space<hbm>>
      tpu.enqueue_dma source(%arg12 : memref<64xi32, #tpu.memory_space<vmem>>) target(%dma_start3A_1434 : memref<64xi32, #tpu.memory_space<hbm>>) target_semaphore(%run_scoped3A_1432 : memref<!tpu.dma_semaphore, #tpu.memory_space<semaphore_mem>>)
      %dma_wait3A_1435 = tpu.memref_slice %arg6[%mul3A_2] : memref<2048xi32, #tpu.memory_space<hbm>> -> memref<64xi32, #tpu.memory_space<hbm>>
      %dma_wait3A_1436 = tpu.memref_slice %arg6[%mul3A_2] : memref<2048xi32, #tpu.memory_space<hbm>> -> memref<64xi32, #tpu.memory_space<hbm>>
      tpu.wait_dma2 semaphore(%run_scoped3A_1432 : memref<!tpu.dma_semaphore, #tpu.memory_space<semaphore_mem>>) src(%arg12 : memref<64xi32, #tpu.memory_space<vmem>>) dst(%dma_wait3A_1436 : memref<64xi32, #tpu.memory_space<hbm>>)
      tpu.yield
    }) : () -> ()
    "tpu.region"() ({
      %run_scoped3A_1432 = tpu.sem_alloc : memref<!tpu.dma_semaphore, #tpu.memory_space<semaphore_mem>>
      %dma_start3A_1433 = arith.constant 0 : i32
      %dma_start3A_1434 = tpu.memref_slice %arg3[%mul3A_2, %dma_start3A_1433] : memref<2048x768xf32, #tpu.memory_space<hbm>> -> memref<64x768xf32, #tpu.memory_space<hbm>>
      %dma_start3A_1435 = arith.constant 0 : i32
      %dma_start3A_1436 = tpu.memref_slice %arg3[%mul3A_2, %dma_start3A_1435] : memref<2048x768xf32, #tpu.memory_space<hbm>> -> memref<64x768xf32, #tpu.memory_space<hbm>>
      tpu.enqueue_dma source(%dma_start3A_1436 : memref<64x768xf32, #tpu.memory_space<hbm>>) target(%arg11 : memref<64x768xf32, #tpu.memory_space<vmem>>) target_semaphore(%run_scoped3A_1432 : memref<!tpu.dma_semaphore, #tpu.memory_space<semaphore_mem>>)
      %dma_wait3A_1437 = arith.constant 0 : i32
      %dma_wait3A_1438 = tpu.memref_slice %arg3[%mul3A_2, %dma_wait3A_1437] : memref<2048x768xf32, #tpu.memory_space<hbm>> -> memref<64x768xf32, #tpu.memory_space<hbm>>
      %dma_wait3A_1439 = arith.constant 0 : i32
      %dma_wait3A_1440 = tpu.memref_slice %arg3[%mul3A_2, %dma_wait3A_1439] : memref<2048x768xf32, #tpu.memory_space<hbm>> -> memref<64x768xf32, #tpu.memory_space<hbm>>
      tpu.wait_dma2 semaphore(%run_scoped3A_1432 : memref<!tpu.dma_semaphore, #tpu.memory_space<semaphore_mem>>) src(%dma_wait3A_1440 : memref<64x768xf32, #tpu.memory_space<hbm>>) dst(%arg11 : memref<64x768xf32, #tpu.memory_space<vmem>>)
      tpu.yield
    }) : () -> ()
    %dma_start3A = arith.constant 0 : i32
    %dma_start3A_1428 = arith.constant 0 : i32
    %dma_start3A_1429 = tpu.memref_slice %arg5[%dma_start3A, %dma_start3A_1428] : memref<3840x768xf32, #tpu.memory_space<hbm>> -> memref<3840x768xf32, #tpu.memory_space<hbm>>
    tpu.enqueue_indirect_dma source(%arg11 : memref<64x768xf32, #tpu.memory_space<vmem>>) target(%dma_start3A_1429 : memref<3840x768xf32, #tpu.memory_space<hbm>>) offsets(%arg12 : memref<64xi32, #tpu.memory_space<vmem>>) semaphore(%arg17 : memref<!tpu.dma_semaphore, #tpu.memory_space<semaphore_mem>>)
    %dma_wait3A = arith.constant 0 : i32
    %dma_wait3A_1430 = arith.constant 0 : i32
    %dma_wait3A_1431 = tpu.memref_slice %arg5[%dma_wait3A, %dma_wait3A_1430] : memref<3840x768xf32, #tpu.memory_space<hbm>> -> memref<3840x768xf32, #tpu.memory_space<hbm>>
    tpu.wait_indirect_dma semaphore(%arg17 : memref<!tpu.dma_semaphore, #tpu.memory_space<semaphore_mem>>) src(%arg11 : memref<64x768xf32, #tpu.memory_space<vmem>>) dst(%dma_wait3A_1431 : memref<3840x768xf32, #tpu.memory_space<hbm>>)
    return
  }
}

module attributes {stable_mosaic.version = 14 : i64} {
  func.func @_router_body(%arg0: memref<2048x768xf32, #tpu.memory_space<vmem>>, %arg1: memref<768x8xf32, #tpu.memory_space<vmem>>, %arg2: memref<1x2048xi32, #tpu.memory_space<vmem>>, %arg3: memref<32x16xi32, #tpu.memory_space<vmem>>, %arg4: memref<2048x768xf32, #tpu.memory_space<vmem>>) attributes {dimension_semantics = [], scalar_prefetch = 0 : i64, scratch_operands = 0 : i64, tpu.core_type = #tpu.core_type<tc>} {
    %get3A = arith.constant 0 : index
    %get3A_0 = arith.constant 0 : index
    %get3A_1 = vector.load %arg0[%get3A, %get3A_0] : memref<2048x768xf32, #tpu.memory_space<vmem>>, vector<2048x768xf32>
    %get3A_2 = arith.constant 0 : index
    %get3A_3 = arith.constant 0 : index
    %get3A_4 = vector.load %arg1[%get3A_2, %get3A_3] : memref<768x8xf32, #tpu.memory_space<vmem>>, vector<768x8xf32>
    %dot_general3A = arith.constant dense<0.000000e+00> : vector<2048x8xf32>
    %dot_general3A_5 = tpu.matmul %get3A_1, %get3A_4, %dot_general3A {dimension_numbers = #tpu.dot_dimension_numbers<[1], [0], [0], [1], [0, 0, 1, 1], [], []>, transpose_lhs_hint = false} : vector<2048x768xf32>, vector<768x8xf32>, vector<2048x8xf32> -> vector<2048x8xf32>
    %argmax3A = tpu.reduce_index %dot_general3A_5 {axis = 1 : i32, kind = #tpu.reduction_kind<arg_max>} : vector<2048x8xf32> -> vector<2048xi32>
    %reduce_max3A = arith.constant dense<0xFF800000> : vector<2048xf32>
    %reduce_max3A_6 = vector.multi_reduction <maximumf>, %dot_general3A_5, %reduce_max3A [1] : vector<2048x8xf32> to vector<2048xf32>
    %logistic3A = arith.negf %reduce_max3A_6 : vector<2048xf32>
    %logistic3A_7 = math.exp %logistic3A : vector<2048xf32>
    %logistic3A_8 = arith.constant 1.000000e+00 : f32
    %logistic3A_9 = vector.broadcast %logistic3A_8 : f32 to vector<2048xf32>
    %logistic3A_10 = arith.addf %logistic3A_9, %logistic3A_7 : vector<2048xf32>
    %logistic3A_11 = arith.divf %logistic3A_9, %logistic3A_10 : vector<2048xf32>
    %reshape3A = vector.shape_cast %argmax3A : vector<2048xi32> to vector<1x2048xi32>
    %swap3A = arith.constant 0 : index
    %swap3A_12 = arith.constant 0 : index
    %swap3A_13 = vector.load %arg2[%swap3A, %swap3A_12] : memref<1x2048xi32, #tpu.memory_space<vmem>>, vector<1x2048xi32>
    tpu.vector_store %arg2[%swap3A, %swap3A_12], %reshape3A {strides = array<i32>} : memref<1x2048xi32, #tpu.memory_space<vmem>>, vector<1x2048xi32>,
    %reshape3A_14 = vector.shape_cast %argmax3A : vector<2048xi32> to vector<32x64x1xi32>
    %iota3A = tpu.iota {dimensions = array<i32: 2>} : vector<1x1x16xi32>
    %eq3A = vector.broadcast %reshape3A_14 : vector<32x64x1xi32> to vector<32x64x16xi32>
    %eq3A_15 = vector.broadcast %iota3A : vector<1x1x16xi32> to vector<32x64x16xi32>
    %eq3A_16 = arith.cmpi eq, %eq3A, %eq3A_15 : vector<32x64x16xi32>
    %convert_element_type3A = arith.extui %eq3A_16 : vector<32x64x16xi1> to vector<32x64x16xi32>
    %reduce_sum3A = arith.constant dense<0> : vector<32x16xi32>
    %reduce_sum3A_17 = vector.multi_reduction <add>, %convert_element_type3A, %reduce_sum3A [1] : vector<32x64x16xi32> to vector<32x16xi32>
    %swap3A_18 = arith.constant 0 : index
    %swap3A_19 = arith.constant 0 : index
    %swap3A_20 = vector.load %arg3[%swap3A_18, %swap3A_19] : memref<32x16xi32, #tpu.memory_space<vmem>>, vector<32x16xi32>
    tpu.vector_store %arg3[%swap3A_18, %swap3A_19], %reduce_sum3A_17 {strides = array<i32>} : memref<32x16xi32, #tpu.memory_space<vmem>>, vector<32x16xi32>,
    %broadcast_in_dim3A = vector.shape_cast %logistic3A_11 : vector<2048xf32> to vector<2048x1xf32>
    %mul3A = vector.broadcast %broadcast_in_dim3A : vector<2048x1xf32> to vector<2048x768xf32>
    %mul3A_21 = arith.mulf %get3A_1, %mul3A : vector<2048x768xf32>
    %swap3A_22 = arith.constant 0 : index
    %swap3A_23 = arith.constant 0 : index
    %swap3A_24 = vector.load %arg4[%swap3A_22, %swap3A_23] : memref<2048x768xf32, #tpu.memory_space<vmem>>, vector<2048x768xf32>
    tpu.vector_store %arg4[%swap3A_22, %swap3A_23], %mul3A_21 {strides = array<i32>} : memref<2048x768xf32, #tpu.memory_space<vmem>>, vector<2048x768xf32>,
    return
  }
}

module attributes {stable_mosaic.version = 14 : i64} {
  func.func @_shared_body(%arg0: i32, %arg1: memref<256x768xf32, #tpu.memory_space<vmem>>, %arg2: memref<768x1024xf32, #tpu.memory_space<vmem>>, %arg3: memref<768x1024xf32, #tpu.memory_space<vmem>>, %arg4: memref<1024x768xf32, #tpu.memory_space<vmem>>, %arg5: memref<256x768xf32, #tpu.memory_space<vmem>>) attributes {dimension_semantics = [#tpu.dimension_semantics<arbitrary>], iteration_bounds = array<i64: 8>, scalar_prefetch = 0 : i64, scratch_operands = 0 : i64, tpu.core_type = #tpu.core_type<tc>, window_params = [{transform_indices = @transform_0, window_bounds = array<i64: 256, 768>}, {pipeline_mode = #tpu.pipeline_mode<synchronous>, transform_indices = @transform_1, window_bounds = array<i64: 768, 1024>}, {pipeline_mode = #tpu.pipeline_mode<synchronous>, transform_indices = @transform_2, window_bounds = array<i64: 768, 1024>}, {pipeline_mode = #tpu.pipeline_mode<synchronous>, transform_indices = @transform_3, window_bounds = array<i64: 1024, 768>}, {transform_indices = @transform_4, window_bounds = array<i64: 256, 768>}]} {
    %get3A = arith.constant 0 : index
    %get3A_0 = arith.constant 0 : index
    %get3A_1 = vector.load %arg1[%get3A, %get3A_0] : memref<256x768xf32, #tpu.memory_space<vmem>>, vector<256x768xf32>
    %convert_element_type3A = arith.truncf %get3A_1 : vector<256x768xf32> to vector<256x768xbf16>
    %get3A_2 = arith.constant 0 : index
    %get3A_3 = arith.constant 0 : index
    %get3A_4 = vector.load %arg2[%get3A_2, %get3A_3] : memref<768x1024xf32, #tpu.memory_space<vmem>>, vector<768x1024xf32>
    %convert_element_type3A_5 = arith.truncf %get3A_4 : vector<768x1024xf32> to vector<768x1024xbf16>
    %dot_general3A = arith.constant dense<0.000000e+00> : vector<256x1024xf32>
    %dot_general3A_6 = tpu.matmul %convert_element_type3A, %convert_element_type3A_5, %dot_general3A {dimension_numbers = #tpu.dot_dimension_numbers<[1], [0], [0], [1], [0, 0, 1, 1], [], []>, transpose_lhs_hint = false} : vector<256x768xbf16>, vector<768x1024xbf16>, vector<256x1024xf32> -> vector<256x1024xf32>
    %get3A_7 = arith.constant 0 : index
    %get3A_8 = arith.constant 0 : index
    %get3A_9 = vector.load %arg3[%get3A_7, %get3A_8] : memref<768x1024xf32, #tpu.memory_space<vmem>>, vector<768x1024xf32>
    %convert_element_type3A_10 = arith.truncf %get3A_9 : vector<768x1024xf32> to vector<768x1024xbf16>
    %dot_general3A_11 = arith.constant dense<0.000000e+00> : vector<256x1024xf32>
    %dot_general3A_12 = tpu.matmul %convert_element_type3A, %convert_element_type3A_10, %dot_general3A_11 {dimension_numbers = #tpu.dot_dimension_numbers<[1], [0], [0], [1], [0, 0, 1, 1], [], []>, transpose_lhs_hint = false} : vector<256x768xbf16>, vector<768x1024xbf16>, vector<256x1024xf32> -> vector<256x1024xf32>
    %logistic3A = arith.negf %dot_general3A_6 : vector<256x1024xf32>
    %logistic3A_13 = math.exp %logistic3A : vector<256x1024xf32>
    %logistic3A_14 = arith.constant 1.000000e+00 : f32
    %logistic3A_15 = vector.broadcast %logistic3A_14 : f32 to vector<256x1024xf32>
    %logistic3A_16 = arith.addf %logistic3A_15, %logistic3A_13 : vector<256x1024xf32>
    %logistic3A_17 = arith.divf %logistic3A_15, %logistic3A_16 : vector<256x1024xf32>
    %mul3A = arith.mulf %dot_general3A_6, %logistic3A_17 : vector<256x1024xf32>
    %mul3A_18 = arith.mulf %mul3A, %dot_general3A_12 : vector<256x1024xf32>
    %convert_element_type3A_19 = arith.truncf %mul3A_18 : vector<256x1024xf32> to vector<256x1024xbf16>
    %get3A_20 = arith.constant 0 : index
    %get3A_21 = arith.constant 0 : index
    %get3A_22 = vector.load %arg4[%get3A_20, %get3A_21] : memref<1024x768xf32, #tpu.memory_space<vmem>>, vector<1024x768xf32>
    %convert_element_type3A_23 = arith.truncf %get3A_22 : vector<1024x768xf32> to vector<1024x768xbf16>
    %dot_general3A_24 = arith.constant dense<0.000000e+00> : vector<256x768xf32>
    %dot_general3A_25 = tpu.matmul %convert_element_type3A_19, %convert_element_type3A_23, %dot_general3A_24 {dimension_numbers = #tpu.dot_dimension_numbers<[1], [0], [0], [1], [0, 0, 1, 1], [], []>, transpose_lhs_hint = false} : vector<256x1024xbf16>, vector<1024x768xbf16>, vector<256x768xf32> -> vector<256x768xf32>
    %swap3A = arith.constant 0 : index
    %swap3A_26 = arith.constant 0 : index
    %swap3A_27 = vector.load %arg5[%swap3A, %swap3A_26] : memref<256x768xf32, #tpu.memory_space<vmem>>, vector<256x768xf32>
    tpu.vector_store %arg5[%swap3A, %swap3A_26], %dot_general3A_25 {strides = array<i32>} : memref<256x768xf32, #tpu.memory_space<vmem>>, vector<256x768xf32>,
    return
  }
  func.func @transform_0(%arg0: i32) -> (i32, i32) {
    %c0_i32 = arith.constant 0 : i32
    %c0_i32_0 = arith.constant 0 : i32
    return %arg0, %c0_i32 : i32, i32
  }
  func.func @transform_1(%arg0: i32) -> (i32, i32) {
    %c0_i32 = arith.constant 0 : i32
    %c0_i32_0 = arith.constant 0 : i32
    %c0_i32_1 = arith.constant 0 : i32
    return %c0_i32, %c0_i32_0 : i32, i32
  }
  func.func @transform_2(%arg0: i32) -> (i32, i32) {
    %c0_i32 = arith.constant 0 : i32
    %c0_i32_0 = arith.constant 0 : i32
    %c0_i32_1 = arith.constant 0 : i32
    return %c0_i32, %c0_i32_0 : i32, i32
  }
  func.func @transform_3(%arg0: i32) -> (i32, i32) {
    %c0_i32 = arith.constant 0 : i32
    %c0_i32_0 = arith.constant 0 : i32
    %c0_i32_1 = arith.constant 0 : i32
    return %c0_i32, %c0_i32_0 : i32, i32
  }
  func.func @transform_4(%arg0: i32) -> (i32, i32) {
    %c0_i32 = arith.constant 0 : i32
    %c0_i32_0 = arith.constant 0 : i32
    return %arg0, %c0_i32 : i32, i32
  }
}

module attributes {stable_mosaic.version = 14 : i64} {
  func.func @_grouped_body(%arg0: i32, %arg1: memref<16xi32, #tpu.memory_space<smem>>, %arg2: memref<16xi32, #tpu.memory_space<smem>>, %arg3: memref<16xi32, #tpu.memory_space<smem>>, %arg4: memref<256x768xf32, #tpu.memory_space<vmem>>, %arg5: memref<8x768x1024xf32, #tpu.memory_space<hbm>>, %arg6: memref<8x768x1024xf32, #tpu.memory_space<hbm>>, %arg7: memref<8x1024x768xf32, #tpu.memory_space<hbm>>, %arg8: memref<256x768xf32, #tpu.memory_space<vmem>>, %arg9: memref<3x768x1024xf32, #tpu.memory_space<vmem>>, %arg10: memref<3x768x1024xf32, #tpu.memory_space<vmem>>, %arg11: memref<3x1024x768xf32, #tpu.memory_space<vmem>>, %arg12: memref<3x3x!tpu.dma_semaphore, #tpu.memory_space<semaphore_mem>>) attributes {dimension_semantics = [#tpu.dimension_semantics<arbitrary>], iteration_bounds = array<i64: 15>, scalar_prefetch = 3 : i64, scratch_operands = 4 : i64, tpu.core_type = #tpu.core_type<tc>, window_params = [{transform_indices = @transform_0, window_bounds = array<i64: 256, 768>}, {}, {}, {}, {transform_indices = @transform_4, window_bounds = array<i64: 256, 768>}]} {
    %get3A = arith.constant 0 : index
    %get3A_0 = memref.load %arg2[%get3A] : memref<16xi32, #tpu.memory_space<smem>>
    %get3A_1 = arith.constant 0 : index
    %get3A_2 = memref.load %arg3[%get3A_1] : memref<16xi32, #tpu.memory_space<smem>>
    %ge3A = arith.constant 0 : i32
    %ge3A_3 = arith.cmpi sge, %get3A_0, %ge3A : i32
    %sub3A = arith.constant 2 : i32
    %sub3A_4 = arith.subi %get3A_0, %sub3A : i32
    %max3A = arith.constant 0 : i32
    %max3A_5 = arith.maxsi %sub3A_4, %max3A : i32
    %eq3A = arith.cmpi eq, %arg0, %max3A_5 : i32
    %and3A = arith.andi %ge3A_3, %eq3A : i1
    %convert_element_type3A = arith.extui %and3A : i1 to i32
    %cond3A = arith.constant 0 : i32
    %cond3A_6 = arith.cmpi ne, %convert_element_type3A, %cond3A : i32
    scf.if %cond3A_6 {
      %dma_start3A = arith.constant 0 : i32
      %dma_start3A_183 = arith.constant 0 : i32
      %dma_start3A_184 = tpu.memref_slice %arg12[%get3A_2, %dma_start3A_183] : memref<3x3x!tpu.dma_semaphore, #tpu.memory_space<semaphore_mem>> -> memref<1x1x!tpu.dma_semaphore, #tpu.memory_space<semaphore_mem>>
      %dma_start3A_185 = tpu.memref_squeeze %dma_start3A_184 : memref<1x1x!tpu.dma_semaphore, #tpu.memory_space<semaphore_mem>> -> memref<!tpu.dma_semaphore, #tpu.memory_space<semaphore_mem>>
      %dma_start3A_186 = arith.constant 0 : i32
      %dma_start3A_187 = arith.constant 0 : i32
      %dma_start3A_188 = tpu.memref_slice %arg9[%get3A_2, %dma_start3A_186, %dma_start3A_187] : memref<3x768x1024xf32, #tpu.memory_space<vmem>> -> memref<1x768x1024xf32, #tpu.memory_space<vmem>>
      %dma_start3A_189 = tpu.memref_squeeze %dma_start3A_188 : memref<1x768x1024xf32, #tpu.memory_space<vmem>> -> memref<768x1024xf32, #tpu.memory_space<vmem>>
      %dma_start3A_190 = arith.constant 0 : i32
      %dma_start3A_191 = arith.constant 0 : i32
      %dma_start3A_192 = tpu.memref_slice %arg5[%dma_start3A, %dma_start3A_190, %dma_start3A_191] : memref<8x768x1024xf32, #tpu.memory_space<hbm>> -> memref<1x768x1024xf32, #tpu.memory_space<hbm>>
      %dma_start3A_193 = tpu.memref_squeeze %dma_start3A_192 : memref<1x768x1024xf32, #tpu.memory_space<hbm>> -> memref<768x1024xf32, #tpu.memory_space<hbm>>
      tpu.enqueue_dma source(%dma_start3A_193 : memref<768x1024xf32, #tpu.memory_space<hbm>>) target(%dma_start3A_189 : memref<768x1024xf32, #tpu.memory_space<vmem>>) target_semaphore(%dma_start3A_185 : memref<!tpu.dma_semaphore, #tpu.memory_space<semaphore_mem>>)
      %dma_start3A_194 = arith.constant 0 : i32
      %dma_start3A_195 = arith.constant 1 : i32
      %dma_start3A_196 = tpu.memref_slice %arg12[%get3A_2, %dma_start3A_195] : memref<3x3x!tpu.dma_semaphore, #tpu.memory_space<semaphore_mem>> -> memref<1x1x!tpu.dma_semaphore, #tpu.memory_space<semaphore_mem>>
      %dma_start3A_197 = tpu.memref_squeeze %dma_start3A_196 : memref<1x1x!tpu.dma_semaphore, #tpu.memory_space<semaphore_mem>> -> memref<!tpu.dma_semaphore, #tpu.memory_space<semaphore_mem>>
      %dma_start3A_198 = arith.constant 0 : i32
      %dma_start3A_199 = arith.constant 0 : i32
      %dma_start3A_200 = tpu.memref_slice %arg10[%get3A_2, %dma_start3A_198, %dma_start3A_199] : memref<3x768x1024xf32, #tpu.memory_space<vmem>> -> memref<1x768x1024xf32, #tpu.memory_space<vmem>>
      %dma_start3A_201 = tpu.memref_squeeze %dma_start3A_200 : memref<1x768x1024xf32, #tpu.memory_space<vmem>> -> memref<768x1024xf32, #tpu.memory_space<vmem>>
      %dma_start3A_202 = arith.constant 0 : i32
      %dma_start3A_203 = arith.constant 0 : i32
      %dma_start3A_204 = tpu.memref_slice %arg6[%dma_start3A_194, %dma_start3A_202, %dma_start3A_203] : memref<8x768x1024xf32, #tpu.memory_space<hbm>> -> memref<1x768x1024xf32, #tpu.memory_space<hbm>>
      %dma_start3A_205 = tpu.memref_squeeze %dma_start3A_204 : memref<1x768x1024xf32, #tpu.memory_space<hbm>> -> memref<768x1024xf32, #tpu.memory_space<hbm>>
      tpu.enqueue_dma source(%dma_start3A_205 : memref<768x1024xf32, #tpu.memory_space<hbm>>) target(%dma_start3A_201 : memref<768x1024xf32, #tpu.memory_space<vmem>>) target_semaphore(%dma_start3A_197 : memref<!tpu.dma_semaphore, #tpu.memory_space<semaphore_mem>>)
      %dma_start3A_206 = arith.constant 0 : i32
      %dma_start3A_207 = arith.constant 2 : i32
      %dma_start3A_208 = tpu.memref_slice %arg12[%get3A_2, %dma_start3A_207] : memref<3x3x!tpu.dma_semaphore, #tpu.memory_space<semaphore_mem>> -> memref<1x1x!tpu.dma_semaphore, #tpu.memory_space<semaphore_mem>>
      %dma_start3A_209 = tpu.memref_squeeze %dma_start3A_208 : memref<1x1x!tpu.dma_semaphore, #tpu.memory_space<semaphore_mem>> -> memref<!tpu.dma_semaphore, #tpu.memory_space<semaphore_mem>>
      %dma_start3A_210 = arith.constant 0 : i32
      %dma_start3A_211 = arith.constant 0 : i32
      %dma_start3A_212 = tpu.memref_slice %arg11[%get3A_2, %dma_start3A_210, %dma_start3A_211] : memref<3x1024x768xf32, #tpu.memory_space<vmem>> -> memref<1x1024x768xf32, #tpu.memory_space<vmem>>
      %dma_start3A_213 = tpu.memref_squeeze %dma_start3A_212 : memref<1x1024x768xf32, #tpu.memory_space<vmem>> -> memref<1024x768xf32, #tpu.memory_space<vmem>>
      %dma_start3A_214 = arith.constant 0 : i32
      %dma_start3A_215 = arith.constant 0 : i32
      %dma_start3A_216 = tpu.memref_slice %arg7[%dma_start3A_206, %dma_start3A_214, %dma_start3A_215] : memref<8x1024x768xf32, #tpu.memory_space<hbm>> -> memref<1x1024x768xf32, #tpu.memory_space<hbm>>
      %dma_start3A_217 = tpu.memref_squeeze %dma_start3A_216 : memref<1x1024x768xf32, #tpu.memory_space<hbm>> -> memref<1024x768xf32, #tpu.memory_space<hbm>>
      tpu.enqueue_dma source(%dma_start3A_217 : memref<1024x768xf32, #tpu.memory_space<hbm>>) target(%dma_start3A_213 : memref<1024x768xf32, #tpu.memory_space<vmem>>) target_semaphore(%dma_start3A_209 : memref<!tpu.dma_semaphore, #tpu.memory_space<semaphore_mem>>)
    } else {
    }
    %eq3A_7 = arith.cmpi eq, %get3A_0, %arg0 : i32
    %convert_element_type3A_8 = arith.extui %eq3A_7 : i1 to i32
    %cond3A_9 = arith.constant 0 : i32
    %cond3A_10 = arith.cmpi ne, %convert_element_type3A_8, %cond3A_9 : i32
    scf.if %cond3A_10 {
      %dma_wait3A = arith.constant 0 : i32
      %dma_wait3A_183 = arith.constant 0 : i32
      %dma_wait3A_184 = tpu.memref_slice %arg12[%get3A_2, %dma_wait3A_183] : memref<3x3x!tpu.dma_semaphore, #tpu.memory_space<semaphore_mem>> -> memref<1x1x!tpu.dma_semaphore, #tpu.memory_space<semaphore_mem>>
      %dma_wait3A_185 = tpu.memref_squeeze %dma_wait3A_184 : memref<1x1x!tpu.dma_semaphore, #tpu.memory_space<semaphore_mem>> -> memref<!tpu.dma_semaphore, #tpu.memory_space<semaphore_mem>>
      %dma_wait3A_186 = arith.constant 0 : i32
      %dma_wait3A_187 = arith.constant 0 : i32
      %dma_wait3A_188 = tpu.memref_slice %arg9[%get3A_2, %dma_wait3A_186, %dma_wait3A_187] : memref<3x768x1024xf32, #tpu.memory_space<vmem>> -> memref<1x768x1024xf32, #tpu.memory_space<vmem>>
      %dma_wait3A_189 = tpu.memref_squeeze %dma_wait3A_188 : memref<1x768x1024xf32, #tpu.memory_space<vmem>> -> memref<768x1024xf32, #tpu.memory_space<vmem>>
      %dma_wait3A_190 = arith.constant 0 : i32
      %dma_wait3A_191 = arith.constant 0 : i32
      %dma_wait3A_192 = tpu.memref_slice %arg5[%dma_wait3A, %dma_wait3A_190, %dma_wait3A_191] : memref<8x768x1024xf32, #tpu.memory_space<hbm>> -> memref<1x768x1024xf32, #tpu.memory_space<hbm>>
      %dma_wait3A_193 = tpu.memref_squeeze %dma_wait3A_192 : memref<1x768x1024xf32, #tpu.memory_space<hbm>> -> memref<768x1024xf32, #tpu.memory_space<hbm>>
      tpu.wait_dma2 semaphore(%dma_wait3A_185 : memref<!tpu.dma_semaphore, #tpu.memory_space<semaphore_mem>>) src(%dma_wait3A_193 : memref<768x1024xf32, #tpu.memory_space<hbm>>) dst(%dma_wait3A_189 : memref<768x1024xf32, #tpu.memory_space<vmem>>)
      %dma_wait3A_194 = arith.constant 0 : i32
      %dma_wait3A_195 = arith.constant 1 : i32
      %dma_wait3A_196 = tpu.memref_slice %arg12[%get3A_2, %dma_wait3A_195] : memref<3x3x!tpu.dma_semaphore, #tpu.memory_space<semaphore_mem>> -> memref<1x1x!tpu.dma_semaphore, #tpu.memory_space<semaphore_mem>>
      %dma_wait3A_197 = tpu.memref_squeeze %dma_wait3A_196 : memref<1x1x!tpu.dma_semaphore, #tpu.memory_space<semaphore_mem>> -> memref<!tpu.dma_semaphore, #tpu.memory_space<semaphore_mem>>
      %dma_wait3A_198 = arith.constant 0 : i32
      %dma_wait3A_199 = arith.constant 0 : i32
      %dma_wait3A_200 = tpu.memref_slice %arg10[%get3A_2, %dma_wait3A_198, %dma_wait3A_199] : memref<3x768x1024xf32, #tpu.memory_space<vmem>> -> memref<1x768x1024xf32, #tpu.memory_space<vmem>>
      %dma_wait3A_201 = tpu.memref_squeeze %dma_wait3A_200 : memref<1x768x1024xf32, #tpu.memory_space<vmem>> -> memref<768x1024xf32, #tpu.memory_space<vmem>>
      %dma_wait3A_202 = arith.constant 0 : i32
      %dma_wait3A_203 = arith.constant 0 : i32
      %dma_wait3A_204 = tpu.memref_slice %arg6[%dma_wait3A_194, %dma_wait3A_202, %dma_wait3A_203] : memref<8x768x1024xf32, #tpu.memory_space<hbm>> -> memref<1x768x1024xf32, #tpu.memory_space<hbm>>
      %dma_wait3A_205 = tpu.memref_squeeze %dma_wait3A_204 : memref<1x768x1024xf32, #tpu.memory_space<hbm>> -> memref<768x1024xf32, #tpu.memory_space<hbm>>
      tpu.wait_dma2 semaphore(%dma_wait3A_197 : memref<!tpu.dma_semaphore, #tpu.memory_space<semaphore_mem>>) src(%dma_wait3A_205 : memref<768x1024xf32, #tpu.memory_space<hbm>>) dst(%dma_wait3A_201 : memref<768x1024xf32, #tpu.memory_space<vmem>>)
      %dma_wait3A_206 = arith.constant 0 : i32
      %dma_wait3A_207 = arith.constant 2 : i32
      %dma_wait3A_208 = tpu.memref_slice %arg12[%get3A_2, %dma_wait3A_207] : memref<3x3x!tpu.dma_semaphore, #tpu.memory_space<semaphore_mem>> -> memref<1x1x!tpu.dma_semaphore, #tpu.memory_space<semaphore_mem>>
      %dma_wait3A_209 = tpu.memref_squeeze %dma_wait3A_208 : memref<1x1x!tpu.dma_semaphore, #tpu.memory_space<semaphore_mem>> -> memref<!tpu.dma_semaphore, #tpu.memory_space<semaphore_mem>>
      %dma_wait3A_210 = arith.constant 0 : i32
      %dma_wait3A_211 = arith.constant 0 : i32
      %dma_wait3A_212 = tpu.memref_slice %arg11[%get3A_2, %dma_wait3A_210, %dma_wait3A_211] : memref<3x1024x768xf32, #tpu.memory_space<vmem>> -> memref<1x1024x768xf32, #tpu.memory_space<vmem>>
      %dma_wait3A_213 = tpu.memref_squeeze %dma_wait3A_212 : memref<1x1024x768xf32, #tpu.memory_space<vmem>> -> memref<1024x768xf32, #tpu.memory_space<vmem>>
      %dma_wait3A_214 = arith.constant 0 : i32
      %dma_wait3A_215 = arith.constant 0 : i32
      %dma_wait3A_216 = tpu.memref_slice %arg7[%dma_wait3A_206, %dma_wait3A_214, %dma_wait3A_215] : memref<8x1024x768xf32, #tpu.memory_space<hbm>> -> memref<1x1024x768xf32, #tpu.memory_space<hbm>>
      %dma_wait3A_217 = tpu.memref_squeeze %dma_wait3A_216 : memref<1x1024x768xf32, #tpu.memory_space<hbm>> -> memref<1024x768xf32, #tpu.memory_space<hbm>>
      tpu.wait_dma2 semaphore(%dma_wait3A_209 : memref<!tpu.dma_semaphore, #tpu.memory_space<semaphore_mem>>) src(%dma_wait3A_217 : memref<1024x768xf32, #tpu.memory_space<hbm>>) dst(%dma_wait3A_213 : memref<1024x768xf32, #tpu.memory_space<vmem>>)
    } else {
    }
    %get3A_11 = arith.constant 1 : index
    %get3A_12 = memref.load %arg2[%get3A_11] : memref<16xi32, #tpu.memory_space<smem>>
    %get3A_13 = arith.constant 1 : index
    %get3A_14 = memref.load %arg3[%get3A_13] : memref<16xi32, #tpu.memory_space<smem>>
    %ge3A_15 = arith.constant 0 : i32
    %ge3A_16 = arith.cmpi sge, %get3A_12, %ge3A_15 : i32
    %sub3A_17 = arith.constant 2 : i32
    %sub3A_18 = arith.subi %get3A_12, %sub3A_17 : i32
    %max3A_19 = arith.constant 0 : i32
    %max3A_20 = arith.maxsi %sub3A_18, %max3A_19 : i32
    %eq3A_21 = arith.cmpi eq, %arg0, %max3A_20 : i32
    %and3A_22 = arith.andi %ge3A_16, %eq3A_21 : i1
    %convert_element_type3A_23 = arith.extui %and3A_22 : i1 to i32
    %cond3A_24 = arith.constant 0 : i32
    %cond3A_25 = arith.cmpi ne, %convert_element_type3A_23, %cond3A_24 : i32
    scf.if %cond3A_25 {
      %dma_start3A = arith.constant 1 : i32
      %dma_start3A_183 = arith.constant 0 : i32
      %dma_start3A_184 = tpu.memref_slice %arg12[%get3A_14, %dma_start3A_183] : memref<3x3x!tpu.dma_semaphore, #tpu.memory_space<semaphore_mem>> -> memref<1x1x!tpu.dma_semaphore, #tpu.memory_space<semaphore_mem>>
      %dma_start3A_185 = tpu.memref_squeeze %dma_start3A_184 : memref<1x1x!tpu.dma_semaphore, #tpu.memory_space<semaphore_mem>> -> memref<!tpu.dma_semaphore, #tpu.memory_space<semaphore_mem>>
      %dma_start3A_186 = arith.constant 0 : i32
      %dma_start3A_187 = arith.constant 0 : i32
      %dma_start3A_188 = tpu.memref_slice %arg9[%get3A_14, %dma_start3A_186, %dma_start3A_187] : memref<3x768x1024xf32, #tpu.memory_space<vmem>> -> memref<1x768x1024xf32, #tpu.memory_space<vmem>>
      %dma_start3A_189 = tpu.memref_squeeze %dma_start3A_188 : memref<1x768x1024xf32, #tpu.memory_space<vmem>> -> memref<768x1024xf32, #tpu.memory_space<vmem>>
      %dma_start3A_190 = arith.constant 0 : i32
      %dma_start3A_191 = arith.constant 0 : i32
      %dma_start3A_192 = tpu.memref_slice %arg5[%dma_start3A, %dma_start3A_190, %dma_start3A_191] : memref<8x768x1024xf32, #tpu.memory_space<hbm>> -> memref<1x768x1024xf32, #tpu.memory_space<hbm>>
      %dma_start3A_193 = tpu.memref_squeeze %dma_start3A_192 : memref<1x768x1024xf32, #tpu.memory_space<hbm>> -> memref<768x1024xf32, #tpu.memory_space<hbm>>
      tpu.enqueue_dma source(%dma_start3A_193 : memref<768x1024xf32, #tpu.memory_space<hbm>>) target(%dma_start3A_189 : memref<768x1024xf32, #tpu.memory_space<vmem>>) target_semaphore(%dma_start3A_185 : memref<!tpu.dma_semaphore, #tpu.memory_space<semaphore_mem>>)
      %dma_start3A_194 = arith.constant 1 : i32
      %dma_start3A_195 = arith.constant 1 : i32
      %dma_start3A_196 = tpu.memref_slice %arg12[%get3A_14, %dma_start3A_195] : memref<3x3x!tpu.dma_semaphore, #tpu.memory_space<semaphore_mem>> -> memref<1x1x!tpu.dma_semaphore, #tpu.memory_space<semaphore_mem>>
      %dma_start3A_197 = tpu.memref_squeeze %dma_start3A_196 : memref<1x1x!tpu.dma_semaphore, #tpu.memory_space<semaphore_mem>> -> memref<!tpu.dma_semaphore, #tpu.memory_space<semaphore_mem>>
      %dma_start3A_198 = arith.constant 0 : i32
      %dma_start3A_199 = arith.constant 0 : i32
      %dma_start3A_200 = tpu.memref_slice %arg10[%get3A_14, %dma_start3A_198, %dma_start3A_199] : memref<3x768x1024xf32, #tpu.memory_space<vmem>> -> memref<1x768x1024xf32, #tpu.memory_space<vmem>>
      %dma_start3A_201 = tpu.memref_squeeze %dma_start3A_200 : memref<1x768x1024xf32, #tpu.memory_space<vmem>> -> memref<768x1024xf32, #tpu.memory_space<vmem>>
      %dma_start3A_202 = arith.constant 0 : i32
      %dma_start3A_203 = arith.constant 0 : i32
      %dma_start3A_204 = tpu.memref_slice %arg6[%dma_start3A_194, %dma_start3A_202, %dma_start3A_203] : memref<8x768x1024xf32, #tpu.memory_space<hbm>> -> memref<1x768x1024xf32, #tpu.memory_space<hbm>>
      %dma_start3A_205 = tpu.memref_squeeze %dma_start3A_204 : memref<1x768x1024xf32, #tpu.memory_space<hbm>> -> memref<768x1024xf32, #tpu.memory_space<hbm>>
      tpu.enqueue_dma source(%dma_start3A_205 : memref<768x1024xf32, #tpu.memory_space<hbm>>) target(%dma_start3A_201 : memref<768x1024xf32, #tpu.memory_space<vmem>>) target_semaphore(%dma_start3A_197 : memref<!tpu.dma_semaphore, #tpu.memory_space<semaphore_mem>>)
      %dma_start3A_206 = arith.constant 1 : i32
      %dma_start3A_207 = arith.constant 2 : i32
      %dma_start3A_208 = tpu.memref_slice %arg12[%get3A_14, %dma_start3A_207] : memref<3x3x!tpu.dma_semaphore, #tpu.memory_space<semaphore_mem>> -> memref<1x1x!tpu.dma_semaphore, #tpu.memory_space<semaphore_mem>>
      %dma_start3A_209 = tpu.memref_squeeze %dma_start3A_208 : memref<1x1x!tpu.dma_semaphore, #tpu.memory_space<semaphore_mem>> -> memref<!tpu.dma_semaphore, #tpu.memory_space<semaphore_mem>>
      %dma_start3A_210 = arith.constant 0 : i32
      %dma_start3A_211 = arith.constant 0 : i32
      %dma_start3A_212 = tpu.memref_slice %arg11[%get3A_14, %dma_start3A_210, %dma_start3A_211] : memref<3x1024x768xf32, #tpu.memory_space<vmem>> -> memref<1x1024x768xf32, #tpu.memory_space<vmem>>
      %dma_start3A_213 = tpu.memref_squeeze %dma_start3A_212 : memref<1x1024x768xf32, #tpu.memory_space<vmem>> -> memref<1024x768xf32, #tpu.memory_space<vmem>>
      %dma_start3A_214 = arith.constant 0 : i32
      %dma_start3A_215 = arith.constant 0 : i32
      %dma_start3A_216 = tpu.memref_slice %arg7[%dma_start3A_206, %dma_start3A_214, %dma_start3A_215] : memref<8x1024x768xf32, #tpu.memory_space<hbm>> -> memref<1x1024x768xf32, #tpu.memory_space<hbm>>
      %dma_start3A_217 = tpu.memref_squeeze %dma_start3A_216 : memref<1x1024x768xf32, #tpu.memory_space<hbm>> -> memref<1024x768xf32, #tpu.memory_space<hbm>>
      tpu.enqueue_dma source(%dma_start3A_217 : memref<1024x768xf32, #tpu.memory_space<hbm>>) target(%dma_start3A_213 : memref<1024x768xf32, #tpu.memory_space<vmem>>) target_semaphore(%dma_start3A_209 : memref<!tpu.dma_semaphore, #tpu.memory_space<semaphore_mem>>)
    } else {
    }
    %eq3A_26 = arith.cmpi eq, %get3A_12, %arg0 : i32
    %convert_element_type3A_27 = arith.extui %eq3A_26 : i1 to i32
    %cond3A_28 = arith.constant 0 : i32
    %cond3A_29 = arith.cmpi ne, %convert_element_type3A_27, %cond3A_28 : i32
    scf.if %cond3A_29 {
      %dma_wait3A = arith.constant 1 : i32
      %dma_wait3A_183 = arith.constant 0 : i32
      %dma_wait3A_184 = tpu.memref_slice %arg12[%get3A_14, %dma_wait3A_183] : memref<3x3x!tpu.dma_semaphore, #tpu.memory_space<semaphore_mem>> -> memref<1x1x!tpu.dma_semaphore, #tpu.memory_space<semaphore_mem>>
      %dma_wait3A_185 = tpu.memref_squeeze %dma_wait3A_184 : memref<1x1x!tpu.dma_semaphore, #tpu.memory_space<semaphore_mem>> -> memref<!tpu.dma_semaphore, #tpu.memory_space<semaphore_mem>>
      %dma_wait3A_186 = arith.constant 0 : i32
      %dma_wait3A_187 = arith.constant 0 : i32
      %dma_wait3A_188 = tpu.memref_slice %arg9[%get3A_14, %dma_wait3A_186, %dma_wait3A_187] : memref<3x768x1024xf32, #tpu.memory_space<vmem>> -> memref<1x768x1024xf32, #tpu.memory_space<vmem>>
      %dma_wait3A_189 = tpu.memref_squeeze %dma_wait3A_188 : memref<1x768x1024xf32, #tpu.memory_space<vmem>> -> memref<768x1024xf32, #tpu.memory_space<vmem>>
      %dma_wait3A_190 = arith.constant 0 : i32
      %dma_wait3A_191 = arith.constant 0 : i32
      %dma_wait3A_192 = tpu.memref_slice %arg5[%dma_wait3A, %dma_wait3A_190, %dma_wait3A_191] : memref<8x768x1024xf32, #tpu.memory_space<hbm>> -> memref<1x768x1024xf32, #tpu.memory_space<hbm>>
      %dma_wait3A_193 = tpu.memref_squeeze %dma_wait3A_192 : memref<1x768x1024xf32, #tpu.memory_space<hbm>> -> memref<768x1024xf32, #tpu.memory_space<hbm>>
      tpu.wait_dma2 semaphore(%dma_wait3A_185 : memref<!tpu.dma_semaphore, #tpu.memory_space<semaphore_mem>>) src(%dma_wait3A_193 : memref<768x1024xf32, #tpu.memory_space<hbm>>) dst(%dma_wait3A_189 : memref<768x1024xf32, #tpu.memory_space<vmem>>)
      %dma_wait3A_194 = arith.constant 1 : i32
      %dma_wait3A_195 = arith.constant 1 : i32
      %dma_wait3A_196 = tpu.memref_slice %arg12[%get3A_14, %dma_wait3A_195] : memref<3x3x!tpu.dma_semaphore, #tpu.memory_space<semaphore_mem>> -> memref<1x1x!tpu.dma_semaphore, #tpu.memory_space<semaphore_mem>>
      %dma_wait3A_197 = tpu.memref_squeeze %dma_wait3A_196 : memref<1x1x!tpu.dma_semaphore, #tpu.memory_space<semaphore_mem>> -> memref<!tpu.dma_semaphore, #tpu.memory_space<semaphore_mem>>
      %dma_wait3A_198 = arith.constant 0 : i32
      %dma_wait3A_199 = arith.constant 0 : i32
      %dma_wait3A_200 = tpu.memref_slice %arg10[%get3A_14, %dma_wait3A_198, %dma_wait3A_199] : memref<3x768x1024xf32, #tpu.memory_space<vmem>> -> memref<1x768x1024xf32, #tpu.memory_space<vmem>>
      %dma_wait3A_201 = tpu.memref_squeeze %dma_wait3A_200 : memref<1x768x1024xf32, #tpu.memory_space<vmem>> -> memref<768x1024xf32, #tpu.memory_space<vmem>>
      %dma_wait3A_202 = arith.constant 0 : i32
      %dma_wait3A_203 = arith.constant 0 : i32
      %dma_wait3A_204 = tpu.memref_slice %arg6[%dma_wait3A_194, %dma_wait3A_202, %dma_wait3A_203] : memref<8x768x1024xf32, #tpu.memory_space<hbm>> -> memref<1x768x1024xf32, #tpu.memory_space<hbm>>
      %dma_wait3A_205 = tpu.memref_squeeze %dma_wait3A_204 : memref<1x768x1024xf32, #tpu.memory_space<hbm>> -> memref<768x1024xf32, #tpu.memory_space<hbm>>
      tpu.wait_dma2 semaphore(%dma_wait3A_197 : memref<!tpu.dma_semaphore, #tpu.memory_space<semaphore_mem>>) src(%dma_wait3A_205 : memref<768x1024xf32, #tpu.memory_space<hbm>>) dst(%dma_wait3A_201 : memref<768x1024xf32, #tpu.memory_space<vmem>>)
      %dma_wait3A_206 = arith.constant 1 : i32
      %dma_wait3A_207 = arith.constant 2 : i32
      %dma_wait3A_208 = tpu.memref_slice %arg12[%get3A_14, %dma_wait3A_207] : memref<3x3x!tpu.dma_semaphore, #tpu.memory_space<semaphore_mem>> -> memref<1x1x!tpu.dma_semaphore, #tpu.memory_space<semaphore_mem>>
      %dma_wait3A_209 = tpu.memref_squeeze %dma_wait3A_208 : memref<1x1x!tpu.dma_semaphore, #tpu.memory_space<semaphore_mem>> -> memref<!tpu.dma_semaphore, #tpu.memory_space<semaphore_mem>>
      %dma_wait3A_210 = arith.constant 0 : i32
      %dma_wait3A_211 = arith.constant 0 : i32
      %dma_wait3A_212 = tpu.memref_slice %arg11[%get3A_14, %dma_wait3A_210, %dma_wait3A_211] : memref<3x1024x768xf32, #tpu.memory_space<vmem>> -> memref<1x1024x768xf32, #tpu.memory_space<vmem>>
      %dma_wait3A_213 = tpu.memref_squeeze %dma_wait3A_212 : memref<1x1024x768xf32, #tpu.memory_space<vmem>> -> memref<1024x768xf32, #tpu.memory_space<vmem>>
      %dma_wait3A_214 = arith.constant 0 : i32
      %dma_wait3A_215 = arith.constant 0 : i32
      %dma_wait3A_216 = tpu.memref_slice %arg7[%dma_wait3A_206, %dma_wait3A_214, %dma_wait3A_215] : memref<8x1024x768xf32, #tpu.memory_space<hbm>> -> memref<1x1024x768xf32, #tpu.memory_space<hbm>>
      %dma_wait3A_217 = tpu.memref_squeeze %dma_wait3A_216 : memref<1x1024x768xf32, #tpu.memory_space<hbm>> -> memref<1024x768xf32, #tpu.memory_space<hbm>>
      tpu.wait_dma2 semaphore(%dma_wait3A_209 : memref<!tpu.dma_semaphore, #tpu.memory_space<semaphore_mem>>) src(%dma_wait3A_217 : memref<1024x768xf32, #tpu.memory_space<hbm>>) dst(%dma_wait3A_213 : memref<1024x768xf32, #tpu.memory_space<vmem>>)
    } else {
    }
    %get3A_30 = arith.constant 2 : index
    %get3A_31 = memref.load %arg2[%get3A_30] : memref<16xi32, #tpu.memory_space<smem>>
    %get3A_32 = arith.constant 2 : index
    %get3A_33 = memref.load %arg3[%get3A_32] : memref<16xi32, #tpu.memory_space<smem>>
    %ge3A_34 = arith.constant 0 : i32
    %ge3A_35 = arith.cmpi sge, %get3A_31, %ge3A_34 : i32
    %sub3A_36 = arith.constant 2 : i32
    %sub3A_37 = arith.subi %get3A_31, %sub3A_36 : i32
    %max3A_38 = arith.constant 0 : i32
    %max3A_39 = arith.maxsi %sub3A_37, %max3A_38 : i32
    %eq3A_40 = arith.cmpi eq, %arg0, %max3A_39 : i32
    %and3A_41 = arith.andi %ge3A_35, %eq3A_40 : i1
    %convert_element_type3A_42 = arith.extui %and3A_41 : i1 to i32
    %cond3A_43 = arith.constant 0 : i32
    %cond3A_44 = arith.cmpi ne, %convert_element_type3A_42, %cond3A_43 : i32
    scf.if %cond3A_44 {
      %dma_start3A = arith.constant 2 : i32
      %dma_start3A_183 = arith.constant 0 : i32
      %dma_start3A_184 = tpu.memref_slice %arg12[%get3A_33, %dma_start3A_183] : memref<3x3x!tpu.dma_semaphore, #tpu.memory_space<semaphore_mem>> -> memref<1x1x!tpu.dma_semaphore, #tpu.memory_space<semaphore_mem>>
      %dma_start3A_185 = tpu.memref_squeeze %dma_start3A_184 : memref<1x1x!tpu.dma_semaphore, #tpu.memory_space<semaphore_mem>> -> memref<!tpu.dma_semaphore, #tpu.memory_space<semaphore_mem>>
      %dma_start3A_186 = arith.constant 0 : i32
      %dma_start3A_187 = arith.constant 0 : i32
      %dma_start3A_188 = tpu.memref_slice %arg9[%get3A_33, %dma_start3A_186, %dma_start3A_187] : memref<3x768x1024xf32, #tpu.memory_space<vmem>> -> memref<1x768x1024xf32, #tpu.memory_space<vmem>>
      %dma_start3A_189 = tpu.memref_squeeze %dma_start3A_188 : memref<1x768x1024xf32, #tpu.memory_space<vmem>> -> memref<768x1024xf32, #tpu.memory_space<vmem>>
      %dma_start3A_190 = arith.constant 0 : i32
      %dma_start3A_191 = arith.constant 0 : i32
      %dma_start3A_192 = tpu.memref_slice %arg5[%dma_start3A, %dma_start3A_190, %dma_start3A_191] : memref<8x768x1024xf32, #tpu.memory_space<hbm>> -> memref<1x768x1024xf32, #tpu.memory_space<hbm>>
      %dma_start3A_193 = tpu.memref_squeeze %dma_start3A_192 : memref<1x768x1024xf32, #tpu.memory_space<hbm>> -> memref<768x1024xf32, #tpu.memory_space<hbm>>
      tpu.enqueue_dma source(%dma_start3A_193 : memref<768x1024xf32, #tpu.memory_space<hbm>>) target(%dma_start3A_189 : memref<768x1024xf32, #tpu.memory_space<vmem>>) target_semaphore(%dma_start3A_185 : memref<!tpu.dma_semaphore, #tpu.memory_space<semaphore_mem>>)
      %dma_start3A_194 = arith.constant 2 : i32
      %dma_start3A_195 = arith.constant 1 : i32
      %dma_start3A_196 = tpu.memref_slice %arg12[%get3A_33, %dma_start3A_195] : memref<3x3x!tpu.dma_semaphore, #tpu.memory_space<semaphore_mem>> -> memref<1x1x!tpu.dma_semaphore, #tpu.memory_space<semaphore_mem>>
      %dma_start3A_197 = tpu.memref_squeeze %dma_start3A_196 : memref<1x1x!tpu.dma_semaphore, #tpu.memory_space<semaphore_mem>> -> memref<!tpu.dma_semaphore, #tpu.memory_space<semaphore_mem>>
      %dma_start3A_198 = arith.constant 0 : i32
      %dma_start3A_199 = arith.constant 0 : i32
      %dma_start3A_200 = tpu.memref_slice %arg10[%get3A_33, %dma_start3A_198, %dma_start3A_199] : memref<3x768x1024xf32, #tpu.memory_space<vmem>> -> memref<1x768x1024xf32, #tpu.memory_space<vmem>>
      %dma_start3A_201 = tpu.memref_squeeze %dma_start3A_200 : memref<1x768x1024xf32, #tpu.memory_space<vmem>> -> memref<768x1024xf32, #tpu.memory_space<vmem>>
      %dma_start3A_202 = arith.constant 0 : i32
      %dma_start3A_203 = arith.constant 0 : i32
      %dma_start3A_204 = tpu.memref_slice %arg6[%dma_start3A_194, %dma_start3A_202, %dma_start3A_203] : memref<8x768x1024xf32, #tpu.memory_space<hbm>> -> memref<1x768x1024xf32, #tpu.memory_space<hbm>>
      %dma_start3A_205 = tpu.memref_squeeze %dma_start3A_204 : memref<1x768x1024xf32, #tpu.memory_space<hbm>> -> memref<768x1024xf32, #tpu.memory_space<hbm>>
      tpu.enqueue_dma source(%dma_start3A_205 : memref<768x1024xf32, #tpu.memory_space<hbm>>) target(%dma_start3A_201 : memref<768x1024xf32, #tpu.memory_space<vmem>>) target_semaphore(%dma_start3A_197 : memref<!tpu.dma_semaphore, #tpu.memory_space<semaphore_mem>>)
      %dma_start3A_206 = arith.constant 2 : i32
      %dma_start3A_207 = arith.constant 2 : i32
      %dma_start3A_208 = tpu.memref_slice %arg12[%get3A_33, %dma_start3A_207] : memref<3x3x!tpu.dma_semaphore, #tpu.memory_space<semaphore_mem>> -> memref<1x1x!tpu.dma_semaphore, #tpu.memory_space<semaphore_mem>>
      %dma_start3A_209 = tpu.memref_squeeze %dma_start3A_208 : memref<1x1x!tpu.dma_semaphore, #tpu.memory_space<semaphore_mem>> -> memref<!tpu.dma_semaphore, #tpu.memory_space<semaphore_mem>>
      %dma_start3A_210 = arith.constant 0 : i32
      %dma_start3A_211 = arith.constant 0 : i32
      %dma_start3A_212 = tpu.memref_slice %arg11[%get3A_33, %dma_start3A_210, %dma_start3A_211] : memref<3x1024x768xf32, #tpu.memory_space<vmem>> -> memref<1x1024x768xf32, #tpu.memory_space<vmem>>
      %dma_start3A_213 = tpu.memref_squeeze %dma_start3A_212 : memref<1x1024x768xf32, #tpu.memory_space<vmem>> -> memref<1024x768xf32, #tpu.memory_space<vmem>>
      %dma_start3A_214 = arith.constant 0 : i32
      %dma_start3A_215 = arith.constant 0 : i32
      %dma_start3A_216 = tpu.memref_slice %arg7[%dma_start3A_206, %dma_start3A_214, %dma_start3A_215] : memref<8x1024x768xf32, #tpu.memory_space<hbm>> -> memref<1x1024x768xf32, #tpu.memory_space<hbm>>
      %dma_start3A_217 = tpu.memref_squeeze %dma_start3A_216 : memref<1x1024x768xf32, #tpu.memory_space<hbm>> -> memref<1024x768xf32, #tpu.memory_space<hbm>>
      tpu.enqueue_dma source(%dma_start3A_217 : memref<1024x768xf32, #tpu.memory_space<hbm>>) target(%dma_start3A_213 : memref<1024x768xf32, #tpu.memory_space<vmem>>) target_semaphore(%dma_start3A_209 : memref<!tpu.dma_semaphore, #tpu.memory_space<semaphore_mem>>)
    } else {
    }
    %eq3A_45 = arith.cmpi eq, %get3A_31, %arg0 : i32
    %convert_element_type3A_46 = arith.extui %eq3A_45 : i1 to i32
    %cond3A_47 = arith.constant 0 : i32
    %cond3A_48 = arith.cmpi ne, %convert_element_type3A_46, %cond3A_47 : i32
    scf.if %cond3A_48 {
      %dma_wait3A = arith.constant 2 : i32
      %dma_wait3A_183 = arith.constant 0 : i32
      %dma_wait3A_184 = tpu.memref_slice %arg12[%get3A_33, %dma_wait3A_183] : memref<3x3x!tpu.dma_semaphore, #tpu.memory_space<semaphore_mem>> -> memref<1x1x!tpu.dma_semaphore, #tpu.memory_space<semaphore_mem>>
      %dma_wait3A_185 = tpu.memref_squeeze %dma_wait3A_184 : memref<1x1x!tpu.dma_semaphore, #tpu.memory_space<semaphore_mem>> -> memref<!tpu.dma_semaphore, #tpu.memory_space<semaphore_mem>>
      %dma_wait3A_186 = arith.constant 0 : i32
      %dma_wait3A_187 = arith.constant 0 : i32
      %dma_wait3A_188 = tpu.memref_slice %arg9[%get3A_33, %dma_wait3A_186, %dma_wait3A_187] : memref<3x768x1024xf32, #tpu.memory_space<vmem>> -> memref<1x768x1024xf32, #tpu.memory_space<vmem>>
      %dma_wait3A_189 = tpu.memref_squeeze %dma_wait3A_188 : memref<1x768x1024xf32, #tpu.memory_space<vmem>> -> memref<768x1024xf32, #tpu.memory_space<vmem>>
      %dma_wait3A_190 = arith.constant 0 : i32
      %dma_wait3A_191 = arith.constant 0 : i32
      %dma_wait3A_192 = tpu.memref_slice %arg5[%dma_wait3A, %dma_wait3A_190, %dma_wait3A_191] : memref<8x768x1024xf32, #tpu.memory_space<hbm>> -> memref<1x768x1024xf32, #tpu.memory_space<hbm>>
      %dma_wait3A_193 = tpu.memref_squeeze %dma_wait3A_192 : memref<1x768x1024xf32, #tpu.memory_space<hbm>> -> memref<768x1024xf32, #tpu.memory_space<hbm>>
      tpu.wait_dma2 semaphore(%dma_wait3A_185 : memref<!tpu.dma_semaphore, #tpu.memory_space<semaphore_mem>>) src(%dma_wait3A_193 : memref<768x1024xf32, #tpu.memory_space<hbm>>) dst(%dma_wait3A_189 : memref<768x1024xf32, #tpu.memory_space<vmem>>)
      %dma_wait3A_194 = arith.constant 2 : i32
      %dma_wait3A_195 = arith.constant 1 : i32
      %dma_wait3A_196 = tpu.memref_slice %arg12[%get3A_33, %dma_wait3A_195] : memref<3x3x!tpu.dma_semaphore, #tpu.memory_space<semaphore_mem>> -> memref<1x1x!tpu.dma_semaphore, #tpu.memory_space<semaphore_mem>>
      %dma_wait3A_197 = tpu.memref_squeeze %dma_wait3A_196 : memref<1x1x!tpu.dma_semaphore, #tpu.memory_space<semaphore_mem>> -> memref<!tpu.dma_semaphore, #tpu.memory_space<semaphore_mem>>
      %dma_wait3A_198 = arith.constant 0 : i32
      %dma_wait3A_199 = arith.constant 0 : i32
      %dma_wait3A_200 = tpu.memref_slice %arg10[%get3A_33, %dma_wait3A_198, %dma_wait3A_199] : memref<3x768x1024xf32, #tpu.memory_space<vmem>> -> memref<1x768x1024xf32, #tpu.memory_space<vmem>>
      %dma_wait3A_201 = tpu.memref_squeeze %dma_wait3A_200 : memref<1x768x1024xf32, #tpu.memory_space<vmem>> -> memref<768x1024xf32, #tpu.memory_space<vmem>>
      %dma_wait3A_202 = arith.constant 0 : i32
      %dma_wait3A_203 = arith.constant 0 : i32
      %dma_wait3A_204 = tpu.memref_slice %arg6[%dma_wait3A_194, %dma_wait3A_202, %dma_wait3A_203] : memref<8x768x1024xf32, #tpu.memory_space<hbm>> -> memref<1x768x1024xf32, #tpu.memory_space<hbm>>
      %dma_wait3A_205 = tpu.memref_squeeze %dma_wait3A_204 : memref<1x768x1024xf32, #tpu.memory_space<hbm>> -> memref<768x1024xf32, #tpu.memory_space<hbm>>
      tpu.wait_dma2 semaphore(%dma_wait3A_197 : memref<!tpu.dma_semaphore, #tpu.memory_space<semaphore_mem>>) src(%dma_wait3A_205 : memref<768x1024xf32, #tpu.memory_space<hbm>>) dst(%dma_wait3A_201 : memref<768x1024xf32, #tpu.memory_space<vmem>>)
      %dma_wait3A_206 = arith.constant 2 : i32
      %dma_wait3A_207 = arith.constant 2 : i32
      %dma_wait3A_208 = tpu.memref_slice %arg12[%get3A_33, %dma_wait3A_207] : memref<3x3x!tpu.dma_semaphore, #tpu.memory_space<semaphore_mem>> -> memref<1x1x!tpu.dma_semaphore, #tpu.memory_space<semaphore_mem>>
      %dma_wait3A_209 = tpu.memref_squeeze %dma_wait3A_208 : memref<1x1x!tpu.dma_semaphore, #tpu.memory_space<semaphore_mem>> -> memref<!tpu.dma_semaphore, #tpu.memory_space<semaphore_mem>>
      %dma_wait3A_210 = arith.constant 0 : i32
      %dma_wait3A_211 = arith.constant 0 : i32
      %dma_wait3A_212 = tpu.memref_slice %arg11[%get3A_33, %dma_wait3A_210, %dma_wait3A_211] : memref<3x1024x768xf32, #tpu.memory_space<vmem>> -> memref<1x1024x768xf32, #tpu.memory_space<vmem>>
      %dma_wait3A_213 = tpu.memref_squeeze %dma_wait3A_212 : memref<1x1024x768xf32, #tpu.memory_space<vmem>> -> memref<1024x768xf32, #tpu.memory_space<vmem>>
      %dma_wait3A_214 = arith.constant 0 : i32
      %dma_wait3A_215 = arith.constant 0 : i32
      %dma_wait3A_216 = tpu.memref_slice %arg7[%dma_wait3A_206, %dma_wait3A_214, %dma_wait3A_215] : memref<8x1024x768xf32, #tpu.memory_space<hbm>> -> memref<1x1024x768xf32, #tpu.memory_space<hbm>>
      %dma_wait3A_217 = tpu.memref_squeeze %dma_wait3A_216 : memref<1x1024x768xf32, #tpu.memory_space<hbm>> -> memref<1024x768xf32, #tpu.memory_space<hbm>>
      tpu.wait_dma2 semaphore(%dma_wait3A_209 : memref<!tpu.dma_semaphore, #tpu.memory_space<semaphore_mem>>) src(%dma_wait3A_217 : memref<1024x768xf32, #tpu.memory_space<hbm>>) dst(%dma_wait3A_213 : memref<1024x768xf32, #tpu.memory_space<vmem>>)
    } else {
    }
    %get3A_49 = arith.constant 3 : index
    %get3A_50 = memref.load %arg2[%get3A_49] : memref<16xi32, #tpu.memory_space<smem>>
    %get3A_51 = arith.constant 3 : index
    %get3A_52 = memref.load %arg3[%get3A_51] : memref<16xi32, #tpu.memory_space<smem>>
    %ge3A_53 = arith.constant 0 : i32
    %ge3A_54 = arith.cmpi sge, %get3A_50, %ge3A_53 : i32
    %sub3A_55 = arith.constant 2 : i32
    %sub3A_56 = arith.subi %get3A_50, %sub3A_55 : i32
    %max3A_57 = arith.constant 0 : i32
    %max3A_58 = arith.maxsi %sub3A_56, %max3A_57 : i32
    %eq3A_59 = arith.cmpi eq, %arg0, %max3A_58 : i32
    %and3A_60 = arith.andi %ge3A_54, %eq3A_59 : i1
    %convert_element_type3A_61 = arith.extui %and3A_60 : i1 to i32
    %cond3A_62 = arith.constant 0 : i32
    %cond3A_63 = arith.cmpi ne, %convert_element_type3A_61, %cond3A_62 : i32
    scf.if %cond3A_63 {
      %dma_start3A = arith.constant 3 : i32
      %dma_start3A_183 = arith.constant 0 : i32
      %dma_start3A_184 = tpu.memref_slice %arg12[%get3A_52, %dma_start3A_183] : memref<3x3x!tpu.dma_semaphore, #tpu.memory_space<semaphore_mem>> -> memref<1x1x!tpu.dma_semaphore, #tpu.memory_space<semaphore_mem>>
      %dma_start3A_185 = tpu.memref_squeeze %dma_start3A_184 : memref<1x1x!tpu.dma_semaphore, #tpu.memory_space<semaphore_mem>> -> memref<!tpu.dma_semaphore, #tpu.memory_space<semaphore_mem>>
      %dma_start3A_186 = arith.constant 0 : i32
      %dma_start3A_187 = arith.constant 0 : i32
      %dma_start3A_188 = tpu.memref_slice %arg9[%get3A_52, %dma_start3A_186, %dma_start3A_187] : memref<3x768x1024xf32, #tpu.memory_space<vmem>> -> memref<1x768x1024xf32, #tpu.memory_space<vmem>>
      %dma_start3A_189 = tpu.memref_squeeze %dma_start3A_188 : memref<1x768x1024xf32, #tpu.memory_space<vmem>> -> memref<768x1024xf32, #tpu.memory_space<vmem>>
      %dma_start3A_190 = arith.constant 0 : i32
      %dma_start3A_191 = arith.constant 0 : i32
      %dma_start3A_192 = tpu.memref_slice %arg5[%dma_start3A, %dma_start3A_190, %dma_start3A_191] : memref<8x768x1024xf32, #tpu.memory_space<hbm>> -> memref<1x768x1024xf32, #tpu.memory_space<hbm>>
      %dma_start3A_193 = tpu.memref_squeeze %dma_start3A_192 : memref<1x768x1024xf32, #tpu.memory_space<hbm>> -> memref<768x1024xf32, #tpu.memory_space<hbm>>
      tpu.enqueue_dma source(%dma_start3A_193 : memref<768x1024xf32, #tpu.memory_space<hbm>>) target(%dma_start3A_189 : memref<768x1024xf32, #tpu.memory_space<vmem>>) target_semaphore(%dma_start3A_185 : memref<!tpu.dma_semaphore, #tpu.memory_space<semaphore_mem>>)
      %dma_start3A_194 = arith.constant 3 : i32
      %dma_start3A_195 = arith.constant 1 : i32
      %dma_start3A_196 = tpu.memref_slice %arg12[%get3A_52, %dma_start3A_195] : memref<3x3x!tpu.dma_semaphore, #tpu.memory_space<semaphore_mem>> -> memref<1x1x!tpu.dma_semaphore, #tpu.memory_space<semaphore_mem>>
      %dma_start3A_197 = tpu.memref_squeeze %dma_start3A_196 : memref<1x1x!tpu.dma_semaphore, #tpu.memory_space<semaphore_mem>> -> memref<!tpu.dma_semaphore, #tpu.memory_space<semaphore_mem>>
      %dma_start3A_198 = arith.constant 0 : i32
      %dma_start3A_199 = arith.constant 0 : i32
      %dma_start3A_200 = tpu.memref_slice %arg10[%get3A_52, %dma_start3A_198, %dma_start3A_199] : memref<3x768x1024xf32, #tpu.memory_space<vmem>> -> memref<1x768x1024xf32, #tpu.memory_space<vmem>>
      %dma_start3A_201 = tpu.memref_squeeze %dma_start3A_200 : memref<1x768x1024xf32, #tpu.memory_space<vmem>> -> memref<768x1024xf32, #tpu.memory_space<vmem>>
      %dma_start3A_202 = arith.constant 0 : i32
      %dma_start3A_203 = arith.constant 0 : i32
      %dma_start3A_204 = tpu.memref_slice %arg6[%dma_start3A_194, %dma_start3A_202, %dma_start3A_203] : memref<8x768x1024xf32, #tpu.memory_space<hbm>> -> memref<1x768x1024xf32, #tpu.memory_space<hbm>>
      %dma_start3A_205 = tpu.memref_squeeze %dma_start3A_204 : memref<1x768x1024xf32, #tpu.memory_space<hbm>> -> memref<768x1024xf32, #tpu.memory_space<hbm>>
      tpu.enqueue_dma source(%dma_start3A_205 : memref<768x1024xf32, #tpu.memory_space<hbm>>) target(%dma_start3A_201 : memref<768x1024xf32, #tpu.memory_space<vmem>>) target_semaphore(%dma_start3A_197 : memref<!tpu.dma_semaphore, #tpu.memory_space<semaphore_mem>>)
      %dma_start3A_206 = arith.constant 3 : i32
      %dma_start3A_207 = arith.constant 2 : i32
      %dma_start3A_208 = tpu.memref_slice %arg12[%get3A_52, %dma_start3A_207] : memref<3x3x!tpu.dma_semaphore, #tpu.memory_space<semaphore_mem>> -> memref<1x1x!tpu.dma_semaphore, #tpu.memory_space<semaphore_mem>>
      %dma_start3A_209 = tpu.memref_squeeze %dma_start3A_208 : memref<1x1x!tpu.dma_semaphore, #tpu.memory_space<semaphore_mem>> -> memref<!tpu.dma_semaphore, #tpu.memory_space<semaphore_mem>>
      %dma_start3A_210 = arith.constant 0 : i32
      %dma_start3A_211 = arith.constant 0 : i32
      %dma_start3A_212 = tpu.memref_slice %arg11[%get3A_52, %dma_start3A_210, %dma_start3A_211] : memref<3x1024x768xf32, #tpu.memory_space<vmem>> -> memref<1x1024x768xf32, #tpu.memory_space<vmem>>
      %dma_start3A_213 = tpu.memref_squeeze %dma_start3A_212 : memref<1x1024x768xf32, #tpu.memory_space<vmem>> -> memref<1024x768xf32, #tpu.memory_space<vmem>>
      %dma_start3A_214 = arith.constant 0 : i32
      %dma_start3A_215 = arith.constant 0 : i32
      %dma_start3A_216 = tpu.memref_slice %arg7[%dma_start3A_206, %dma_start3A_214, %dma_start3A_215] : memref<8x1024x768xf32, #tpu.memory_space<hbm>> -> memref<1x1024x768xf32, #tpu.memory_space<hbm>>
      %dma_start3A_217 = tpu.memref_squeeze %dma_start3A_216 : memref<1x1024x768xf32, #tpu.memory_space<hbm>> -> memref<1024x768xf32, #tpu.memory_space<hbm>>
      tpu.enqueue_dma source(%dma_start3A_217 : memref<1024x768xf32, #tpu.memory_space<hbm>>) target(%dma_start3A_213 : memref<1024x768xf32, #tpu.memory_space<vmem>>) target_semaphore(%dma_start3A_209 : memref<!tpu.dma_semaphore, #tpu.memory_space<semaphore_mem>>)
    } else {
    }
    %eq3A_64 = arith.cmpi eq, %get3A_50, %arg0 : i32
    %convert_element_type3A_65 = arith.extui %eq3A_64 : i1 to i32
    %cond3A_66 = arith.constant 0 : i32
    %cond3A_67 = arith.cmpi ne, %convert_element_type3A_65, %cond3A_66 : i32
    scf.if %cond3A_67 {
      %dma_wait3A = arith.constant 3 : i32
      %dma_wait3A_183 = arith.constant 0 : i32
      %dma_wait3A_184 = tpu.memref_slice %arg12[%get3A_52, %dma_wait3A_183] : memref<3x3x!tpu.dma_semaphore, #tpu.memory_space<semaphore_mem>> -> memref<1x1x!tpu.dma_semaphore, #tpu.memory_space<semaphore_mem>>
      %dma_wait3A_185 = tpu.memref_squeeze %dma_wait3A_184 : memref<1x1x!tpu.dma_semaphore, #tpu.memory_space<semaphore_mem>> -> memref<!tpu.dma_semaphore, #tpu.memory_space<semaphore_mem>>
      %dma_wait3A_186 = arith.constant 0 : i32
      %dma_wait3A_187 = arith.constant 0 : i32
      %dma_wait3A_188 = tpu.memref_slice %arg9[%get3A_52, %dma_wait3A_186, %dma_wait3A_187] : memref<3x768x1024xf32, #tpu.memory_space<vmem>> -> memref<1x768x1024xf32, #tpu.memory_space<vmem>>
      %dma_wait3A_189 = tpu.memref_squeeze %dma_wait3A_188 : memref<1x768x1024xf32, #tpu.memory_space<vmem>> -> memref<768x1024xf32, #tpu.memory_space<vmem>>
      %dma_wait3A_190 = arith.constant 0 : i32
      %dma_wait3A_191 = arith.constant 0 : i32
      %dma_wait3A_192 = tpu.memref_slice %arg5[%dma_wait3A, %dma_wait3A_190, %dma_wait3A_191] : memref<8x768x1024xf32, #tpu.memory_space<hbm>> -> memref<1x768x1024xf32, #tpu.memory_space<hbm>>
      %dma_wait3A_193 = tpu.memref_squeeze %dma_wait3A_192 : memref<1x768x1024xf32, #tpu.memory_space<hbm>> -> memref<768x1024xf32, #tpu.memory_space<hbm>>
      tpu.wait_dma2 semaphore(%dma_wait3A_185 : memref<!tpu.dma_semaphore, #tpu.memory_space<semaphore_mem>>) src(%dma_wait3A_193 : memref<768x1024xf32, #tpu.memory_space<hbm>>) dst(%dma_wait3A_189 : memref<768x1024xf32, #tpu.memory_space<vmem>>)
      %dma_wait3A_194 = arith.constant 3 : i32
      %dma_wait3A_195 = arith.constant 1 : i32
      %dma_wait3A_196 = tpu.memref_slice %arg12[%get3A_52, %dma_wait3A_195] : memref<3x3x!tpu.dma_semaphore, #tpu.memory_space<semaphore_mem>> -> memref<1x1x!tpu.dma_semaphore, #tpu.memory_space<semaphore_mem>>
      %dma_wait3A_197 = tpu.memref_squeeze %dma_wait3A_196 : memref<1x1x!tpu.dma_semaphore, #tpu.memory_space<semaphore_mem>> -> memref<!tpu.dma_semaphore, #tpu.memory_space<semaphore_mem>>
      %dma_wait3A_198 = arith.constant 0 : i32
      %dma_wait3A_199 = arith.constant 0 : i32
      %dma_wait3A_200 = tpu.memref_slice %arg10[%get3A_52, %dma_wait3A_198, %dma_wait3A_199] : memref<3x768x1024xf32, #tpu.memory_space<vmem>> -> memref<1x768x1024xf32, #tpu.memory_space<vmem>>
      %dma_wait3A_201 = tpu.memref_squeeze %dma_wait3A_200 : memref<1x768x1024xf32, #tpu.memory_space<vmem>> -> memref<768x1024xf32, #tpu.memory_space<vmem>>
      %dma_wait3A_202 = arith.constant 0 : i32
      %dma_wait3A_203 = arith.constant 0 : i32
      %dma_wait3A_204 = tpu.memref_slice %arg6[%dma_wait3A_194, %dma_wait3A_202, %dma_wait3A_203] : memref<8x768x1024xf32, #tpu.memory_space<hbm>> -> memref<1x768x1024xf32, #tpu.memory_space<hbm>>
      %dma_wait3A_205 = tpu.memref_squeeze %dma_wait3A_204 : memref<1x768x1024xf32, #tpu.memory_space<hbm>> -> memref<768x1024xf32, #tpu.memory_space<hbm>>
      tpu.wait_dma2 semaphore(%dma_wait3A_197 : memref<!tpu.dma_semaphore, #tpu.memory_space<semaphore_mem>>) src(%dma_wait3A_205 : memref<768x1024xf32, #tpu.memory_space<hbm>>) dst(%dma_wait3A_201 : memref<768x1024xf32, #tpu.memory_space<vmem>>)
      %dma_wait3A_206 = arith.constant 3 : i32
      %dma_wait3A_207 = arith.constant 2 : i32
      %dma_wait3A_208 = tpu.memref_slice %arg12[%get3A_52, %dma_wait3A_207] : memref<3x3x!tpu.dma_semaphore, #tpu.memory_space<semaphore_mem>> -> memref<1x1x!tpu.dma_semaphore, #tpu.memory_space<semaphore_mem>>
      %dma_wait3A_209 = tpu.memref_squeeze %dma_wait3A_208 : memref<1x1x!tpu.dma_semaphore, #tpu.memory_space<semaphore_mem>> -> memref<!tpu.dma_semaphore, #tpu.memory_space<semaphore_mem>>
      %dma_wait3A_210 = arith.constant 0 : i32
      %dma_wait3A_211 = arith.constant 0 : i32
      %dma_wait3A_212 = tpu.memref_slice %arg11[%get3A_52, %dma_wait3A_210, %dma_wait3A_211] : memref<3x1024x768xf32, #tpu.memory_space<vmem>> -> memref<1x1024x768xf32, #tpu.memory_space<vmem>>
      %dma_wait3A_213 = tpu.memref_squeeze %dma_wait3A_212 : memref<1x1024x768xf32, #tpu.memory_space<vmem>> -> memref<1024x768xf32, #tpu.memory_space<vmem>>
      %dma_wait3A_214 = arith.constant 0 : i32
      %dma_wait3A_215 = arith.constant 0 : i32
      %dma_wait3A_216 = tpu.memref_slice %arg7[%dma_wait3A_206, %dma_wait3A_214, %dma_wait3A_215] : memref<8x1024x768xf32, #tpu.memory_space<hbm>> -> memref<1x1024x768xf32, #tpu.memory_space<hbm>>
      %dma_wait3A_217 = tpu.memref_squeeze %dma_wait3A_216 : memref<1x1024x768xf32, #tpu.memory_space<hbm>> -> memref<1024x768xf32, #tpu.memory_space<hbm>>
      tpu.wait_dma2 semaphore(%dma_wait3A_209 : memref<!tpu.dma_semaphore, #tpu.memory_space<semaphore_mem>>) src(%dma_wait3A_217 : memref<1024x768xf32, #tpu.memory_space<hbm>>) dst(%dma_wait3A_213 : memref<1024x768xf32, #tpu.memory_space<vmem>>)
    } else {
    }
    %get3A_68 = arith.constant 4 : index
    %get3A_69 = memref.load %arg2[%get3A_68] : memref<16xi32, #tpu.memory_space<smem>>
    %get3A_70 = arith.constant 4 : index
    %get3A_71 = memref.load %arg3[%get3A_70] : memref<16xi32, #tpu.memory_space<smem>>
    %ge3A_72 = arith.constant 0 : i32
    %ge3A_73 = arith.cmpi sge, %get3A_69, %ge3A_72 : i32
    %sub3A_74 = arith.constant 2 : i32
    %sub3A_75 = arith.subi %get3A_69, %sub3A_74 : i32
    %max3A_76 = arith.constant 0 : i32
    %max3A_77 = arith.maxsi %sub3A_75, %max3A_76 : i32
    %eq3A_78 = arith.cmpi eq, %arg0, %max3A_77 : i32
    %and3A_79 = arith.andi %ge3A_73, %eq3A_78 : i1
    %convert_element_type3A_80 = arith.extui %and3A_79 : i1 to i32
    %cond3A_81 = arith.constant 0 : i32
    %cond3A_82 = arith.cmpi ne, %convert_element_type3A_80, %cond3A_81 : i32
    scf.if %cond3A_82 {
      %dma_start3A = arith.constant 4 : i32
      %dma_start3A_183 = arith.constant 0 : i32
      %dma_start3A_184 = tpu.memref_slice %arg12[%get3A_71, %dma_start3A_183] : memref<3x3x!tpu.dma_semaphore, #tpu.memory_space<semaphore_mem>> -> memref<1x1x!tpu.dma_semaphore, #tpu.memory_space<semaphore_mem>>
      %dma_start3A_185 = tpu.memref_squeeze %dma_start3A_184 : memref<1x1x!tpu.dma_semaphore, #tpu.memory_space<semaphore_mem>> -> memref<!tpu.dma_semaphore, #tpu.memory_space<semaphore_mem>>
      %dma_start3A_186 = arith.constant 0 : i32
      %dma_start3A_187 = arith.constant 0 : i32
      %dma_start3A_188 = tpu.memref_slice %arg9[%get3A_71, %dma_start3A_186, %dma_start3A_187] : memref<3x768x1024xf32, #tpu.memory_space<vmem>> -> memref<1x768x1024xf32, #tpu.memory_space<vmem>>
      %dma_start3A_189 = tpu.memref_squeeze %dma_start3A_188 : memref<1x768x1024xf32, #tpu.memory_space<vmem>> -> memref<768x1024xf32, #tpu.memory_space<vmem>>
      %dma_start3A_190 = arith.constant 0 : i32
      %dma_start3A_191 = arith.constant 0 : i32
      %dma_start3A_192 = tpu.memref_slice %arg5[%dma_start3A, %dma_start3A_190, %dma_start3A_191] : memref<8x768x1024xf32, #tpu.memory_space<hbm>> -> memref<1x768x1024xf32, #tpu.memory_space<hbm>>
      %dma_start3A_193 = tpu.memref_squeeze %dma_start3A_192 : memref<1x768x1024xf32, #tpu.memory_space<hbm>> -> memref<768x1024xf32, #tpu.memory_space<hbm>>
      tpu.enqueue_dma source(%dma_start3A_193 : memref<768x1024xf32, #tpu.memory_space<hbm>>) target(%dma_start3A_189 : memref<768x1024xf32, #tpu.memory_space<vmem>>) target_semaphore(%dma_start3A_185 : memref<!tpu.dma_semaphore, #tpu.memory_space<semaphore_mem>>)
      %dma_start3A_194 = arith.constant 4 : i32
      %dma_start3A_195 = arith.constant 1 : i32
      %dma_start3A_196 = tpu.memref_slice %arg12[%get3A_71, %dma_start3A_195] : memref<3x3x!tpu.dma_semaphore, #tpu.memory_space<semaphore_mem>> -> memref<1x1x!tpu.dma_semaphore, #tpu.memory_space<semaphore_mem>>
      %dma_start3A_197 = tpu.memref_squeeze %dma_start3A_196 : memref<1x1x!tpu.dma_semaphore, #tpu.memory_space<semaphore_mem>> -> memref<!tpu.dma_semaphore, #tpu.memory_space<semaphore_mem>>
      %dma_start3A_198 = arith.constant 0 : i32
      %dma_start3A_199 = arith.constant 0 : i32
      %dma_start3A_200 = tpu.memref_slice %arg10[%get3A_71, %dma_start3A_198, %dma_start3A_199] : memref<3x768x1024xf32, #tpu.memory_space<vmem>> -> memref<1x768x1024xf32, #tpu.memory_space<vmem>>
      %dma_start3A_201 = tpu.memref_squeeze %dma_start3A_200 : memref<1x768x1024xf32, #tpu.memory_space<vmem>> -> memref<768x1024xf32, #tpu.memory_space<vmem>>
      %dma_start3A_202 = arith.constant 0 : i32
      %dma_start3A_203 = arith.constant 0 : i32
      %dma_start3A_204 = tpu.memref_slice %arg6[%dma_start3A_194, %dma_start3A_202, %dma_start3A_203] : memref<8x768x1024xf32, #tpu.memory_space<hbm>> -> memref<1x768x1024xf32, #tpu.memory_space<hbm>>
      %dma_start3A_205 = tpu.memref_squeeze %dma_start3A_204 : memref<1x768x1024xf32, #tpu.memory_space<hbm>> -> memref<768x1024xf32, #tpu.memory_space<hbm>>
      tpu.enqueue_dma source(%dma_start3A_205 : memref<768x1024xf32, #tpu.memory_space<hbm>>) target(%dma_start3A_201 : memref<768x1024xf32, #tpu.memory_space<vmem>>) target_semaphore(%dma_start3A_197 : memref<!tpu.dma_semaphore, #tpu.memory_space<semaphore_mem>>)
      %dma_start3A_206 = arith.constant 4 : i32
      %dma_start3A_207 = arith.constant 2 : i32
      %dma_start3A_208 = tpu.memref_slice %arg12[%get3A_71, %dma_start3A_207] : memref<3x3x!tpu.dma_semaphore, #tpu.memory_space<semaphore_mem>> -> memref<1x1x!tpu.dma_semaphore, #tpu.memory_space<semaphore_mem>>
      %dma_start3A_209 = tpu.memref_squeeze %dma_start3A_208 : memref<1x1x!tpu.dma_semaphore, #tpu.memory_space<semaphore_mem>> -> memref<!tpu.dma_semaphore, #tpu.memory_space<semaphore_mem>>
      %dma_start3A_210 = arith.constant 0 : i32
      %dma_start3A_211 = arith.constant 0 : i32
      %dma_start3A_212 = tpu.memref_slice %arg11[%get3A_71, %dma_start3A_210, %dma_start3A_211] : memref<3x1024x768xf32, #tpu.memory_space<vmem>> -> memref<1x1024x768xf32, #tpu.memory_space<vmem>>
      %dma_start3A_213 = tpu.memref_squeeze %dma_start3A_212 : memref<1x1024x768xf32, #tpu.memory_space<vmem>> -> memref<1024x768xf32, #tpu.memory_space<vmem>>
      %dma_start3A_214 = arith.constant 0 : i32
      %dma_start3A_215 = arith.constant 0 : i32
      %dma_start3A_216 = tpu.memref_slice %arg7[%dma_start3A_206, %dma_start3A_214, %dma_start3A_215] : memref<8x1024x768xf32, #tpu.memory_space<hbm>> -> memref<1x1024x768xf32, #tpu.memory_space<hbm>>
      %dma_start3A_217 = tpu.memref_squeeze %dma_start3A_216 : memref<1x1024x768xf32, #tpu.memory_space<hbm>> -> memref<1024x768xf32, #tpu.memory_space<hbm>>
      tpu.enqueue_dma source(%dma_start3A_217 : memref<1024x768xf32, #tpu.memory_space<hbm>>) target(%dma_start3A_213 : memref<1024x768xf32, #tpu.memory_space<vmem>>) target_semaphore(%dma_start3A_209 : memref<!tpu.dma_semaphore, #tpu.memory_space<semaphore_mem>>)
    } else {
    }
    %eq3A_83 = arith.cmpi eq, %get3A_69, %arg0 : i32
    %convert_element_type3A_84 = arith.extui %eq3A_83 : i1 to i32
    %cond3A_85 = arith.constant 0 : i32
    %cond3A_86 = arith.cmpi ne, %convert_element_type3A_84, %cond3A_85 : i32
    scf.if %cond3A_86 {
      %dma_wait3A = arith.constant 4 : i32
      %dma_wait3A_183 = arith.constant 0 : i32
      %dma_wait3A_184 = tpu.memref_slice %arg12[%get3A_71, %dma_wait3A_183] : memref<3x3x!tpu.dma_semaphore, #tpu.memory_space<semaphore_mem>> -> memref<1x1x!tpu.dma_semaphore, #tpu.memory_space<semaphore_mem>>
      %dma_wait3A_185 = tpu.memref_squeeze %dma_wait3A_184 : memref<1x1x!tpu.dma_semaphore, #tpu.memory_space<semaphore_mem>> -> memref<!tpu.dma_semaphore, #tpu.memory_space<semaphore_mem>>
      %dma_wait3A_186 = arith.constant 0 : i32
      %dma_wait3A_187 = arith.constant 0 : i32
      %dma_wait3A_188 = tpu.memref_slice %arg9[%get3A_71, %dma_wait3A_186, %dma_wait3A_187] : memref<3x768x1024xf32, #tpu.memory_space<vmem>> -> memref<1x768x1024xf32, #tpu.memory_space<vmem>>
      %dma_wait3A_189 = tpu.memref_squeeze %dma_wait3A_188 : memref<1x768x1024xf32, #tpu.memory_space<vmem>> -> memref<768x1024xf32, #tpu.memory_space<vmem>>
      %dma_wait3A_190 = arith.constant 0 : i32
      %dma_wait3A_191 = arith.constant 0 : i32
      %dma_wait3A_192 = tpu.memref_slice %arg5[%dma_wait3A, %dma_wait3A_190, %dma_wait3A_191] : memref<8x768x1024xf32, #tpu.memory_space<hbm>> -> memref<1x768x1024xf32, #tpu.memory_space<hbm>>
      %dma_wait3A_193 = tpu.memref_squeeze %dma_wait3A_192 : memref<1x768x1024xf32, #tpu.memory_space<hbm>> -> memref<768x1024xf32, #tpu.memory_space<hbm>>
      tpu.wait_dma2 semaphore(%dma_wait3A_185 : memref<!tpu.dma_semaphore, #tpu.memory_space<semaphore_mem>>) src(%dma_wait3A_193 : memref<768x1024xf32, #tpu.memory_space<hbm>>) dst(%dma_wait3A_189 : memref<768x1024xf32, #tpu.memory_space<vmem>>)
      %dma_wait3A_194 = arith.constant 4 : i32
      %dma_wait3A_195 = arith.constant 1 : i32
      %dma_wait3A_196 = tpu.memref_slice %arg12[%get3A_71, %dma_wait3A_195] : memref<3x3x!tpu.dma_semaphore, #tpu.memory_space<semaphore_mem>> -> memref<1x1x!tpu.dma_semaphore, #tpu.memory_space<semaphore_mem>>
      %dma_wait3A_197 = tpu.memref_squeeze %dma_wait3A_196 : memref<1x1x!tpu.dma_semaphore, #tpu.memory_space<semaphore_mem>> -> memref<!tpu.dma_semaphore, #tpu.memory_space<semaphore_mem>>
      %dma_wait3A_198 = arith.constant 0 : i32
      %dma_wait3A_199 = arith.constant 0 : i32
      %dma_wait3A_200 = tpu.memref_slice %arg10[%get3A_71, %dma_wait3A_198, %dma_wait3A_199] : memref<3x768x1024xf32, #tpu.memory_space<vmem>> -> memref<1x768x1024xf32, #tpu.memory_space<vmem>>
      %dma_wait3A_201 = tpu.memref_squeeze %dma_wait3A_200 : memref<1x768x1024xf32, #tpu.memory_space<vmem>> -> memref<768x1024xf32, #tpu.memory_space<vmem>>
      %dma_wait3A_202 = arith.constant 0 : i32
      %dma_wait3A_203 = arith.constant 0 : i32
      %dma_wait3A_204 = tpu.memref_slice %arg6[%dma_wait3A_194, %dma_wait3A_202, %dma_wait3A_203] : memref<8x768x1024xf32, #tpu.memory_space<hbm>> -> memref<1x768x1024xf32, #tpu.memory_space<hbm>>
      %dma_wait3A_205 = tpu.memref_squeeze %dma_wait3A_204 : memref<1x768x1024xf32, #tpu.memory_space<hbm>> -> memref<768x1024xf32, #tpu.memory_space<hbm>>
      tpu.wait_dma2 semaphore(%dma_wait3A_197 : memref<!tpu.dma_semaphore, #tpu.memory_space<semaphore_mem>>) src(%dma_wait3A_205 : memref<768x1024xf32, #tpu.memory_space<hbm>>) dst(%dma_wait3A_201 : memref<768x1024xf32, #tpu.memory_space<vmem>>)
      %dma_wait3A_206 = arith.constant 4 : i32
      %dma_wait3A_207 = arith.constant 2 : i32
      %dma_wait3A_208 = tpu.memref_slice %arg12[%get3A_71, %dma_wait3A_207] : memref<3x3x!tpu.dma_semaphore, #tpu.memory_space<semaphore_mem>> -> memref<1x1x!tpu.dma_semaphore, #tpu.memory_space<semaphore_mem>>
      %dma_wait3A_209 = tpu.memref_squeeze %dma_wait3A_208 : memref<1x1x!tpu.dma_semaphore, #tpu.memory_space<semaphore_mem>> -> memref<!tpu.dma_semaphore, #tpu.memory_space<semaphore_mem>>
      %dma_wait3A_210 = arith.constant 0 : i32
      %dma_wait3A_211 = arith.constant 0 : i32
      %dma_wait3A_212 = tpu.memref_slice %arg11[%get3A_71, %dma_wait3A_210, %dma_wait3A_211] : memref<3x1024x768xf32, #tpu.memory_space<vmem>> -> memref<1x1024x768xf32, #tpu.memory_space<vmem>>
      %dma_wait3A_213 = tpu.memref_squeeze %dma_wait3A_212 : memref<1x1024x768xf32, #tpu.memory_space<vmem>> -> memref<1024x768xf32, #tpu.memory_space<vmem>>
      %dma_wait3A_214 = arith.constant 0 : i32
      %dma_wait3A_215 = arith.constant 0 : i32
      %dma_wait3A_216 = tpu.memref_slice %arg7[%dma_wait3A_206, %dma_wait3A_214, %dma_wait3A_215] : memref<8x1024x768xf32, #tpu.memory_space<hbm>> -> memref<1x1024x768xf32, #tpu.memory_space<hbm>>
      %dma_wait3A_217 = tpu.memref_squeeze %dma_wait3A_216 : memref<1x1024x768xf32, #tpu.memory_space<hbm>> -> memref<1024x768xf32, #tpu.memory_space<hbm>>
      tpu.wait_dma2 semaphore(%dma_wait3A_209 : memref<!tpu.dma_semaphore, #tpu.memory_space<semaphore_mem>>) src(%dma_wait3A_217 : memref<1024x768xf32, #tpu.memory_space<hbm>>) dst(%dma_wait3A_213 : memref<1024x768xf32, #tpu.memory_space<vmem>>)
    } else {
    }
    %get3A_87 = arith.constant 5 : index
    %get3A_88 = memref.load %arg2[%get3A_87] : memref<16xi32, #tpu.memory_space<smem>>
    %get3A_89 = arith.constant 5 : index
    %get3A_90 = memref.load %arg3[%get3A_89] : memref<16xi32, #tpu.memory_space<smem>>
    %ge3A_91 = arith.constant 0 : i32
    %ge3A_92 = arith.cmpi sge, %get3A_88, %ge3A_91 : i32
    %sub3A_93 = arith.constant 2 : i32
    %sub3A_94 = arith.subi %get3A_88, %sub3A_93 : i32
    %max3A_95 = arith.constant 0 : i32
    %max3A_96 = arith.maxsi %sub3A_94, %max3A_95 : i32
    %eq3A_97 = arith.cmpi eq, %arg0, %max3A_96 : i32
    %and3A_98 = arith.andi %ge3A_92, %eq3A_97 : i1
    %convert_element_type3A_99 = arith.extui %and3A_98 : i1 to i32
    %cond3A_100 = arith.constant 0 : i32
    %cond3A_101 = arith.cmpi ne, %convert_element_type3A_99, %cond3A_100 : i32
    scf.if %cond3A_101 {
      %dma_start3A = arith.constant 5 : i32
      %dma_start3A_183 = arith.constant 0 : i32
      %dma_start3A_184 = tpu.memref_slice %arg12[%get3A_90, %dma_start3A_183] : memref<3x3x!tpu.dma_semaphore, #tpu.memory_space<semaphore_mem>> -> memref<1x1x!tpu.dma_semaphore, #tpu.memory_space<semaphore_mem>>
      %dma_start3A_185 = tpu.memref_squeeze %dma_start3A_184 : memref<1x1x!tpu.dma_semaphore, #tpu.memory_space<semaphore_mem>> -> memref<!tpu.dma_semaphore, #tpu.memory_space<semaphore_mem>>
      %dma_start3A_186 = arith.constant 0 : i32
      %dma_start3A_187 = arith.constant 0 : i32
      %dma_start3A_188 = tpu.memref_slice %arg9[%get3A_90, %dma_start3A_186, %dma_start3A_187] : memref<3x768x1024xf32, #tpu.memory_space<vmem>> -> memref<1x768x1024xf32, #tpu.memory_space<vmem>>
      %dma_start3A_189 = tpu.memref_squeeze %dma_start3A_188 : memref<1x768x1024xf32, #tpu.memory_space<vmem>> -> memref<768x1024xf32, #tpu.memory_space<vmem>>
      %dma_start3A_190 = arith.constant 0 : i32
      %dma_start3A_191 = arith.constant 0 : i32
      %dma_start3A_192 = tpu.memref_slice %arg5[%dma_start3A, %dma_start3A_190, %dma_start3A_191] : memref<8x768x1024xf32, #tpu.memory_space<hbm>> -> memref<1x768x1024xf32, #tpu.memory_space<hbm>>
      %dma_start3A_193 = tpu.memref_squeeze %dma_start3A_192 : memref<1x768x1024xf32, #tpu.memory_space<hbm>> -> memref<768x1024xf32, #tpu.memory_space<hbm>>
      tpu.enqueue_dma source(%dma_start3A_193 : memref<768x1024xf32, #tpu.memory_space<hbm>>) target(%dma_start3A_189 : memref<768x1024xf32, #tpu.memory_space<vmem>>) target_semaphore(%dma_start3A_185 : memref<!tpu.dma_semaphore, #tpu.memory_space<semaphore_mem>>)
      %dma_start3A_194 = arith.constant 5 : i32
      %dma_start3A_195 = arith.constant 1 : i32
      %dma_start3A_196 = tpu.memref_slice %arg12[%get3A_90, %dma_start3A_195] : memref<3x3x!tpu.dma_semaphore, #tpu.memory_space<semaphore_mem>> -> memref<1x1x!tpu.dma_semaphore, #tpu.memory_space<semaphore_mem>>
      %dma_start3A_197 = tpu.memref_squeeze %dma_start3A_196 : memref<1x1x!tpu.dma_semaphore, #tpu.memory_space<semaphore_mem>> -> memref<!tpu.dma_semaphore, #tpu.memory_space<semaphore_mem>>
      %dma_start3A_198 = arith.constant 0 : i32
      %dma_start3A_199 = arith.constant 0 : i32
      %dma_start3A_200 = tpu.memref_slice %arg10[%get3A_90, %dma_start3A_198, %dma_start3A_199] : memref<3x768x1024xf32, #tpu.memory_space<vmem>> -> memref<1x768x1024xf32, #tpu.memory_space<vmem>>
      %dma_start3A_201 = tpu.memref_squeeze %dma_start3A_200 : memref<1x768x1024xf32, #tpu.memory_space<vmem>> -> memref<768x1024xf32, #tpu.memory_space<vmem>>
      %dma_start3A_202 = arith.constant 0 : i32
      %dma_start3A_203 = arith.constant 0 : i32
      %dma_start3A_204 = tpu.memref_slice %arg6[%dma_start3A_194, %dma_start3A_202, %dma_start3A_203] : memref<8x768x1024xf32, #tpu.memory_space<hbm>> -> memref<1x768x1024xf32, #tpu.memory_space<hbm>>
      %dma_start3A_205 = tpu.memref_squeeze %dma_start3A_204 : memref<1x768x1024xf32, #tpu.memory_space<hbm>> -> memref<768x1024xf32, #tpu.memory_space<hbm>>
      tpu.enqueue_dma source(%dma_start3A_205 : memref<768x1024xf32, #tpu.memory_space<hbm>>) target(%dma_start3A_201 : memref<768x1024xf32, #tpu.memory_space<vmem>>) target_semaphore(%dma_start3A_197 : memref<!tpu.dma_semaphore, #tpu.memory_space<semaphore_mem>>)
      %dma_start3A_206 = arith.constant 5 : i32
      %dma_start3A_207 = arith.constant 2 : i32
      %dma_start3A_208 = tpu.memref_slice %arg12[%get3A_90, %dma_start3A_207] : memref<3x3x!tpu.dma_semaphore, #tpu.memory_space<semaphore_mem>> -> memref<1x1x!tpu.dma_semaphore, #tpu.memory_space<semaphore_mem>>
      %dma_start3A_209 = tpu.memref_squeeze %dma_start3A_208 : memref<1x1x!tpu.dma_semaphore, #tpu.memory_space<semaphore_mem>> -> memref<!tpu.dma_semaphore, #tpu.memory_space<semaphore_mem>>
      %dma_start3A_210 = arith.constant 0 : i32
      %dma_start3A_211 = arith.constant 0 : i32
      %dma_start3A_212 = tpu.memref_slice %arg11[%get3A_90, %dma_start3A_210, %dma_start3A_211] : memref<3x1024x768xf32, #tpu.memory_space<vmem>> -> memref<1x1024x768xf32, #tpu.memory_space<vmem>>
      %dma_start3A_213 = tpu.memref_squeeze %dma_start3A_212 : memref<1x1024x768xf32, #tpu.memory_space<vmem>> -> memref<1024x768xf32, #tpu.memory_space<vmem>>
      %dma_start3A_214 = arith.constant 0 : i32
      %dma_start3A_215 = arith.constant 0 : i32
      %dma_start3A_216 = tpu.memref_slice %arg7[%dma_start3A_206, %dma_start3A_214, %dma_start3A_215] : memref<8x1024x768xf32, #tpu.memory_space<hbm>> -> memref<1x1024x768xf32, #tpu.memory_space<hbm>>
      %dma_start3A_217 = tpu.memref_squeeze %dma_start3A_216 : memref<1x1024x768xf32, #tpu.memory_space<hbm>> -> memref<1024x768xf32, #tpu.memory_space<hbm>>
      tpu.enqueue_dma source(%dma_start3A_217 : memref<1024x768xf32, #tpu.memory_space<hbm>>) target(%dma_start3A_213 : memref<1024x768xf32, #tpu.memory_space<vmem>>) target_semaphore(%dma_start3A_209 : memref<!tpu.dma_semaphore, #tpu.memory_space<semaphore_mem>>)
    } else {
    }
    %eq3A_102 = arith.cmpi eq, %get3A_88, %arg0 : i32
    %convert_element_type3A_103 = arith.extui %eq3A_102 : i1 to i32
    %cond3A_104 = arith.constant 0 : i32
    %cond3A_105 = arith.cmpi ne, %convert_element_type3A_103, %cond3A_104 : i32
    scf.if %cond3A_105 {
      %dma_wait3A = arith.constant 5 : i32
      %dma_wait3A_183 = arith.constant 0 : i32
      %dma_wait3A_184 = tpu.memref_slice %arg12[%get3A_90, %dma_wait3A_183] : memref<3x3x!tpu.dma_semaphore, #tpu.memory_space<semaphore_mem>> -> memref<1x1x!tpu.dma_semaphore, #tpu.memory_space<semaphore_mem>>
      %dma_wait3A_185 = tpu.memref_squeeze %dma_wait3A_184 : memref<1x1x!tpu.dma_semaphore, #tpu.memory_space<semaphore_mem>> -> memref<!tpu.dma_semaphore, #tpu.memory_space<semaphore_mem>>
      %dma_wait3A_186 = arith.constant 0 : i32
      %dma_wait3A_187 = arith.constant 0 : i32
      %dma_wait3A_188 = tpu.memref_slice %arg9[%get3A_90, %dma_wait3A_186, %dma_wait3A_187] : memref<3x768x1024xf32, #tpu.memory_space<vmem>> -> memref<1x768x1024xf32, #tpu.memory_space<vmem>>
      %dma_wait3A_189 = tpu.memref_squeeze %dma_wait3A_188 : memref<1x768x1024xf32, #tpu.memory_space<vmem>> -> memref<768x1024xf32, #tpu.memory_space<vmem>>
      %dma_wait3A_190 = arith.constant 0 : i32
      %dma_wait3A_191 = arith.constant 0 : i32
      %dma_wait3A_192 = tpu.memref_slice %arg5[%dma_wait3A, %dma_wait3A_190, %dma_wait3A_191] : memref<8x768x1024xf32, #tpu.memory_space<hbm>> -> memref<1x768x1024xf32, #tpu.memory_space<hbm>>
      %dma_wait3A_193 = tpu.memref_squeeze %dma_wait3A_192 : memref<1x768x1024xf32, #tpu.memory_space<hbm>> -> memref<768x1024xf32, #tpu.memory_space<hbm>>
      tpu.wait_dma2 semaphore(%dma_wait3A_185 : memref<!tpu.dma_semaphore, #tpu.memory_space<semaphore_mem>>) src(%dma_wait3A_193 : memref<768x1024xf32, #tpu.memory_space<hbm>>) dst(%dma_wait3A_189 : memref<768x1024xf32, #tpu.memory_space<vmem>>)
      %dma_wait3A_194 = arith.constant 5 : i32
      %dma_wait3A_195 = arith.constant 1 : i32
      %dma_wait3A_196 = tpu.memref_slice %arg12[%get3A_90, %dma_wait3A_195] : memref<3x3x!tpu.dma_semaphore, #tpu.memory_space<semaphore_mem>> -> memref<1x1x!tpu.dma_semaphore, #tpu.memory_space<semaphore_mem>>
      %dma_wait3A_197 = tpu.memref_squeeze %dma_wait3A_196 : memref<1x1x!tpu.dma_semaphore, #tpu.memory_space<semaphore_mem>> -> memref<!tpu.dma_semaphore, #tpu.memory_space<semaphore_mem>>
      %dma_wait3A_198 = arith.constant 0 : i32
      %dma_wait3A_199 = arith.constant 0 : i32
      %dma_wait3A_200 = tpu.memref_slice %arg10[%get3A_90, %dma_wait3A_198, %dma_wait3A_199] : memref<3x768x1024xf32, #tpu.memory_space<vmem>> -> memref<1x768x1024xf32, #tpu.memory_space<vmem>>
      %dma_wait3A_201 = tpu.memref_squeeze %dma_wait3A_200 : memref<1x768x1024xf32, #tpu.memory_space<vmem>> -> memref<768x1024xf32, #tpu.memory_space<vmem>>
      %dma_wait3A_202 = arith.constant 0 : i32
      %dma_wait3A_203 = arith.constant 0 : i32
      %dma_wait3A_204 = tpu.memref_slice %arg6[%dma_wait3A_194, %dma_wait3A_202, %dma_wait3A_203] : memref<8x768x1024xf32, #tpu.memory_space<hbm>> -> memref<1x768x1024xf32, #tpu.memory_space<hbm>>
      %dma_wait3A_205 = tpu.memref_squeeze %dma_wait3A_204 : memref<1x768x1024xf32, #tpu.memory_space<hbm>> -> memref<768x1024xf32, #tpu.memory_space<hbm>>
      tpu.wait_dma2 semaphore(%dma_wait3A_197 : memref<!tpu.dma_semaphore, #tpu.memory_space<semaphore_mem>>) src(%dma_wait3A_205 : memref<768x1024xf32, #tpu.memory_space<hbm>>) dst(%dma_wait3A_201 : memref<768x1024xf32, #tpu.memory_space<vmem>>)
      %dma_wait3A_206 = arith.constant 5 : i32
      %dma_wait3A_207 = arith.constant 2 : i32
      %dma_wait3A_208 = tpu.memref_slice %arg12[%get3A_90, %dma_wait3A_207] : memref<3x3x!tpu.dma_semaphore, #tpu.memory_space<semaphore_mem>> -> memref<1x1x!tpu.dma_semaphore, #tpu.memory_space<semaphore_mem>>
      %dma_wait3A_209 = tpu.memref_squeeze %dma_wait3A_208 : memref<1x1x!tpu.dma_semaphore, #tpu.memory_space<semaphore_mem>> -> memref<!tpu.dma_semaphore, #tpu.memory_space<semaphore_mem>>
      %dma_wait3A_210 = arith.constant 0 : i32
      %dma_wait3A_211 = arith.constant 0 : i32
      %dma_wait3A_212 = tpu.memref_slice %arg11[%get3A_90, %dma_wait3A_210, %dma_wait3A_211] : memref<3x1024x768xf32, #tpu.memory_space<vmem>> -> memref<1x1024x768xf32, #tpu.memory_space<vmem>>
      %dma_wait3A_213 = tpu.memref_squeeze %dma_wait3A_212 : memref<1x1024x768xf32, #tpu.memory_space<vmem>> -> memref<1024x768xf32, #tpu.memory_space<vmem>>
      %dma_wait3A_214 = arith.constant 0 : i32
      %dma_wait3A_215 = arith.constant 0 : i32
      %dma_wait3A_216 = tpu.memref_slice %arg7[%dma_wait3A_206, %dma_wait3A_214, %dma_wait3A_215] : memref<8x1024x768xf32, #tpu.memory_space<hbm>> -> memref<1x1024x768xf32, #tpu.memory_space<hbm>>
      %dma_wait3A_217 = tpu.memref_squeeze %dma_wait3A_216 : memref<1x1024x768xf32, #tpu.memory_space<hbm>> -> memref<1024x768xf32, #tpu.memory_space<hbm>>
      tpu.wait_dma2 semaphore(%dma_wait3A_209 : memref<!tpu.dma_semaphore, #tpu.memory_space<semaphore_mem>>) src(%dma_wait3A_217 : memref<1024x768xf32, #tpu.memory_space<hbm>>) dst(%dma_wait3A_213 : memref<1024x768xf32, #tpu.memory_space<vmem>>)
    } else {
    }
    %get3A_106 = arith.constant 6 : index
    %get3A_107 = memref.load %arg2[%get3A_106] : memref<16xi32, #tpu.memory_space<smem>>
    %get3A_108 = arith.constant 6 : index
    %get3A_109 = memref.load %arg3[%get3A_108] : memref<16xi32, #tpu.memory_space<smem>>
    %ge3A_110 = arith.constant 0 : i32
    %ge3A_111 = arith.cmpi sge, %get3A_107, %ge3A_110 : i32
    %sub3A_112 = arith.constant 2 : i32
    %sub3A_113 = arith.subi %get3A_107, %sub3A_112 : i32
    %max3A_114 = arith.constant 0 : i32
    %max3A_115 = arith.maxsi %sub3A_113, %max3A_114 : i32
    %eq3A_116 = arith.cmpi eq, %arg0, %max3A_115 : i32
    %and3A_117 = arith.andi %ge3A_111, %eq3A_116 : i1
    %convert_element_type3A_118 = arith.extui %and3A_117 : i1 to i32
    %cond3A_119 = arith.constant 0 : i32
    %cond3A_120 = arith.cmpi ne, %convert_element_type3A_118, %cond3A_119 : i32
    scf.if %cond3A_120 {
      %dma_start3A = arith.constant 6 : i32
      %dma_start3A_183 = arith.constant 0 : i32
      %dma_start3A_184 = tpu.memref_slice %arg12[%get3A_109, %dma_start3A_183] : memref<3x3x!tpu.dma_semaphore, #tpu.memory_space<semaphore_mem>> -> memref<1x1x!tpu.dma_semaphore, #tpu.memory_space<semaphore_mem>>
      %dma_start3A_185 = tpu.memref_squeeze %dma_start3A_184 : memref<1x1x!tpu.dma_semaphore, #tpu.memory_space<semaphore_mem>> -> memref<!tpu.dma_semaphore, #tpu.memory_space<semaphore_mem>>
      %dma_start3A_186 = arith.constant 0 : i32
      %dma_start3A_187 = arith.constant 0 : i32
      %dma_start3A_188 = tpu.memref_slice %arg9[%get3A_109, %dma_start3A_186, %dma_start3A_187] : memref<3x768x1024xf32, #tpu.memory_space<vmem>> -> memref<1x768x1024xf32, #tpu.memory_space<vmem>>
      %dma_start3A_189 = tpu.memref_squeeze %dma_start3A_188 : memref<1x768x1024xf32, #tpu.memory_space<vmem>> -> memref<768x1024xf32, #tpu.memory_space<vmem>>
      %dma_start3A_190 = arith.constant 0 : i32
      %dma_start3A_191 = arith.constant 0 : i32
      %dma_start3A_192 = tpu.memref_slice %arg5[%dma_start3A, %dma_start3A_190, %dma_start3A_191] : memref<8x768x1024xf32, #tpu.memory_space<hbm>> -> memref<1x768x1024xf32, #tpu.memory_space<hbm>>
      %dma_start3A_193 = tpu.memref_squeeze %dma_start3A_192 : memref<1x768x1024xf32, #tpu.memory_space<hbm>> -> memref<768x1024xf32, #tpu.memory_space<hbm>>
      tpu.enqueue_dma source(%dma_start3A_193 : memref<768x1024xf32, #tpu.memory_space<hbm>>) target(%dma_start3A_189 : memref<768x1024xf32, #tpu.memory_space<vmem>>) target_semaphore(%dma_start3A_185 : memref<!tpu.dma_semaphore, #tpu.memory_space<semaphore_mem>>)
      %dma_start3A_194 = arith.constant 6 : i32
      %dma_start3A_195 = arith.constant 1 : i32
      %dma_start3A_196 = tpu.memref_slice %arg12[%get3A_109, %dma_start3A_195] : memref<3x3x!tpu.dma_semaphore, #tpu.memory_space<semaphore_mem>> -> memref<1x1x!tpu.dma_semaphore, #tpu.memory_space<semaphore_mem>>
      %dma_start3A_197 = tpu.memref_squeeze %dma_start3A_196 : memref<1x1x!tpu.dma_semaphore, #tpu.memory_space<semaphore_mem>> -> memref<!tpu.dma_semaphore, #tpu.memory_space<semaphore_mem>>
      %dma_start3A_198 = arith.constant 0 : i32
      %dma_start3A_199 = arith.constant 0 : i32
      %dma_start3A_200 = tpu.memref_slice %arg10[%get3A_109, %dma_start3A_198, %dma_start3A_199] : memref<3x768x1024xf32, #tpu.memory_space<vmem>> -> memref<1x768x1024xf32, #tpu.memory_space<vmem>>
      %dma_start3A_201 = tpu.memref_squeeze %dma_start3A_200 : memref<1x768x1024xf32, #tpu.memory_space<vmem>> -> memref<768x1024xf32, #tpu.memory_space<vmem>>
      %dma_start3A_202 = arith.constant 0 : i32
      %dma_start3A_203 = arith.constant 0 : i32
      %dma_start3A_204 = tpu.memref_slice %arg6[%dma_start3A_194, %dma_start3A_202, %dma_start3A_203] : memref<8x768x1024xf32, #tpu.memory_space<hbm>> -> memref<1x768x1024xf32, #tpu.memory_space<hbm>>
      %dma_start3A_205 = tpu.memref_squeeze %dma_start3A_204 : memref<1x768x1024xf32, #tpu.memory_space<hbm>> -> memref<768x1024xf32, #tpu.memory_space<hbm>>
      tpu.enqueue_dma source(%dma_start3A_205 : memref<768x1024xf32, #tpu.memory_space<hbm>>) target(%dma_start3A_201 : memref<768x1024xf32, #tpu.memory_space<vmem>>) target_semaphore(%dma_start3A_197 : memref<!tpu.dma_semaphore, #tpu.memory_space<semaphore_mem>>)
      %dma_start3A_206 = arith.constant 6 : i32
      %dma_start3A_207 = arith.constant 2 : i32
      %dma_start3A_208 = tpu.memref_slice %arg12[%get3A_109, %dma_start3A_207] : memref<3x3x!tpu.dma_semaphore, #tpu.memory_space<semaphore_mem>> -> memref<1x1x!tpu.dma_semaphore, #tpu.memory_space<semaphore_mem>>
      %dma_start3A_209 = tpu.memref_squeeze %dma_start3A_208 : memref<1x1x!tpu.dma_semaphore, #tpu.memory_space<semaphore_mem>> -> memref<!tpu.dma_semaphore, #tpu.memory_space<semaphore_mem>>
      %dma_start3A_210 = arith.constant 0 : i32
      %dma_start3A_211 = arith.constant 0 : i32
      %dma_start3A_212 = tpu.memref_slice %arg11[%get3A_109, %dma_start3A_210, %dma_start3A_211] : memref<3x1024x768xf32, #tpu.memory_space<vmem>> -> memref<1x1024x768xf32, #tpu.memory_space<vmem>>
      %dma_start3A_213 = tpu.memref_squeeze %dma_start3A_212 : memref<1x1024x768xf32, #tpu.memory_space<vmem>> -> memref<1024x768xf32, #tpu.memory_space<vmem>>
      %dma_start3A_214 = arith.constant 0 : i32
      %dma_start3A_215 = arith.constant 0 : i32
      %dma_start3A_216 = tpu.memref_slice %arg7[%dma_start3A_206, %dma_start3A_214, %dma_start3A_215] : memref<8x1024x768xf32, #tpu.memory_space<hbm>> -> memref<1x1024x768xf32, #tpu.memory_space<hbm>>
      %dma_start3A_217 = tpu.memref_squeeze %dma_start3A_216 : memref<1x1024x768xf32, #tpu.memory_space<hbm>> -> memref<1024x768xf32, #tpu.memory_space<hbm>>
      tpu.enqueue_dma source(%dma_start3A_217 : memref<1024x768xf32, #tpu.memory_space<hbm>>) target(%dma_start3A_213 : memref<1024x768xf32, #tpu.memory_space<vmem>>) target_semaphore(%dma_start3A_209 : memref<!tpu.dma_semaphore, #tpu.memory_space<semaphore_mem>>)
    } else {
    }
    %eq3A_121 = arith.cmpi eq, %get3A_107, %arg0 : i32
    %convert_element_type3A_122 = arith.extui %eq3A_121 : i1 to i32
    %cond3A_123 = arith.constant 0 : i32
    %cond3A_124 = arith.cmpi ne, %convert_element_type3A_122, %cond3A_123 : i32
    scf.if %cond3A_124 {
      %dma_wait3A = arith.constant 6 : i32
      %dma_wait3A_183 = arith.constant 0 : i32
      %dma_wait3A_184 = tpu.memref_slice %arg12[%get3A_109, %dma_wait3A_183] : memref<3x3x!tpu.dma_semaphore, #tpu.memory_space<semaphore_mem>> -> memref<1x1x!tpu.dma_semaphore, #tpu.memory_space<semaphore_mem>>
      %dma_wait3A_185 = tpu.memref_squeeze %dma_wait3A_184 : memref<1x1x!tpu.dma_semaphore, #tpu.memory_space<semaphore_mem>> -> memref<!tpu.dma_semaphore, #tpu.memory_space<semaphore_mem>>
      %dma_wait3A_186 = arith.constant 0 : i32
      %dma_wait3A_187 = arith.constant 0 : i32
      %dma_wait3A_188 = tpu.memref_slice %arg9[%get3A_109, %dma_wait3A_186, %dma_wait3A_187] : memref<3x768x1024xf32, #tpu.memory_space<vmem>> -> memref<1x768x1024xf32, #tpu.memory_space<vmem>>
      %dma_wait3A_189 = tpu.memref_squeeze %dma_wait3A_188 : memref<1x768x1024xf32, #tpu.memory_space<vmem>> -> memref<768x1024xf32, #tpu.memory_space<vmem>>
      %dma_wait3A_190 = arith.constant 0 : i32
      %dma_wait3A_191 = arith.constant 0 : i32
      %dma_wait3A_192 = tpu.memref_slice %arg5[%dma_wait3A, %dma_wait3A_190, %dma_wait3A_191] : memref<8x768x1024xf32, #tpu.memory_space<hbm>> -> memref<1x768x1024xf32, #tpu.memory_space<hbm>>
      %dma_wait3A_193 = tpu.memref_squeeze %dma_wait3A_192 : memref<1x768x1024xf32, #tpu.memory_space<hbm>> -> memref<768x1024xf32, #tpu.memory_space<hbm>>
      tpu.wait_dma2 semaphore(%dma_wait3A_185 : memref<!tpu.dma_semaphore, #tpu.memory_space<semaphore_mem>>) src(%dma_wait3A_193 : memref<768x1024xf32, #tpu.memory_space<hbm>>) dst(%dma_wait3A_189 : memref<768x1024xf32, #tpu.memory_space<vmem>>)
      %dma_wait3A_194 = arith.constant 6 : i32
      %dma_wait3A_195 = arith.constant 1 : i32
      %dma_wait3A_196 = tpu.memref_slice %arg12[%get3A_109, %dma_wait3A_195] : memref<3x3x!tpu.dma_semaphore, #tpu.memory_space<semaphore_mem>> -> memref<1x1x!tpu.dma_semaphore, #tpu.memory_space<semaphore_mem>>
      %dma_wait3A_197 = tpu.memref_squeeze %dma_wait3A_196 : memref<1x1x!tpu.dma_semaphore, #tpu.memory_space<semaphore_mem>> -> memref<!tpu.dma_semaphore, #tpu.memory_space<semaphore_mem>>
      %dma_wait3A_198 = arith.constant 0 : i32
      %dma_wait3A_199 = arith.constant 0 : i32
      %dma_wait3A_200 = tpu.memref_slice %arg10[%get3A_109, %dma_wait3A_198, %dma_wait3A_199] : memref<3x768x1024xf32, #tpu.memory_space<vmem>> -> memref<1x768x1024xf32, #tpu.memory_space<vmem>>
      %dma_wait3A_201 = tpu.memref_squeeze %dma_wait3A_200 : memref<1x768x1024xf32, #tpu.memory_space<vmem>> -> memref<768x1024xf32, #tpu.memory_space<vmem>>
      %dma_wait3A_202 = arith.constant 0 : i32
      %dma_wait3A_203 = arith.constant 0 : i32
      %dma_wait3A_204 = tpu.memref_slice %arg6[%dma_wait3A_194, %dma_wait3A_202, %dma_wait3A_203] : memref<8x768x1024xf32, #tpu.memory_space<hbm>> -> memref<1x768x1024xf32, #tpu.memory_space<hbm>>
      %dma_wait3A_205 = tpu.memref_squeeze %dma_wait3A_204 : memref<1x768x1024xf32, #tpu.memory_space<hbm>> -> memref<768x1024xf32, #tpu.memory_space<hbm>>
      tpu.wait_dma2 semaphore(%dma_wait3A_197 : memref<!tpu.dma_semaphore, #tpu.memory_space<semaphore_mem>>) src(%dma_wait3A_205 : memref<768x1024xf32, #tpu.memory_space<hbm>>) dst(%dma_wait3A_201 : memref<768x1024xf32, #tpu.memory_space<vmem>>)
      %dma_wait3A_206 = arith.constant 6 : i32
      %dma_wait3A_207 = arith.constant 2 : i32
      %dma_wait3A_208 = tpu.memref_slice %arg12[%get3A_109, %dma_wait3A_207] : memref<3x3x!tpu.dma_semaphore, #tpu.memory_space<semaphore_mem>> -> memref<1x1x!tpu.dma_semaphore, #tpu.memory_space<semaphore_mem>>
      %dma_wait3A_209 = tpu.memref_squeeze %dma_wait3A_208 : memref<1x1x!tpu.dma_semaphore, #tpu.memory_space<semaphore_mem>> -> memref<!tpu.dma_semaphore, #tpu.memory_space<semaphore_mem>>
      %dma_wait3A_210 = arith.constant 0 : i32
      %dma_wait3A_211 = arith.constant 0 : i32
      %dma_wait3A_212 = tpu.memref_slice %arg11[%get3A_109, %dma_wait3A_210, %dma_wait3A_211] : memref<3x1024x768xf32, #tpu.memory_space<vmem>> -> memref<1x1024x768xf32, #tpu.memory_space<vmem>>
      %dma_wait3A_213 = tpu.memref_squeeze %dma_wait3A_212 : memref<1x1024x768xf32, #tpu.memory_space<vmem>> -> memref<1024x768xf32, #tpu.memory_space<vmem>>
      %dma_wait3A_214 = arith.constant 0 : i32
      %dma_wait3A_215 = arith.constant 0 : i32
      %dma_wait3A_216 = tpu.memref_slice %arg7[%dma_wait3A_206, %dma_wait3A_214, %dma_wait3A_215] : memref<8x1024x768xf32, #tpu.memory_space<hbm>> -> memref<1x1024x768xf32, #tpu.memory_space<hbm>>
      %dma_wait3A_217 = tpu.memref_squeeze %dma_wait3A_216 : memref<1x1024x768xf32, #tpu.memory_space<hbm>> -> memref<1024x768xf32, #tpu.memory_space<hbm>>
      tpu.wait_dma2 semaphore(%dma_wait3A_209 : memref<!tpu.dma_semaphore, #tpu.memory_space<semaphore_mem>>) src(%dma_wait3A_217 : memref<1024x768xf32, #tpu.memory_space<hbm>>) dst(%dma_wait3A_213 : memref<1024x768xf32, #tpu.memory_space<vmem>>)
    } else {
    }
    %get3A_125 = arith.constant 7 : index
    %get3A_126 = memref.load %arg2[%get3A_125] : memref<16xi32, #tpu.memory_space<smem>>
    %get3A_127 = arith.constant 7 : index
    %get3A_128 = memref.load %arg3[%get3A_127] : memref<16xi32, #tpu.memory_space<smem>>
    %ge3A_129 = arith.constant 0 : i32
    %ge3A_130 = arith.cmpi sge, %get3A_126, %ge3A_129 : i32
    %sub3A_131 = arith.constant 2 : i32
    %sub3A_132 = arith.subi %get3A_126, %sub3A_131 : i32
    %max3A_133 = arith.constant 0 : i32
    %max3A_134 = arith.maxsi %sub3A_132, %max3A_133 : i32
    %eq3A_135 = arith.cmpi eq, %arg0, %max3A_134 : i32
    %and3A_136 = arith.andi %ge3A_130, %eq3A_135 : i1
    %convert_element_type3A_137 = arith.extui %and3A_136 : i1 to i32
    %cond3A_138 = arith.constant 0 : i32
    %cond3A_139 = arith.cmpi ne, %convert_element_type3A_137, %cond3A_138 : i32
    scf.if %cond3A_139 {
      %dma_start3A = arith.constant 7 : i32
      %dma_start3A_183 = arith.constant 0 : i32
      %dma_start3A_184 = tpu.memref_slice %arg12[%get3A_128, %dma_start3A_183] : memref<3x3x!tpu.dma_semaphore, #tpu.memory_space<semaphore_mem>> -> memref<1x1x!tpu.dma_semaphore, #tpu.memory_space<semaphore_mem>>
      %dma_start3A_185 = tpu.memref_squeeze %dma_start3A_184 : memref<1x1x!tpu.dma_semaphore, #tpu.memory_space<semaphore_mem>> -> memref<!tpu.dma_semaphore, #tpu.memory_space<semaphore_mem>>
      %dma_start3A_186 = arith.constant 0 : i32
      %dma_start3A_187 = arith.constant 0 : i32
      %dma_start3A_188 = tpu.memref_slice %arg9[%get3A_128, %dma_start3A_186, %dma_start3A_187] : memref<3x768x1024xf32, #tpu.memory_space<vmem>> -> memref<1x768x1024xf32, #tpu.memory_space<vmem>>
      %dma_start3A_189 = tpu.memref_squeeze %dma_start3A_188 : memref<1x768x1024xf32, #tpu.memory_space<vmem>> -> memref<768x1024xf32, #tpu.memory_space<vmem>>
      %dma_start3A_190 = arith.constant 0 : i32
      %dma_start3A_191 = arith.constant 0 : i32
      %dma_start3A_192 = tpu.memref_slice %arg5[%dma_start3A, %dma_start3A_190, %dma_start3A_191] : memref<8x768x1024xf32, #tpu.memory_space<hbm>> -> memref<1x768x1024xf32, #tpu.memory_space<hbm>>
      %dma_start3A_193 = tpu.memref_squeeze %dma_start3A_192 : memref<1x768x1024xf32, #tpu.memory_space<hbm>> -> memref<768x1024xf32, #tpu.memory_space<hbm>>
      tpu.enqueue_dma source(%dma_start3A_193 : memref<768x1024xf32, #tpu.memory_space<hbm>>) target(%dma_start3A_189 : memref<768x1024xf32, #tpu.memory_space<vmem>>) target_semaphore(%dma_start3A_185 : memref<!tpu.dma_semaphore, #tpu.memory_space<semaphore_mem>>)
      %dma_start3A_194 = arith.constant 7 : i32
      %dma_start3A_195 = arith.constant 1 : i32
      %dma_start3A_196 = tpu.memref_slice %arg12[%get3A_128, %dma_start3A_195] : memref<3x3x!tpu.dma_semaphore, #tpu.memory_space<semaphore_mem>> -> memref<1x1x!tpu.dma_semaphore, #tpu.memory_space<semaphore_mem>>
      %dma_start3A_197 = tpu.memref_squeeze %dma_start3A_196 : memref<1x1x!tpu.dma_semaphore, #tpu.memory_space<semaphore_mem>> -> memref<!tpu.dma_semaphore, #tpu.memory_space<semaphore_mem>>
      %dma_start3A_198 = arith.constant 0 : i32
      %dma_start3A_199 = arith.constant 0 : i32
      %dma_start3A_200 = tpu.memref_slice %arg10[%get3A_128, %dma_start3A_198, %dma_start3A_199] : memref<3x768x1024xf32, #tpu.memory_space<vmem>> -> memref<1x768x1024xf32, #tpu.memory_space<vmem>>
      %dma_start3A_201 = tpu.memref_squeeze %dma_start3A_200 : memref<1x768x1024xf32, #tpu.memory_space<vmem>> -> memref<768x1024xf32, #tpu.memory_space<vmem>>
      %dma_start3A_202 = arith.constant 0 : i32
      %dma_start3A_203 = arith.constant 0 : i32
      %dma_start3A_204 = tpu.memref_slice %arg6[%dma_start3A_194, %dma_start3A_202, %dma_start3A_203] : memref<8x768x1024xf32, #tpu.memory_space<hbm>> -> memref<1x768x1024xf32, #tpu.memory_space<hbm>>
      %dma_start3A_205 = tpu.memref_squeeze %dma_start3A_204 : memref<1x768x1024xf32, #tpu.memory_space<hbm>> -> memref<768x1024xf32, #tpu.memory_space<hbm>>
      tpu.enqueue_dma source(%dma_start3A_205 : memref<768x1024xf32, #tpu.memory_space<hbm>>) target(%dma_start3A_201 : memref<768x1024xf32, #tpu.memory_space<vmem>>) target_semaphore(%dma_start3A_197 : memref<!tpu.dma_semaphore, #tpu.memory_space<semaphore_mem>>)
      %dma_start3A_206 = arith.constant 7 : i32
      %dma_start3A_207 = arith.constant 2 : i32
      %dma_start3A_208 = tpu.memref_slice %arg12[%get3A_128, %dma_start3A_207] : memref<3x3x!tpu.dma_semaphore, #tpu.memory_space<semaphore_mem>> -> memref<1x1x!tpu.dma_semaphore, #tpu.memory_space<semaphore_mem>>
      %dma_start3A_209 = tpu.memref_squeeze %dma_start3A_208 : memref<1x1x!tpu.dma_semaphore, #tpu.memory_space<semaphore_mem>> -> memref<!tpu.dma_semaphore, #tpu.memory_space<semaphore_mem>>
      %dma_start3A_210 = arith.constant 0 : i32
      %dma_start3A_211 = arith.constant 0 : i32
      %dma_start3A_212 = tpu.memref_slice %arg11[%get3A_128, %dma_start3A_210, %dma_start3A_211] : memref<3x1024x768xf32, #tpu.memory_space<vmem>> -> memref<1x1024x768xf32, #tpu.memory_space<vmem>>
      %dma_start3A_213 = tpu.memref_squeeze %dma_start3A_212 : memref<1x1024x768xf32, #tpu.memory_space<vmem>> -> memref<1024x768xf32, #tpu.memory_space<vmem>>
      %dma_start3A_214 = arith.constant 0 : i32
      %dma_start3A_215 = arith.constant 0 : i32
      %dma_start3A_216 = tpu.memref_slice %arg7[%dma_start3A_206, %dma_start3A_214, %dma_start3A_215] : memref<8x1024x768xf32, #tpu.memory_space<hbm>> -> memref<1x1024x768xf32, #tpu.memory_space<hbm>>
      %dma_start3A_217 = tpu.memref_squeeze %dma_start3A_216 : memref<1x1024x768xf32, #tpu.memory_space<hbm>> -> memref<1024x768xf32, #tpu.memory_space<hbm>>
      tpu.enqueue_dma source(%dma_start3A_217 : memref<1024x768xf32, #tpu.memory_space<hbm>>) target(%dma_start3A_213 : memref<1024x768xf32, #tpu.memory_space<vmem>>) target_semaphore(%dma_start3A_209 : memref<!tpu.dma_semaphore, #tpu.memory_space<semaphore_mem>>)
    } else {
    }
    %eq3A_140 = arith.cmpi eq, %get3A_126, %arg0 : i32
    %convert_element_type3A_141 = arith.extui %eq3A_140 : i1 to i32
    %cond3A_142 = arith.constant 0 : i32
    %cond3A_143 = arith.cmpi ne, %convert_element_type3A_141, %cond3A_142 : i32
    scf.if %cond3A_143 {
      %dma_wait3A = arith.constant 7 : i32
      %dma_wait3A_183 = arith.constant 0 : i32
      %dma_wait3A_184 = tpu.memref_slice %arg12[%get3A_128, %dma_wait3A_183] : memref<3x3x!tpu.dma_semaphore, #tpu.memory_space<semaphore_mem>> -> memref<1x1x!tpu.dma_semaphore, #tpu.memory_space<semaphore_mem>>
      %dma_wait3A_185 = tpu.memref_squeeze %dma_wait3A_184 : memref<1x1x!tpu.dma_semaphore, #tpu.memory_space<semaphore_mem>> -> memref<!tpu.dma_semaphore, #tpu.memory_space<semaphore_mem>>
      %dma_wait3A_186 = arith.constant 0 : i32
      %dma_wait3A_187 = arith.constant 0 : i32
      %dma_wait3A_188 = tpu.memref_slice %arg9[%get3A_128, %dma_wait3A_186, %dma_wait3A_187] : memref<3x768x1024xf32, #tpu.memory_space<vmem>> -> memref<1x768x1024xf32, #tpu.memory_space<vmem>>
      %dma_wait3A_189 = tpu.memref_squeeze %dma_wait3A_188 : memref<1x768x1024xf32, #tpu.memory_space<vmem>> -> memref<768x1024xf32, #tpu.memory_space<vmem>>
      %dma_wait3A_190 = arith.constant 0 : i32
      %dma_wait3A_191 = arith.constant 0 : i32
      %dma_wait3A_192 = tpu.memref_slice %arg5[%dma_wait3A, %dma_wait3A_190, %dma_wait3A_191] : memref<8x768x1024xf32, #tpu.memory_space<hbm>> -> memref<1x768x1024xf32, #tpu.memory_space<hbm>>
      %dma_wait3A_193 = tpu.memref_squeeze %dma_wait3A_192 : memref<1x768x1024xf32, #tpu.memory_space<hbm>> -> memref<768x1024xf32, #tpu.memory_space<hbm>>
      tpu.wait_dma2 semaphore(%dma_wait3A_185 : memref<!tpu.dma_semaphore, #tpu.memory_space<semaphore_mem>>) src(%dma_wait3A_193 : memref<768x1024xf32, #tpu.memory_space<hbm>>) dst(%dma_wait3A_189 : memref<768x1024xf32, #tpu.memory_space<vmem>>)
      %dma_wait3A_194 = arith.constant 7 : i32
      %dma_wait3A_195 = arith.constant 1 : i32
      %dma_wait3A_196 = tpu.memref_slice %arg12[%get3A_128, %dma_wait3A_195] : memref<3x3x!tpu.dma_semaphore, #tpu.memory_space<semaphore_mem>> -> memref<1x1x!tpu.dma_semaphore, #tpu.memory_space<semaphore_mem>>
      %dma_wait3A_197 = tpu.memref_squeeze %dma_wait3A_196 : memref<1x1x!tpu.dma_semaphore, #tpu.memory_space<semaphore_mem>> -> memref<!tpu.dma_semaphore, #tpu.memory_space<semaphore_mem>>
      %dma_wait3A_198 = arith.constant 0 : i32
      %dma_wait3A_199 = arith.constant 0 : i32
      %dma_wait3A_200 = tpu.memref_slice %arg10[%get3A_128, %dma_wait3A_198, %dma_wait3A_199] : memref<3x768x1024xf32, #tpu.memory_space<vmem>> -> memref<1x768x1024xf32, #tpu.memory_space<vmem>>
      %dma_wait3A_201 = tpu.memref_squeeze %dma_wait3A_200 : memref<1x768x1024xf32, #tpu.memory_space<vmem>> -> memref<768x1024xf32, #tpu.memory_space<vmem>>
      %dma_wait3A_202 = arith.constant 0 : i32
      %dma_wait3A_203 = arith.constant 0 : i32
      %dma_wait3A_204 = tpu.memref_slice %arg6[%dma_wait3A_194, %dma_wait3A_202, %dma_wait3A_203] : memref<8x768x1024xf32, #tpu.memory_space<hbm>> -> memref<1x768x1024xf32, #tpu.memory_space<hbm>>
      %dma_wait3A_205 = tpu.memref_squeeze %dma_wait3A_204 : memref<1x768x1024xf32, #tpu.memory_space<hbm>> -> memref<768x1024xf32, #tpu.memory_space<hbm>>
      tpu.wait_dma2 semaphore(%dma_wait3A_197 : memref<!tpu.dma_semaphore, #tpu.memory_space<semaphore_mem>>) src(%dma_wait3A_205 : memref<768x1024xf32, #tpu.memory_space<hbm>>) dst(%dma_wait3A_201 : memref<768x1024xf32, #tpu.memory_space<vmem>>)
      %dma_wait3A_206 = arith.constant 7 : i32
      %dma_wait3A_207 = arith.constant 2 : i32
      %dma_wait3A_208 = tpu.memref_slice %arg12[%get3A_128, %dma_wait3A_207] : memref<3x3x!tpu.dma_semaphore, #tpu.memory_space<semaphore_mem>> -> memref<1x1x!tpu.dma_semaphore, #tpu.memory_space<semaphore_mem>>
      %dma_wait3A_209 = tpu.memref_squeeze %dma_wait3A_208 : memref<1x1x!tpu.dma_semaphore, #tpu.memory_space<semaphore_mem>> -> memref<!tpu.dma_semaphore, #tpu.memory_space<semaphore_mem>>
      %dma_wait3A_210 = arith.constant 0 : i32
      %dma_wait3A_211 = arith.constant 0 : i32
      %dma_wait3A_212 = tpu.memref_slice %arg11[%get3A_128, %dma_wait3A_210, %dma_wait3A_211] : memref<3x1024x768xf32, #tpu.memory_space<vmem>> -> memref<1x1024x768xf32, #tpu.memory_space<vmem>>
      %dma_wait3A_213 = tpu.memref_squeeze %dma_wait3A_212 : memref<1x1024x768xf32, #tpu.memory_space<vmem>> -> memref<1024x768xf32, #tpu.memory_space<vmem>>
      %dma_wait3A_214 = arith.constant 0 : i32
      %dma_wait3A_215 = arith.constant 0 : i32
      %dma_wait3A_216 = tpu.memref_slice %arg7[%dma_wait3A_206, %dma_wait3A_214, %dma_wait3A_215] : memref<8x1024x768xf32, #tpu.memory_space<hbm>> -> memref<1x1024x768xf32, #tpu.memory_space<hbm>>
      %dma_wait3A_217 = tpu.memref_squeeze %dma_wait3A_216 : memref<1x1024x768xf32, #tpu.memory_space<hbm>> -> memref<1024x768xf32, #tpu.memory_space<hbm>>
      tpu.wait_dma2 semaphore(%dma_wait3A_209 : memref<!tpu.dma_semaphore, #tpu.memory_space<semaphore_mem>>) src(%dma_wait3A_217 : memref<1024x768xf32, #tpu.memory_space<hbm>>) dst(%dma_wait3A_213 : memref<1024x768xf32, #tpu.memory_space<vmem>>)
    } else {
    }
    %get3A_144 = arith.index_cast %arg0 : i32 to index
    %get3A_145 = memref.load %arg1[%get3A_144] : memref<16xi32, #tpu.memory_space<smem>>
    %get3A_146 = arith.index_cast %get3A_145 : i32 to index
    %get3A_147 = memref.load %arg3[%get3A_146] : memref<16xi32, #tpu.memory_space<smem>>
    %get3A_148 = arith.constant 0 : index
    %get3A_149 = arith.constant 0 : index
    %get3A_150 = vector.load %arg4[%get3A_148, %get3A_149] : memref<256x768xf32, #tpu.memory_space<vmem>>, vector<256x768xf32>
    %convert_element_type3A_151 = arith.truncf %get3A_150 : vector<256x768xf32> to vector<256x768xbf16>
    %get3A_152 = arith.index_cast %get3A_147 : i32 to index
    %get3A_153 = arith.constant 0 : index
    %get3A_154 = arith.constant 0 : index
    %get3A_155 = vector.load %arg9[%get3A_152, %get3A_153, %get3A_154] : memref<3x768x1024xf32, #tpu.memory_space<vmem>>, vector<1x768x1024xf32>
    %squeeze3A = vector.shape_cast %get3A_155 : vector<1x768x1024xf32> to vector<768x1024xf32>
    %convert_element_type3A_156 = arith.truncf %squeeze3A : vector<768x1024xf32> to vector<768x1024xbf16>
    %get3A_157 = arith.index_cast %get3A_147 : i32 to index
    %get3A_158 = arith.constant 0 : index
    %get3A_159 = arith.constant 0 : index
    %get3A_160 = vector.load %arg10[%get3A_157, %get3A_158, %get3A_159] : memref<3x768x1024xf32, #tpu.memory_space<vmem>>, vector<1x768x1024xf32>
    %squeeze3A_161 = vector.shape_cast %get3A_160 : vector<1x768x1024xf32> to vector<768x1024xf32>
    %convert_element_type3A_162 = arith.truncf %squeeze3A_161 : vector<768x1024xf32> to vector<768x1024xbf16>
    %get3A_163 = arith.index_cast %get3A_147 : i32 to index
    %get3A_164 = arith.constant 0 : index
    %get3A_165 = arith.constant 0 : index
    %get3A_166 = vector.load %arg11[%get3A_163, %get3A_164, %get3A_165] : memref<3x1024x768xf32, #tpu.memory_space<vmem>>, vector<1x1024x768xf32>
    %squeeze3A_167 = vector.shape_cast %get3A_166 : vector<1x1024x768xf32> to vector<1024x768xf32>
    %convert_element_type3A_168 = arith.truncf %squeeze3A_167 : vector<1024x768xf32> to vector<1024x768xbf16>
    %dot_general3A = arith.constant dense<0.000000e+00> : vector<256x1024xf32>
    %dot_general3A_169 = tpu.matmul %convert_element_type3A_151, %convert_element_type3A_156, %dot_general3A {dimension_numbers = #tpu.dot_dimension_numbers<[1], [0], [0], [1], [0, 0, 1, 1], [], []>, transpose_lhs_hint = false} : vector<256x768xbf16>, vector<768x1024xbf16>, vector<256x1024xf32> -> vector<256x1024xf32>
    %dot_general3A_170 = arith.constant dense<0.000000e+00> : vector<256x1024xf32>
    %dot_general3A_171 = tpu.matmul %convert_element_type3A_151, %convert_element_type3A_162, %dot_general3A_170 {dimension_numbers = #tpu.dot_dimension_numbers<[1], [0], [0], [1], [0, 0, 1, 1], [], []>, transpose_lhs_hint = false} : vector<256x768xbf16>, vector<768x1024xbf16>, vector<256x1024xf32> -> vector<256x1024xf32>
    %logistic3A = arith.negf %dot_general3A_169 : vector<256x1024xf32>
    %logistic3A_172 = math.exp %logistic3A : vector<256x1024xf32>
    %logistic3A_173 = arith.constant 1.000000e+00 : f32
    %logistic3A_174 = vector.broadcast %logistic3A_173 : f32 to vector<256x1024xf32>
    %logistic3A_175 = arith.addf %logistic3A_174, %logistic3A_172 : vector<256x1024xf32>
    %logistic3A_176 = arith.divf %logistic3A_174, %logistic3A_175 : vector<256x1024xf32>
    %mul3A = arith.mulf %dot_general3A_169, %logistic3A_176 : vector<256x1024xf32>
    %mul3A_177 = arith.mulf %mul3A, %dot_general3A_171 : vector<256x1024xf32>
    %convert_element_type3A_178 = arith.truncf %mul3A_177 : vector<256x1024xf32> to vector<256x1024xbf16>
    %dot_general3A_179 = arith.constant dense<0.000000e+00> : vector<256x768xf32>
    %dot_general3A_180 = tpu.matmul %convert_element_type3A_178, %convert_element_type3A_168, %dot_general3A_179 {dimension_numbers = #tpu.dot_dimension_numbers<[1], [0], [0], [1], [0, 0, 1, 1], [], []>, transpose_lhs_hint = false} : vector<256x1024xbf16>, vector<1024x768xbf16>, vector<256x768xf32> -> vector<256x768xf32>
    %swap3A = arith.constant 0 : index
    %swap3A_181 = arith.constant 0 : index
    %swap3A_182 = vector.load %arg8[%swap3A, %swap3A_181] : memref<256x768xf32, #tpu.memory_space<vmem>>, vector<256x768xf32>
    tpu.vector_store %arg8[%swap3A, %swap3A_181], %dot_general3A_180 {strides = array<i32>} : memref<256x768xf32, #tpu.memory_space<vmem>>, vector<256x768xf32>,
    return
  }
  func.func @transform_0(%arg0: i32, %arg1: memref<16xi32, #tpu.memory_space<smem>>, %arg2: memref<16xi32, #tpu.memory_space<smem>>, %arg3: memref<16xi32, #tpu.memory_space<smem>>) -> (i32, i32) {
    %c0_i32 = arith.constant 0 : i32
    %c0_i32_0 = arith.constant 0 : i32
    return %arg0, %c0_i32 : i32, i32
  }
  func.func @transform_4(%arg0: i32, %arg1: memref<16xi32, #tpu.memory_space<smem>>, %arg2: memref<16xi32, #tpu.memory_space<smem>>, %arg3: memref<16xi32, #tpu.memory_space<smem>>) -> (i32, i32) {
    %c0_i32 = arith.constant 0 : i32
    %c0_i32_0 = arith.constant 0 : i32
    return %arg0, %c0_i32 : i32, i32
  }
}

</mosaic_0001>

<sc_bundles>
// kernel: kernel.10.cloned.1.call-start
scs
__scs_entry_jumppad:
0x0: {  	(pc) =	sbr.rel $0x88, $3  }
0x1: {  	(tag) =	ssettag $0x0;
	lr =	simm.s32 $0x1  }
0x2: {  	[smem:$0x3F99] =	sst lr;
	_ =	strace $0xD0000000  }
0x3: {  	_ = 	snop  }
0x4: {  	_ = 	snop  }
0x5: {  	_ = 	snop  }
0x6: {  	_ = 	snop  }
0x7: {  	_ = 	snop  }
__scs_overlays_trampoline_lowered:
0x8: {  	[smem:$0x3FA8] =	sst s0  }
0x9: {  	[smem:$0x3FA9] =	sst s1  }
0xa: {  	[smem:$0x3FAA] =	sst s2  }
0xb: {  	[smem:$0x3FAB] =	sst s3  }
0xc: {  	[smem:$0x3FAC] =	sst s4  }
0xd: {  	[smem:$0x3FAD] =	sst s5  }
0xe: {  	[smem:$0x3FAE] =	sst s6  }
0xf: {  	[smem:$0x3FAF] =	sst s7  }
0x10: {  	[smem:$0x3FB0] =	sst s8  }
0x11: {  	[smem:$0x3FB1] =	sst s9;
	s0 =	simm.s32 @!p0 $0x0  }
0x12: {  	s1 =	sld [smem:$0x3F97];
	s0 =	simm.s32 @p0 $0x1  }
0x13: {  	[smem:$0x3FB2] =	sst s0;
	s0 =	simm.s32 @!p1 $0x0  }
0x14: {  	s2 =	sld [smem:$0x3F96];
	s0 =	simm.s32 @p1 $0x1  }
0x15: {  	[smem:$0x3FB3] =	sst s0;
	s0 =	simm.s32 @!p2 $0x0  }
0x16: {  	s3 =	sld [smem:$0x3FDB];
	s0 =	simm.s32 @p2 $0x1  }
0x17: {  	s4 =	simm.s32 $0x1BF5;
	[smem:$0x3FB5] =	sst s0  }
0x18: {  	s0 =	sld [smem:$0x3F98];
	_ =	swait.ge [sflag:s4], $0x0  }
0x19: {  	s7 =	sld [smem:$0x3F99]  }
0x1a: {  	s8 =	sadd.s32 $0xFFFFE003, lr  }
0x1b: {  	s9 =	sadd.s32 $0xFFFFFEF7, lr;
	s5 =	simm.s32 $0xFFFFFFFF;
	p2 =	slt.u32 s8, $0xFFFFF086  }
0x1c: {  	p1 =	slt.u32 s9, $0xF7A;
	s5 =	simm.s32 @!p2 $0x0  }
0x1d: {  	s5 =	simm.s32 @p1 $0x1;
	p0 =	seq.s32 s7, s2  }
0x1e: {  	s7 =	smul.u32 @!p0 $0xF7A, s2;
	p2 =	seq.s32 @!p0 s5, $0x0  }
0x1f: {  	s9 =	smul.u32 $0xF7A, s1;
	s8 =	simm.s32 @!p0 $0x1BF5;
	p2 =	por !p2, p0  }
0x20: {  	[sflag:s8] =	ssyncset.s32 @!p0 $0xFFFFF086;
	s6 =	sadd.s32 @!p0 s3, s7;
	s7 =	simm.s32 @!p0 $0x108  }
0x21: {  	s3 =	sadd.s32 s3, s9;
	s6 =	sadd.s32 @!p0 $0x88, s6;
	s7 =	simm.s32 @p2 $0x1082  }
0x22: {  	[simem:s7], [sflag:s8] =	dma.local @!p0 [hbm:s6], $0xF7A  }
0x23: {  	s9 =	sor.u32 $0xD0000000, s2;
	s6 =	simm.s32 $0x108;
	_ =	swait.ge @!p0 [sflag:s8], $0x0  }
0x24: {  	s3 =	sadd.s32 $0x88, s3;
	s6 =	simm.s32 @!p1 $0x1082;
	[sflag:s4] =	ssyncset.s32 $0xFFFFF086  }
0x25: {  	[simem:s6], [sflag:s4] =	dma.local [hbm:s3], $0xF7A  }
0x26: {  	[smem:$0x3F99] =	sst s1;
	(tag) =	ssettag s2;
	_ =	strace s9  }
0x27: {  	s1 =	sld [smem:$0x3FA9]  }
0x28: {  	s2 =	sld [smem:$0x3FAA]  }
0x29: {  	s4 =	sld [smem:$0x3FAC]  }
0x2a: {  	p0 =	seq.s32 s5, $0x0;
	s5 =	sld [smem:$0x3FAD]  }
0x2b: {  	s6 =	sld [smem:$0x3FAE]  }
0x2c: {  	s7 =	sld [smem:$0x3FAF]  }
0x2d: {  	s3 =	simm.s32 $0x108;
	s8 =	sld [smem:$0x3FB0]  }
0x2e: {  	s3 =	simm.s32 @!p0 $0x1082;
	s9 =	sld [smem:$0x3FB1]  }
0x2f: {  	lr =	sadd.s32 s0, s3;
	s0 =	sld [smem:$0x3FA8]  }
0x30: {  	s3 =	sld [smem:$0x3FAB]  }
0x31: {  	[smem:$0x3FB4] =	sst s10  }
0x32: {  	s10 =	sld [smem:$0x3FB2];
	_ =	sdelay $0x3  }
0x33: {  	p0 =	seq.s32 s10, $0x1;
	s10 =	sld [smem:$0x3FB4];
	_ =	sdelay $0x3  }
0x34: {  	[smem:$0x3FB4] =	sst s10  }
0x35: {  	s10 =	sld [smem:$0x3FB3];
	_ =	sdelay $0x3  }
0x36: {  	p1 =	seq.s32 s10, $0x1;
	s10 =	sld [smem:$0x3FB4];
	_ =	sdelay $0x3  }
0x37: {  	[smem:$0x3FB4] =	sst s10  }
0x38: {  	s10 =	sld [smem:$0x3FB5]  }
0x39: {  	_ = 	snop;
	(pc) =	sbr.ind lr, $3  }
0x3a: {  	_ = 	snop  }
0x3b: {  	_ = 	snop  }
0x3c: {  	p2 =	seq.s32 s10, $0x1;
	s10 =	sld [smem:$0x3FB4]  }
0x3d: {  	_ =	shalt  }
0x3e: {  	_ =	shalt  }
0x3f: {  	_ =	shalt  }
0x40: {  	_ =	shalt  }
0x41: {  	_ =	shalt  }
0x42: {  	_ =	shalt  }
0x43: {  	_ =	shalt  }
0x44: {  	_ =	shalt  }
0x45: {  	_ =	shalt  }
0x46: {  	_ =	shalt  }
0x47: {  	_ =	shalt  }
0x48: {  	_ =	shalt  }
0x49: {  	_ =	shalt  }
0x4a: {  	_ =	shalt  }
0x4b: {  	_ =	shalt  }
0x4c: {  	_ =	shalt  }
0x4d: {  	_ =	shalt  }
0x4e: {  	_ =	shalt  }
0x4f: {  	_ =	shalt  }
0x50: {  	_ =	shalt  }
0x51: {  	_ =	shalt  }
0x52: {  	_ =	shalt  }
0x53: {  	_ =	shalt  }
0x54: {  	_ =	shalt  }
0x55: {  	_ =	shalt  }
0x56: {  	_ =	shalt  }
0x57: {  	_ =	shalt  }
0x58: {  	_ =	shalt  }
0x59: {  	_ =	shalt  }
0x5a: {  	_ =	shalt  }
0x5b: {  	_ =	shalt  }
0x5c: {  	_ =	shalt  }
0x5d: {  	_ =	shalt  }
0x5e: {  	_ =	shalt  }
0x5f: {  	_ =	shalt  }
0x60: {  	_ =	shalt  }
0x61: {  	_ =	shalt  }
0x62: {  	_ =	shalt  }
0x63: {  	_ =	shalt  }
0x64: {  	_ =	shalt  }
0x65: {  	_ =	shalt  }
0x66: {  	_ =	shalt  }
0x67: {  	_ =	shalt  }
0x68: {  	_ =	shalt  }
0x69: {  	_ =	shalt  }
0x6a: {  	_ =	shalt  }
0x6b: {  	_ =	shalt  }
0x6c: {  	_ =	shalt  }
0x6d: {  	_ =	shalt  }
0x6e: {  	_ =	shalt  }
0x6f: {  	_ =	shalt  }
0x70: {  	_ =	shalt  }
0x71: {  	_ =	shalt  }
0x72: {  	_ =	shalt  }
0x73: {  	_ =	shalt  }
0x74: {  	_ =	shalt  }
0x75: {  	_ =	shalt  }
0x76: {  	_ =	shalt  }
0x77: {  	_ =	shalt  }
0x78: {  	_ =	shalt  }
0x79: {  	_ =	shalt  }
0x7a: {  	_ =	shalt  }
0x7b: {  	_ =	shalt  }
0x7c: {  	_ =	shalt  }
0x7d: {  	_ =	shalt  }
0x7e: {  	_ =	shalt  }
0x7f: {  	_ =	shalt  }
0x80: {  	_ =	shalt  }
0x81: {  	_ =	shalt  }
0x82: {  	_ =	shalt  }
0x83: {  	_ =	shalt  }
0x84: {  	_ =	shalt  }
0x85: {  	_ =	shalt  }
0x86: {  	_ =	shalt  }
0x87: {  	_ =	shalt  }
.Lfunc_end0:
.L_simem_size_0:
called_computation.1_lowered:
.L_overlay_start_0:
0x88: {  	s2 =	sld [smem:$0x3FD9]  }
0x89: {  	s3 =	sld [smem:$0x3FFE];
	_ =	sdelay $0x1  }
0x8a: {  	s1 =	srdreg.scid  }
0x8b: {  	s0 =	sand.u32 $0x1, s1  }
0x8c: {  	s17 =	sshll.u32 s0, $0xA;
	s2 =	sadd.s32 s3, s2  }
0x8d: {  	s2 =	sadd.s32 s2, s17  }
0x8e: {  	[smem:$0x3FC0] =	sst s2  }
0x8f: {  	_ = 	snop  }
0x90: {  	s2 =	sld [smem:$0x3FD0];
	(tm) =	ssettm $0x1  }
0x91: {  	s18 =	sld [smem:$0x3FFB];
	_ =	sdelay $0x3  }
0x92: {  	_ =	strace s18  }
0x93: {  	s3 =	sld [smem:$0x3FFC];
	_ =	sdelay $0x3  }
0x94: {  	_ =	strace s3  }
0x95: {  	s3 =	sld [smem:$0x3FFD];
	_ =	sdelay $0x3  }
0x96: {  	_ =	strace s3  }
0x97: {  	_ =	strace $0x8FFFFFFF  }
0x98: {  	s19 =	sld [smem:$0x3FDB];
	_ =	sdelay $0x1  }
0x99: {  	s4 =	simm.s32 $_scs_section_size  }
0x9a: {  	s5 =	simm.s32 $_size__tile_overlayer_lowered;
	s6 =	simm.s32 $_tile_overlayer_lowered  }
0x9b: {  	s22 =	simm.s32 $0x1BFF;
	s21 =	sshll.u32 s6, $0x1;
	s3 =	sadd.s32 s4, s19  }
0x9c: {  	s7 =	simm.s32 $0x0;
	s20 =	sshll.u32 s5, $0x1;
	s5 =	sadd.s32 s21, s3  }
0x9d: {  	[timem:s7], [sflag:s22] =	dma.local [hbm:s5], s20  }
0x9e: {  	_ =	swait.ge [sflag:s22], s20  }
0x9f: {  	s4 =	ssub.s32 $0x0, s20;
	[sflag:s22] =	ssyncset.done $0x0  }
0xa0: {  	[sflag:s22] =	ssyncadd.s32 s4;
	_ =	sdelay $0x1  }
0xa1: {  	s23 =	simm.s32 $0x1B8B  }
0xa2: {  	_ =	swait.ge [sflag:s23], $0x1  }
0xa3: {  	[sflag:s23] =	ssyncset.done $0x0  }
0xa4: {  	s25 =	simm.s32 $0x1B8E;
	s24 =	sld [smem:$0x3FFE];
	[sflag:s23] =	ssyncadd.s32 $0xFFFFFFFF  }
0xa5: {  	s26 =	simm.s32 $execute0_lowered;
	[smem:$0x3FD2] =	sst s25  }
0xa6: {  	s5 =	sshll.u32 s26, $0x1;
	_ =	strace $0x80000049;
	[dreg:$0x1] =	wrdreg $0xFFFFFFFF  }
0xa7: {  	s28 =	simm.s32 $_size_execute0_lowered;
	s3 =	sadd.s32 s3, s5;
	[dreg:$0x0] =	wrdreg $0x0  }
0xa8: {  	s5 =	sshll.u32 s28, $0x1;
	[dreg:$0x2] =	wrdreg s3  }
0xa9: {  	[dreg:$0x3] =	wrdreg s5  }
0xaa: {  	[dreg:$0x4] =	wrdreg $0xC0  }
0xab: {  	_ =	task [dreg:s7], $0x5FFFF  }
0xac: {  	[dreg:$0x1] =	wrdreg $0xFFFFFFFF  }
0xad: {  	[dreg:$0x0] =	wrdreg $0x60  }
0xae: {  	[dreg:$0x2] =	wrdreg s24  }
0xaf: {  	[dreg:$0x3] =	wrdreg s2  }
0xb0: {  	[dreg:$0x4] =	wrdreg $0x9  }
0xb1: {  	_ =	task.clear_ibuf [dreg:s7], $0x5FFFF;
	_ =	strace $0x90000049  }
0xb2: {  	s29 =	simm.s32 $0x9;
	_ =	strace $0x8000004B  }
0xb3: {  	_ =	swait.ge [sflag:s29], $0x1  }
0xb4: {  	[sflag:s29] =	ssyncadd.s32 $0xFFFFFFFF  }
0xb5: {  	_ =	strace $0x9000004B  }
0xb6: {  	_ =	sfence  }
0xb7: {  	s30 =	sld [smem:$0x0];
	_ =	sdelay $0x2  }
0xb8: {  	s31 =	sshll.u32 s1, $0xD;
	s1 =	sshrl.u32 s1, $0x2  }
0xb9: {  	s3 =	sand.u32 $0x4000, s31;
	s1 =	sadd.s32 s1, s30  }
0xba: {  	s0 =	sor.u32 s3, s0;
	s1 =	sshll.u32 s1, $0x11  }
0xbb: {  	s0 =	sor.u32 s1, s0  }
0xbc: {  	s0 =	sadd.s32 $0x8F2B, s0  }
0xbd: {  	[sflag:s0] =	ssyncadd.remote.s32 $0x1  }
0xbe: {  	_ =	sfence.sel $0xFFFF  }
0xbf: {  	[dreg:$0x0] =	wrdreg $0xFFFFFFFF;
	(pc) =	sbr.abs _section_cstart, $3  }
0xc0: {  	[dreg:$0x1] =	wrdreg $0xFFFFFFFF  }
0xc1: {  	_ =	task.clear_ibuf [dreg:s7], $0x2FFFF;
	_ =	strace $0x9FFFFFFF  }
0xc2: {  	(tm) =	ssettm $0x7FFFFFFF  }
0xc3: {  	_ =	shalt  }
tec
execute0_lowered:
.L_overlay_start_1:
0x0: {  	(tag) =	ssettag $0x1  }
0x1: {  	s0 =	srdreg.scid  }
0x2: {  	s1 =	rddreg [dreg:$0x0];
	s2 =	stileid.u32  }
0x3: {  	s8 =	rddreg [dreg:$0x1];
	s10 =	simm.s32 $0x2;
	s11 =	simm.s32 $0x80  }
0x4: {  	s22 =	simm.s32 $0x5880;
	s23 =	simm.s32 $0x6080;
	s24 =	simm.s32 $0x6880  }
0x5: {  	s25 =	simm.s32 $0x7080;
	s26 =	simm.s32 $0x7880;
	s28 =	simm.s32 $0x8080  }
0x6: {  	s29 =	simm.s32 $0x8880;
	s30 =	simm.s32 $0x9080;
	s31 =	simm.s32 $0x9880  }
0x7: {  	s12 =	simm.s32 $0xB080;
	s13 =	simm.s32 $0xB880;
	s14 =	simm.s32 $0x1  }
0x8: {  	s15 =	simm.s32 $0xC080;
	s16 =	simm.s32 $0x0;
	s0 =	sand.u32 $0x1, s0  }
0x9: {  	s3 =	sshll.u32 s2, $0x4;
	s2 =	simm.s32 $0x0;
	s6 =	sadd.s32 $0x3000, s1  }
0xa: {  	s4 =	sshll.u32 s0, $0x3;
	[smem:$0x7FF] =	sst s2;
	s0 =	ssub.s32 $0x2, s0  }
0xb: {  	s3 =	sor.u32 s4, s3;
	_ =	strace $0x8000004A;
	s5 =	sshrl.u32 s0, $0x1  }
0xc: {  	s9 =	smul.u32 $0x300, s3;
	s4 =	sadd.s32 s3, s1;
	s3 =	sadd.s32 $0x2E00, s1  }
0xd: {  	v2 =	vlaneseq.u32;
	s0 =	ssub.s32 s0, s5;
	s5 =	sadd.s32 $0x2F00, s1;
	s4 =	sadd.s32 $0x5D800, s4  }
0xe: {  	vm0 =	vmmov $0xffff;
	v1 =	vshrl.u32 v2, $0x3;
	s7 =	sadd.s32 s9, s1;
	s8 =	sadd.s32 s8, s9;
	s9 =	smax.u32 s0, $0x1  }
0xf: {  	v0 =	vand.u32 $0x7, v2;
	v2 =	vor.u32 $0x8, v2;
	v1 =	vmul.u32 $0x8, v1;
	s1 =	simm.s32 $0xA080;
	s0 =	simm.s32 $0xA880;
	s7 =	sadd.s32 $0x5DA00, s7  }
.LBB2_1:
0x10: {  	[tilespmem:s2], [sflag:$0x2] =	stream.linear.gather [hbm4b:s4+s2], $0x40, $0x38;
	[tilespmem:$0x18080] =	vst v63  }
0x11: {  	_ =	swait.ge [sflag:s10], $0x40  }
0x12: {  	[sflag:s10] =	ssyncset.done $0x0  }
0x13: {  	[sflag:s10] =	ssyncadd.s32 $0xFFFFFFC0  }
0x14: {  	v3 =	vld [tilespmem:$0x0];
	_ =	sdelay $0x4  }
0x15: {  	v4 =	vshrl.u32 v3, $0x3  }
0x16: {  	v4 =	vmul.u32 $0x30, v4  }
0x17: {  	v3 =	vand.u32 $0x7, v3  }
0x18: {  	v3 =	vor.u32 v3, v4  }
0x19: {  	v4 =	vperm.xlane v3, v0;
	_ =	sdelay $0x1  }
0x1a: {  	v4 =	vadd.s32 v1, v4;
	_ =	sdelay $0x3  }
0x1b: {  	v3 =	vperm.xlane v3, v2  }
0x1c: {  	[tilespmem:s11], [sflag:$0x1] =	stream.indirect_vreg.gather [hbm4b:s3+s2], $0x80, v4, vm0, $0xb8;
	[tilespmem:$0x18080] =	vst v63  }
0x1d: {  	s17 =	simm.s32 $0x880;
	v3 =	vadd.s32 v1, v3  }
0x1e: {  	[tilespmem:s17], [sflag:$0x1] =	stream.indirect_vreg.gather [hbm4b:s5+s2], $0x80, v4, vm0, $0xb8;
	[tilespmem:$0x18080] =	vst v63  }
0x1f: {  	s20 =	simm.s32 $0x1080  }
0x20: {  	[tilespmem:s20], [sflag:$0x1] =	stream.indirect_vreg.gather [hbm4b:s6+s2], $0x80, v4, vm0, $0xb8;
	[tilespmem:$0x18080] =	vst v63  }
0x21: {  	s21 =	simm.s32 $0x1880  }
0x22: {  	[tilespmem:s21], [sflag:$0x1] =	stream.indirect_vreg.gather [hbm4b:s3+s2], $0x80, v3, vm0, $0xb8;
	[tilespmem:$0x18080] =	vst v63  }
0x23: {  	s18 =	simm.s32 $0x2080  }
0x24: {  	[tilespmem:s18], [sflag:$0x1] =	stream.indirect_vreg.gather [hbm4b:s5+s2], $0x80, v3, vm0, $0xb8;
	[tilespmem:$0x18080] =	vst v63  }
0x25: {  	s19 =	simm.s32 $0x2880  }
0x26: {  	[tilespmem:s19], [sflag:$0x1] =	stream.indirect_vreg.gather [hbm4b:s6+s2], $0x80, v3, vm0, $0xb8;
	[tilespmem:$0x18080] =	vst v63  }
0x27: {  	v3 =	vld [tilespmem:$0x10];
	_ =	sdelay $0x4  }
0x28: {  	v4 =	vshrl.u32 v3, $0x3  }
0x29: {  	v4 =	vmul.u32 $0x30, v4  }
0x2a: {  	v3 =	vand.u32 $0x7, v3  }
0x2b: {  	v3 =	vor.u32 v3, v4  }
0x2c: {  	v4 =	vperm.xlane v3, v0;
	_ =	sdelay $0x1  }
0x2d: {  	v4 =	vadd.s32 v1, v4;
	_ =	sdelay $0x3  }
0x2e: {  	s20 =	simm.s32 $0x3080;
	v3 =	vperm.xlane v3, v2  }
0x2f: {  	[tilespmem:s20], [sflag:$0x1] =	stream.indirect_vreg.gather [hbm4b:s3+s2], $0x80, v4, vm0, $0xb8;
	[tilespmem:$0x18080] =	vst v63  }
0x30: {  	s21 =	simm.s32 $0x3880;
	v3 =	vadd.s32 v1, v3  }
0x31: {  	[tilespmem:s21], [sflag:$0x1] =	stream.indirect_vreg.gather [hbm4b:s5+s2], $0x80, v4, vm0, $0xb8;
	[tilespmem:$0x18080] =	vst v63  }
0x32: {  	s18 =	simm.s32 $0x4080  }
0x33: {  	[tilespmem:s18], [sflag:$0x1] =	stream.indirect_vreg.gather [hbm4b:s6+s2], $0x80, v4, vm0, $0xb8;
	[tilespmem:$0x18080] =	vst v63  }
0x34: {  	s19 =	simm.s32 $0x4880  }
0x35: {  	[tilespmem:s19], [sflag:$0x1] =	stream.indirect_vreg.gather [hbm4b:s3+s2], $0x80, v3, vm0, $0xb8;
	[tilespmem:$0x18080] =	vst v63  }
0x36: {  	s20 =	simm.s32 $0x5080  }
0x37: {  	[tilespmem:s20], [sflag:$0x1] =	stream.indirect_vreg.gather [hbm4b:s5+s2], $0x80, v3, vm0, $0xb8;
	[tilespmem:$0x18080] =	vst v63  }
0x38: {  	_ = 	snop  }
0x39: {  	[tilespmem:s22], [sflag:$0x1] =	stream.indirect_vreg.gather [hbm4b:s6+s2], $0x80, v3, vm0, $0xb8;
	[tilespmem:$0x18080] =	vst v63  }
0x3a: {  	v3 =	vld [tilespmem:$0x20];
	_ =	sdelay $0x4  }
0x3b: {  	v4 =	vshrl.u32 v3, $0x3  }
0x3c: {  	v4 =	vmul.u32 $0x30, v4  }
0x3d: {  	v3 =	vand.u32 $0x7, v3  }
0x3e: {  	v3 =	vor.u32 v3, v4  }
0x3f: {  	v4 =	vperm.xlane v3, v0;
	_ =	sdelay $0x1  }
0x40: {  	v4 =	vadd.s32 v1, v4;
	_ =	sdelay $0x3  }
0x41: {  	v3 =	vperm.xlane v3, v2  }
0x42: {  	[tilespmem:s23], [sflag:$0x1] =	stream.indirect_vreg.gather [hbm4b:s3+s2], $0x80, v4, vm0, $0xb8;
	[tilespmem:$0x18080] =	vst v63  }
0x43: {  	v3 =	vadd.s32 v1, v3  }
0x44: {  	[tilespmem:s24], [sflag:$0x1] =	stream.indirect_vreg.gather [hbm4b:s5+s2], $0x80, v4, vm0, $0xb8;
	[tilespmem:$0x18080] =	vst v63  }
0x45: {  	_ = 	snop  }
0x46: {  	[tilespmem:s25], [sflag:$0x1] =	stream.indirect_vreg.gather [hbm4b:s6+s2], $0x80, v4, vm0, $0xb8;
	[tilespmem:$0x18080] =	vst v63  }
0x47: {  	_ = 	snop  }
0x48: {  	[tilespmem:s26], [sflag:$0x1] =	stream.indirect_vreg.gather [hbm4b:s3+s2], $0x80, v3, vm0, $0xb8;
	[tilespmem:$0x18080] =	vst v63  }
0x49: {  	_ = 	snop  }
0x4a: {  	[tilespmem:s28], [sflag:$0x1] =	stream.indirect_vreg.gather [hbm4b:s5+s2], $0x80, v3, vm0, $0xb8;
	[tilespmem:$0x18080] =	vst v63  }
0x4b: {  	_ = 	snop  }
0x4c: {  	[tilespmem:s29], [sflag:$0x1] =	stream.indirect_vreg.gather [hbm4b:s6+s2], $0x80, v3, vm0, $0xb8;
	[tilespmem:$0x18080] =	vst v63  }
0x4d: {  	v3 =	vld [tilespmem:$0x30];
	_ =	sdelay $0x4  }
0x4e: {  	v4 =	vshrl.u32 v3, $0x3  }
0x4f: {  	v4 =	vmul.u32 $0x30, v4  }
0x50: {  	v3 =	vand.u32 $0x7, v3  }
0x51: {  	v3 =	vor.u32 v3, v4  }
0x52: {  	v4 =	vperm.xlane v3, v0;
	_ =	sdelay $0x1  }
0x53: {  	v4 =	vadd.s32 v1, v4;
	_ =	sdelay $0x3  }
0x54: {  	v3 =	vperm.xlane v3, v2  }
0x55: {  	[tilespmem:s30], [sflag:$0x1] =	stream.indirect_vreg.gather [hbm4b:s3+s2], $0x80, v4, vm0, $0xb8;
	[tilespmem:$0x18080] =	vst v63  }
0x56: {  	v3 =	vadd.s32 v1, v3  }
0x57: {  	[tilespmem:s31], [sflag:$0x1] =	stream.indirect_vreg.gather [hbm4b:s5+s2], $0x80, v4, vm0, $0xb8;
	[tilespmem:$0x18080] =	vst v63  }
0x58: {  	_ = 	snop  }
0x59: {  	[tilespmem:s1], [sflag:$0x1] =	stream.indirect_vreg.gather [hbm4b:s6+s2], $0x80, v4, vm0, $0xb8;
	[tilespmem:$0x18080] =	vst v63  }
0x5a: {  	_ = 	snop  }
0x5b: {  	[tilespmem:s0], [sflag:$0x1] =	stream.indirect_vreg.gather [hbm4b:s3+s2], $0x80, v3, vm0, $0xb8;
	[tilespmem:$0x18080] =	vst v63  }
0x5c: {  	_ = 	snop  }
0x5d: {  	[tilespmem:s12], [sflag:$0x1] =	stream.indirect_vreg.gather [hbm4b:s5+s2], $0x80, v3, vm0, $0xb8;
	[tilespmem:$0x18080] =	vst v63  }
0x5e: {  	_ = 	snop  }
0x5f: {  	[tilespmem:s13], [sflag:$0x1] =	stream.indirect_vreg.gather [hbm4b:s6+s2], $0x80, v3, vm0, $0xb8;
	[tilespmem:$0x18080] =	vst v63  }
0x60: {  	_ =	swait.ge [sflag:s14], $0xC000  }
0x61: {  	[sflag:s14] =	ssyncset.done $0x0  }
0x62: {  	s21 =	simm.s32 $0x0;
	[sflag:s14] =	ssyncadd.s32 $0xFFFF4000  }
0x63: {  	[tilespmem:s15], [sflag:$0x2] =	stream.linear.gather [hbm4b:s7+s2], $0xC000, $0x38;
	[tilespmem:$0x18080] =	vst v63  }
0x64: {  	s17 =	smul.u32 $0x1800, s21;
	_ =	swait.ge [sflag:s10], $0xC000  }
0x65: {  	s18 =	sand.u32 $0x380, s2;
	[sflag:s10] =	ssyncset.done $0x0  }
0x66: {  	s17 =	sor.u32 s18, s17;
	[sflag:s10] =	ssyncadd.s32 $0xFFFF4000  }
0x67: {  	v12 =	vld [tilespmem:s17+$0xC080]  }
0x68: {  	v13 =	vld [tilespmem:s17+$0xC090]  }
0x69: {  	v14 =	vld [tilespmem:s17+$0xC0A0]  }
0x6a: {  	v15 =	vld [tilespmem:s17+$0xC0B0]  }
0x6b: {  	v16 =	vld [tilespmem:s17+$0xC0C0]  }
0x6c: {  	v17 =	vld [tilespmem:s17+$0xC0D0]  }
0x6d: {  	v18 =	vld [tilespmem:s17+$0xC0E0]  }
0x6e: {  	v19 =	vld [tilespmem:s17+$0xC0F0]  }
0x6f: {  	v20 =	vld [tilespmem:s17+$0xC480]  }
0x70: {  	v21 =	vld [tilespmem:s17+$0xC490]  }
0x71: {  	v22 =	vld [tilespmem:s17+$0xC4A0]  }
0x72: {  	v23 =	vld [tilespmem:s17+$0xC4B0]  }
0x73: {  	v24 =	vld [tilespmem:s17+$0xC4C0]  }
0x74: {  	v25 =	vld [tilespmem:s17+$0xC4D0]  }
0x75: {  	v26 =	vld [tilespmem:s17+$0xC4E0]  }
0x76: {  	v27 =	vld [tilespmem:s17+$0xC4F0]  }
0x77: {  	v28 =	vld [tilespmem:s17+$0xC880]  }
0x78: {  	v29 =	vld [tilespmem:s17+$0xC890]  }
0x79: {  	v30 =	vld [tilespmem:s17+$0xC8A0]  }
0x7a: {  	v31 =	vld [tilespmem:s17+$0xC8B0]  }
0x7b: {  	v32 =	vld [tilespmem:s17+$0xC8C0]  }
0x7c: {  	v33 =	vld [tilespmem:s17+$0xC8D0]  }
0x7d: {  	v34 =	vld [tilespmem:s17+$0xC8E0]  }
0x7e: {  	v35 =	vld [tilespmem:s17+$0xC8F0]  }
0x7f: {  	v36 =	vld [tilespmem:s17+$0xCC80]  }
0x80: {  	v37 =	vld [tilespmem:s17+$0xCC90]  }
0x81: {  	v38 =	vld [tilespmem:s17+$0xCCA0]  }
0x82: {  	v39 =	vld [tilespmem:s17+$0xCCB0]  }
0x83: {  	v40 =	vld [tilespmem:s17+$0xCCC0]  }
0x84: {  	v41 =	vld [tilespmem:s17+$0xCCD0]  }
0x85: {  	v42 =	vld [tilespmem:s17+$0xCCE0]  }
0x86: {  	v43 =	vld [tilespmem:s17+$0xCCF0]  }
0x87: {  	v44 =	vld [tilespmem:s17+$0xD080]  }
0x88: {  	v45 =	vld [tilespmem:s17+$0xD090]  }
0x89: {  	v46 =	vld [tilespmem:s17+$0xD0A0]  }
0x8a: {  	v47 =	vld [tilespmem:s17+$0xD0B0]  }
0x8b: {  	v48 =	vld [tilespmem:s17+$0xD0C0]  }
0x8c: {  	v49 =	vld [tilespmem:s17+$0xD0D0]  }
0x8d: {  	v50 =	vld [tilespmem:s17+$0xD0E0]  }
0x8e: {  	v11 =	vld [tilespmem:s17+$0xD0F0]  }
0x8f: {  	v10 =	vld [tilespmem:s17+$0xD480]  }
0x90: {  	v9 =	vld [tilespmem:s17+$0xD490]  }
0x91: {  	v8 =	vld [tilespmem:s17+$0xD4A0]  }
0x92: {  	v7 =	vld [tilespmem:s17+$0xD4B0]  }
0x93: {  	v6 =	vld [tilespmem:s17+$0xD4C0]  }
0x94: {  	v51 =	vld [tilespmem:s17+$0x80]  }
0x95: {  	v52 =	vld [tilespmem:s17+$0x90]  }
0x96: {  	v53 =	vld [tilespmem:s17+$0xA0]  }
0x97: {  	v54 =	vld [tilespmem:s17+$0xB0]  }
0x98: {  	v55 =	vld [tilespmem:s17+$0xC0]  }
0x99: {  	v62 =	vld [tilespmem:s17+$0xD0];
	v12 =	vadd.f32 v12, v51  }
0x9a: {  	v63 =	vld [tilespmem:s17+$0xE0];
	v13 =	vadd.f32 v13, v52  }
0x9b: {  	[tilespmem:s17+$0x80] =	vst v12;
	v12 =	vadd.f32 v14, v53;
	v14 =	vld [tilespmem:s17+$0xF0]  }
0x9c: {  	[tilespmem:s17+$0x90] =	vst v13;
	v13 =	vadd.f32 v15, v54;
	v15 =	vld [tilespmem:s17+$0x480]  }
0x9d: {  	[tilespmem:s17+$0xA0] =	vst v12;
	v12 =	vadd.f32 v16, v55;
	v16 =	vld [tilespmem:s17+$0x490]  }
0x9e: {  	[tilespmem:s17+$0xB0] =	vst v13;
	v13 =	vadd.f32 v17, v62;
	v17 =	vld [tilespmem:s17+$0x4A0]  }
0x9f: {  	v5 =	vld [tilespmem:s17+$0xD4D0]  }
0xa0: {  	[tilespmem:s17+$0xC0] =	vst v12;
	v12 =	vadd.f32 v18, v63;
	v18 =	vld [tilespmem:s17+$0x4F0]  }
0xa1: {  	[tilespmem:s17+$0xD0] =	vst v13;
	v13 =	vadd.f32 v19, v14;
	v14 =	vld [tilespmem:s17+$0x4B0]  }
0xa2: {  	[tilespmem:s17+$0xE0] =	vst v12;
	v12 =	vadd.f32 v20, v15;
	v15 =	vld [tilespmem:s17+$0x4C0]  }
0xa3: {  	[tilespmem:s17+$0xF0] =	vst v13;
	v13 =	vadd.f32 v21, v16;
	v16 =	vadd.f32 v22, v17;
	v17 =	vld [tilespmem:s17+$0x4E0]  }
0xa4: {  	[tilespmem:s17+$0x480] =	vst v12;
	v12 =	vld [tilespmem:s17+$0x4D0]  }
0xa5: {  	[tilespmem:s17+$0x490] =	vst v13;
	v13 =	vld [tilespmem:s17+$0x880];
	v18 =	vadd.f32 v27, v18  }
0xa6: {  	[tilespmem:s17+$0x4A0] =	vst v16;
	v16 =	vld [tilespmem:s17+$0x890];
	v14 =	vadd.f32 v23, v14  }
0xa7: {  	v4 =	vld [tilespmem:s17+$0xD4E0];
	v15 =	vadd.f32 v24, v15;
	[tilespmem:s17+$0x4F0] =	vst v18  }
0xa8: {  	[tilespmem:s17+$0x4B0] =	vst v14;
	v14 =	vld [tilespmem:s17+$0x8A0];
	v17 =	vadd.f32 v26, v17  }
0xa9: {  	v12 =	vadd.f32 v25, v12;
	[tilespmem:s17+$0x4C0] =	vst v15;
	v15 =	vld [tilespmem:s17+$0x8B0]  }
0xaa: {  	v18 =	vld [tilespmem:s17+$0x8F0];
	[tilespmem:s17+$0x4E0] =	vst v17;
	v13 =	vadd.f32 v28, v13  }
0xab: {  	v16 =	vadd.f32 v29, v16;
	[tilespmem:s17+$0x4D0] =	vst v12;
	v12 =	vld [tilespmem:s17+$0x8C0]  }
0xac: {  	v17 =	vld [tilespmem:s17+$0x8D0];
	[tilespmem:s17+$0x880] =	vst v13  }
0xad: {  	[tilespmem:s17+$0x890] =	vst v16;
	v16 =	vld [tilespmem:s17+$0x8E0];
	v13 =	vadd.f32 v30, v14  }
0xae: {  	v14 =	vld [tilespmem:s17+$0xC80];
	v15 =	vadd.f32 v31, v15  }
0xaf: {  	[tilespmem:s17+$0x8A0] =	vst v13;
	v13 =	vld [tilespmem:s17+$0xC90]  }
0xb0: {  	v12 =	vadd.f32 v32, v12;
	[tilespmem:s17+$0x8B0] =	vst v15;
	v15 =	vld [tilespmem:s17+$0xCA0]  }
0xb1: {  	v3 =	vld [tilespmem:s17+$0xD4F0];
	v17 =	vadd.f32 v33, v17  }
0xb2: {  	v16 =	vadd.f32 v34, v16;
	[tilespmem:s17+$0x8C0] =	vst v12;
	v12 =	vld [tilespmem:s17+$0xCB0]  }
0xb3: {  	[tilespmem:s17+$0x8D0] =	vst v17;
	v17 =	vld [tilespmem:s17+$0xCC0];
	v14 =	vadd.f32 v36, v14  }
0xb4: {  	v18 =	vadd.f32 v35, v18;
	[tilespmem:s17+$0x8E0] =	vst v16;
	v16 =	vld [tilespmem:s17+$0xCD0]  }
0xb5: {  	v13 =	vadd.f32 v37, v13;
	[tilespmem:s17+$0xC80] =	vst v14;
	v14 =	vadd.f32 v38, v15;
	v15 =	vld [tilespmem:s17+$0xCE0]  }
0xb6: {  	[tilespmem:s17+$0x8F0] =	vst v18;
	v18 =	vld [tilespmem:s17+$0xCF0]  }
0xb7: {  	[tilespmem:s17+$0xC90] =	vst v13;
	v13 =	vld [tilespmem:s17+$0x1080];
	v12 =	vadd.f32 v39, v12  }
0xb8: {  	v17 =	vadd.f32 v40, v17;
	[tilespmem:s17+$0xCA0] =	vst v14;
	v14 =	vld [tilespmem:s17+$0x1090]  }
0xb9: {  	v16 =	vadd.f32 v41, v16;
	[tilespmem:s17+$0xCB0] =	vst v12;
	v12 =	vld [tilespmem:s17+$0x10A0]  }
0xba: {  	[tilespmem:s17+$0xCC0] =	vst v17;
	v17 =	vld [tilespmem:s17+$0x10B0];
	v15 =	vadd.f32 v42, v15  }
0xbb: {  	v19 =	vld [tilespmem:s17+$0x10C0];
	[tilespmem:s17+$0xCD0] =	vst v16;
	v16 =	vadd.f32 v43, v18  }
0xbc: {  	v18 =	vld [tilespmem:s17+$0x10D0];
	v13 =	vadd.f32 v44, v13;
	[tilespmem:s17+$0xCE0] =	vst v15  }
0xbd: {  	v20 =	vld [tilespmem:s17+$0x10E0];
	[tilespmem:s17+$0xCF0] =	vst v16;
	v14 =	vadd.f32 v45, v14  }
0xbe: {  	v16 =	vld [tilespmem:s17+$0x10F0];
	[tilespmem:s17+$0x1080] =	vst v13;
	v12 =	vadd.f32 v46, v12  }
0xbf: {  	v15 =	vld [tilespmem:s17+$0x1480];
	v13 =	vadd.f32 v47, v17;
	[tilespmem:s17+$0x1090] =	vst v14  }
0xc0: {  	v14 =	vld [tilespmem:s17+$0x1490];
	[tilespmem:s17+$0x10A0] =	vst v12;
	v12 =	vadd.f32 v48, v19  }
0xc1: {  	[tilespmem:s17+$0x10B0] =	vst v13;
	v13 =	vld [tilespmem:s17+$0x14A0];
	v18 =	vadd.f32 v49, v18  }
0xc2: {  	s18 =	simm.s32 $0x1;
	s19 =	simm.s32 $0x0;
	v17 =	vadd.f32 v50, v20;
	[tilespmem:s17+$0x10C0] =	vst v12;
	v12 =	vld [tilespmem:s17+$0x14B0]  }
.LBB2_2:
0xc3: {  	s20 =	sshrl.u32 s18, $0x3;
	p0 =	sne.s32 s18, $0x3F;
	[tilespmem:s17+$0x10D0] =	vst v18;
	v11 =	vadd.f32 v11, v16;
	v16 =	vld [tilespmem:s17+$0x14C0]  }
0xc4: {  	s19 =	sadd.s32 $0x80, s19;
	s20 =	smul.u32 $0x1800, s20;
	[tilespmem:s17+$0x10E0] =	vst v17;
	v10 =	vadd.f32 v10, v15;
	v15 =	vld [tilespmem:s17+$0x14D0]  }
0xc5: {  	s21 =	sand.u32 $0x380, s19;
	[tilespmem:s17+$0x10F0] =	vst v11;
	v9 =	vadd.f32 v9, v14;
	v11 =	vld [tilespmem:s17+$0x14E0]  }
0xc6: {  	s20 =	sor.u32 s21, s20;
	[tilespmem:s17+$0x1480] =	vst v10;
	v8 =	vadd.f32 v8, v13;
	v10 =	vld [tilespmem:s17+$0x14F0]  }
0xc7: {  	v39 =	vld [tilespmem:s20+$0xC080];
	[tilespmem:s17+$0x1490] =	vst v9;
	v7 =	vadd.f32 v7, v12  }
0xc8: {  	v40 =	vld [tilespmem:s20+$0xC090];
	[tilespmem:s17+$0x14A0] =	vst v8;
	v6 =	vadd.f32 v6, v16  }
0xc9: {  	v41 =	vld [tilespmem:s20+$0xC0A0];
	[tilespmem:s17+$0x14B0] =	vst v7;
	v5 =	vadd.f32 v5, v15  }
0xca: {  	v42 =	vld [tilespmem:s20+$0xC0B0];
	[tilespmem:s17+$0x14C0] =	vst v6;
	v4 =	vadd.f32 v4, v11  }
0xcb: {  	v43 =	vld [tilespmem:s20+$0xC0C0];
	[tilespmem:s17+$0x14D0] =	vst v5;
	v3 =	vadd.f32 v3, v10  }
0xcc: {  	v44 =	vld [tilespmem:s20+$0xC0D0];
	[tilespmem:s17+$0x14E0] =	vst v4  }
0xcd: {  	v45 =	vld [tilespmem:s20+$0xC0E0];
	[tilespmem:s17+$0x14F0] =	vst v3;
	s17 =	smov.u32 s20  }
0xce: {  	v46 =	vld [tilespmem:s17+$0xC0F0]  }
0xcf: {  	v47 =	vld [tilespmem:s17+$0xC480]  }
0xd0: {  	v48 =	vld [tilespmem:s17+$0xC490]  }
0xd1: {  	v49 =	vld [tilespmem:s17+$0xC4A0]  }
0xd2: {  	v50 =	vld [tilespmem:s17+$0xC4B0]  }
0xd3: {  	v38 =	vld [tilespmem:s17+$0xC4C0]  }
0xd4: {  	v37 =	vld [tilespmem:s17+$0xC4D0]  }
0xd5: {  	v36 =	vld [tilespmem:s17+$0xC4E0]  }
0xd6: {  	v35 =	vld [tilespmem:s17+$0xC4F0]  }
0xd7: {  	v34 =	vld [tilespmem:s17+$0xC880]  }
0xd8: {  	v33 =	vld [tilespmem:s17+$0xC890]  }
0xd9: {  	v32 =	vld [tilespmem:s17+$0xC8A0]  }
0xda: {  	v31 =	vld [tilespmem:s17+$0xC8B0]  }
0xdb: {  	v30 =	vld [tilespmem:s17+$0xC8C0]  }
0xdc: {  	v29 =	vld [tilespmem:s17+$0xC8D0]  }
0xdd: {  	v28 =	vld [tilespmem:s17+$0xC8E0]  }
0xde: {  	v27 =	vld [tilespmem:s17+$0xC8F0]  }
0xdf: {  	v26 =	vld [tilespmem:s17+$0xCC80]  }
0xe0: {  	v25 =	vld [tilespmem:s17+$0xCC90]  }
0xe1: {  	v24 =	vld [tilespmem:s17+$0xCCA0]  }
0xe2: {  	v23 =	vld [tilespmem:s17+$0xCCB0]  }
0xe3: {  	v22 =	vld [tilespmem:s17+$0xCCC0]  }
0xe4: {  	v21 =	vld [tilespmem:s17+$0xCCD0]  }
0xe5: {  	v20 =	vld [tilespmem:s17+$0xCCE0]  }
0xe6: {  	v19 =	vld [tilespmem:s17+$0xCCF0]  }
0xe7: {  	v18 =	vld [tilespmem:s17+$0xD080]  }
0xe8: {  	v17 =	vld [tilespmem:s17+$0xD090]  }
0xe9: {  	v16 =	vld [tilespmem:s17+$0xD0A0]  }
0xea: {  	v15 =	vld [tilespmem:s17+$0xD0B0]  }
0xeb: {  	v14 =	vld [tilespmem:s17+$0xD0C0]  }
0xec: {  	v13 =	vld [tilespmem:s17+$0xD0D0]  }
0xed: {  	v12 =	vld [tilespmem:s17+$0xD0E0]  }
0xee: {  	v11 =	vld [tilespmem:s17+$0xD0F0]  }
0xef: {  	v10 =	vld [tilespmem:s17+$0xD480]  }
0xf0: {  	v9 =	vld [tilespmem:s17+$0xD490]  }
0xf1: {  	v8 =	vld [tilespmem:s17+$0xD4A0]  }
0xf2: {  	v7 =	vld [tilespmem:s17+$0xD4B0]  }
0xf3: {  	v6 =	vld [tilespmem:s17+$0xD4C0]  }
0xf4: {  	v5 =	vld [tilespmem:s17+$0xD4D0]  }
0xf5: {  	v4 =	vld [tilespmem:s17+$0xD4E0]  }
0xf6: {  	v3 =	vld [tilespmem:s17+$0xD4F0]  }
0xf7: {  	v51 =	vld [tilespmem:s17+$0x80]  }
0xf8: {  	v52 =	vld [tilespmem:s17+$0x90]  }
0xf9: {  	v53 =	vld [tilespmem:s17+$0xA0]  }
0xfa: {  	v54 =	vld [tilespmem:s17+$0xB0]  }
0xfb: {  	v55 =	vld [tilespmem:s17+$0xC0]  }
0xfc: {  	v39 =	vadd.f32 v39, v51;
	v51 =	vld [tilespmem:s17+$0xD0]  }
0xfd: {  	v40 =	vadd.f32 v40, v52;
	v52 =	vld [tilespmem:s17+$0xE0]  }
0xfe: {  	[tilespmem:s17+$0x80] =	vst v39;
	v39 =	vadd.f32 v41, v53;
	v41 =	vld [tilespmem:s17+$0xF0]  }
0xff: {  	[tilespmem:s17+$0x90] =	vst v40;
	v40 =	vadd.f32 v42, v54;
	v42 =	vld [tilespmem:s17+$0x480]  }
0x100: {  	[tilespmem:s17+$0xA0] =	vst v39;
	v39 =	vadd.f32 v43, v55;
	v43 =	vld [tilespmem:s17+$0x490]  }
0x101: {  	[tilespmem:s17+$0xB0] =	vst v40;
	v40 =	vadd.f32 v44, v51;
	v44 =	vld [tilespmem:s17+$0x4A0]  }
0x102: {  	[tilespmem:s17+$0xC0] =	vst v39;
	v39 =	vadd.f32 v45, v52;
	v45 =	vld [tilespmem:s17+$0x4B0]  }
0x103: {  	[tilespmem:s17+$0xD0] =	vst v40;
	v40 =	vadd.f32 v46, v41;
	v41 =	vld [tilespmem:s17+$0x4C0]  }
0x104: {  	[tilespmem:s17+$0xE0] =	vst v39;
	v39 =	vadd.f32 v47, v42;
	v42 =	vld [tilespmem:s17+$0x4D0]  }
0x105: {  	[tilespmem:s17+$0xF0] =	vst v40;
	v40 =	vadd.f32 v48, v43;
	v43 =	vld [tilespmem:s17+$0x4E0]  }
0x106: {  	[tilespmem:s17+$0x480] =	vst v39;
	v39 =	vadd.f32 v49, v44;
	v44 =	vld [tilespmem:s17+$0x4F0]  }
0x107: {  	[tilespmem:s17+$0x490] =	vst v40;
	v40 =	vadd.f32 v50, v45;
	v45 =	vld [tilespmem:s17+$0x880]  }
0x108: {  	[tilespmem:s17+$0x4A0] =	vst v39;
	v38 =	vadd.f32 v38, v41;
	v39 =	vld [tilespmem:s17+$0x890]  }
0x109: {  	[tilespmem:s17+$0x4B0] =	vst v40;
	v37 =	vadd.f32 v37, v42;
	v40 =	vld [tilespmem:s17+$0x8A0]  }
0x10a: {  	[tilespmem:s17+$0x4C0] =	vst v38;
	v36 =	vadd.f32 v36, v43;
	v38 =	vld [tilespmem:s17+$0x8B0]  }
0x10b: {  	[tilespmem:s17+$0x4D0] =	vst v37;
	v35 =	vadd.f32 v35, v44;
	v37 =	vld [tilespmem:s17+$0x8C0]  }
0x10c: {  	[tilespmem:s17+$0x4E0] =	vst v36;
	v34 =	vadd.f32 v34, v45;
	v36 =	vld [tilespmem:s17+$0x8D0]  }
0x10d: {  	[tilespmem:s17+$0x4F0] =	vst v35;
	v33 =	vadd.f32 v33, v39;
	v35 =	vld [tilespmem:s17+$0x8E0]  }
0x10e: {  	[tilespmem:s17+$0x880] =	vst v34;
	v32 =	vadd.f32 v32, v40;
	v34 =	vld [tilespmem:s17+$0x8F0]  }
0x10f: {  	[tilespmem:s17+$0x890] =	vst v33;
	v31 =	vadd.f32 v31, v38;
	v33 =	vld [tilespmem:s17+$0xC80]  }
0x110: {  	[tilespmem:s17+$0x8A0] =	vst v32;
	v30 =	vadd.f32 v30, v37;
	v32 =	vld [tilespmem:s17+$0xC90]  }
0x111: {  	[tilespmem:s17+$0x8B0] =	vst v31;
	v29 =	vadd.f32 v29, v36;
	v31 =	vld [tilespmem:s17+$0xCA0]  }
0x112: {  	[tilespmem:s17+$0x8C0] =	vst v30;
	v28 =	vadd.f32 v28, v35;
	v30 =	vld [tilespmem:s17+$0xCB0]  }
0x113: {  	[tilespmem:s17+$0x8D0] =	vst v29;
	v27 =	vadd.f32 v27, v34;
	v29 =	vld [tilespmem:s17+$0xCC0]  }
0x114: {  	[tilespmem:s17+$0x8E0] =	vst v28;
	v26 =	vadd.f32 v26, v33;
	v28 =	vld [tilespmem:s17+$0xCD0]  }
0x115: {  	[tilespmem:s17+$0x8F0] =	vst v27;
	v25 =	vadd.f32 v25, v32;
	v27 =	vld [tilespmem:s17+$0xCE0]  }
0x116: {  	[tilespmem:s17+$0xC80] =	vst v26;
	v24 =	vadd.f32 v24, v31;
	v26 =	vld [tilespmem:s17+$0xCF0]  }
0x117: {  	[tilespmem:s17+$0xC90] =	vst v25;
	v23 =	vadd.f32 v23, v30;
	v25 =	vld [tilespmem:s17+$0x1080]  }
0x118: {  	[tilespmem:s17+$0xCA0] =	vst v24;
	v22 =	vadd.f32 v22, v29;
	v24 =	vld [tilespmem:s17+$0x1090]  }
0x119: {  	[tilespmem:s17+$0xCB0] =	vst v23;
	v21 =	vadd.f32 v21, v28;
	v23 =	vld [tilespmem:s17+$0x10A0]  }
0x11a: {  	[tilespmem:s17+$0xCC0] =	vst v22;
	v20 =	vadd.f32 v20, v27;
	v22 =	vld [tilespmem:s17+$0x10B0]  }
0x11b: {  	[tilespmem:s17+$0xCD0] =	vst v21;
	v19 =	vadd.f32 v19, v26;
	v21 =	vld [tilespmem:s17+$0x10C0]  }
0x11c: {  	[tilespmem:s17+$0xCE0] =	vst v20;
	v18 =	vadd.f32 v18, v25;
	v20 =	vld [tilespmem:s17+$0x10D0]  }
0x11d: {  	[tilespmem:s17+$0xCF0] =	vst v19;
	v17 =	vadd.f32 v17, v24;
	v19 =	vld [tilespmem:s17+$0x10E0]  }
.Ltmp0:
0x11e: {  	[tilespmem:s17+$0x1080] =	vst v18;
	v18 =	vadd.f32 v16, v23;
	v16 =	vld [tilespmem:s17+$0x10F0];
	(pc) =	sbr.rel @p0 .LBB2_2-.Ltmp0, $4  }
0x11f: {  	[tilespmem:s17+$0x1090] =	vst v17;
	v17 =	vadd.f32 v15, v22;
	v15 =	vld [tilespmem:s17+$0x1480]  }
0x120: {  	[tilespmem:s17+$0x10A0] =	vst v18;
	v21 =	vadd.f32 v14, v21;
	v14 =	vld [tilespmem:s17+$0x1490]  }
0x121: {  	[tilespmem:s17+$0x10B0] =	vst v17;
	v18 =	vadd.f32 v13, v20;
	v13 =	vld [tilespmem:s17+$0x14A0]  }
0x122: {  	s18 =	sadd.s32 $0x1, s18;
	[tilespmem:s17+$0x10C0] =	vst v21;
	v17 =	vadd.f32 v12, v19;
	v12 =	vld [tilespmem:s17+$0x14B0]  }
0x123: {  	[tilespmem:s17+$0x10D0] =	vst v18;
	v60 =	vld [tilespmem:s17+$0x14C0];
	v11 =	vadd.f32 v11, v16  }
0x124: {  	v61 =	vld [tilespmem:s17+$0x14D0];
	[tilespmem:s17+$0x10E0] =	vst v17;
	v10 =	vadd.f32 v10, v15  }
0x125: {  	v62 =	vld [tilespmem:s17+$0x14E0];
	[tilespmem:s17+$0x10F0] =	vst v11;
	v9 =	vadd.f32 v9, v14  }
0x126: {  	v63 =	vld [tilespmem:s17+$0x14F0];
	[tilespmem:s17+$0x1480] =	vst v10;
	v8 =	vadd.f32 v8, v13  }
0x127: {  	[tilespmem:s17+$0x1490] =	vst v9;
	v7 =	vadd.f32 v7, v12  }
0x128: {  	[tilespmem:s17+$0x14A0] =	vst v8;
	v6 =	vadd.f32 v6, v60  }
0x129: {  	v5 =	vadd.f32 v5, v61;
	[tilespmem:s17+$0x14B0] =	vst v7  }
0x12a: {  	v4 =	vadd.f32 v4, v62;
	[tilespmem:s17+$0x14C0] =	vst v6  }
0x12b: {  	s16 =	sadd.s32 $0x1, s16;
	v3 =	vadd.f32 v3, v63;
	[tilespmem:s17+$0x14D0] =	vst v5  }
0x12c: {  	p0 =	sne.s32 s16, s9;
	[tilespmem:s17+$0x14E0] =	vst v4  }
.Ltmp1:
0x12d: {  	[tilespmem:s17+$0x14F0] =	vst v3;
	(pc) =	sbr.rel @p0 .LBB2_1-.Ltmp1, $4  }
0x12e: {  	[hbm4b:s8+s2] =	stream.linear.scatter [tilespmem:s11], [sflag:$0x2], $0xC000, $0x38;
	[tilespmem:$0x18080] =	vst v63  }
0x12f: {  	_ =	swait.ge [sflag:s10], $0xC000  }
0x130: {  	[sflag:s10] =	ssyncset.done $0x0  }
0x131: {  	[sflag:s10] =	ssyncadd.s32 $0xFFFF4000  }
0x132: {  	_ =	sfence.sel $0x180000  }
0x133: {  	[bflag:$0x0] =	sbarrier.arrive $0xFFFF  }
0x134: {  	_ =	strace $0x9000004A  }
0x135: {  	s0 =	stileid.u32;
	[bflag:$0x2] =	sbarrier.arrive $0xFFFF  }
0x136: {  	p0 =	sne.s32 s0, $0x0;
	s0 =	rddreg [dreg:$0x2]  }
0x137: {  	s0 =	sadd.s32 @!p0 $0x100000, s0  }
0x138: {  	[sflag:s0] =	ssyncadd.tile.s32 @!p0 $0x1;
	_ =	shalt  }
.Lfunc_end2:
_tile_overlayer_lowered:
.L_overlay_start_2:
0x139: {  	(tag) =	ssettag $0x2  }
0x13a: {  	s0 =	rddreg [dreg:$0x0];
	s2 =	stileid.u32  }
0x13b: {  	s1 =	rddreg [dreg:$0x1];
	p0 =	sne.s32 s2, $0x0  }
0x13c: {  	s3 =	rddreg [dreg:$0x2];
	[bflag:$0x3] =	sbarrier.arrive $0xFFFF;
	s2 =	simm.s32 @!p0 $0x1C02  }
0x13d: {  	[timem:s3], [sflag:s2] =	dma.local @!p0 [hbm:s0], s1  }
0x13e: {  	s0 =	simm.s32 @!p0 $0x2  }
0x13f: {  	_ =	swait.ge @!p0 [sflag:s0], s1  }
0x140: {  	s1 =	ssub.s32 @!p0 $0x0, s1;
	[sflag:s0] =	ssyncset.done @!p0 $0x0  }
0x141: {  	[sflag:s0] =	ssyncadd.s32 @!p0 s1  }
0x142: {  	[bflag:$0x3] =	sbarrier.arrive $0xFFFF  }
0x143: {  	_ =	shalt  }

// kernel: kernel.7.cloned.1.call-start
scs
__scs_entry_jumppad:
0x0: {  	(pc) =	sbr.rel $0x88, $3  }
0x1: {  	(tag) =	ssettag $0x0;
	lr =	simm.s32 $0x1  }
0x2: {  	[smem:$0x3F99] =	sst lr;
	_ =	strace $0xD0000000  }
0x3: {  	_ = 	snop  }
0x4: {  	_ = 	snop  }
0x5: {  	_ = 	snop  }
0x6: {  	_ = 	snop  }
0x7: {  	_ = 	snop  }
__scs_overlays_trampoline_lowered:
0x8: {  	[smem:$0x3FA8] =	sst s0  }
0x9: {  	[smem:$0x3FA9] =	sst s1  }
0xa: {  	[smem:$0x3FAA] =	sst s2  }
0xb: {  	[smem:$0x3FAB] =	sst s3  }
0xc: {  	[smem:$0x3FAC] =	sst s4  }
0xd: {  	[smem:$0x3FAD] =	sst s5  }
0xe: {  	[smem:$0x3FAE] =	sst s6  }
0xf: {  	[smem:$0x3FAF] =	sst s7  }
0x10: {  	[smem:$0x3FB0] =	sst s8  }
0x11: {  	[smem:$0x3FB1] =	sst s9;
	s0 =	simm.s32 @!p0 $0x0  }
0x12: {  	s1 =	sld [smem:$0x3F97];
	s0 =	simm.s32 @p0 $0x1  }
0x13: {  	[smem:$0x3FB2] =	sst s0;
	s0 =	simm.s32 @!p1 $0x0  }
0x14: {  	s2 =	sld [smem:$0x3F96];
	s0 =	simm.s32 @p1 $0x1  }
0x15: {  	[smem:$0x3FB3] =	sst s0;
	s0 =	simm.s32 @!p2 $0x0  }
0x16: {  	s3 =	sld [smem:$0x3FDB];
	s0 =	simm.s32 @p2 $0x1  }
0x17: {  	s4 =	simm.s32 $0x1BF5;
	[smem:$0x3FB5] =	sst s0  }
0x18: {  	s0 =	sld [smem:$0x3F98];
	_ =	swait.ge [sflag:s4], $0x0  }
0x19: {  	s7 =	sld [smem:$0x3F99]  }
0x1a: {  	s8 =	sadd.s32 $0xFFFFE003, lr  }
0x1b: {  	s9 =	sadd.s32 $0xFFFFFEF7, lr;
	s5 =	simm.s32 $0xFFFFFFFF;
	p2 =	slt.u32 s8, $0xFFFFF086  }
0x1c: {  	p1 =	slt.u32 s9, $0xF7A;
	s5 =	simm.s32 @!p2 $0x0  }
0x1d: {  	s5 =	simm.s32 @p1 $0x1;
	p0 =	seq.s32 s7, s2  }
0x1e: {  	s7 =	smul.u32 @!p0 $0xF7A, s2;
	p2 =	seq.s32 @!p0 s5, $0x0  }
0x1f: {  	s9 =	smul.u32 $0xF7A, s1;
	s8 =	simm.s32 @!p0 $0x1BF5;
	p2 =	por !p2, p0  }
0x20: {  	[sflag:s8] =	ssyncset.s32 @!p0 $0xFFFFF086;
	s6 =	sadd.s32 @!p0 s3, s7;
	s7 =	simm.s32 @!p0 $0x108  }
0x21: {  	s3 =	sadd.s32 s3, s9;
	s6 =	sadd.s32 @!p0 $0x88, s6;
	s7 =	simm.s32 @p2 $0x1082  }
0x22: {  	[simem:s7], [sflag:s8] =	dma.local @!p0 [hbm:s6], $0xF7A  }
0x23: {  	s9 =	sor.u32 $0xD0000000, s2;
	s6 =	simm.s32 $0x108;
	_ =	swait.ge @!p0 [sflag:s8], $0x0  }
0x24: {  	s3 =	sadd.s32 $0x88, s3;
	s6 =	simm.s32 @!p1 $0x1082;
	[sflag:s4] =	ssyncset.s32 $0xFFFFF086  }
0x25: {  	[simem:s6], [sflag:s4] =	dma.local [hbm:s3], $0xF7A  }
0x26: {  	[smem:$0x3F99] =	sst s1;
	(tag) =	ssettag s2;
	_ =	strace s9  }
0x27: {  	s1 =	sld [smem:$0x3FA9]  }
0x28: {  	s2 =	sld [smem:$0x3FAA]  }
0x29: {  	s4 =	sld [smem:$0x3FAC]  }
0x2a: {  	p0 =	seq.s32 s5, $0x0;
	s5 =	sld [smem:$0x3FAD]  }
0x2b: {  	s6 =	sld [smem:$0x3FAE]  }
0x2c: {  	s7 =	sld [smem:$0x3FAF]  }
0x2d: {  	s3 =	simm.s32 $0x108;
	s8 =	sld [smem:$0x3FB0]  }
0x2e: {  	s3 =	simm.s32 @!p0 $0x1082;
	s9 =	sld [smem:$0x3FB1]  }
0x2f: {  	lr =	sadd.s32 s0, s3;
	s0 =	sld [smem:$0x3FA8]  }
0x30: {  	s3 =	sld [smem:$0x3FAB]  }
0x31: {  	[smem:$0x3FB4] =	sst s10  }
0x32: {  	s10 =	sld [smem:$0x3FB2];
	_ =	sdelay $0x3  }
0x33: {  	p0 =	seq.s32 s10, $0x1;
	s10 =	sld [smem:$0x3FB4];
	_ =	sdelay $0x3  }
0x34: {  	[smem:$0x3FB4] =	sst s10  }
0x35: {  	s10 =	sld [smem:$0x3FB3];
	_ =	sdelay $0x3  }
0x36: {  	p1 =	seq.s32 s10, $0x1;
	s10 =	sld [smem:$0x3FB4];
	_ =	sdelay $0x3  }
0x37: {  	[smem:$0x3FB4] =	sst s10  }
0x38: {  	s10 =	sld [smem:$0x3FB5]  }
0x39: {  	_ = 	snop;
	(pc) =	sbr.ind lr, $3  }
0x3a: {  	_ = 	snop  }
0x3b: {  	_ = 	snop  }
0x3c: {  	p2 =	seq.s32 s10, $0x1;
	s10 =	sld [smem:$0x3FB4]  }
0x3d: {  	_ =	shalt  }
0x3e: {  	_ =	shalt  }
0x3f: {  	_ =	shalt  }
0x40: {  	_ =	shalt  }
0x41: {  	_ =	shalt  }
0x42: {  	_ =	shalt  }
0x43: {  	_ =	shalt  }
0x44: {  	_ =	shalt  }
0x45: {  	_ =	shalt  }
0x46: {  	_ =	shalt  }
0x47: {  	_ =	shalt  }
0x48: {  	_ =	shalt  }
0x49: {  	_ =	shalt  }
0x4a: {  	_ =	shalt  }
0x4b: {  	_ =	shalt  }
0x4c: {  	_ =	shalt  }
0x4d: {  	_ =	shalt  }
0x4e: {  	_ =	shalt  }
0x4f: {  	_ =	shalt  }
0x50: {  	_ =	shalt  }
0x51: {  	_ =	shalt  }
0x52: {  	_ =	shalt  }
0x53: {  	_ =	shalt  }
0x54: {  	_ =	shalt  }
0x55: {  	_ =	shalt  }
0x56: {  	_ =	shalt  }
0x57: {  	_ =	shalt  }
0x58: {  	_ =	shalt  }
0x59: {  	_ =	shalt  }
0x5a: {  	_ =	shalt  }
0x5b: {  	_ =	shalt  }
0x5c: {  	_ =	shalt  }
0x5d: {  	_ =	shalt  }
0x5e: {  	_ =	shalt  }
0x5f: {  	_ =	shalt  }
0x60: {  	_ =	shalt  }
0x61: {  	_ =	shalt  }
0x62: {  	_ =	shalt  }
0x63: {  	_ =	shalt  }
0x64: {  	_ =	shalt  }
0x65: {  	_ =	shalt  }
0x66: {  	_ =	shalt  }
0x67: {  	_ =	shalt  }
0x68: {  	_ =	shalt  }
0x69: {  	_ =	shalt  }
0x6a: {  	_ =	shalt  }
0x6b: {  	_ =	shalt  }
0x6c: {  	_ =	shalt  }
0x6d: {  	_ =	shalt  }
0x6e: {  	_ =	shalt  }
0x6f: {  	_ =	shalt  }
0x70: {  	_ =	shalt  }
0x71: {  	_ =	shalt  }
0x72: {  	_ =	shalt  }
0x73: {  	_ =	shalt  }
0x74: {  	_ =	shalt  }
0x75: {  	_ =	shalt  }
0x76: {  	_ =	shalt  }
0x77: {  	_ =	shalt  }
0x78: {  	_ =	shalt  }
0x79: {  	_ =	shalt  }
0x7a: {  	_ =	shalt  }
0x7b: {  	_ =	shalt  }
0x7c: {  	_ =	shalt  }
0x7d: {  	_ =	shalt  }
0x7e: {  	_ =	shalt  }
0x7f: {  	_ =	shalt  }
0x80: {  	_ =	shalt  }
0x81: {  	_ =	shalt  }
0x82: {  	_ =	shalt  }
0x83: {  	_ =	shalt  }
0x84: {  	_ =	shalt  }
0x85: {  	_ =	shalt  }
0x86: {  	_ =	shalt  }
0x87: {  	_ =	shalt  }
.Lfunc_end0:
.L_simem_size_0:
called_computation_lowered:
.L_overlay_start_0:
0x88: {  	s2 =	sld [smem:$0x3FD9]  }
0x89: {  	s3 =	sld [smem:$0x3FFE];
	_ =	sdelay $0x1  }
0x8a: {  	s1 =	srdreg.scid  }
0x8b: {  	s0 =	sand.u32 $0x1, s1  }
0x8c: {  	s17 =	sshll.u32 s0, $0xA;
	s2 =	sadd.s32 s3, s2  }
0x8d: {  	s2 =	sadd.s32 s2, s17  }
0x8e: {  	[smem:$0x3FC0] =	sst s2  }
0x8f: {  	_ = 	snop  }
0x90: {  	s2 =	sld [smem:$0x3FD0];
	(tm) =	ssettm $0x1  }
0x91: {  	s18 =	sld [smem:$0x3FFB];
	_ =	sdelay $0x3  }
0x92: {  	_ =	strace s18  }
0x93: {  	s3 =	sld [smem:$0x3FFC];
	_ =	sdelay $0x3  }
0x94: {  	_ =	strace s3  }
0x95: {  	s3 =	sld [smem:$0x3FFD];
	_ =	sdelay $0x3  }
0x96: {  	_ =	strace s3  }
0x97: {  	_ =	strace $0x8FFFFFFF  }
0x98: {  	s19 =	sld [smem:$0x3FDB];
	_ =	sdelay $0x1  }
0x99: {  	s4 =	simm.s32 $_scs_section_size  }
0x9a: {  	s5 =	simm.s32 $_size__tile_overlayer_lowered;
	s6 =	simm.s32 $_tile_overlayer_lowered  }
0x9b: {  	s22 =	simm.s32 $0x1BFF;
	s21 =	sshll.u32 s6, $0x1;
	s3 =	sadd.s32 s4, s19  }
0x9c: {  	s7 =	simm.s32 $0x0;
	s20 =	sshll.u32 s5, $0x1;
	s5 =	sadd.s32 s21, s3  }
0x9d: {  	[timem:s7], [sflag:s22] =	dma.local [hbm:s5], s20  }
0x9e: {  	_ =	swait.ge [sflag:s22], s20  }
0x9f: {  	s4 =	ssub.s32 $0x0, s20;
	[sflag:s22] =	ssyncset.done $0x0  }
0xa0: {  	[sflag:s22] =	ssyncadd.s32 s4;
	_ =	sdelay $0x1  }
0xa1: {  	s23 =	simm.s32 $0x1B8B  }
0xa2: {  	_ =	swait.ge [sflag:s23], $0x1  }
0xa3: {  	[sflag:s23] =	ssyncset.done $0x0  }
0xa4: {  	s25 =	simm.s32 $0x1B8E;
	s24 =	sld [smem:$0x3FFE];
	[sflag:s23] =	ssyncadd.s32 $0xFFFFFFFF  }
0xa5: {  	s26 =	simm.s32 $execute0_lowered;
	[smem:$0x3FD2] =	sst s25  }
0xa6: {  	s5 =	sshll.u32 s26, $0x1;
	_ =	strace $0x80000046;
	[dreg:$0x1] =	wrdreg $0xFFFFFFFF  }
0xa7: {  	s28 =	simm.s32 $_size_execute0_lowered;
	s3 =	sadd.s32 s3, s5;
	[dreg:$0x0] =	wrdreg $0x0  }
0xa8: {  	s5 =	sshll.u32 s28, $0x1;
	[dreg:$0x2] =	wrdreg s3  }
0xa9: {  	[dreg:$0x3] =	wrdreg s5  }
0xaa: {  	[dreg:$0x4] =	wrdreg $0xC0  }
0xab: {  	_ =	task [dreg:s7], $0x5FFFF  }
0xac: {  	[dreg:$0x1] =	wrdreg $0xFFFFFFFF  }
0xad: {  	[dreg:$0x0] =	wrdreg $0x60  }
0xae: {  	[dreg:$0x2] =	wrdreg s24  }
0xaf: {  	[dreg:$0x3] =	wrdreg s2  }
0xb0: {  	[dreg:$0x4] =	wrdreg $0x9  }
0xb1: {  	_ =	task.clear_ibuf [dreg:s7], $0x5FFFF;
	_ =	strace $0x90000046  }
0xb2: {  	s29 =	simm.s32 $0x9;
	_ =	strace $0x80000048  }
0xb3: {  	_ =	swait.ge [sflag:s29], $0x1  }
0xb4: {  	[sflag:s29] =	ssyncadd.s32 $0xFFFFFFFF  }
0xb5: {  	_ =	strace $0x90000048  }
0xb6: {  	_ =	sfence  }
0xb7: {  	s30 =	sld [smem:$0x0];
	_ =	sdelay $0x2  }
0xb8: {  	s31 =	sshll.u32 s1, $0xD;
	s1 =	sshrl.u32 s1, $0x2  }
0xb9: {  	s3 =	sand.u32 $0x4000, s31;
	s1 =	sadd.s32 s1, s30  }
0xba: {  	s0 =	sor.u32 s3, s0;
	s1 =	sshll.u32 s1, $0x11  }
0xbb: {  	s0 =	sor.u32 s1, s0  }
0xbc: {  	s0 =	sadd.s32 $0x8F2B, s0  }
0xbd: {  	[sflag:s0] =	ssyncadd.remote.s32 $0x1  }
0xbe: {  	_ =	sfence.sel $0xFFFF  }
0xbf: {  	[dreg:$0x0] =	wrdreg $0xFFFFFFFF;
	(pc) =	sbr.abs _section_cstart, $3  }
0xc0: {  	[dreg:$0x1] =	wrdreg $0xFFFFFFFF  }
0xc1: {  	_ =	task.clear_ibuf [dreg:s7], $0x2FFFF;
	_ =	strace $0x9FFFFFFF  }
0xc2: {  	(tm) =	ssettm $0x7FFFFFFF  }
0xc3: {  	_ =	shalt  }
tec
execute0_lowered:
.L_overlay_start_1:
0x0: {  	(tag) =	ssettag $0x1  }
0x1: {  	s5 =	rddreg [dreg:$0x0]  }
0x2: {  	s3 =	rddreg [dreg:$0x1]  }
0x3: {  	s0 =	rddreg [dreg:$0x2]  }
0x4: {  	s1 =	simm.s32 $0x0;
	s4 =	srdreg.scid;
	s2 =	stileid.u32  }
0x5: {  	s31 =	simm.s32 $0xC100;
	[smem:$0x7FF] =	sst s1;
	s6 =	sadd.s32 $0x2E00, s5  }
0x6: {  	s25 =	sadd.s32 $0x3200, s5;
	_ =	strace $0x80000047;
	[dreg:$0x3] =	wrdreg s6  }
0x7: {  	s9 =	simm.s32 $0x1880;
	s26 =	sadd.s32 $0x3400, s5;
	[dreg:$0x4] =	wrdreg s25  }
0x8: {  	s11 =	simm.s32 $0x2080;
	s28 =	sadd.s32 $0x3600, s5;
	[dreg:$0x5] =	wrdreg s26  }
0x9: {  	s12 =	simm.s32 $0x2880;
	s13 =	simm.s32 $0x3080;
	[dreg:$0x6] =	wrdreg s28  }
0xa: {  	s14 =	simm.s32 $0x3880;
	s15 =	simm.s32 $0x4080;
	[dreg:$0xa] =	wrdreg s31  }
0xb: {  	s4 =	sand.u32 $0x1, s4;
	s7 =	sshll.u32 s2, $0x1;
	[dreg:$0xe] =	wrdreg s9  }
0xc: {  	s16 =	simm.s32 $0x4880;
	s10 =	sor.u32 s4, s7;
	[dreg:$0xf] =	wrdreg s11  }
0xd: {  	s18 =	simm.s32 $0x5080;
	[dreg:$0x10] =	wrdreg s12;
	s8 =	smul.u32 $0x1800, s10  }
0xe: {  	s19 =	simm.s32 $0x5880;
	s20 =	simm.s32 $0x6080;
	[dreg:$0x11] =	wrdreg s13  }
0xf: {  	p0 =	seq.s32 s10, $0x1F;
	s3 =	sadd.s32 s3, s8;
	s8 =	simm.s32 $0x1080  }
0x10: {  	s21 =	simm.s32 $0x6880;
	[dreg:$0xd] =	wrdreg s8;
	s8 =	simm.s32 @!p0 $0x0  }
0x11: {  	[dreg:$0x12] =	wrdreg s14;
	s8 =	simm.s32 @p0 $0x1;
	p0 =	sgt.u32 s10, $0x1C  }
0x12: {  	s22 =	simm.s32 $0x7080;
	[smem:$0x7E1] =	sst s8;
	s8 =	simm.s32 @!p0 $0x0  }
0x13: {  	[dreg:$0x13] =	wrdreg s15;
	s8 =	simm.s32 @p0 $0x1;
	p0 =	sgt.u32 s10, $0x1A  }
0x14: {  	s23 =	simm.s32 $0x7880;
	[smem:$0x7E2] =	sst s8;
	s8 =	simm.s32 @!p0 $0x0  }
0x15: {  	[dreg:$0x14] =	wrdreg s16;
	s8 =	simm.s32 @p0 $0x1;
	p0 =	sgt.u32 s10, $0x18  }
0x16: {  	s24 =	simm.s32 $0x8080;
	[smem:$0x7E3] =	sst s8;
	s8 =	simm.s32 @!p0 $0x0  }
0x17: {  	[dreg:$0x15] =	wrdreg s18;
	s8 =	simm.s32 @p0 $0x1;
	p0 =	sgt.u32 s10, $0x16  }
0x18: {  	p2 =	sgt.u32 s2, $0x3;
	[smem:$0x7E4] =	sst s8;
	s8 =	simm.s32 @!p0 $0x0  }
0x19: {  	[dreg:$0x16] =	wrdreg s19;
	s8 =	simm.s32 @p0 $0x1;
	p0 =	sgt.u32 s10, $0x14  }
0x1a: {  	p3 =	sgt.u32 s2, $0x2;
	[smem:$0x7E5] =	sst s8;
	s8 =	simm.s32 @!p0 $0x0  }
0x1b: {  	[dreg:$0x17] =	wrdreg s20;
	s8 =	simm.s32 @p0 $0x1;
	p0 =	sgt.u32 s10, $0x12  }
0x1c: {  	p4 =	sgt.u32 s2, $0x1;
	[smem:$0x7E6] =	sst s8;
	s8 =	simm.s32 @!p0 $0x0  }
0x1d: {  	[dreg:$0x18] =	wrdreg s21;
	s8 =	simm.s32 @p0 $0x1;
	p0 =	sgt.u32 s10, $0x10  }
0x1e: {  	p5 =	seq.s32 s2, $0x0;
	[dreg:$0x19] =	wrdreg s22;
	s11 =	simm.s32 @!p0 $0x0  }
0x1f: {  	[dreg:$0x1a] =	wrdreg s23;
	s11 =	simm.s32 @p0 $0x1;
	p0 =	sgt.u32 s10, $0xE  }
0x20: {  	s6 =	simm.s32 $0xC080;
	[smem:$0x7EB] =	sst s11;
	s11 =	simm.s32 @!p0 $0x0  }
0x21: {  	[dreg:$0x1b] =	wrdreg s24;
	s11 =	simm.s32 @p0 $0x1;
	p0 =	sgt.u32 s10, $0xC  }
0x22: {  	s4 =	ssub.s32 $0x2, s4;
	[smem:$0x7EC] =	sst s11;
	s11 =	simm.s32 @!p0 $0x0  }
0x23: {  	s25 =	simm.s32 $0x8880;
	s11 =	simm.s32 @p0 $0x1;
	p0 =	sgt.u32 s10, $0xA  }
0x24: {  	s26 =	simm.s32 $0x9080;
	[smem:$0x7ED] =	sst s11;
	s11 =	simm.s32 @!p0 $0x0  }
0x25: {  	[dreg:$0xb] =	wrdreg s6;
	s11 =	simm.s32 @p0 $0x1;
	p0 =	sgt.u32 s10, $0x8  }
0x26: {  	s28 =	simm.s32 $0x9880;
	[smem:$0x7EE] =	sst s11;
	s11 =	simm.s32 @!p0 $0x0  }
0x27: {  	[dreg:$0x1c] =	wrdreg s25;
	s11 =	simm.s32 @p0 $0x1;
	p0 =	sgt.u32 s10, $0x6  }
0x28: {  	s9 =	simm.s32 $0xB080;
	[smem:$0x7EF] =	sst s11;
	s11 =	simm.s32 @!p0 $0x0  }
0x29: {  	[dreg:$0x1d] =	wrdreg s26;
	s11 =	simm.s32 @p0 $0x1;
	p0 =	sgt.u32 s10, $0x4  }
0x2a: {  	s31 =	simm.s32 $0xB880;
	[smem:$0x7F0] =	sst s11;
	s11 =	simm.s32 @!p0 $0x0  }
0x2b: {  	[dreg:$0x1e] =	wrdreg s28;
	s11 =	simm.s32 @p0 $0x1;
	p0 =	sgt.u32 s10, $0x2  }
0x2c: {  	s7 =	sshll.u32 s10, $0x3;
	[smem:$0x7F1] =	sst s11;
	s11 =	simm.s32 @!p0 $0x0  }
0x2d: {  	[smem:$0x7E9] =	sst s9;
	s11 =	simm.s32 @p0 $0x1;
	p0 =	seq.s32 s10, $0x0  }
0x2e: {  	[smem:$0x7EA] =	sst s31;
	p1 =	sne.s32 s10, $0x0;
	s10 =	simm.s32 @!p0 $0x0  }
0x2f: {  	s7 =	sadd.s32 s7, s5;
	s10 =	simm.s32 @p0 $0x1;
	p0 =	seq.s32 s2, $0xF  }
0x30: {  	s29 =	sadd.s32 $0x3000, s7;
	[smem:$0x7F3] =	sst s10;
	s10 =	simm.s32 @!p0 $0x0  }
0x31: {  	[dreg:$0x7] =	wrdreg s29;
	s10 =	simm.s32 @p0 $0x1;
	p0 =	sgt.u32 s2, $0xD  }
0x32: {  	s30 =	sadd.s32 $0x5D800, s7;
	[smem:$0x7F4] =	sst s10;
	s10 =	simm.s32 @!p0 $0x0  }
0x33: {  	[dreg:$0x8] =	wrdreg s30;
	s10 =	simm.s32 @p0 $0x1;
	p0 =	sgt.u32 s2, $0xC  }
0x34: {  	s17 =	sshrl.u32 s4, $0x1;
	[smem:$0x7F5] =	sst s10;
	s10 =	simm.s32 @!p0 $0x0  }
0x35: {  	[dreg:$0x9] =	wrdreg s3;
	s10 =	simm.s32 @p0 $0x1;
	p0 =	sgt.u32 s2, $0xB  }
0x36: {  	s7 =	simm.s32 $0x880;
	[smem:$0x7F6] =	sst s10;
	s10 =	simm.s32 @!p0 $0x0  }
0x37: {  	[dreg:$0xc] =	wrdreg s7;
	s10 =	simm.s32 @p0 $0x1;
	p0 =	sgt.u32 s2, $0xA  }
0x38: {  	s9 =	simm.s32 $0x1;
	[smem:$0x7F7] =	sst s10;
	s10 =	simm.s32 @!p0 $0x0  }
0x39: {  	s3 =	sadd.s32 $0x3800, s5;
	s10 =	simm.s32 @p0 $0x1;
	p0 =	sgt.u32 s2, $0x9  }
0x3a: {  	s7 =	ssub.s32 s4, s17;
	[smem:$0x7F8] =	sst s10;
	s10 =	simm.s32 @!p0 $0x0  }
0x3b: {  	s4 =	sadd.s32 $0x3900, s5;
	s10 =	simm.s32 @p0 $0x1;
	p0 =	sgt.u32 s2, $0x8  }
0x3c: {  	v0 =	vimm.s32 $0x0;
	s29 =	simm.s32 $0xA080;
	[smem:$0x7F9] =	sst s10;
	s10 =	simm.s32 @!p0 $0x0  }
0x3d: {  	v6 =	vlaneseq.u32;
	vm0 =	vmmov $0x1;
	v1 =	vimm.s32 $0x0;
	[dreg:$0x1f] =	wrdreg s29;
	s10 =	simm.s32 @p0 $0x1;
	p0 =	sgt.u32 s2, $0x7  }
0x3e: {  	v2 =	vimm.s32 $0xECA86420;
	vm8 =	vcmask $0xB08;
	vm9 =	vcmask $0x1310;
	s30 =	simm.s32 $0xA880;
	[smem:$0x7FA] =	sst s10;
	s10 =	simm.s32 @!p0 $0x0  }
0x3f: {  	vm10 =	vcmask $0x1B18;
	v7 =	vimm.s32 $0x0;
	vm1 =	vmmov $0xffff;
	[smem:$0x7E8] =	sst s30;
	s10 =	simm.s32 @p0 $0x1;
	p0 =	sgt.u32 s2, $0x6  }
0x40: {  	vm14 =	vcmask $0x171C;
	vm15 =	vcmask $0x1B20;
	vm4 =	vcmask $0x3330;
	s5 =	sadd.s32 $0x3A00, s5;
	[smem:$0x7FB] =	sst s10;
	s10 =	simm.s32 @!p0 $0x0  }
0x41: {  	v1 =	vsel vm0, $0xFFFFFFFF, v1;
	v2 =	vunpack.c.l.s4.s8 v2;
	v5 =	vshrl.u32 v6, $0x3;
	[smem:$0x7E7] =	sst s8;
	s10 =	simm.s32 @p0 $0x1;
	p0 =	sgt.u32 s2, $0x5  }
0x42: {  	v3 =	vmul.u32 $0x2, v6;
	vm0 =	vmmov $0xff;
	[tilespmem:$0x1FFE0] =	vst v1;
	v1 =	vmul.u32 $0x100, v6;
	s6 =	smax.u32 s7, $0x1;
	[smem:$0x7FC] =	sst s10;
	s10 =	simm.s32 @!p0 $0x0  }
0x43: {  	v4 =	vand.u32 $0x7, v6;
	v5 =	vmul.u32 $0x8, v5;
	v7 =	vsel vm0, $0xFFFFFFFF, v7;
	s7 =	simm.s32 $0x2;
	[smem:$0x7F2] =	sst s11;
	s10 =	simm.s32 @p0 $0x1  }
0x44: {  	v6 =	vor.u32 $0x8, v6;
	v2 =	vunpack.c.0.s8.s32 v2;
	[tilespmem:$0x1FFF0] =	vst v7;
	v1 =	vor.u32 $0x1, v1;
	s8 =	simm.s32 $0x80;
	p0 =	sgt.u32 s2, $0x4;
	[smem:$0x7FD] =	sst s10  }
.LBB2_1:
0x45: {  	s10 =	rddreg [dreg:$0x7]  }
0x46: {  	[tilespmem:s1], [sflag:$0x2] =	stream.linear.gather [hbm4b:s10+s1], $0x40, $0x38;
	[tilespmem:$0xD280] =	vst v63  }
0x47: {  	_ =	swait.ge [sflag:s7], $0x40  }
0x48: {  	s19 =	rddreg [dreg:$0x3];
	[sflag:s7] =	ssyncset.done $0x0  }
0x49: {  	s11 =	rddreg [dreg:$0xa];
	[sflag:s7] =	ssyncadd.s32 $0xFFFFFFC0  }
0x4a: {  	[tilespmem:s11], [sflag:$0x2] =	stream.linear.gather [hbm4b:s19+s1], $0x1000, $0x38;
	[tilespmem:$0xD280] =	vst v63  }
0x4b: {  	_ =	swait.ge [sflag:s7], $0x1000  }
0x4c: {  	[sflag:s7] =	ssyncset.done $0x0  }
0x4d: {  	[sflag:s7] =	ssyncadd.s32 $0xFFFFF000  }
0x4e: {  	v37 =	vld [tilespmem:$0xC100]  }
0x4f: {  	v38 =	vld [tilespmem:$0xC180]  }
0x50: {  	v39 =	vld [tilespmem:$0xC200]  }
0x51: {  	v40 =	vld [tilespmem:$0xC280]  }
0x52: {  	v41 =	vld [tilespmem:$0xC300]  }
0x53: {  	v36 =	vld [tilespmem:$0xC380]  }
0x54: {  	v35 =	vld [tilespmem:$0xC400];
	v7 =	vadd.s32 v37, v38  }
0x55: {  	v34 =	vld [tilespmem:$0xC480];
	v7 =	vadd.s32 v39, v7  }
0x56: {  	v33 =	vld [tilespmem:$0xC500];
	v7 =	vadd.s32 v40, v7  }
0x57: {  	v32 =	vld [tilespmem:$0xC580];
	v7 =	vadd.s32 v41, v7  }
0x58: {  	v31 =	vld [tilespmem:$0xC600];
	v7 =	vadd.s32 v36, v7  }
0x59: {  	v30 =	vld [tilespmem:$0xC680];
	v7 =	vadd.s32 v35, v7  }
0x5a: {  	v29 =	vld [tilespmem:$0xC700];
	v7 =	vadd.s32 v34, v7  }
0x5b: {  	v28 =	vld [tilespmem:$0xC780];
	v7 =	vadd.s32 v33, v7  }
0x5c: {  	v27 =	vld [tilespmem:$0xC800];
	v7 =	vadd.s32 v32, v7  }
0x5d: {  	v26 =	vld [tilespmem:$0xC880];
	v7 =	vadd.s32 v31, v7  }
0x5e: {  	v24 =	vld [tilespmem:$0xC900];
	v7 =	vadd.s32 v30, v7  }
0x5f: {  	v20 =	vld [tilespmem:$0xC980];
	v7 =	vadd.s32 v29, v7  }
0x60: {  	v19 =	vld [tilespmem:$0xCA00];
	v7 =	vadd.s32 v28, v7  }
0x61: {  	v18 =	vld [tilespmem:$0xCA80];
	v7 =	vadd.s32 v27, v7  }
0x62: {  	v17 =	vld [tilespmem:$0xCB00];
	v7 =	vadd.s32 v26, v7  }
0x63: {  	v16 =	vld [tilespmem:$0xCB80];
	v7 =	vadd.s32 v24, v7  }
0x64: {  	v15 =	vld [tilespmem:$0xCC00];
	v7 =	vadd.s32 v20, v7  }
0x65: {  	v14 =	vld [tilespmem:$0xCC80];
	v7 =	vadd.s32 v19, v7  }
0x66: {  	v13 =	vld [tilespmem:$0xCD00];
	v7 =	vadd.s32 v18, v7  }
0x67: {  	v12 =	vld [tilespmem:$0xCD80];
	v7 =	vadd.s32 v17, v7  }
0x68: {  	v11 =	vld [tilespmem:$0xCE00];
	v7 =	vadd.s32 v16, v7  }
0x69: {  	v10 =	vld [tilespmem:$0xCE80];
	v7 =	vadd.s32 v15, v7  }
0x6a: {  	v9 =	vld [tilespmem:$0xCF00];
	v7 =	vadd.s32 v14, v7  }
0x6b: {  	v8 =	vld [tilespmem:$0xCF80];
	v7 =	vadd.s32 v13, v7  }
0x6c: {  	v21 =	vadd.s32 v12, v7;
	v7 =	vld [tilespmem:$0xD000]  }
0x6d: {  	v22 =	vld [tilespmem:$0xD080];
	v21 =	vadd.s32 v11, v21  }
0x6e: {  	v21 =	vadd.s32 v10, v21  }
0x6f: {  	v21 =	vadd.s32 v9, v21  }
0x70: {  	v21 =	vadd.s32 v8, v21  }
0x71: {  	v21 =	vadd.s32 v7, v21  }
0x72: {  	v23 =	vadd.s32 v22, v21  }
0x73: {  	v21 =	vadd.s32 $0xFF, v23  }
0x74: {  	v51 =	vshra.s32 v21, $0x1F;
	v25 =	vand.u32 $0xFF, v21  }
0x75: {  	vm2 =	vlt.s32 v21, $0x1;
	v22 =	vshrl.u32 v51, $0x18;
	vm3 =	vne.s32 v25, $0x0  }
0x76: {  	v21 =	vadd.s32 v22, v21;
	vm2 =	vmand vm2, vm3  }
0x77: {  	v21 =	vshrl.u32 v21, $0x8;
	v52 =	vsel vm2, $0xFFFFFFFF, v0  }
0x78: {  	v21 =	vadd.s32 v52, v21  }
0x79: {  	v22 =	vshll.u32 v21, $0x8  }
0x7a: {  	(xrf0) =	vadd.scan.msk.s32 $0xffff, v22  }
0x7b: {  	v53 =	vld [tilespmem:$0x1FFE0];
	_ =	sdelay $0x4  }
0x7c: {  	vm0 =	vnez.u8 v53;
	v21, _, _ =	vpop (xrf0)  }
0x7d: {  	vm6 =	vcmask $0x308;
	v25 =	vnsel vm0, $0x0, v21  }
0x7e: {  	vm7 =	vcmask $0x70C;
	v54 =	vsel vm6, $0x0, v21;
	(xrf0) =	vadd.scan.msk.s32 $0xffff, v25  }
0x7f: {  	vm11 =	vcmask $0xB10;
	v55 =	vsel vm7, $0x0, v21;
	(xrf0) =	vadd.scan.msk.s32 $0xffff, v54  }
0x80: {  	vm12 =	vcmask $0xF14;
	v56 =	vsel vm11, $0x0, v21;
	(xrf0) =	vadd.scan.msk.s32 $0xffff, v55  }
0x81: {  	vm13 =	vcmask $0x1318;
	v57 =	vsel vm12, $0x0, v21;
	(xrf0) =	vadd.scan.msk.s32 $0xffff, v56  }
0x82: {  	v58 =	vsel vm13, $0x0, v21;
	(xrf0) =	vadd.scan.msk.s32 $0xffff, v57  }
0x83: {  	v59 =	vsel vm14, $0x0, v21;
	(xrf0) =	vadd.scan.msk.s32 $0xffff, v58  }
0x84: {  	vm2 =	vgt.s32 v23, $0x0;
	v60 =	vsel vm15, $0x0, v21;
	v42, _, _ =	vpop (xrf0);
	(xrf0) =	vadd.scan.msk.s32 $0xffff, v59  }
0x85: {  	v23 =	vsel vm2, $0x1, v0;
	v43, _, _ =	vpop (xrf0);
	(xrf0) =	vadd.scan.msk.s32 $0xffff, v60  }
0x86: {  	v44, _, _ =	vpop (xrf0);
	(xrf0) =	vadd.scan.msk.s32 $0xffff, v23  }
0x87: {  	v45, _, _ =	vpop (xrf0)  }
0x88: {  	v46, _, _ =	vpop (xrf0)  }
0x89: {  	v47, _, _ =	vpop (xrf0)  }
0x8a: {  	v48, _, _ =	vpop (xrf0)  }
0x8b: {  	v25, _, _ =	vpop (xrf0)  }
0x8c: {  	v23, _, _ =	vpop (xrf0)  }
0x8d: {  	v23 =	vadd.s32 $0xFFFFFFFF, v23  }
0x8e: {  	s12 =	sld [smem:$0x7F3];
	(v2sf) =	vpush v23, $0xD  }
0x8f: {  	s21 =	sld [smem:$0x7F2]  }
0x90: {  	(v2sf) =	vpush v23, $0xC  }
0x91: {  	s22 =	sld [smem:$0x7F1];
	p6 =	seq.s32 s12, $0x1  }
0x92: {  	v37 =	vpsel p6, $0x0, v37;
	v38 =	vpsel p5, $0x0, v38;
	p6 =	seq.s32 s21, $0x1;
	(v2sf) =	vpush v23, $0xE  }
0x93: {  	s23 =	sld [smem:$0x7F0];
	v37 =	vadd.s32 v37, v38;
	v61 =	vpsel !p6, $0x0, v39  }
0x94: {  	v62 =	vpsel !p4, $0x0, v40;
	p6 =	seq.s32 s22, $0x1;
	v37 =	vadd.s32 v61, v37;
	(v2sf) =	vpush v23, $0xF  }
0x95: {  	s24 =	sld [smem:$0x7EF];
	v63 =	vpsel !p6, $0x0, v41;
	v37 =	vadd.s32 v62, v37  }
0x96: {  	p6 =	seq.s32 s23, $0x1;
	v37 =	vadd.s32 v63, v37;
	v36 =	vpsel !p3, $0x0, v36;
	(v2sf) =	vpush v23, $0x9  }
0x97: {  	s25 =	sld [smem:$0x7EE];
	v36 =	vadd.s32 v36, v37;
	v35 =	vpsel !p6, $0x0, v35  }
0x98: {  	s22 =	sld [smem:$0x7FD];
	p6 =	seq.s32 s24, $0x1;
	v35 =	vadd.s32 v35, v36;
	v34 =	vpsel !p2, $0x0, v34;
	(v2sf) =	vpush v23, $0x8  }
0x99: {  	s28 =	sld [smem:$0x7ED];
	v34 =	vadd.s32 v34, v35;
	v33 =	vpsel !p6, $0x0, v33  }
0x9a: {  	s24 =	sld [smem:$0x7FC];
	p6 =	seq.s32 s25, $0x1;
	v33 =	vadd.s32 v33, v34;
	v32 =	vpsel !p0, $0x0, v32;
	(v2sf) =	vpush v23, $0xA  }
0x9b: {  	v32 =	vadd.s32 v32, v33;
	v31 =	vpsel !p6, $0x0, v31;
	p6 =	seq.s32 s22, $0x1  }
0x9c: {  	s30 =	sld [smem:$0x7EC];
	v31 =	vadd.s32 v31, v32;
	v30 =	vpsel !p6, $0x0, v30;
	p6 =	seq.s32 s28, $0x1;
	(v2sf) =	vpush v23, $0xB  }
0x9d: {  	s31 =	sld [smem:$0x7FB];
	v30 =	vadd.s32 v30, v31;
	v29 =	vpsel !p6, $0x0, v29;
	p6 =	seq.s32 s24, $0x1;
	s20 =	spop (v2sf)  }
0x9e: {  	v29 =	vadd.s32 v29, v30;
	v28 =	vpsel !p6, $0x0, v28;
	(v2sf) =	vpush v23, $0x1;
	s10 =	smulhi.u32 $0x55555556, s20;
	s11 =	sshra.s32 s20, $0x1F  }
0x9f: {  	p6 =	seq.s32 s30, $0x1;
	v28 =	vadd.s32 v28, v29;
	s13 =	spop (v2sf);
	s12 =	smul.u32 $0x55555556, s11  }
0xa0: {  	v27 =	vpsel !p6, $0x0, v27;
	p6 =	seq.s32 s31, $0x1;
	v36 =	vbroadcast v42, $0xF;
	(v2sf) =	vpush v23, $0x0;
	s11 =	smulhi.u32 $0x55555556, s13;
	s13 =	sshra.s32 s13, $0x1F  }
0xa1: {  	v27 =	vadd.s32 v27, v28;
	v26 =	vpsel !p6, $0x0, v26;
	v37 =	vbroadcast v43, $0xF;
	s15 =	spop (v2sf);
	s14 =	smul.u32 $0x55555556, s13  }
0xa2: {  	v26 =	vadd.s32 v26, v27;
	vm3 =	vlt.s32 v36, v1;
	v38 =	vbroadcast v44, $0xF;
	s13 =	smulhi.u32 $0x55555556, s15;
	s15 =	sshra.s32 s15, $0x1F  }
0xa3: {  	vm5 =	vlt.s32 v37, v1;
	v39 =	vsel vm3, $0x1, v0;
	(v2sf) =	vpush v23, $0x2;
	s17 =	spop (v2sf);
	s16 =	smul.u32 $0x55555556, s15  }
0xa4: {  	v40 =	vbroadcast v45, $0xF;
	vm3 =	vlt.s32 v38, v1;
	v28 =	vsel vm5, $0x1, v0;
	s15 =	smulhi.u32 $0x55555556, s17;
	s17 =	sshra.s32 s17, $0x1F  }
0xa5: {  	v42 =	vbroadcast v46, $0xF;
	v27 =	vadd.s32 v28, v39;
	(v2sf) =	vpush v23, $0x3;
	s19 =	spop (v2sf);
	s18 =	smul.u32 $0x55555556, s17  }
0xa6: {  	v41 =	vsel vm3, $0x1, v0;
	vm3 =	vlt.s32 v40, v1;
	v43 =	vbroadcast v47, $0xF;
	s17 =	smulhi.u32 $0x55555556, s19;
	s19 =	sshra.s32 s19, $0x1F  }
0xa7: {  	v27 =	vadd.s32 v41, v27;
	v29 =	vsel vm3, $0x1, v0;
	(v2sf) =	vpush v23, $0x4;
	s21 =	spop (v2sf);
	s20 =	smul.u32 $0x55555556, s19  }
0xa8: {  	vm3 =	vlt.s32 v42, v1;
	v44 =	vbroadcast v48, $0xF;
	v27 =	vadd.s32 v29, v27;
	s10 =	sadd.s32 s12, s10;
	s19 =	smulhi.u32 $0x55555556, s21;
	s21 =	sshra.s32 s21, $0x1F  }
0xa9: {  	v45 =	vsel vm3, $0x1, v0;
	vm3 =	vlt.s32 v43, v1;
	(v2sf) =	vpush v23, $0x5;
	s14 =	sadd.s32 s14, s11;
	s26 =	spop (v2sf);
	s23 =	smul.u32 $0x55555556, s21  }
0xaa: {  	v27 =	vadd.s32 v45, v27;
	v28 =	vsel vm3, $0x1, v0;
	s11 =	sadd.s32 s16, s13;
	s21 =	smulhi.u32 $0x55555556, s26;
	s22 =	sshra.s32 s26, $0x1F  }
0xab: {  	vm3 =	vlt.s32 v44, v1;
	(v2sf) =	vpush v23, $0x6;
	v48 =	vmov s14;
	s14 =	sshrl.u32 s14, $0x1F;
	s29 =	spop (v2sf);
	s25 =	smul.u32 $0x55555556, s22  }
0xac: {  	v27 =	vadd.s32 v28, v27;
	v46 =	vsel vm3, $0x1, v0;
	s12 =	sadd.s32 s18, s15;
	s22 =	smulhi.u32 $0x55555556, s29;
	s24 =	sshra.s32 s29, $0x1F  }
0xad: {  	v47 =	vadd.s32 v46, v27;
	v27 =	vsel vm8, s10, v48;
	s10 =	sshrl.u32 s10, $0x1F;
	s28 =	spop (v2sf);
	(v2sf) =	vpush v23, $0x7;
	s26 =	smul.u32 $0x55555556, s24  }
0xae: {  	s17 =	sadd.s32 s20, s17;
	s24 =	smulhi.u32 $0x55555556, s28;
	s28 =	sshra.s32 s28, $0x1F  }
0xaf: {  	v27 =	vsel vm9, s11, v27;
	s29 =	spop (v2sf);
	s19 =	sadd.s32 s23, s19;
	s28 =	smul.u32 $0x55555556, s28  }
0xb0: {  	v27 =	vsel vm10, s12, v27;
	s12 =	sshrl.u32 s12, $0x1F;
	s30 =	smulhi.u32 $0x55555556, s29;
	s29 =	sshra.s32 s29, $0x1F  }
0xb1: {  	s21 =	sadd.s32 s25, s21;
	v49 =	vmov s19;
	s19 =	sshrl.u32 s19, $0x1F;
	s29 =	smul.u32 $0x55555556, s29  }
0xb2: {  	s22 =	sadd.s32 s26, s22;
	v28 =	vsel vm8, s17, v49;
	s17 =	sshrl.u32 s17, $0x1F;
	s31 =	spop (v2sf)  }
0xb3: {  	s24 =	sadd.s32 s28, s24;
	s13 =	smulhi.u32 $0x55555556, s31;
	s31 =	sshra.s32 s31, $0x1F  }
0xb4: {  	v53 =	vmov s19;
	s19 =	sshrl.u32 s22, $0x1F;
	s15 =	smul.u32 $0x55555556, s31;
	s31 =	spop (v2sf)  }
0xb5: {  	v56 =	vsub.s32 v21, v22;
	s18 =	smulhi.u32 $0x55555556, s31;
	s16 =	sshra.s32 s31, $0x1F;
	s31 =	sld [smem:$0x7EB]  }
0xb6: {  	v61 =	vshra.s32 v56, $0x1F;
	v28 =	vsel vm9, s21, v28;
	s25 =	sadd.s32 s29, s30;
	s20 =	spop (v2sf);
	s16 =	smul.u32 $0x55555556, s16  }
0xb7: {  	v36 =	vshrl.u32 v61, $0x18;
	vm5 =	vcmask $0x2B28;
	v28 =	vsel vm10, s22, v28;
	s23 =	smulhi.u32 $0x55555556, s20;
	s20 =	sshra.s32 s20, $0x1F;
	s13 =	sadd.s32 s15, s13  }
0xb8: {  	vm3 =	vcmask $0x300;
	v50 =	vmov s25;
	v27 =	vcombine.low v28, v27;
	s20 =	smul.u32 $0x55555556, s20;
	p6 =	seq.s32 s31, $0x1;
	s31 =	spop (v2sf)  }
0xb9: {  	v25 =	vbroadcast v25, $0xF;
	v52 =	vmov s14;
	v29 =	vnsel vm3, $0x0, v50;
	s16 =	sadd.s32 s16, s18;
	s26 =	smulhi.u32 $0x55555556, s31;
	s29 =	sshra.s32 s31, $0x1F  }
0xba: {  	v30 =	vsel vm8, s17, v53;
	v29 =	vsel vm8, s24, v29;
	v27 =	vperm.xlane v27, v2;
	s30 =	spop (v2sf);
	s31 =	sshrl.u32 s25, $0x1F;
	s28 =	smul.u32 $0x55555556, s29  }
0xbb: {  	v29 =	vsel vm9, s13, v29;
	v24 =	vpsel !p6, $0x0, v24;
	s18 =	sadd.s32 s20, s23;
	s15 =	smulhi.u32 $0x55555556, s30;
	s29 =	sshra.s32 s30, $0x1F;
	v54 =	vmov s31  }
0xbc: {  	v51 =	vsel vm10, s16, v29;
	v29 =	vsel vm8, s10, v52;
	s25 =	spop (v2sf);
	s30 =	sshrl.u32 s21, $0x1F;
	s31 =	sshrl.u32 s24, $0x1F;
	v31 =	vnsel vm3, $0x0, v54  }
0xbd: {  	s21 =	sshrl.u32 s13, $0x1F;
	s20 =	smul.u32 $0x55555556, s29;
	s29 =	sshrl.u32 s11, $0x1F;
	v30 =	vsel vm9, s30, v30;
	vm3 =	vcmask $0x2320;
	v31 =	vsel vm8, s31, v31  }
0xbe: {  	s23 =	sshrl.u32 s16, $0x1F;
	s22 =	smulhi.u32 $0x55555556, s25;
	s14 =	sshra.s32 s25, $0x1F;
	v29 =	vsel vm9, s29, v29;
	v30 =	vsel vm10, s19, v30;
	v31 =	vsel vm9, s21, v31  }
0xbf: {  	v28 =	vsel vm3, s18, v51;
	s24 =	sadd.s32 s28, s26;
	s25 =	smul.u32 $0x55555556, s14;
	s26 =	sshrl.u32 s18, $0x1F;
	v29 =	vsel vm10, s12, v29;
	v55 =	vsel vm10, s23, v31  }
0xc0: {  	v63 =	vld [tilespmem:$0x1FFF0];
	v28 =	vsel vm5, s24, v28;
	s28 =	sadd.s32 s20, s15;
	s29 =	sshrl.u32 s24, $0x1F;
	v29 =	vcombine.low v30, v29;
	v30 =	vsel vm3, s26, v55  }
0xc1: {  	v57 =	vsel vm4, s28, v28;
	s30 =	sadd.s32 s25, s22;
	s31 =	sshrl.u32 s28, $0x1F;
	vm3 =	vlt.s32 v25, v1;
	v58 =	vsel vm5, s29, v30  }
0xc2: {  	s12 =	sshrl.u32 s30, $0x1F;
	v59 =	vsel vm3, $0x1, v0;
	vm3 =	vcmask $0x3B38;
	v28 =	vsel vm4, s31, v58  }
0xc3: {  	v60 =	vperm.xlane v29, v2;
	v25 =	vsel vm3, s30, v57;
	v28 =	vsel vm3, s12, v28  }
0xc4: {  	v25 =	vperm.xlane v25, v3;
	vm3 =	vne.s32 v21, v22;
	v28 =	vperm.xlane v28, v3  }
0xc5: {  	v24 =	vadd.s32 v24, v26;
	v62 =	vsel vm3, $0x1, v0;
	vm3 =	vnez.u8 v63  }
0xc6: {  	v26 =	vadd.s32 v59, v47;
	v25 =	vsel vm3, v25, v27;
	v22 =	vsel vm3, v28, v60  }
0xc7: {  	v21 =	vand.u32 $0xFF, v21;
	v35 =	vor.u32 v62, v61;
	v22 =	vadd.s32 v22, v25  }
0xc8: {  	vm5 =	vne.s32 v21, $0x0;
	vm3 =	vne.s32 v35, $0x1;
	v22 =	vmul.u32 $0x3, v22  }
0xc9: {  	v37 =	vmin.u32 v26, $0x7;
	v21 =	vadd.s32 v36, v56;
	vm3 =	vmand vm5, vm3  }
0xca: {  	s17 =	sld [smem:$0x7F8];
	v21 =	vshra.s32 v21, $0x8;
	v38 =	vsel vm3, $0xFFFFFFFF, v0;
	v22 =	vsub.s32 v23, v22  }
0xcb: {  	s10 =	rddreg [dreg:$0x4];
	v21 =	vadd.s32 v38, v21;
	vm3 =	vlt.s32 v22, $0x0;
	v39 =	vadd.s32 $0x3, v22  }
0xcc: {  	s13 =	sld [smem:$0x7FA];
	[tilespmem:$0xD100] =	vst v37;
	v21 =	vnsel vm2, $0xFFFFFFFF, v21;
	v22 =	vsel vm3, v39, v22  }
0xcd: {  	s14 =	sld [smem:$0x7E7];
	[tilespmem:$0xD180] =	vst v21;
	v40 =	vnsel vm2, $0x0, v22  }
0xce: {  	s11 =	simm.s32 @!p1 $0x0;
	s15 =	sld [smem:$0x7F9];
	s12 =	simm.s32 @!p1 $0xD100;
	[tilespmem:$0xD200] =	vst v40  }
0xcf: {  	[hbm4b:s10+s11] =	stream.linear.scatter @!p1 [tilespmem:s12], [sflag:$0x2], $0x80, $0x38;
	[tilespmem:$0xD280] =	vst v63  }
0xd0: {  	s16 =	sld [smem:$0x7E6];
	p6 =	seq.s32 s13, $0x1;
	s10 =	simm.s32 @!p1 $0x2  }
0xd1: {  	s18 =	sld [smem:$0x7E5];
	v20 =	vpsel !p6, $0x0, v20;
	p6 =	seq.s32 s14, $0x1;
	_ =	swait.ge @!p1 [sflag:s10], $0x80  }
0xd2: {  	v19 =	vpsel !p6, $0x0, v19;
	p6 =	seq.s32 s15, $0x1;
	s19 =	sld [smem:$0x7F7]  }
0xd3: {  	s13 =	simm.s32 @!p1 $0xD180;
	v20 =	vadd.s32 v20, v24;
	v18 =	vpsel !p6, $0x0, v18;
	p6 =	seq.s32 s16, $0x1;
	s12 =	rddreg [dreg:$0x5]  }
0xd4: {  	v19 =	vadd.s32 v19, v20;
	v17 =	vpsel !p6, $0x0, v17;
	p6 =	seq.s32 s17, $0x1;
	s20 =	sld [smem:$0x7E4];
	[sflag:s10] =	ssyncset.done @!p1 $0x0  }
0xd5: {  	v18 =	vadd.s32 v18, v19;
	v16 =	vpsel !p6, $0x0, v16;
	p6 =	seq.s32 s18, $0x1;
	s21 =	sld [smem:$0x7F6];
	[sflag:s10] =	ssyncadd.s32 @!p1 $0xFFFFFF80  }
0xd6: {  	v17 =	vadd.s32 v17, v18;
	[hbm4b:s12+s11] =	stream.linear.scatter @!p1 [tilespmem:s13], [sflag:$0x2], $0x80, $0x38;
	[tilespmem:$0xD280] =	vst v63  }
0xd7: {  	v16 =	vadd.s32 v16, v17;
	v15 =	vpsel !p6, $0x0, v15;
	s22 =	sld [smem:$0x7E3];
	p6 =	seq.s32 s19, $0x1  }
0xd8: {  	v15 =	vadd.s32 v15, v16;
	s23 =	sld [smem:$0x7F5];
	_ =	swait.ge @!p1 [sflag:s10], $0x80;
	v14 =	vpsel !p6, $0x0, v14;
	p6 =	seq.s32 s20, $0x1  }
0xd9: {  	s24 =	sld [smem:$0x7E2];
	v14 =	vadd.s32 v14, v15;
	v13 =	vpsel !p6, $0x0, v13;
	p6 =	seq.s32 s21, $0x1  }
0xda: {  	s25 =	sld [smem:$0x7F4];
	v13 =	vadd.s32 v13, v14;
	v12 =	vpsel !p6, $0x0, v12;
	p6 =	seq.s32 s22, $0x1  }
0xdb: {  	s26 =	sld [smem:$0x7E1];
	v12 =	vadd.s32 v12, v13;
	v11 =	vpsel !p6, $0x0, v11;
	p6 =	seq.s32 s23, $0x1  }
0xdc: {  	v11 =	vadd.s32 v11, v12;
	v10 =	vpsel !p6, $0x0, v10;
	p6 =	seq.s32 s24, $0x1  }
0xdd: {  	v10 =	vadd.s32 v10, v11;
	v9 =	vpsel !p6, $0x0, v9;
	p6 =	seq.s32 s25, $0x1  }
0xde: {  	v9 =	vadd.s32 v9, v10;
	v8 =	vpsel !p6, $0x0, v8;
	p6 =	seq.s32 s26, $0x1  }
0xdf: {  	[sflag:s10] =	ssyncset.done @!p1 $0x0;
	v8 =	vadd.s32 v8, v9;
	v7 =	vpsel !p6, $0x0, v7  }
0xe0: {  	s13 =	simm.s32 @!p1 $0xD200;
	s12 =	rddreg [dreg:$0x6];
	[sflag:s10] =	ssyncadd.s32 @!p1 $0xFFFFFF80;
	v7 =	vadd.s32 v7, v8  }
0xe1: {  	[hbm4b:s12+s11] =	stream.linear.scatter @!p1 [tilespmem:s13], [sflag:$0x2], $0x80, $0x38;
	v7 =	vadd.s32 v56, v7;
	[tilespmem:$0xD280] =	vst v63  }
0xe2: {  	_ =	swait.ge @!p1 [sflag:s10], $0x80;
	v8 =	vnsel vm0, $0x0, v7  }
0xe3: {  	[sflag:s10] =	ssyncset.done @!p1 $0x0;
	(xrf0) =	vadd.scan.msk.s32 $0xffff, v8;
	v8 =	vsel vm6, $0x0, v7  }
0xe4: {  	[sflag:s10] =	ssyncadd.s32 @!p1 $0xFFFFFF80;
	(xrf0) =	vadd.scan.msk.s32 $0xffff, v8;
	v8 =	vsel vm7, $0x0, v7  }
0xe5: {  	v41 =	vld [tilespmem:$0x0];
	(xrf0) =	vadd.scan.msk.s32 $0xffff, v8;
	v8 =	vsel vm11, $0x0, v7  }
0xe6: {  	(xrf0) =	vadd.scan.msk.s32 $0xffff, v8;
	v8 =	vsel vm12, $0x0, v7  }
0xe7: {  	(xrf0) =	vadd.scan.msk.s32 $0xffff, v8;
	v8 =	vsel vm13, $0x0, v7  }
0xe8: {  	(xrf0) =	vadd.scan.msk.s32 $0xffff, v8;
	v8 =	vsel vm14, $0x0, v7;
	_ =	sdelay $0x1  }
0xe9: {  	vm3 =	veq.s32 v41, $0x0;
	v7 =	vsel vm15, $0x0, v7;
	v42, _, _ =	vpop (xrf0);
	(xrf0) =	vadd.scan.msk.s32 $0xffff, v8  }
0xea: {  	v8, _, _ =	vpop (xrf0);
	(xrf0) =	vadd.scan.msk.s32 $0xffff, v7;
	v7 =	vsel vm3, $0x1, v0  }
0xeb: {  	vm6 =	veq.s32 v41, $0x1;
	(v2sf) =	vpush v42, $0xF  }
0xec: {  	v45 =	vsel vm6, $0x1, v0;
	(v2sf) =	vpush v8, $0xF;
	v43, _, _ =	vpop (xrf0);
	(xrf0) =	vadd.scan.msk.s32 $0xffff, v7  }
0xed: {  	(v2sf) =	vpush v43, $0xF;
	v7, _, _ =	vpop (xrf0);
	(xrf0) =	vadd.scan.msk.s32 $0xffff, v45  }
0xee: {  	vm2 =	veq.s32 v41, $0x2;
	v44, _, _ =	vpop (xrf0);
	(v2sf) =	vpush v7, $0xF  }
0xef: {  	vm5 =	veq.s32 v41, $0x4;
	v47 =	vsel vm2, $0x1, v0;
	(v2sf) =	vpush v44, $0xF;
	v46, _, _ =	vpop (xrf0)  }
0xf0: {  	v53 =	vsel vm5, $0x1, v0;
	(v2sf) =	vpush v46, $0xF;
	v48, _, _ =	vpop (xrf0);
	(xrf0) =	vadd.scan.msk.s32 $0xffff, v47  }
0xf1: {  	vm7 =	veq.s32 v41, $0x5;
	vm11 =	veq.s32 v41, $0x3;
	(v2sf) =	vpush v48, $0xF;
	v49, _, _ =	vpop (xrf0)  }
0xf2: {  	v51 =	vsel vm11, $0x1, v0;
	v10 =	vadd.s32 $0xFFFFFFFF, v42;
	(v2sf) =	vpush v49, $0xF;
	v50, _, _ =	vpop (xrf0)  }
0xf3: {  	v10 =	vbroadcast v10, $0xF;
	v8 =	vadd.s32 $0xFFFFFFFF, v8;
	(xrf0) =	vadd.scan.msk.s32 $0xffff, v51;
	(v2sf) =	vpush v50, $0xF;
	v52, _, _ =	vpop (xrf0)  }
0xf4: {  	v8 =	vbroadcast v8, $0xF;
	v11 =	vadd.s32 $0xFFFFFFFF, v43;
	(v2sf) =	vpush v52, $0xF  }
0xf5: {  	v56 =	vsel vm7, $0x1, v0;
	v11 =	vbroadcast v11, $0xF;
	(xrf0) =	vadd.scan.msk.s32 $0xffff, v53;
	v10 =	vadd.s32 v50, v10  }
0xf6: {  	v57 =	vld [tilespmem:$0x10];
	v7 =	vadd.s32 $0xFFFFFFFF, v7;
	v10 =	vnsel vm3, $0x0, v10;
	v8 =	vadd.s32 v52, v8;
	v54, _, _ =	vpop (xrf0)  }
0xf7: {  	v8 =	vsel vm6, v8, v10;
	(v2sf) =	vpush v54, $0xF;
	v55 =	vadd.s32 v54, v11  }
0xf8: {  	v7 =	vbroadcast v7, $0xF;
	v60 =	vadd.s32 $0xFFFFFFFF, v44;
	v8 =	vsel vm2, v55, v8  }
0xf9: {  	v61 =	vbroadcast v60, $0xF;
	(xrf0) =	vadd.scan.msk.s32 $0xffff, v56;
	vm6 =	veq.s32 v41, $0x6;
	v58, _, _ =	vpop (xrf0)  }
0xfa: {  	v59 =	vsel vm6, $0x1, v0;
	s28 =	spop (v2sf);
	v7 =	vadd.s32 v58, v7;
	(v2sf) =	vpush v58, $0xF  }
0xfb: {  	vm12 =	veq.s32 v57, $0x3;
	vm13 =	veq.s32 v57, $0x5;
	(xrf0) =	vadd.scan.msk.s32 $0xffff, v59;
	v7 =	vsel vm11, v7, v8;
	s29 =	spop (v2sf);
	v8, _, _ =	vpop (xrf0)  }
0xfc: {  	v62 =	vadd.s32 $0xFFFFFFFF, v46;
	s30 =	spop (v2sf);
	(v2sf) =	vpush v8, $0xF;
	v8 =	vadd.s32 v8, v61  }
0xfd: {  	v23 =	vsel vm12, $0x1, v0;
	v31 =	vsel vm13, $0x1, v0;
	v9 =	vbroadcast v62, $0xF;
	s31 =	spop (v2sf)  }
0xfe: {  	v19 =	vadd.s32 $0xFFFFFFFF, v49;
	vm3 =	veq.s32 v57, $0x0;
	vm2 =	veq.s32 v41, $0x7;
	s10 =	spop (v2sf)  }
0xff: {  	v12 =	vsel vm3, $0x1, v0;
	v63 =	vsel vm2, $0x1, v0;
	v7 =	vsel vm5, v8, v7;
	s13 =	spop (v2sf);
	v8, _, _ =	vpop (xrf0)  }
0x100: {  	(xrf0) =	vadd.scan.msk.s32 $0xffff, v63;
	s17 =	spop (v2sf);
	v9 =	vadd.s32 v8, v9;
	(v2sf) =	vpush v8, $0xF;
	v8 =	vadd.s32 $0xFFFFFFFF, v48  }
0x101: {  	v10 =	vbroadcast v19, $0xF;
	vm5 =	veq.s32 v57, $0x1;
	(xrf0) =	vadd.scan.msk.s32 $0xffff, v12;
	v14, _, _ =	vpop (xrf0);
	s20 =	spop (v2sf);
	v8 =	vbroadcast v8, $0xF  }
0x102: {  	vm11 =	veq.s32 v57, $0x6;
	v15 =	vsel vm5, $0x1, v0;
	(v2sf) =	vpush v14, $0xF;
	s21 =	spop (v2sf)  }
0x103: {  	(xrf0) =	vadd.scan.msk.s32 $0xffff, v15;
	v7 =	vsel vm7, v9, v7;
	vm7 =	veq.s32 v57, $0x2;
	s16 =	sadd.s32 s28, s21;
	v8 =	vadd.s32 v14, v8;
	s22 =	spop (v2sf)  }
0x104: {  	v32 =	vld [tilespmem:$0x20];
	v34 =	vsel vm11, $0x1, v0;
	v18 =	vsel vm7, $0x1, v0;
	v17 =	vmov s16;
	s23 =	sadd.s32 s29, s22  }
0x105: {  	v7 =	vsel vm6, v8, v7;
	vm6 =	veq.s32 v57, $0x4;
	v21 =	vmov s23  }
0x106: {  	v9 =	vadd.s32 $0xFFFFFFFF, v17;
	v25 =	vsel vm6, $0x1, v0;
	v8, _, _ =	vpop (xrf0);
	(xrf0) =	vadd.scan.msk.s32 $0xffff, v18;
	s24 =	spop (v2sf);
	v12 =	vadd.s32 $0xFFFFFFFF, v21  }
0x107: {  	v9 =	vbroadcast v9, $0x0;
	(v2sf) =	vpush v8, $0xF;
	v20, _, _ =	vpop (xrf0);
	s11 =	sadd.s32 s30, s24;
	v12 =	vbroadcast v12, $0x0  }
0x108: {  	(xrf0) =	vadd.scan.msk.s32 $0xffff, v23;
	v8 =	vadd.s32 v8, v10;
	(v2sf) =	vpush v20, $0xF;
	v22 =	vmov s11  }
0x109: {  	s25 =	spop (v2sf);
	v9 =	vadd.s32 v20, v9;
	v24, _, _ =	vpop (xrf0);
	v7 =	vsel vm2, v8, v7;
	vm2 =	veq.s32 v32, $0x7  }
0x10a: {  	s14 =	sadd.s32 s31, s25;
	v13 =	vadd.s32 $0xFFFFFFFF, v22;
	v9 =	vnsel vm3, $0x0, v9;
	v12 =	vadd.s32 v24, v12  }
0x10b: {  	(v2sf) =	vpush v24, $0xF;
	v28 =	vmov s14;
	vm3 =	veq.s32 v32, $0x0  }
0x10c: {  	v63 =	vsel vm2, $0x1, v0;
	v13 =	vbroadcast v13, $0x0;
	v9 =	vsel vm5, v12, v9;
	v26, _, _ =	vpop (xrf0);
	(xrf0) =	vadd.scan.msk.s32 $0xffff, v25  }
0x10d: {  	v29 =	vadd.s32 $0xFFFFFFFF, v28;
	vm5 =	veq.s32 v57, $0x7;
	v40 =	vsel vm3, $0x1, v0;
	s26 =	spop (v2sf)  }
0x10e: {  	v12 =	vbroadcast v29, $0x0;
	v38 =	vsel vm5, $0x1, v0;
	s12 =	sadd.s32 s10, s26;
	v27 =	vadd.s32 v26, v13;
	v33, _, _ =	vpop (xrf0);
	(xrf0) =	vadd.scan.msk.s32 $0xffff, v31  }
0x10f: {  	v30 =	vmov s12;
	(v2sf) =	vpush v26, $0xF;
	v9 =	vsel vm7, v27, v9  }
0x110: {  	v13 =	vadd.s32 $0xFFFFFFFF, v30;
	v12 =	vadd.s32 v33, v12;
	(xrf0) =	vadd.scan.msk.s32 $0xffff, v34;
	vm7 =	veq.s32 v32, $0x1;
	s28 =	spop (v2sf)  }
0x111: {  	v13 =	vbroadcast v13, $0x0;
	v9 =	vsel vm12, v12, v9;
	(v2sf) =	vpush v33, $0xF;
	s15 =	sadd.s32 s13, s28;
	s29 =	spop (v2sf)  }
0x112: {  	v44 =	vsel vm7, $0x1, v0;
	vm12 =	veq.s32 v32, $0x2;
	v37 =	vmov s15;
	s13 =	sadd.s32 s17, s29;
	v35, _, _ =	vpop (xrf0)  }
0x113: {  	v39 =	vmov s13;
	(xrf0) =	vadd.scan.msk.s32 $0xffff, v38;
	v36 =	vadd.s32 v35, v13;
	v13 =	vadd.s32 $0xFFFFFFFF, v37  }
0x114: {  	(v2sf) =	vpush v35, $0xF;
	v41, _, _ =	vpop (xrf0);
	v42 =	vadd.s32 $0xFFFFFFFF, v39;
	(xrf0) =	vadd.scan.msk.s32 $0xffff, v40;
	v13 =	vbroadcast v13, $0x0  }
0x115: {  	v9 =	vsel vm6, v36, v9;
	v12 =	vbroadcast v42, $0x0;
	vm6 =	veq.s32 v32, $0x4  }
0x116: {  	v46 =	vsel vm12, $0x1, v0;
	v43, _, _ =	vpop (xrf0);
	(xrf0) =	vadd.scan.msk.s32 $0xffff, v44;
	v54 =	vsel vm6, $0x1, v0;
	v13 =	vadd.s32 v41, v13  }
0x117: {  	s30 =	spop (v2sf);
	(v2sf) =	vpush v41, $0xF;
	v45 =	vadd.s32 v43, v12;
	v9 =	vsel vm13, v13, v9  }
0x118: {  	s31 =	spop (v2sf);
	s10 =	sadd.s32 s20, s30;
	(v2sf) =	vpush v43, $0xF;
	vm13 =	veq.s32 v32, $0x3;
	v8 =	vsel vm11, v45, v9  }
0x119: {  	s20 =	sadd.s32 s16, s31;
	v47, _, _ =	vpop (xrf0);
	v48 =	vmov s10;
	(xrf0) =	vadd.scan.msk.s32 $0xffff, v46;
	v52 =	vsel vm13, $0x1, v0;
	vm11 =	veq.s32 v32, $0x5  }
0x11a: {  	v61 =	vld [tilespmem:$0x30];
	s21 =	spop (v2sf);
	v49 =	vmov s20;
	(v2sf) =	vpush v47, $0xF;
	v50, _, _ =	vpop (xrf0);
	v11 =	vadd.s32 $0xFFFFFFFF, v48  }
0x11b: {  	s16 =	sadd.s32 s23, s21;
	v12 =	vadd.s32 $0xFFFFFFFF, v49;
	(v2sf) =	vpush v50, $0xF;
	v11 =	vbroadcast v11, $0x0  }
0x11c: {  	(xrf0) =	vadd.scan.msk.s32 $0xffff, v52;
	v58 =	vsel vm11, $0x1, v0;
	v51 =	vmov s16;
	v53, _, _ =	vpop (xrf0);
	v12 =	vbroadcast v12, $0x0  }
0x11d: {  	v13 =	vadd.s32 $0xFFFFFFFF, v51;
	(v2sf) =	vpush v53, $0xF;
	v10 =	vadd.s32 v47, v11  }
0x11e: {  	(xrf0) =	vadd.scan.msk.s32 $0xffff, v54;
	v13 =	vbroadcast v13, $0x0;
	s22 =	spop (v2sf);
	v9 =	vadd.s32 v50, v12;
	v8 =	vsel vm5, v10, v8  }
0x11f: {  	s17 =	sadd.s32 s11, s22;
	vm5 =	veq.s32 v61, $0x0;
	v9 =	vnsel vm3, $0x0, v9;
	v56, _, _ =	vpop (xrf0);
	vm3 =	veq.s32 v32, $0x6  }
0x120: {  	(xrf0) =	vadd.scan.msk.s32 $0xffff, v58;
	v57 =	vmov s17;
	s23 =	spop (v2sf);
	(v2sf) =	vpush v56, $0xF;
	v60 =	vsel vm3, $0x1, v0  }
0x121: {  	v55 =	vadd.s32 v53, v13;
	v25 =	vsel vm5, $0x1, v0;
	v12 =	vadd.s32 $0xFFFFFFFF, v57;
	s14 =	sadd.s32 s14, s23;
	(xrf0) =	vadd.scan.msk.s32 $0xffff, v60  }
0x122: {  	v59, _, _ =	vpop (xrf0);
	v9 =	vsel vm7, v55, v9;
	v12 =	vbroadcast v12, $0x0;
	v62 =	vmov s14;
	(xrf0) =	vadd.scan.msk.s32 $0xffff, v63  }
0x123: {  	vm7 =	veq.s32 v61, $0x2;
	(v2sf) =	vpush v59, $0xF;
	v18 =	vadd.s32 $0xFFFFFFFF, v62  }
0x124: {  	v20, _, _ =	vpop (xrf0);
	v33 =	vsel vm7, $0x1, v0;
	s24 =	spop (v2sf);
	v19 =	vadd.s32 v56, v12;
	v10 =	vbroadcast v18, $0x0  }
0x125: {  	(v2sf) =	vpush v20, $0xF;
	s12 =	sadd.s32 s12, s24;
	v9 =	vsel vm12, v19, v9;
	vm12 =	veq.s32 v61, $0x1  }
0x126: {  	v23, _, _ =	vpop (xrf0);
	v21 =	vmov s12;
	v10 =	vadd.s32 v59, v10;
	v30 =	vsel vm12, $0x1, v0;
	s25 =	spop (v2sf)  }
0x127: {  	v22 =	vadd.s32 $0xFFFFFFFF, v21;
	v9 =	vsel vm13, v10, v9;
	s11 =	sadd.s32 s15, s25;
	s26 =	spop (v2sf);
	(v2sf) =	vpush v23, $0xF;
	v27, _, _ =	vpop (xrf0)  }
0x128: {  	v11 =	vbroadcast v22, $0x0;
	v24 =	vmov s11;
	s13 =	sadd.s32 s13, s26;
	(v2sf) =	vpush v27, $0xF;
	v28, _, _ =	vpop (xrf0)  }
0x129: {  	(xrf0) =	vadd.scan.msk.s32 $0xffff, v25;
	s28 =	spop (v2sf);
	v26 =	vadd.s32 $0xFFFFFFFF, v24;
	v29 =	vmov s13;
	(v2sf) =	vpush v28, $0xF  }
0x12a: {  	v11 =	vadd.s32 v20, v11;
	s29 =	spop (v2sf);
	v12 =	vbroadcast v26, $0x0;
	v16 =	vadd.s32 $0xFFFFFFFF, v29  }
0x12b: {  	(xrf0) =	vadd.scan.msk.s32 $0xffff, v30;
	v9 =	vsel vm6, v11, v9;
	vm6 =	veq.s32 v61, $0x7;
	s18 =	sadd.s32 s20, s29;
	v16 =	vbroadcast v16, $0x0  }
0x12c: {  	s10 =	sadd.s32 s10, s28;
	s30 =	spop (v2sf);
	v51 =	vsel vm6, $0x1, v0;
	v31 =	vmov s18;
	v10 =	vadd.s32 v23, v12  }
0x12d: {  	v52 =	vmov s10;
	s16 =	sadd.s32 s16, s30;
	v32 =	vadd.s32 $0xFFFFFFFF, v31;
	v9 =	vsel vm11, v10, v9  }
0x12e: {  	v37 =	vmov s16;
	vm11 =	veq.s32 v61, $0x3;
	v34 =	vbroadcast v32, $0x0  }
0x12f: {  	(xrf0) =	vadd.scan.msk.s32 $0xffff, v33;
	v36, _, _ =	vpop (xrf0);
	v35 =	vadd.s32 v27, v16;
	v38 =	vadd.s32 $0xFFFFFFFF, v37;
	v40 =	vsel vm11, $0x1, v0;
	s31 =	spop (v2sf)  }
0x130: {  	v9 =	vsel vm3, v35, v9;
	v12 =	vbroadcast v38, $0x0;
	s17 =	sadd.s32 s17, s31;
	v11 =	vadd.s32 v36, v34  }
0x131: {  	v41, _, _ =	vpop (xrf0);
	vm3 =	veq.s32 v61, $0x6;
	(xrf0) =	vadd.scan.msk.s32 $0xffff, v40;
	v39 =	vmov s17;
	v11 =	vnsel vm5, $0x0, v11  }
0x132: {  	s18 =	spop (v2sf);
	vm5 =	veq.s32 v61, $0x4;
	v12 =	vadd.s32 v41, v12;
	v13 =	vadd.s32 $0xFFFFFFFF, v39  }
0x133: {  	s14 =	sadd.s32 s14, s18;
	v42 =	vsel vm5, $0x1, v0;
	v43 =	vsel vm12, v12, v11;
	vm12 =	veq.s32 v61, $0x5  }
0x134: {  	v45 =	vmov s14;
	s19 =	spop (v2sf);
	v13 =	vbroadcast v13, $0x0;
	(xrf0) =	vadd.scan.msk.s32 $0xffff, v42;
	v46 =	vsel vm12, $0x1, v0  }
0x135: {  	v55 =	vadd.s32 $0xFFFFFFFF, v52;
	v44, _, _ =	vpop (xrf0);
	v48 =	vsel vm3, $0x1, v0;
	v12 =	vadd.s32 $0xFFFFFFFF, v45;
	s12 =	sadd.s32 s12, s19;
	(xrf0) =	vadd.scan.msk.s32 $0xffff, v46  }
0x136: {  	v12 =	vbroadcast v12, $0x0;
	v47 =	vmov s12;
	v11 =	vadd.s32 v44, v13;
	(xrf0) =	vadd.scan.msk.s32 $0xffff, v48;
	s20 =	spop (v2sf)  }
0x137: {  	v49, _, _ =	vpop (xrf0);
	v50 =	vadd.s32 $0xFFFFFFFF, v47;
	v13 =	vbroadcast v55, $0x0;
	v10 =	vsel vm7, v11, v43;
	(xrf0) =	vadd.scan.msk.s32 $0xffff, v51;
	s21 =	spop (v2sf);
	s11 =	sadd.s32 s11, s20  }
0x138: {  	v11 =	vadd.s32 v49, v12;
	v53 =	vbroadcast v50, $0x0;
	s22 =	sadd.s32 s13, s21;
	s23 =	spop (v2sf);
	v56 =	vmov s11  }
0x139: {  	v10 =	vsel vm11, v11, v10;
	s10 =	sadd.s32 s10, s23;
	v57 =	vadd.s32 $0xFFFFFFFF, v56;
	v58 =	vmov s22  }
0x13a: {  	v54, _, _ =	vpop (xrf0);
	v12 =	vbroadcast v57, $0x0;
	v15 =	vadd.s32 $0xFFFFFFFF, v58;
	v59 =	vmov s10  }
0x13b: {  	v11 =	vadd.s32 v54, v53;
	v60, _, _ =	vpop (xrf0);
	v15 =	vbroadcast v15, $0x0;
	v16 =	vadd.s32 $0xFFFFFFFF, v59  }
0x13c: {  	v10 =	vsel vm5, v11, v10;
	v61, _, _ =	vpop (xrf0);
	v12 =	vadd.s32 v60, v12;
	v16 =	vbroadcast v16, $0x0  }
0x13d: {  	[tilespmem:$0xC080] =	vst v7;
	v7 =	vadd.s32 v28, v13;
	v62, _, _ =	vpop (xrf0);
	v10 =	vsel vm12, v12, v10;
	v11 =	vadd.s32 v61, v15  }
0x13e: {  	[tilespmem:$0xC090] =	vst v8;
	v7 =	vsel vm2, v7, v9;
	v63 =	vsel vm3, v11, v10;
	v8 =	vadd.s32 v62, v16  }
0x13f: {  	s24 =	rddreg [dreg:$0x8];
	[tilespmem:$0xC0A0] =	vst v7;
	v8 =	vsel vm6, v8, v63  }
0x140: {  	s25 =	rddreg [dreg:$0xb];
	[tilespmem:$0xC0B0] =	vst v8  }
0x141: {  	[hbm4b:s24+s1] =	stream.linear.scatter [tilespmem:s25], [sflag:$0x2], $0x40, $0x38;
	[tilespmem:$0xD280] =	vst v63  }
0x142: {  	_ =	swait.ge [sflag:s7], $0x40  }
0x143: {  	[sflag:s7] =	ssyncset.done $0x0  }
0x144: {  	s26 =	rddreg [dreg:$0x9];
	[sflag:s7] =	ssyncadd.s32 $0xFFFFFFC0  }
0x145: {  	[tilespmem:s8], [sflag:$0x2] =	stream.linear.gather [hbm4b:s26+s1], $0xC000, $0x38;
	[tilespmem:$0xD280] =	vst v63  }
0x146: {  	_ =	swait.ge [sflag:s7], $0xC000  }
0x147: {  	[sflag:s7] =	ssyncset.done $0x0  }
0x148: {  	[sflag:s7] =	ssyncadd.s32 $0xFFFF4000  }
0x149: {  	v7 =	vld [tilespmem:$0xC080];
	_ =	sdelay $0x4  }
0x14a: {  	v8 =	vshrl.u32 v7, $0x3  }
0x14b: {  	v8 =	vmul.u32 $0x30, v8  }
0x14c: {  	v7 =	vand.u32 $0x7, v7  }
0x14d: {  	v7 =	vor.u32 v7, v8  }
0x14e: {  	v8 =	vperm.xlane v7, v4;
	_ =	sdelay $0x1  }
0x14f: {  	v8 =	vadd.s32 v5, v8;
	_ =	sdelay $0x3  }
0x150: {  	v7 =	vperm.xlane v7, v6  }
0x151: {  	[hbm4b:s3+s1] =	stream.indirect_vreg.scatter [tilespmem:s8], [sflag:$0x1], $0x80, v8, vm1, $0xb8;
	[tilespmem:$0xD280] =	vst v63  }
0x152: {  	s28 =	rddreg [dreg:$0xc];
	v7 =	vadd.s32 v5, v7  }
0x153: {  	[hbm4b:s4+s1] =	stream.indirect_vreg.scatter [tilespmem:s28], [sflag:$0x1], $0x80, v8, vm1, $0xb8;
	[tilespmem:$0xD280] =	vst v63  }
0x154: {  	s29 =	rddreg [dreg:$0xd]  }
0x155: {  	[hbm4b:s5+s1] =	stream.indirect_vreg.scatter [tilespmem:s29], [sflag:$0x1], $0x80, v8, vm1, $0xb8;
	[tilespmem:$0xD280] =	vst v63  }
0x156: {  	s30 =	rddreg [dreg:$0xe]  }
0x157: {  	[hbm4b:s3+s1] =	stream.indirect_vreg.scatter [tilespmem:s30], [sflag:$0x1], $0x80, v7, vm1, $0xb8;
	[tilespmem:$0xD280] =	vst v63  }
0x158: {  	s31 =	rddreg [dreg:$0xf]  }
0x159: {  	[hbm4b:s4+s1] =	stream.indirect_vreg.scatter [tilespmem:s31], [sflag:$0x1], $0x80, v7, vm1, $0xb8;
	[tilespmem:$0xD280] =	vst v63  }
0x15a: {  	s12 =	rddreg [dreg:$0x10]  }
0x15b: {  	[hbm4b:s5+s1] =	stream.indirect_vreg.scatter [tilespmem:s12], [sflag:$0x1], $0x80, v7, vm1, $0xb8;
	[tilespmem:$0xD280] =	vst v63  }
0x15c: {  	v7 =	vld [tilespmem:$0xC090];
	_ =	sdelay $0x4  }
0x15d: {  	v8 =	vshrl.u32 v7, $0x3  }
0x15e: {  	v8 =	vmul.u32 $0x30, v8  }
0x15f: {  	v7 =	vand.u32 $0x7, v7  }
0x160: {  	v7 =	vor.u32 v7, v8  }
0x161: {  	v8 =	vperm.xlane v7, v4;
	_ =	sdelay $0x1  }
0x162: {  	v8 =	vadd.s32 v5, v8;
	_ =	sdelay $0x3  }
0x163: {  	s13 =	rddreg [dreg:$0x11];
	v7 =	vperm.xlane v7, v6  }
0x164: {  	[hbm4b:s3+s1] =	stream.indirect_vreg.scatter [tilespmem:s13], [sflag:$0x1], $0x80, v8, vm1, $0xb8;
	[tilespmem:$0xD280] =	vst v63  }
0x165: {  	s14 =	rddreg [dreg:$0x12];
	v7 =	vadd.s32 v5, v7  }
0x166: {  	[hbm4b:s4+s1] =	stream.indirect_vreg.scatter [tilespmem:s14], [sflag:$0x1], $0x80, v8, vm1, $0xb8;
	[tilespmem:$0xD280] =	vst v63  }
0x167: {  	s15 =	rddreg [dreg:$0x13]  }
0x168: {  	[hbm4b:s5+s1] =	stream.indirect_vreg.scatter [tilespmem:s15], [sflag:$0x1], $0x80, v8, vm1, $0xb8;
	[tilespmem:$0xD280] =	vst v63  }
0x169: {  	s16 =	rddreg [dreg:$0x14]  }
0x16a: {  	[hbm4b:s3+s1] =	stream.indirect_vreg.scatter [tilespmem:s16], [sflag:$0x1], $0x80, v7, vm1, $0xb8;
	[tilespmem:$0xD280] =	vst v63  }
0x16b: {  	s17 =	rddreg [dreg:$0x15]  }
0x16c: {  	[hbm4b:s4+s1] =	stream.indirect_vreg.scatter [tilespmem:s17], [sflag:$0x1], $0x80, v7, vm1, $0xb8;
	[tilespmem:$0xD280] =	vst v63  }
0x16d: {  	s18 =	rddreg [dreg:$0x16]  }
0x16e: {  	[hbm4b:s5+s1] =	stream.indirect_vreg.scatter [tilespmem:s18], [sflag:$0x1], $0x80, v7, vm1, $0xb8;
	[tilespmem:$0xD280] =	vst v63  }
0x16f: {  	v7 =	vld [tilespmem:$0xC0A0];
	_ =	sdelay $0x4  }
0x170: {  	v8 =	vshrl.u32 v7, $0x3  }
0x171: {  	v8 =	vmul.u32 $0x30, v8  }
0x172: {  	v7 =	vand.u32 $0x7, v7  }
0x173: {  	v7 =	vor.u32 v7, v8  }
0x174: {  	v8 =	vperm.xlane v7, v4;
	_ =	sdelay $0x1  }
0x175: {  	v8 =	vadd.s32 v5, v8;
	_ =	sdelay $0x3  }
0x176: {  	s19 =	rddreg [dreg:$0x17];
	v7 =	vperm.xlane v7, v6  }
0x177: {  	[hbm4b:s3+s1] =	stream.indirect_vreg.scatter [tilespmem:s19], [sflag:$0x1], $0x80, v8, vm1, $0xb8;
	[tilespmem:$0xD280] =	vst v63  }
0x178: {  	s20 =	rddreg [dreg:$0x18];
	v7 =	vadd.s32 v5, v7  }
0x179: {  	[hbm4b:s4+s1] =	stream.indirect_vreg.scatter [tilespmem:s20], [sflag:$0x1], $0x80, v8, vm1, $0xb8;
	[tilespmem:$0xD280] =	vst v63  }
0x17a: {  	s21 =	rddreg [dreg:$0x19]  }
0x17b: {  	[hbm4b:s5+s1] =	stream.indirect_vreg.scatter [tilespmem:s21], [sflag:$0x1], $0x80, v8, vm1, $0xb8;
	[tilespmem:$0xD280] =	vst v63  }
0x17c: {  	s22 =	rddreg [dreg:$0x1a]  }
0x17d: {  	[hbm4b:s3+s1] =	stream.indirect_vreg.scatter [tilespmem:s22], [sflag:$0x1], $0x80, v7, vm1, $0xb8;
	[tilespmem:$0xD280] =	vst v63  }
0x17e: {  	s23 =	rddreg [dreg:$0x1b]  }
0x17f: {  	[hbm4b:s4+s1] =	stream.indirect_vreg.scatter [tilespmem:s23], [sflag:$0x1], $0x80, v7, vm1, $0xb8;
	[tilespmem:$0xD280] =	vst v63  }
0x180: {  	s24 =	rddreg [dreg:$0x1c]  }
0x181: {  	[hbm4b:s5+s1] =	stream.indirect_vreg.scatter [tilespmem:s24], [sflag:$0x1], $0x80, v7, vm1, $0xb8;
	[tilespmem:$0xD280] =	vst v63  }
0x182: {  	v7 =	vld [tilespmem:$0xC0B0];
	_ =	sdelay $0x4  }
0x183: {  	v8 =	vshrl.u32 v7, $0x3  }
0x184: {  	v8 =	vmul.u32 $0x30, v8  }
0x185: {  	v7 =	vand.u32 $0x7, v7  }
0x186: {  	v7 =	vor.u32 v7, v8  }
0x187: {  	v8 =	vperm.xlane v7, v4;
	_ =	sdelay $0x1  }
0x188: {  	v8 =	vadd.s32 v5, v8;
	_ =	sdelay $0x2  }
0x189: {  	s25 =	rddreg [dreg:$0x1d]  }
0x18a: {  	s26 =	rddreg [dreg:$0x1e];
	v7 =	vperm.xlane v7, v6  }
0x18b: {  	[hbm4b:s3+s1] =	stream.indirect_vreg.scatter [tilespmem:s25], [sflag:$0x1], $0x80, v8, vm1, $0xb8;
	[tilespmem:$0xD280] =	vst v63  }
0x18c: {  	s28 =	rddreg [dreg:$0x1f];
	v7 =	vadd.s32 v5, v7  }
0x18d: {  	[hbm4b:s4+s1] =	stream.indirect_vreg.scatter [tilespmem:s26], [sflag:$0x1], $0x80, v8, vm1, $0xb8;
	[tilespmem:$0xD280] =	vst v63  }
0x18e: {  	s29 =	sld [smem:$0x7E8]  }
0x18f: {  	[hbm4b:s5+s1] =	stream.indirect_vreg.scatter [tilespmem:s28], [sflag:$0x1], $0x80, v8, vm1, $0xb8;
	[tilespmem:$0xD280] =	vst v63  }
0x190: {  	s6 =	sadd.s32 $0xFFFFFFFF, s6;
	s30 =	sld [smem:$0x7E9]  }
0x191: {  	[hbm4b:s3+s1] =	stream.indirect_vreg.scatter [tilespmem:s29], [sflag:$0x1], $0x80, v7, vm1, $0xb8;
	[tilespmem:$0xD280] =	vst v63  }
0x192: {  	p6 =	sne.s32 s6, $0x0;
	s31 =	sld [smem:$0x7EA]  }
0x193: {  	[hbm4b:s4+s1] =	stream.indirect_vreg.scatter [tilespmem:s30], [sflag:$0x1], $0x80, v7, vm1, $0xb8;
	[tilespmem:$0xD280] =	vst v63  }
.Ltmp0:
0x194: {  	_ = 	snop;
	(pc) =	sbr.rel @p6 .LBB2_1-.Ltmp0, $4  }
0x195: {  	[hbm4b:s5+s1] =	stream.indirect_vreg.scatter [tilespmem:s31], [sflag:$0x1], $0x80, v7, vm1, $0xb8;
	[tilespmem:$0xD280] =	vst v63  }
0x196: {  	_ =	swait.ge [sflag:s9], $0xC000  }
0x197: {  	[sflag:s9] =	ssyncset.done $0x0  }
0x198: {  	[sflag:s9] =	ssyncadd.s32 $0xFFFF4000  }
0x199: {  	_ =	sfence.sel $0x180000  }
0x19a: {  	[bflag:$0x0] =	sbarrier.arrive $0xFFFF  }
0x19b: {  	p0 =	sne.s32 s2, $0x0;
	_ =	strace $0x90000047  }
0x19c: {  	s0 =	sadd.s32 @!p0 $0x100000, s0;
	[bflag:$0x2] =	sbarrier.arrive $0xFFFF  }
0x19d: {  	[sflag:s0] =	ssyncadd.tile.s32 @!p0 $0x1;
	_ =	shalt  }
.Lfunc_end2:
_tile_overlayer_lowered:
.L_overlay_start_2:
0x19e: {  	(tag) =	ssettag $0x2  }
0x19f: {  	s0 =	rddreg [dreg:$0x0];
	s2 =	stileid.u32  }
0x1a0: {  	s1 =	rddreg [dreg:$0x1];
	p0 =	sne.s32 s2, $0x0  }
0x1a1: {  	s3 =	rddreg [dreg:$0x2];
	[bflag:$0x3] =	sbarrier.arrive $0xFFFF;
	s2 =	simm.s32 @!p0 $0x1C02  }
0x1a2: {  	[timem:s3], [sflag:s2] =	dma.local @!p0 [hbm:s0], s1  }
0x1a3: {  	s0 =	simm.s32 @!p0 $0x2  }
0x1a4: {  	_ =	swait.ge @!p0 [sflag:s0], s1  }
0x1a5: {  	s1 =	ssub.s32 @!p0 $0x0, s1;
	[sflag:s0] =	ssyncset.done @!p0 $0x0  }
0x1a6: {  	[sflag:s0] =	ssyncadd.s32 @!p0 s1  }
0x1a7: {  	[bflag:$0x3] =	sbarrier.arrive $0xFFFF  }
0x1a8: {  	_ =	shalt  }

</sc_bundles>
